<compile_context>
chip_gen: v7x
topology: tpu7x:2x2x1
jax: 0.10.2.dev20260603
libtpu: 0.0.44.dev20260713+nightly
codegen_flags: <defaults>
</compile_context>

<pallas_src>
import functools

import jax
import jax.numpy as jnp
import numpy as np
from jax import lax
from jax.experimental import pallas as pl
from jax.experimental.pallas import tpu as pltpu
from jax.experimental.pallas import tpu_sc as plsc

H, W, C = 512, 512, 224
N_SHIFT = 10

_rng = np.random.default_rng(0)
_allc = _rng.permutation(C)[:N_SHIFT]
_FWD = np.sort(_allc[: N_SHIFT // 2])
_BWD = np.sort(_allc[N_SHIFT // 2:])

NG = 8
NB = 4
ROWS = H // NG
CB = C // NB
CHUNK = CB * W

_FWD_LOC = [[c - CB * b for c in _FWD if c // CB == b] for b in range(NB)]
_BWD_LOC = [[c - CB * b for c in _BWD if c // CB == b] for b in range(NB)]
_NFWD = [len(f) for f in _FWD_LOC]
_NSPC = [len(f) + len(bw) for f, bw in zip(_FWD_LOC, _BWD_LOC)]
_MAXN = max(_NSPC)
SAVE_MAX = _MAXN * W

_CHTBL = np.zeros((NB, 16), np.int32)
for _b in range(NB):
    _row = _FWD_LOC[_b] + _BWD_LOC[_b]
    _CHTBL[_b, : len(_row)] = _row

_mesh = plsc.VectorSubcoreMesh(
    core_axis_name="c", subcore_axis_name="s", num_cores=2, num_subcores=16
)


def _sel(b, table):
    v = jnp.int32(table[NB - 1])
    for i in range(NB - 2, -1, -1):
        v = jnp.where(b == i, jnp.int32(table[i]), v)
    return v


@functools.partial(
    pl.kernel,
    out_type=jax.ShapeDtypeStruct((H, C, W), jnp.float32),
    mesh=_mesh,
    compiler_params=pltpu.CompilerParams(
        use_tc_tiling_on_sc=True, needs_layout_passes=False
    ),
    scratch_types=[
        pltpu.VMEM((4, CB, W), jnp.float32),
        pltpu.VMEM((4 * SAVE_MAX,), jnp.float32),
        pltpu.SemaphoreType.DMA,
        pltpu.SemaphoreType.DMA,
    ],
)
def _sc_shift(x_hbm, out_hbm, buf, sav, in_sem, out_sem):
    wid = lax.axis_index("s") * 2 + lax.axis_index("c")
    g = wid % NG
    b = wid // NG
    r0 = g * ROWS
    cb0 = b * CB
    nf = _sel(b, _NFWD)
    nb = _sel(b, _NSPC)
    lanes = lax.iota(jnp.int32, 16)

    def issue_in(r):
        slot = lax.rem(r, 4)
        pltpu.async_copy(x_hbm.at[r, pl.ds(cb0, CB), :], buf.at[slot], in_sem)

    def issue_out(r):
        slot = lax.rem(r, 4)
        pltpu.async_copy(buf.at[slot], out_hbm.at[r, pl.ds(cb0, CB), :], out_sem)

    def wait_chunk(sem):
        pltpu.make_async_copy(
            x_hbm.at[0, pl.ds(0, CB), :], buf.at[0], sem
        ).wait()

    def extract(r):
        slot = lax.rem(r, 4)
        for i in range(_MAXN):
            @pl.when(i < nb)
            def _(i=i):
                c = _sel(b, [int(_CHTBL[bb][i]) for bb in range(NB)])

                def inner(q, _):
                    vals = buf[slot, c, pl.ds(q * 16, 16)]
                    sav[pl.ds(slot * SAVE_MAX + i * W + q * 16, 16)] = vals
                    return 0

                lax.fori_loop(0, W // 16, inner, 0, unroll=8)

    def fixup_half(r, fwd):
        slot = lax.rem(r, 4)
        src = lax.rem(r + 1, 4) if fwd else lax.rem(r + 3, 4)
        for i in range(_MAXN):
            half_ok = (i < nf) if fwd else jnp.logical_and(i >= nf, i < nb)

            @pl.when(half_ok)
            def _(i=i):
                c = _sel(b, [int(_CHTBL[bb][i]) for bb in range(NB)])

                def inner(q, _):
                    vals = sav[pl.ds(src * SAVE_MAX + i * W + q * 16, 16)]
                    buf[slot, c, pl.ds(q * 16, 16)] = vals
                    return 0

                lax.fori_loop(0, W // 16, inner, 0, unroll=8)

    def synth_m1():
        def outer(i, _):
            def inner(q, _):
                iv = lanes + (i * W + q * 16 - 1)
                vals = plsc.load_gather(sav, [iv])
                sav[pl.ds(3 * SAVE_MAX + i * W + q * 16, 16)] = vals
                return 0

            lax.fori_loop(0, W // 16, inner, 0)
            return 0

        lax.fori_loop(nf, nb, outer, 0)
        plsc.store_scatter(
            sav,
            [3 * SAVE_MAX + (nf + lanes) * W],
            jnp.zeros((16,), jnp.float32),
            mask=lanes < nb - nf,
        )

    def synth_p1():
        def outer(i, _):
            def inner(q, _):
                iv = lanes + (3 * SAVE_MAX + i * W + q * 16 + 1)
                vals = plsc.load_gather(sav, [iv])
                sav[pl.ds(i * W + q * 16, 16)] = vals
                return 0

            lax.fori_loop(0, W // 16, inner, 0)
            return 0

        lax.fori_loop(0, nf, outer, 0)
        plsc.store_scatter(
            sav,
            [lanes * W + (W - 1)],
            jnp.zeros((16,), jnp.float32),
            mask=lanes < nf,
        )

    @pl.when(g > 0)
    def _():
        issue_in(r0 - 1)

    issue_in(r0)
    issue_in(r0 + 1)

    @pl.when(g > 0)
    def _():
        wait_chunk(in_sem)
        extract(r0 - 1)

    wait_chunk(in_sem)
    extract(r0)

    @pl.when(g == 0)
    def _():
        synth_m1()

    last_in = jnp.minimum(r0 + ROWS, H - 1)

    def row_body(i, _):
        r = r0 + i

        @pl.when(i >= 1)
        def _():
            wait_chunk(out_sem)

        @pl.when(r + 2 <= last_in)
        def _():
            issue_in(r + 2)

        fixup_half(r, fwd=False)

        @pl.when(r + 1 <= last_in)
        def _():
            wait_chunk(in_sem)
            extract(r + 1)

        @pl.when(r + 1 == H)
        def _():
            synth_p1()

        fixup_half(r, fwd=True)
        issue_out(r)
        return 0

    lax.fori_loop(0, ROWS, row_body, 0)
    wait_chunk(out_sem)


def kernel(x):
    xt = jnp.transpose(x, (0, 2, 1))
    ot = _sc_shift(xt)
    return jnp.transpose(ot, (0, 2, 1))

# --- scband reference (transcript-rebuilt; emitter-appended) ---
"""Pipeline reference for scband-random-spectral-shift-1589137899776 (READ-ONLY COPY).

The authoritative reference and input builder live on the scoring server;
editing this copy changes nothing except your own understanding.
"""

import jax, jax.numpy as jnp
import numpy as np

SHIFT_SPECTRAL_NUM = 10

def _channel_sets(C, n):
    # Deterministic stand-in for random.sample(channels_range, n)
    rng = np.random.default_rng(0)
    allc = rng.permutation(C)[:n]
    forward = np.sort(allc[: n // 2])
    backward = np.sort(allc[n // 2 :])
    fixed = np.setdiff1d(np.arange(C), allc)
    return jnp.asarray(forward), jnp.asarray(backward), jnp.asarray(fixed)

def setup_inputs(seed: int = 0) -> dict:
    key = jax.random.key(seed)
    x = jax.random.normal(key, (512, 512, 224), dtype=jnp.float32)
    return {"x": x}

def reference(x):
    C = x.shape[2]
    forward, backward, fixed = _channel_sets(C, SHIFT_SPECTRAL_NUM)
    out = jnp.zeros_like(x)
    # shift along W (axis 1)
    out = out.at[:, :-1, forward].set(x[:, 1:, forward])
    out = out.at[:, 1:, backward].set(x[:, :-1, backward])
    # shift along H (axis 0) - overwrites previous writes where applicable,
    # matching the sequential numpy assignments in the original module
    out = out.at[:-1, :, forward].set(x[1:, :, forward])
    out = out.at[1:, :, backward].set(x[:-1, :, backward])
    # fixed channels copied through
    out = out.at[:, :, fixed].set(x[:, :, fixed])
    return out

if __name__ == "__main__":
    import jax
    _d = setup_inputs()
    print(jax.jit(kernel)(*tuple(_d.values())))

</pallas_src>

<mosaic_0001>
#map = affine_map<(d0, d1) -> (0, 0, 0)>
module attributes {stable_mosaic.version = 14 : i64} {
  func.func @_sc_shift(%arg0: i32, %arg1: i32, %arg2: memref<512x224x512xf32, #tpu.memory_space<hbm>>, %arg3: memref<512x224x512xf32, #tpu.memory_space<hbm>>, %arg4: memref<4x56x512xf32, #tpu.memory_space<vmem>>, %arg5: memref<10240xf32, #tpu.memory_space<vmem>>, %arg6: memref<!tpu.dma_semaphore, #tpu.memory_space<semaphore_mem>>, %arg7: memref<!tpu.dma_semaphore, #tpu.memory_space<semaphore_mem>>) attributes {dimension_semantics = [#tpu.dimension_semantics<core_parallel>, #tpu.dimension_semantics<subcore_parallel>], iteration_bounds = array<i64: 2, 16>, scalar_prefetch = 0 : i64, scratch_operands = 4 : i64, tpu.core_type = #tpu.core_type<sc_vector_subcore>, window_params = [{transform_indices = #map}, {transform_indices = #map}]} {
    %mul3A = arith.constant 2 : i32
    %mul3A_0 = arith.muli %arg1, %mul3A : i32
    %add3A = arith.addi %mul3A_0, %arg0 : i32
    %jit3A = arith.constant 8 : i32
    %eq3A = arith.constant 0 : i32
    %eq3A_1 = arith.cmpi eq, %jit3A, %eq3A : i32
    %jit3A_2 = arith.constant 1 : i32
    %select_n3A = arith.select %eq3A_1, %jit3A_2, %jit3A : i32
    %rem3A = arith.remsi %add3A, %select_n3A : i32
    %ne3A = arith.constant 0 : i32
    %ne3A_3 = arith.cmpi ne, %rem3A, %ne3A : i32
    %lt3A = arith.constant 0 : i32
    %lt3A_4 = arith.cmpi slt, %rem3A, %lt3A : i32
    %lt3A_5 = arith.constant 0 : i32
    %lt3A_6 = arith.cmpi slt, %select_n3A, %lt3A_5 : i32
    %ne3A_7 = arith.xori %lt3A_4, %lt3A_6 : i1
    %and3A = arith.andi %ne3A_7, %ne3A_3 : i1
    %add3A_8 = arith.addi %rem3A, %select_n3A : i32
    %select_n3A_9 = arith.select %and3A, %add3A_8, %rem3A : i32
    %jit3A_10 = arith.constant 8 : i32
    %div3A = arith.divsi %add3A, %jit3A_10 : i32
    %sign3A = arith.constant 0 : i32
    %sign3A_11 = arith.cmpi sgt, %add3A, %sign3A : i32
    %sign3A_12 = arith.extui %sign3A_11 : i1 to i32
    %sign3A_13 = arith.constant 0 : i32
    %sign3A_14 = arith.cmpi slt, %add3A, %sign3A_13 : i32
    %sign3A_15 = arith.extui %sign3A_14 : i1 to i32
    %sign3A_16 = arith.subi %sign3A_12, %sign3A_15 : i32
    %sign3A_17 = arith.constant 0 : i32
    %sign3A_18 = arith.cmpi sgt, %jit3A_10, %sign3A_17 : i32
    %sign3A_19 = arith.extui %sign3A_18 : i1 to i32
    %sign3A_20 = arith.constant 0 : i32
    %sign3A_21 = arith.cmpi slt, %jit3A_10, %sign3A_20 : i32
    %sign3A_22 = arith.extui %sign3A_21 : i1 to i32
    %sign3A_23 = arith.subi %sign3A_19, %sign3A_22 : i32
    %ne3A_24 = arith.cmpi ne, %sign3A_16, %sign3A_23 : i32
    %rem3A_25 = arith.remsi %add3A, %jit3A_10 : i32
    %ne3A_26 = arith.constant 0 : i32
    %ne3A_27 = arith.cmpi ne, %rem3A_25, %ne3A_26 : i32
    %and3A_28 = arith.andi %ne3A_24, %ne3A_27 : i1
    %sub3A = arith.constant 1 : i32
    %sub3A_29 = arith.subi %div3A, %sub3A : i32
    %select_n3A_30 = arith.select %and3A_28, %sub3A_29, %div3A : i32
    %mul3A_31 = arith.constant 64 : i32
    %mul3A_32 = arith.muli %select_n3A_9, %mul3A_31 : i32
    %mul3A_33 = arith.constant 56 : i32
    %mul3A_34 = arith.muli %select_n3A_30, %mul3A_33 : i32
    %eq3A_35 = arith.constant 2 : i32
    %eq3A_36 = arith.cmpi eq, %select_n3A_30, %eq3A_35 : i32
    %jit3A_37 = arith.constant 1 : i32
    %jit3A_38 = arith.constant 0 : i32
    %select_n3A_39 = arith.select %eq3A_36, %jit3A_37, %jit3A_38 : i32
    %eq3A_40 = arith.constant 1 : i32
    %eq3A_41 = arith.cmpi eq, %select_n3A_30, %eq3A_40 : i32
    %jit3A_42 = arith.constant 3 : i32
    %select_n3A_43 = arith.select %eq3A_41, %jit3A_42, %select_n3A_39 : i32
    %eq3A_44 = arith.constant 0 : i32
    %eq3A_45 = arith.cmpi eq, %select_n3A_30, %eq3A_44 : i32
    %jit3A_46 = arith.constant 1 : i32
    %select_n3A_47 = arith.select %eq3A_45, %jit3A_46, %select_n3A_43 : i32
    %eq3A_48 = arith.constant 2 : i32
    %eq3A_49 = arith.cmpi eq, %select_n3A_30, %eq3A_48 : i32
    %jit3A_50 = arith.constant 2 : i32
    %jit3A_51 = arith.constant 1 : i32
    %select_n3A_52 = arith.select %eq3A_49, %jit3A_50, %jit3A_51 : i32
    %eq3A_53 = arith.constant 1 : i32
    %eq3A_54 = arith.cmpi eq, %select_n3A_30, %eq3A_53 : i32
    %jit3A_55 = arith.constant 5 : i32
    %select_n3A_56 = arith.select %eq3A_54, %jit3A_55, %select_n3A_52 : i32
    %eq3A_57 = arith.constant 0 : i32
    %eq3A_58 = arith.cmpi eq, %select_n3A_30, %eq3A_57 : i32
    %jit3A_59 = arith.constant 2 : i32
    %select_n3A_60 = arith.select %eq3A_58, %jit3A_59, %select_n3A_56 : i32
    %iota3A = tpu.iota {dimensions = array<i32: 0>} : vector<16xi32>
    %gt3A = arith.constant 0 : i32
    %gt3A_61 = arith.cmpi sgt, %select_n3A_9, %gt3A : i32
    %convert_element_type3A = arith.extui %gt3A_61 : i1 to i32
    %cond3A = arith.constant 0 : i32
    %cond3A_62 = arith.cmpi ne, %convert_element_type3A, %cond3A : i32
    scf.if %cond3A_62 {
      %sub3A_177 = arith.constant 1 : i32
      %sub3A_178 = arith.subi %mul3A_32, %sub3A_177 : i32
      %rem3A_179 = arith.constant 4 : i32
      %rem3A_180 = arith.remsi %sub3A_178, %rem3A_179 : i32
      %dma_start3A_181 = arith.constant 0 : i32
      %dma_start3A_182 = arith.constant 0 : i32
      %dma_start3A_183 = tpu.memref_slice %arg4[%rem3A_180, %dma_start3A_181, %dma_start3A_182] : memref<4x56x512xf32, #tpu.memory_space<vmem>> -> memref<1x56x512xf32, #tpu.memory_space<vmem>>
      %dma_start3A_184 = tpu.memref_squeeze %dma_start3A_183 : memref<1x56x512xf32, #tpu.memory_space<vmem>> -> memref<56x512xf32, #tpu.memory_space<vmem>>
      %dma_start3A_185 = arith.constant 0 : i32
      %dma_start3A_186 = tpu.memref_slice %arg2[%sub3A_178, %mul3A_34, %dma_start3A_185] : memref<512x224x512xf32, #tpu.memory_space<hbm>> -> memref<1x56x512xf32, #tpu.memory_space<hbm>>
      %dma_start3A_187 = tpu.memref_squeeze %dma_start3A_186 : memref<1x56x512xf32, #tpu.memory_space<hbm>> -> memref<56x512xf32, #tpu.memory_space<hbm>>
      %dma_start3A_188 = arith.constant 0 : i32
      %dma_start3A_189 = arith.constant 0 : i32
      %dma_start3A_190 = tpu.memref_slice %arg4[%rem3A_180, %dma_start3A_188, %dma_start3A_189] : memref<4x56x512xf32, #tpu.memory_space<vmem>> -> memref<1x56x512xf32, #tpu.memory_space<vmem>>
      %dma_start3A_191 = tpu.memref_squeeze %dma_start3A_190 : memref<1x56x512xf32, #tpu.memory_space<vmem>> -> memref<56x512xf32, #tpu.memory_space<vmem>>
      %dma_start3A_192 = arith.constant 0 : i32
      %dma_start3A_193 = tpu.memref_slice %arg2[%sub3A_178, %mul3A_34, %dma_start3A_192] : memref<512x224x512xf32, #tpu.memory_space<hbm>> -> memref<1x56x512xf32, #tpu.memory_space<hbm>>
      %dma_start3A_194 = tpu.memref_squeeze %dma_start3A_193 : memref<1x56x512xf32, #tpu.memory_space<hbm>> -> memref<56x512xf32, #tpu.memory_space<hbm>>
      tpu.enqueue_dma source(%dma_start3A_194 : memref<56x512xf32, #tpu.memory_space<hbm>>) target(%dma_start3A_191 : memref<56x512xf32, #tpu.memory_space<vmem>>) target_semaphore(%arg6 : memref<!tpu.dma_semaphore, #tpu.memory_space<semaphore_mem>>)
    } else {
    }
    %rem3A_63 = arith.constant 4 : i32
    %rem3A_64 = arith.remsi %mul3A_32, %rem3A_63 : i32
    %dma_start3A = arith.constant 0 : i32
    %dma_start3A_65 = arith.constant 0 : i32
    %dma_start3A_66 = tpu.memref_slice %arg4[%rem3A_64, %dma_start3A, %dma_start3A_65] : memref<4x56x512xf32, #tpu.memory_space<vmem>> -> memref<1x56x512xf32, #tpu.memory_space<vmem>>
    %dma_start3A_67 = tpu.memref_squeeze %dma_start3A_66 : memref<1x56x512xf32, #tpu.memory_space<vmem>> -> memref<56x512xf32, #tpu.memory_space<vmem>>
    %dma_start3A_68 = arith.constant 0 : i32
    %dma_start3A_69 = tpu.memref_slice %arg2[%mul3A_32, %mul3A_34, %dma_start3A_68] : memref<512x224x512xf32, #tpu.memory_space<hbm>> -> memref<1x56x512xf32, #tpu.memory_space<hbm>>
    %dma_start3A_70 = tpu.memref_squeeze %dma_start3A_69 : memref<1x56x512xf32, #tpu.memory_space<hbm>> -> memref<56x512xf32, #tpu.memory_space<hbm>>
    %dma_start3A_71 = arith.constant 0 : i32
    %dma_start3A_72 = arith.constant 0 : i32
    %dma_start3A_73 = tpu.memref_slice %arg4[%rem3A_64, %dma_start3A_71, %dma_start3A_72] : memref<4x56x512xf32, #tpu.memory_space<vmem>> -> memref<1x56x512xf32, #tpu.memory_space<vmem>>
    %dma_start3A_74 = tpu.memref_squeeze %dma_start3A_73 : memref<1x56x512xf32, #tpu.memory_space<vmem>> -> memref<56x512xf32, #tpu.memory_space<vmem>>
    %dma_start3A_75 = arith.constant 0 : i32
    %dma_start3A_76 = tpu.memref_slice %arg2[%mul3A_32, %mul3A_34, %dma_start3A_75] : memref<512x224x512xf32, #tpu.memory_space<hbm>> -> memref<1x56x512xf32, #tpu.memory_space<hbm>>
    %dma_start3A_77 = tpu.memref_squeeze %dma_start3A_76 : memref<1x56x512xf32, #tpu.memory_space<hbm>> -> memref<56x512xf32, #tpu.memory_space<hbm>>
    tpu.enqueue_dma source(%dma_start3A_77 : memref<56x512xf32, #tpu.memory_space<hbm>>) target(%dma_start3A_74 : memref<56x512xf32, #tpu.memory_space<vmem>>) target_semaphore(%arg6 : memref<!tpu.dma_semaphore, #tpu.memory_space<semaphore_mem>>)
    %add3A_78 = arith.constant 1 : i32
    %add3A_79 = arith.addi %mul3A_32, %add3A_78 : i32
    %rem3A_80 = arith.constant 4 : i32
    %rem3A_81 = arith.remsi %add3A_79, %rem3A_80 : i32
    %dma_start3A_82 = arith.constant 0 : i32
    %dma_start3A_83 = arith.constant 0 : i32
    %dma_start3A_84 = tpu.memref_slice %arg4[%rem3A_81, %dma_start3A_82, %dma_start3A_83] : memref<4x56x512xf32, #tpu.memory_space<vmem>> -> memref<1x56x512xf32, #tpu.memory_space<vmem>>
    %dma_start3A_85 = tpu.memref_squeeze %dma_start3A_84 : memref<1x56x512xf32, #tpu.memory_space<vmem>> -> memref<56x512xf32, #tpu.memory_space<vmem>>
    %dma_start3A_86 = arith.constant 0 : i32
    %dma_start3A_87 = tpu.memref_slice %arg2[%add3A_79, %mul3A_34, %dma_start3A_86] : memref<512x224x512xf32, #tpu.memory_space<hbm>> -> memref<1x56x512xf32, #tpu.memory_space<hbm>>
    %dma_start3A_88 = tpu.memref_squeeze %dma_start3A_87 : memref<1x56x512xf32, #tpu.memory_space<hbm>> -> memref<56x512xf32, #tpu.memory_space<hbm>>
    %dma_start3A_89 = arith.constant 0 : i32
    %dma_start3A_90 = arith.constant 0 : i32
    %dma_start3A_91 = tpu.memref_slice %arg4[%rem3A_81, %dma_start3A_89, %dma_start3A_90] : memref<4x56x512xf32, #tpu.memory_space<vmem>> -> memref<1x56x512xf32, #tpu.memory_space<vmem>>
    %dma_start3A_92 = tpu.memref_squeeze %dma_start3A_91 : memref<1x56x512xf32, #tpu.memory_space<vmem>> -> memref<56x512xf32, #tpu.memory_space<vmem>>
    %dma_start3A_93 = arith.constant 0 : i32
    %dma_start3A_94 = tpu.memref_slice %arg2[%add3A_79, %mul3A_34, %dma_start3A_93] : memref<512x224x512xf32, #tpu.memory_space<hbm>> -> memref<1x56x512xf32, #tpu.memory_space<hbm>>
    %dma_start3A_95 = tpu.memref_squeeze %dma_start3A_94 : memref<1x56x512xf32, #tpu.memory_space<hbm>> -> memref<56x512xf32, #tpu.memory_space<hbm>>
    tpu.enqueue_dma source(%dma_start3A_95 : memref<56x512xf32, #tpu.memory_space<hbm>>) target(%dma_start3A_92 : memref<56x512xf32, #tpu.memory_space<vmem>>) target_semaphore(%arg6 : memref<!tpu.dma_semaphore, #tpu.memory_space<semaphore_mem>>)
    %gt3A_96 = arith.constant 0 : i32
    %gt3A_97 = arith.cmpi sgt, %select_n3A_9, %gt3A_96 : i32
    %convert_element_type3A_98 = arith.extui %gt3A_97 : i1 to i32
    %cond3A_99 = arith.constant 0 : i32
    %cond3A_100 = arith.cmpi ne, %convert_element_type3A_98, %cond3A_99 : i32
    scf.if %cond3A_100 {
      %dma_wait3A_177 = arith.constant 0 : i32
      %dma_wait3A_178 = arith.constant 0 : i32
      %dma_wait3A_179 = arith.constant 0 : i32
      %dma_wait3A_180 = arith.constant 0 : i32
      %dma_wait3A_181 = tpu.memref_slice %arg4[%dma_wait3A_178, %dma_wait3A_179, %dma_wait3A_180] : memref<4x56x512xf32, #tpu.memory_space<vmem>> -> memref<1x56x512xf32, #tpu.memory_space<vmem>>
      %dma_wait3A_182 = tpu.memref_squeeze %dma_wait3A_181 : memref<1x56x512xf32, #tpu.memory_space<vmem>> -> memref<56x512xf32, #tpu.memory_space<vmem>>
      %dma_wait3A_183 = arith.constant 0 : i32
      %dma_wait3A_184 = arith.constant 0 : i32
      %dma_wait3A_185 = tpu.memref_slice %arg2[%dma_wait3A_177, %dma_wait3A_183, %dma_wait3A_184] : memref<512x224x512xf32, #tpu.memory_space<hbm>> -> memref<1x56x512xf32, #tpu.memory_space<hbm>>
      %dma_wait3A_186 = tpu.memref_squeeze %dma_wait3A_185 : memref<1x56x512xf32, #tpu.memory_space<hbm>> -> memref<56x512xf32, #tpu.memory_space<hbm>>
      %dma_wait3A_187 = arith.constant 0 : i32
      %dma_wait3A_188 = arith.constant 0 : i32
      %dma_wait3A_189 = tpu.memref_slice %arg4[%dma_wait3A_178, %dma_wait3A_187, %dma_wait3A_188] : memref<4x56x512xf32, #tpu.memory_space<vmem>> -> memref<1x56x512xf32, #tpu.memory_space<vmem>>
      %dma_wait3A_190 = tpu.memref_squeeze %dma_wait3A_189 : memref<1x56x512xf32, #tpu.memory_space<vmem>> -> memref<56x512xf32, #tpu.memory_space<vmem>>
      %dma_wait3A_191 = arith.constant 0 : i32
      %dma_wait3A_192 = arith.constant 0 : i32
      %dma_wait3A_193 = tpu.memref_slice %arg2[%dma_wait3A_177, %dma_wait3A_191, %dma_wait3A_192] : memref<512x224x512xf32, #tpu.memory_space<hbm>> -> memref<1x56x512xf32, #tpu.memory_space<hbm>>
      %dma_wait3A_194 = tpu.memref_squeeze %dma_wait3A_193 : memref<1x56x512xf32, #tpu.memory_space<hbm>> -> memref<56x512xf32, #tpu.memory_space<hbm>>
      tpu.wait_dma2 semaphore(%arg6 : memref<!tpu.dma_semaphore, #tpu.memory_space<semaphore_mem>>) src(%dma_wait3A_194 : memref<56x512xf32, #tpu.memory_space<hbm>>) dst(%dma_wait3A_190 : memref<56x512xf32, #tpu.memory_space<vmem>>)
      %sub3A_195 = arith.constant 1 : i32
      %sub3A_196 = arith.subi %mul3A_32, %sub3A_195 : i32
      %rem3A_197 = arith.constant 4 : i32
      %rem3A_198 = arith.remsi %sub3A_196, %rem3A_197 : i32
      %gt3A_199 = arith.constant 0 : i32
      %gt3A_200 = arith.cmpi sgt, %select_n3A_60, %gt3A_199 : i32
      %convert_element_type3A_201 = arith.extui %gt3A_200 : i1 to i32
      %cond3A_202 = arith.constant 0 : i32
      %cond3A_203 = arith.cmpi ne, %convert_element_type3A_201, %cond3A_202 : i32
      scf.if %cond3A_203 {
        %eq3A_224 = arith.constant 2 : i32
        %eq3A_225 = arith.cmpi eq, %select_n3A_30, %eq3A_224 : i32
        %jit3A_226 = arith.constant 48 : i32
        %jit3A_227 = arith.constant 53 : i32
        %select_n3A_228 = arith.select %eq3A_225, %jit3A_226, %jit3A_227 : i32
        %eq3A_229 = arith.constant 1 : i32
        %eq3A_230 = arith.cmpi eq, %select_n3A_30, %eq3A_229 : i32
        %jit3A_231 = arith.constant 28 : i32
        %select_n3A_232 = arith.select %eq3A_230, %jit3A_231, %select_n3A_228 : i32
        %eq3A_233 = arith.constant 0 : i32
        %eq3A_234 = arith.cmpi eq, %select_n3A_30, %eq3A_233 : i32
        %jit3A_235 = arith.constant 36 : i32
        %select_n3A_236 = arith.select %eq3A_234, %jit3A_235, %select_n3A_232 : i32
        %scan3A_237 = arith.constant 0 : i32
        %scan3A_238 = arith.constant 0 : i32
        %scan3A_239 = arith.constant 32 : i32
        %scan3A_240 = arith.addi %scan3A_238, %scan3A_239 : i32
        %scan3A_241 = arith.constant 8 : i32
        %scan3A_242 = scf.for %scan3A_244 = %scan3A_238 to %scan3A_240 step %scan3A_241 iter_args(%scan3A_245 = %scan3A_237) -> (i32)  : i32 {
          %mul3A_246 = arith.constant 16 : i32
          %mul3A_247 = arith.muli %scan3A_244, %mul3A_246 : i32
          %get3A = arith.index_cast %rem3A_198 : i32 to index
          %get3A_248 = arith.index_cast %select_n3A_236 : i32 to index
          %get3A_249 = arith.index_cast %mul3A_247 : i32 to index
          %get3A_250 = tpu.vector_load %arg4[%get3A, %get3A_248, %get3A_249] {strides = array<i32>} : memref<4x56x512xf32, #tpu.memory_space<vmem>>, vector<16xf32>,
          %mul3A_251 = arith.constant 2560 : i32
          %mul3A_252 = arith.muli %rem3A_198, %mul3A_251 : i32
          %add3A_253 = arith.constant 0 : i32
          %add3A_254 = arith.addi %mul3A_252, %add3A_253 : i32
          %mul3A_255 = arith.constant 16 : i32
          %mul3A_256 = arith.muli %scan3A_244, %mul3A_255 : i32
          %add3A_257 = arith.addi %add3A_254, %mul3A_256 : i32
          %swap3A = arith.index_cast %add3A_257 : i32 to index
          %swap3A_258 = tpu.vector_load %arg5[%swap3A] {strides = array<i32>} : memref<10240xf32, #tpu.memory_space<vmem>>, vector<16xf32>,
          tpu.vector_store %arg5[%swap3A], %get3A_250 {strides = array<i32>} : memref<10240xf32, #tpu.memory_space<vmem>>, vector<16xf32>,
          %scan3A_259 = arith.constant 0 : i32
          %scan3A_260 = arith.constant 1 : i32
          %scan3A_261 = arith.addi %scan3A_244, %scan3A_260 : i32
          %mul3A_262 = arith.constant 16 : i32
          %mul3A_263 = arith.muli %scan3A_261, %mul3A_262 : i32
          %get3A_264 = arith.index_cast %rem3A_198 : i32 to index
          %get3A_265 = arith.index_cast %select_n3A_236 : i32 to index
          %get3A_266 = arith.index_cast %mul3A_263 : i32 to index
          %get3A_267 = tpu.vector_load %arg4[%get3A_264, %get3A_265, %get3A_266] {strides = array<i32>} : memref<4x56x512xf32, #tpu.memory_space<vmem>>, vector<16xf32>,
          %mul3A_268 = arith.constant 2560 : i32
          %mul3A_269 = arith.muli %rem3A_198, %mul3A_268 : i32
          %add3A_270 = arith.constant 0 : i32
          %add3A_271 = arith.addi %mul3A_269, %add3A_270 : i32
          %mul3A_272 = arith.constant 16 : i32
          %mul3A_273 = arith.muli %scan3A_261, %mul3A_272 : i32
          %add3A_274 = arith.addi %add3A_271, %mul3A_273 : i32
          %swap3A_275 = arith.index_cast %add3A_274 : i32 to index
          %swap3A_276 = tpu.vector_load %arg5[%swap3A_275] {strides = array<i32>} : memref<10240xf32, #tpu.memory_space<vmem>>, vector<16xf32>,
          tpu.vector_store %arg5[%swap3A_275], %get3A_267 {strides = array<i32>} : memref<10240xf32, #tpu.memory_space<vmem>>, vector<16xf32>,
          %scan3A_277 = arith.constant 0 : i32
          %scan3A_278 = arith.constant 2 : i32
          %scan3A_279 = arith.addi %scan3A_244, %scan3A_278 : i32
          %mul3A_280 = arith.constant 16 : i32
          %mul3A_281 = arith.muli %scan3A_279, %mul3A_280 : i32
          %get3A_282 = arith.index_cast %rem3A_198 : i32 to index
          %get3A_283 = arith.index_cast %select_n3A_236 : i32 to index
          %get3A_284 = arith.index_cast %mul3A_281 : i32 to index
          %get3A_285 = tpu.vector_load %arg4[%get3A_282, %get3A_283, %get3A_284] {strides = array<i32>} : memref<4x56x512xf32, #tpu.memory_space<vmem>>, vector<16xf32>,
          %mul3A_286 = arith.constant 2560 : i32
          %mul3A_287 = arith.muli %rem3A_198, %mul3A_286 : i32
          %add3A_288 = arith.constant 0 : i32
          %add3A_289 = arith.addi %mul3A_287, %add3A_288 : i32
          %mul3A_290 = arith.constant 16 : i32
          %mul3A_291 = arith.muli %scan3A_279, %mul3A_290 : i32
          %add3A_292 = arith.addi %add3A_289, %mul3A_291 : i32
          %swap3A_293 = arith.index_cast %add3A_292 : i32 to index
          %swap3A_294 = tpu.vector_load %arg5[%swap3A_293] {strides = array<i32>} : memref<10240xf32, #tpu.memory_space<vmem>>, vector<16xf32>,
          tpu.vector_store %arg5[%swap3A_293], %get3A_285 {strides = array<i32>} : memref<10240xf32, #tpu.memory_space<vmem>>, vector<16xf32>,
          %scan3A_295 = arith.constant 0 : i32
          %scan3A_296 = arith.constant 3 : i32
          %scan3A_297 = arith.addi %scan3A_244, %scan3A_296 : i32
          %mul3A_298 = arith.constant 16 : i32
          %mul3A_299 = arith.muli %scan3A_297, %mul3A_298 : i32
          %get3A_300 = arith.index_cast %rem3A_198 : i32 to index
          %get3A_301 = arith.index_cast %select_n3A_236 : i32 to index
          %get3A_302 = arith.index_cast %mul3A_299 : i32 to index
          %get3A_303 = tpu.vector_load %arg4[%get3A_300, %get3A_301, %get3A_302] {strides = array<i32>} : memref<4x56x512xf32, #tpu.memory_space<vmem>>, vector<16xf32>,
          %mul3A_304 = arith.constant 2560 : i32
          %mul3A_305 = arith.muli %rem3A_198, %mul3A_304 : i32
          %add3A_306 = arith.constant 0 : i32
          %add3A_307 = arith.addi %mul3A_305, %add3A_306 : i32
          %mul3A_308 = arith.constant 16 : i32
          %mul3A_309 = arith.muli %scan3A_297, %mul3A_308 : i32
          %add3A_310 = arith.addi %add3A_307, %mul3A_309 : i32
          %swap3A_311 = arith.index_cast %add3A_310 : i32 to index
          %swap3A_312 = tpu.vector_load %arg5[%swap3A_311] {strides = array<i32>} : memref<10240xf32, #tpu.memory_space<vmem>>, vector<16xf32>,
          tpu.vector_store %arg5[%swap3A_311], %get3A_303 {strides = array<i32>} : memref<10240xf32, #tpu.memory_space<vmem>>, vector<16xf32>,
          %scan3A_313 = arith.constant 0 : i32
          %scan3A_314 = arith.constant 4 : i32
          %scan3A_315 = arith.addi %scan3A_244, %scan3A_314 : i32
          %mul3A_316 = arith.constant 16 : i32
          %mul3A_317 = arith.muli %scan3A_315, %mul3A_316 : i32
          %get3A_318 = arith.index_cast %rem3A_198 : i32 to index
          %get3A_319 = arith.index_cast %select_n3A_236 : i32 to index
          %get3A_320 = arith.index_cast %mul3A_317 : i32 to index
          %get3A_321 = tpu.vector_load %arg4[%get3A_318, %get3A_319, %get3A_320] {strides = array<i32>} : memref<4x56x512xf32, #tpu.memory_space<vmem>>, vector<16xf32>,
          %mul3A_322 = arith.constant 2560 : i32
          %mul3A_323 = arith.muli %rem3A_198, %mul3A_322 : i32
          %add3A_324 = arith.constant 0 : i32
          %add3A_325 = arith.addi %mul3A_323, %add3A_324 : i32
          %mul3A_326 = arith.constant 16 : i32
          %mul3A_327 = arith.muli %scan3A_315, %mul3A_326 : i32
          %add3A_328 = arith.addi %add3A_325, %mul3A_327 : i32
          %swap3A_329 = arith.index_cast %add3A_328 : i32 to index
          %swap3A_330 = tpu.vector_load %arg5[%swap3A_329] {strides = array<i32>} : memref<10240xf32, #tpu.memory_space<vmem>>, vector<16xf32>,
          tpu.vector_store %arg5[%swap3A_329], %get3A_321 {strides = array<i32>} : memref<10240xf32, #tpu.memory_space<vmem>>, vector<16xf32>,
          %scan3A_331 = arith.constant 0 : i32
          %scan3A_332 = arith.constant 5 : i32
          %scan3A_333 = arith.addi %scan3A_244, %scan3A_332 : i32
          %mul3A_334 = arith.constant 16 : i32
          %mul3A_335 = arith.muli %scan3A_333, %mul3A_334 : i32
          %get3A_336 = arith.index_cast %rem3A_198 : i32 to index
          %get3A_337 = arith.index_cast %select_n3A_236 : i32 to index
          %get3A_338 = arith.index_cast %mul3A_335 : i32 to index
          %get3A_339 = tpu.vector_load %arg4[%get3A_336, %get3A_337, %get3A_338] {strides = array<i32>} : memref<4x56x512xf32, #tpu.memory_space<vmem>>, vector<16xf32>,
          %mul3A_340 = arith.constant 2560 : i32
          %mul3A_341 = arith.muli %rem3A_198, %mul3A_340 : i32
          %add3A_342 = arith.constant 0 : i32
          %add3A_343 = arith.addi %mul3A_341, %add3A_342 : i32
          %mul3A_344 = arith.constant 16 : i32
          %mul3A_345 = arith.muli %scan3A_333, %mul3A_344 : i32
          %add3A_346 = arith.addi %add3A_343, %mul3A_345 : i32
          %swap3A_347 = arith.index_cast %add3A_346 : i32 to index
          %swap3A_348 = tpu.vector_load %arg5[%swap3A_347] {strides = array<i32>} : memref<10240xf32, #tpu.memory_space<vmem>>, vector<16xf32>,
          tpu.vector_store %arg5[%swap3A_347], %get3A_339 {strides = array<i32>} : memref<10240xf32, #tpu.memory_space<vmem>>, vector<16xf32>,
          %scan3A_349 = arith.constant 0 : i32
          %scan3A_350 = arith.constant 6 : i32
          %scan3A_351 = arith.addi %scan3A_244, %scan3A_350 : i32
          %mul3A_352 = arith.constant 16 : i32
          %mul3A_353 = arith.muli %scan3A_351, %mul3A_352 : i32
          %get3A_354 = arith.index_cast %rem3A_198 : i32 to index
          %get3A_355 = arith.index_cast %select_n3A_236 : i32 to index
          %get3A_356 = arith.index_cast %mul3A_353 : i32 to index
          %get3A_357 = tpu.vector_load %arg4[%get3A_354, %get3A_355, %get3A_356] {strides = array<i32>} : memref<4x56x512xf32, #tpu.memory_space<vmem>>, vector<16xf32>,
          %mul3A_358 = arith.constant 2560 : i32
          %mul3A_359 = arith.muli %rem3A_198, %mul3A_358 : i32
          %add3A_360 = arith.constant 0 : i32
          %add3A_361 = arith.addi %mul3A_359, %add3A_360 : i32
          %mul3A_362 = arith.constant 16 : i32
          %mul3A_363 = arith.muli %scan3A_351, %mul3A_362 : i32
          %add3A_364 = arith.addi %add3A_361, %mul3A_363 : i32
          %swap3A_365 = arith.index_cast %add3A_364 : i32 to index
          %swap3A_366 = tpu.vector_load %arg5[%swap3A_365] {strides = array<i32>} : memref<10240xf32, #tpu.memory_space<vmem>>, vector<16xf32>,
          tpu.vector_store %arg5[%swap3A_365], %get3A_357 {strides = array<i32>} : memref<10240xf32, #tpu.memory_space<vmem>>, vector<16xf32>,
          %scan3A_367 = arith.constant 0 : i32
          %scan3A_368 = arith.constant 7 : i32
          %scan3A_369 = arith.addi %scan3A_244, %scan3A_368 : i32
          %mul3A_370 = arith.constant 16 : i32
          %mul3A_371 = arith.muli %scan3A_369, %mul3A_370 : i32
          %get3A_372 = arith.index_cast %rem3A_198 : i32 to index
          %get3A_373 = arith.index_cast %select_n3A_236 : i32 to index
          %get3A_374 = arith.index_cast %mul3A_371 : i32 to index
          %get3A_375 = tpu.vector_load %arg4[%get3A_372, %get3A_373, %get3A_374] {strides = array<i32>} : memref<4x56x512xf32, #tpu.memory_space<vmem>>, vector<16xf32>,
          %mul3A_376 = arith.constant 2560 : i32
          %mul3A_377 = arith.muli %rem3A_198, %mul3A_376 : i32
          %add3A_378 = arith.constant 0 : i32
          %add3A_379 = arith.addi %mul3A_377, %add3A_378 : i32
          %mul3A_380 = arith.constant 16 : i32
          %mul3A_381 = arith.muli %scan3A_369, %mul3A_380 : i32
          %add3A_382 = arith.addi %add3A_379, %mul3A_381 : i32
          %swap3A_383 = arith.index_cast %add3A_382 : i32 to index
          %swap3A_384 = tpu.vector_load %arg5[%swap3A_383] {strides = array<i32>} : memref<10240xf32, #tpu.memory_space<vmem>>, vector<16xf32>,
          tpu.vector_store %arg5[%swap3A_383], %get3A_375 {strides = array<i32>} : memref<10240xf32, #tpu.memory_space<vmem>>, vector<16xf32>,
          %scan3A_385 = arith.constant 0 : i32
          scf.yield %scan3A_385 : i32
        }
        %scan3A_243 = arith.constant 32 : i32
      } else {
      }
      %gt3A_204 = arith.constant 1 : i32
      %gt3A_205 = arith.cmpi sgt, %select_n3A_60, %gt3A_204 : i32
      %convert_element_type3A_206 = arith.extui %gt3A_205 : i1 to i32
      %cond3A_207 = arith.constant 0 : i32
      %cond3A_208 = arith.cmpi ne, %convert_element_type3A_206, %cond3A_207 : i32
      scf.if %cond3A_208 {
        %eq3A_224 = arith.constant 2 : i32
        %eq3A_225 = arith.cmpi eq, %select_n3A_30, %eq3A_224 : i32
        %jit3A_226 = arith.constant 47 : i32
        %jit3A_227 = arith.constant 0 : i32
        %select_n3A_228 = arith.select %eq3A_225, %jit3A_226, %jit3A_227 : i32
        %eq3A_229 = arith.constant 1 : i32
        %eq3A_230 = arith.cmpi eq, %select_n3A_30, %eq3A_229 : i32
        %jit3A_231 = arith.constant 46 : i32
        %select_n3A_232 = arith.select %eq3A_230, %jit3A_231, %select_n3A_228 : i32
        %eq3A_233 = arith.constant 0 : i32
        %eq3A_234 = arith.cmpi eq, %select_n3A_30, %eq3A_233 : i32
        %jit3A_235 = arith.constant 0 : i32
        %select_n3A_236 = arith.select %eq3A_234, %jit3A_235, %select_n3A_232 : i32
        %scan3A_237 = arith.constant 0 : i32
        %scan3A_238 = arith.constant 0 : i32
        %scan3A_239 = arith.constant 32 : i32
        %scan3A_240 = arith.addi %scan3A_238, %scan3A_239 : i32
        %scan3A_241 = arith.constant 8 : i32
        %scan3A_242 = scf.for %scan3A_244 = %scan3A_238 to %scan3A_240 step %scan3A_241 iter_args(%scan3A_245 = %scan3A_237) -> (i32)  : i32 {
          %mul3A_246 = arith.constant 16 : i32
          %mul3A_247 = arith.muli %scan3A_244, %mul3A_246 : i32
          %get3A = arith.index_cast %rem3A_198 : i32 to index
          %get3A_248 = arith.index_cast %select_n3A_236 : i32 to index
          %get3A_249 = arith.index_cast %mul3A_247 : i32 to index
          %get3A_250 = tpu.vector_load %arg4[%get3A, %get3A_248, %get3A_249] {strides = array<i32>} : memref<4x56x512xf32, #tpu.memory_space<vmem>>, vector<16xf32>,
          %mul3A_251 = arith.constant 2560 : i32
          %mul3A_252 = arith.muli %rem3A_198, %mul3A_251 : i32
          %add3A_253 = arith.constant 512 : i32
          %add3A_254 = arith.addi %mul3A_252, %add3A_253 : i32
          %mul3A_255 = arith.constant 16 : i32
          %mul3A_256 = arith.muli %scan3A_244, %mul3A_255 : i32
          %add3A_257 = arith.addi %add3A_254, %mul3A_256 : i32
          %swap3A = arith.index_cast %add3A_257 : i32 to index
          %swap3A_258 = tpu.vector_load %arg5[%swap3A] {strides = array<i32>} : memref<10240xf32, #tpu.memory_space<vmem>>, vector<16xf32>,
          tpu.vector_store %arg5[%swap3A], %get3A_250 {strides = array<i32>} : memref<10240xf32, #tpu.memory_space<vmem>>, vector<16xf32>,
          %scan3A_259 = arith.constant 0 : i32
          %scan3A_260 = arith.constant 1 : i32
          %scan3A_261 = arith.addi %scan3A_244, %scan3A_260 : i32
          %mul3A_262 = arith.constant 16 : i32
          %mul3A_263 = arith.muli %scan3A_261, %mul3A_262 : i32
          %get3A_264 = arith.index_cast %rem3A_198 : i32 to index
          %get3A_265 = arith.index_cast %select_n3A_236 : i32 to index
          %get3A_266 = arith.index_cast %mul3A_263 : i32 to index
          %get3A_267 = tpu.vector_load %arg4[%get3A_264, %get3A_265, %get3A_266] {strides = array<i32>} : memref<4x56x512xf32, #tpu.memory_space<vmem>>, vector<16xf32>,
          %mul3A_268 = arith.constant 2560 : i32
          %mul3A_269 = arith.muli %rem3A_198, %mul3A_268 : i32
          %add3A_270 = arith.constant 512 : i32
          %add3A_271 = arith.addi %mul3A_269, %add3A_270 : i32
          %mul3A_272 = arith.constant 16 : i32
          %mul3A_273 = arith.muli %scan3A_261, %mul3A_272 : i32
          %add3A_274 = arith.addi %add3A_271, %mul3A_273 : i32
          %swap3A_275 = arith.index_cast %add3A_274 : i32 to index
          %swap3A_276 = tpu.vector_load %arg5[%swap3A_275] {strides = array<i32>} : memref<10240xf32, #tpu.memory_space<vmem>>, vector<16xf32>,
          tpu.vector_store %arg5[%swap3A_275], %get3A_267 {strides = array<i32>} : memref<10240xf32, #tpu.memory_space<vmem>>, vector<16xf32>,
          %scan3A_277 = arith.constant 0 : i32
          %scan3A_278 = arith.constant 2 : i32
          %scan3A_279 = arith.addi %scan3A_244, %scan3A_278 : i32
          %mul3A_280 = arith.constant 16 : i32
          %mul3A_281 = arith.muli %scan3A_279, %mul3A_280 : i32
          %get3A_282 = arith.index_cast %rem3A_198 : i32 to index
          %get3A_283 = arith.index_cast %select_n3A_236 : i32 to index
          %get3A_284 = arith.index_cast %mul3A_281 : i32 to index
          %get3A_285 = tpu.vector_load %arg4[%get3A_282, %get3A_283, %get3A_284] {strides = array<i32>} : memref<4x56x512xf32, #tpu.memory_space<vmem>>, vector<16xf32>,
          %mul3A_286 = arith.constant 2560 : i32
          %mul3A_287 = arith.muli %rem3A_198, %mul3A_286 : i32
          %add3A_288 = arith.constant 512 : i32
          %add3A_289 = arith.addi %mul3A_287, %add3A_288 : i32
          %mul3A_290 = arith.constant 16 : i32
          %mul3A_291 = arith.muli %scan3A_279, %mul3A_290 : i32
          %add3A_292 = arith.addi %add3A_289, %mul3A_291 : i32
          %swap3A_293 = arith.index_cast %add3A_292 : i32 to index
          %swap3A_294 = tpu.vector_load %arg5[%swap3A_293] {strides = array<i32>} : memref<10240xf32, #tpu.memory_space<vmem>>, vector<16xf32>,
          tpu.vector_store %arg5[%swap3A_293], %get3A_285 {strides = array<i32>} : memref<10240xf32, #tpu.memory_space<vmem>>, vector<16xf32>,
          %scan3A_295 = arith.constant 0 : i32
          %scan3A_296 = arith.constant 3 : i32
          %scan3A_297 = arith.addi %scan3A_244, %scan3A_296 : i32
          %mul3A_298 = arith.constant 16 : i32
          %mul3A_299 = arith.muli %scan3A_297, %mul3A_298 : i32
          %get3A_300 = arith.index_cast %rem3A_198 : i32 to index
          %get3A_301 = arith.index_cast %select_n3A_236 : i32 to index
          %get3A_302 = arith.index_cast %mul3A_299 : i32 to index
          %get3A_303 = tpu.vector_load %arg4[%get3A_300, %get3A_301, %get3A_302] {strides = array<i32>} : memref<4x56x512xf32, #tpu.memory_space<vmem>>, vector<16xf32>,
          %mul3A_304 = arith.constant 2560 : i32
          %mul3A_305 = arith.muli %rem3A_198, %mul3A_304 : i32
          %add3A_306 = arith.constant 512 : i32
          %add3A_307 = arith.addi %mul3A_305, %add3A_306 : i32
          %mul3A_308 = arith.constant 16 : i32
          %mul3A_309 = arith.muli %scan3A_297, %mul3A_308 : i32
          %add3A_310 = arith.addi %add3A_307, %mul3A_309 : i32
          %swap3A_311 = arith.index_cast %add3A_310 : i32 to index
          %swap3A_312 = tpu.vector_load %arg5[%swap3A_311] {strides = array<i32>} : memref<10240xf32, #tpu.memory_space<vmem>>, vector<16xf32>,
          tpu.vector_store %arg5[%swap3A_311], %get3A_303 {strides = array<i32>} : memref<10240xf32, #tpu.memory_space<vmem>>, vector<16xf32>,
          %scan3A_313 = arith.constant 0 : i32
          %scan3A_314 = arith.constant 4 : i32
          %scan3A_315 = arith.addi %scan3A_244, %scan3A_314 : i32
          %mul3A_316 = arith.constant 16 : i32
          %mul3A_317 = arith.muli %scan3A_315, %mul3A_316 : i32
          %get3A_318 = arith.index_cast %rem3A_198 : i32 to index
          %get3A_319 = arith.index_cast %select_n3A_236 : i32 to index
          %get3A_320 = arith.index_cast %mul3A_317 : i32 to index
          %get3A_321 = tpu.vector_load %arg4[%get3A_318, %get3A_319, %get3A_320] {strides = array<i32>} : memref<4x56x512xf32, #tpu.memory_space<vmem>>, vector<16xf32>,
          %mul3A_322 = arith.constant 2560 : i32
          %mul3A_323 = arith.muli %rem3A_198, %mul3A_322 : i32
          %add3A_324 = arith.constant 512 : i32
          %add3A_325 = arith.addi %mul3A_323, %add3A_324 : i32
          %mul3A_326 = arith.constant 16 : i32
          %mul3A_327 = arith.muli %scan3A_315, %mul3A_326 : i32
          %add3A_328 = arith.addi %add3A_325, %mul3A_327 : i32
          %swap3A_329 = arith.index_cast %add3A_328 : i32 to index
          %swap3A_330 = tpu.vector_load %arg5[%swap3A_329] {strides = array<i32>} : memref<10240xf32, #tpu.memory_space<vmem>>, vector<16xf32>,
          tpu.vector_store %arg5[%swap3A_329], %get3A_321 {strides = array<i32>} : memref<10240xf32, #tpu.memory_space<vmem>>, vector<16xf32>,
          %scan3A_331 = arith.constant 0 : i32
          %scan3A_332 = arith.constant 5 : i32
          %scan3A_333 = arith.addi %scan3A_244, %scan3A_332 : i32
          %mul3A_334 = arith.constant 16 : i32
          %mul3A_335 = arith.muli %scan3A_333, %mul3A_334 : i32
          %get3A_336 = arith.index_cast %rem3A_198 : i32 to index
          %get3A_337 = arith.index_cast %select_n3A_236 : i32 to index
          %get3A_338 = arith.index_cast %mul3A_335 : i32 to index
          %get3A_339 = tpu.vector_load %arg4[%get3A_336, %get3A_337, %get3A_338] {strides = array<i32>} : memref<4x56x512xf32, #tpu.memory_space<vmem>>, vector<16xf32>,
          %mul3A_340 = arith.constant 2560 : i32
          %mul3A_341 = arith.muli %rem3A_198, %mul3A_340 : i32
          %add3A_342 = arith.constant 512 : i32
          %add3A_343 = arith.addi %mul3A_341, %add3A_342 : i32
          %mul3A_344 = arith.constant 16 : i32
          %mul3A_345 = arith.muli %scan3A_333, %mul3A_344 : i32
          %add3A_346 = arith.addi %add3A_343, %mul3A_345 : i32
          %swap3A_347 = arith.index_cast %add3A_346 : i32 to index
          %swap3A_348 = tpu.vector_load %arg5[%swap3A_347] {strides = array<i32>} : memref<10240xf32, #tpu.memory_space<vmem>>, vector<16xf32>,
          tpu.vector_store %arg5[%swap3A_347], %get3A_339 {strides = array<i32>} : memref<10240xf32, #tpu.memory_space<vmem>>, vector<16xf32>,
          %scan3A_349 = arith.constant 0 : i32
          %scan3A_350 = arith.constant 6 : i32
          %scan3A_351 = arith.addi %scan3A_244, %scan3A_350 : i32
          %mul3A_352 = arith.constant 16 : i32
          %mul3A_353 = arith.muli %scan3A_351, %mul3A_352 : i32
          %get3A_354 = arith.index_cast %rem3A_198 : i32 to index
          %get3A_355 = arith.index_cast %select_n3A_236 : i32 to index
          %get3A_356 = arith.index_cast %mul3A_353 : i32 to index
          %get3A_357 = tpu.vector_load %arg4[%get3A_354, %get3A_355, %get3A_356] {strides = array<i32>} : memref<4x56x512xf32, #tpu.memory_space<vmem>>, vector<16xf32>,
          %mul3A_358 = arith.constant 2560 : i32
          %mul3A_359 = arith.muli %rem3A_198, %mul3A_358 : i32
          %add3A_360 = arith.constant 512 : i32
          %add3A_361 = arith.addi %mul3A_359, %add3A_360 : i32
          %mul3A_362 = arith.constant 16 : i32
          %mul3A_363 = arith.muli %scan3A_351, %mul3A_362 : i32
          %add3A_364 = arith.addi %add3A_361, %mul3A_363 : i32
          %swap3A_365 = arith.index_cast %add3A_364 : i32 to index
          %swap3A_366 = tpu.vector_load %arg5[%swap3A_365] {strides = array<i32>} : memref<10240xf32, #tpu.memory_space<vmem>>, vector<16xf32>,
          tpu.vector_store %arg5[%swap3A_365], %get3A_357 {strides = array<i32>} : memref<10240xf32, #tpu.memory_space<vmem>>, vector<16xf32>,
          %scan3A_367 = arith.constant 0 : i32
          %scan3A_368 = arith.constant 7 : i32
          %scan3A_369 = arith.addi %scan3A_244, %scan3A_368 : i32
          %mul3A_370 = arith.constant 16 : i32
          %mul3A_371 = arith.muli %scan3A_369, %mul3A_370 : i32
          %get3A_372 = arith.index_cast %rem3A_198 : i32 to index
          %get3A_373 = arith.index_cast %select_n3A_236 : i32 to index
          %get3A_374 = arith.index_cast %mul3A_371 : i32 to index
          %get3A_375 = tpu.vector_load %arg4[%get3A_372, %get3A_373, %get3A_374] {strides = array<i32>} : memref<4x56x512xf32, #tpu.memory_space<vmem>>, vector<16xf32>,
          %mul3A_376 = arith.constant 2560 : i32
          %mul3A_377 = arith.muli %rem3A_198, %mul3A_376 : i32
          %add3A_378 = arith.constant 512 : i32
          %add3A_379 = arith.addi %mul3A_377, %add3A_378 : i32
          %mul3A_380 = arith.constant 16 : i32
          %mul3A_381 = arith.muli %scan3A_369, %mul3A_380 : i32
          %add3A_382 = arith.addi %add3A_379, %mul3A_381 : i32
          %swap3A_383 = arith.index_cast %add3A_382 : i32 to index
          %swap3A_384 = tpu.vector_load %arg5[%swap3A_383] {strides = array<i32>} : memref<10240xf32, #tpu.memory_space<vmem>>, vector<16xf32>,
          tpu.vector_store %arg5[%swap3A_383], %get3A_375 {strides = array<i32>} : memref<10240xf32, #tpu.memory_space<vmem>>, vector<16xf32>,
          %scan3A_385 = arith.constant 0 : i32
          scf.yield %scan3A_385 : i32
        }
        %scan3A_243 = arith.constant 32 : i32
      } else {
      }
      %gt3A_209 = arith.constant 2 : i32
      %gt3A_210 = arith.cmpi sgt, %select_n3A_60, %gt3A_209 : i32
      %convert_element_type3A_211 = arith.extui %gt3A_210 : i1 to i32
      %cond3A_212 = arith.constant 0 : i32
      %cond3A_213 = arith.cmpi ne, %convert_element_type3A_211, %cond3A_212 : i32
      scf.if %cond3A_213 {
        %eq3A_224 = arith.constant 2 : i32
        %eq3A_225 = arith.cmpi eq, %select_n3A_30, %eq3A_224 : i32
        %jit3A_226 = arith.constant 0 : i32
        %jit3A_227 = arith.constant 0 : i32
        %select_n3A_228 = arith.select %eq3A_225, %jit3A_226, %jit3A_227 : i32
        %eq3A_229 = arith.constant 1 : i32
        %eq3A_230 = arith.cmpi eq, %select_n3A_30, %eq3A_229 : i32
        %jit3A_231 = arith.constant 54 : i32
        %select_n3A_232 = arith.select %eq3A_230, %jit3A_231, %select_n3A_228 : i32
        %eq3A_233 = arith.constant 0 : i32
        %eq3A_234 = arith.cmpi eq, %select_n3A_30, %eq3A_233 : i32
        %jit3A_235 = arith.constant 0 : i32
        %select_n3A_236 = arith.select %eq3A_234, %jit3A_235, %select_n3A_232 : i32
        %scan3A_237 = arith.constant 0 : i32
        %scan3A_238 = arith.constant 0 : i32
        %scan3A_239 = arith.constant 32 : i32
        %scan3A_240 = arith.addi %scan3A_238, %scan3A_239 : i32
        %scan3A_241 = arith.constant 8 : i32
        %scan3A_242 = scf.for %scan3A_244 = %scan3A_238 to %scan3A_240 step %scan3A_241 iter_args(%scan3A_245 = %scan3A_237) -> (i32)  : i32 {
          %mul3A_246 = arith.constant 16 : i32
          %mul3A_247 = arith.muli %scan3A_244, %mul3A_246 : i32
          %get3A = arith.index_cast %rem3A_198 : i32 to index
          %get3A_248 = arith.index_cast %select_n3A_236 : i32 to index
          %get3A_249 = arith.index_cast %mul3A_247 : i32 to index
          %get3A_250 = tpu.vector_load %arg4[%get3A, %get3A_248, %get3A_249] {strides = array<i32>} : memref<4x56x512xf32, #tpu.memory_space<vmem>>, vector<16xf32>,
          %mul3A_251 = arith.constant 2560 : i32
          %mul3A_252 = arith.muli %rem3A_198, %mul3A_251 : i32
          %add3A_253 = arith.constant 1024 : i32
          %add3A_254 = arith.addi %mul3A_252, %add3A_253 : i32
          %mul3A_255 = arith.constant 16 : i32
          %mul3A_256 = arith.muli %scan3A_244, %mul3A_255 : i32
          %add3A_257 = arith.addi %add3A_254, %mul3A_256 : i32
          %swap3A = arith.index_cast %add3A_257 : i32 to index
          %swap3A_258 = tpu.vector_load %arg5[%swap3A] {strides = array<i32>} : memref<10240xf32, #tpu.memory_space<vmem>>, vector<16xf32>,
          tpu.vector_store %arg5[%swap3A], %get3A_250 {strides = array<i32>} : memref<10240xf32, #tpu.memory_space<vmem>>, vector<16xf32>,
          %scan3A_259 = arith.constant 0 : i32
          %scan3A_260 = arith.constant 1 : i32
          %scan3A_261 = arith.addi %scan3A_244, %scan3A_260 : i32
          %mul3A_262 = arith.constant 16 : i32
          %mul3A_263 = arith.muli %scan3A_261, %mul3A_262 : i32
          %get3A_264 = arith.index_cast %rem3A_198 : i32 to index
          %get3A_265 = arith.index_cast %select_n3A_236 : i32 to index
          %get3A_266 = arith.index_cast %mul3A_263 : i32 to index
          %get3A_267 = tpu.vector_load %arg4[%get3A_264, %get3A_265, %get3A_266] {strides = array<i32>} : memref<4x56x512xf32, #tpu.memory_space<vmem>>, vector<16xf32>,
          %mul3A_268 = arith.constant 2560 : i32
          %mul3A_269 = arith.muli %rem3A_198, %mul3A_268 : i32
          %add3A_270 = arith.constant 1024 : i32
          %add3A_271 = arith.addi %mul3A_269, %add3A_270 : i32
          %mul3A_272 = arith.constant 16 : i32
          %mul3A_273 = arith.muli %scan3A_261, %mul3A_272 : i32
          %add3A_274 = arith.addi %add3A_271, %mul3A_273 : i32
          %swap3A_275 = arith.index_cast %add3A_274 : i32 to index
          %swap3A_276 = tpu.vector_load %arg5[%swap3A_275] {strides = array<i32>} : memref<10240xf32, #tpu.memory_space<vmem>>, vector<16xf32>,
          tpu.vector_store %arg5[%swap3A_275], %get3A_267 {strides = array<i32>} : memref<10240xf32, #tpu.memory_space<vmem>>, vector<16xf32>,
          %scan3A_277 = arith.constant 0 : i32
          %scan3A_278 = arith.constant 2 : i32
          %scan3A_279 = arith.addi %scan3A_244, %scan3A_278 : i32
          %mul3A_280 = arith.constant 16 : i32
          %mul3A_281 = arith.muli %scan3A_279, %mul3A_280 : i32
          %get3A_282 = arith.index_cast %rem3A_198 : i32 to index
          %get3A_283 = arith.index_cast %select_n3A_236 : i32 to index
          %get3A_284 = arith.index_cast %mul3A_281 : i32 to index
          %get3A_285 = tpu.vector_load %arg4[%get3A_282, %get3A_283, %get3A_284] {strides = array<i32>} : memref<4x56x512xf32, #tpu.memory_space<vmem>>, vector<16xf32>,
          %mul3A_286 = arith.constant 2560 : i32
          %mul3A_287 = arith.muli %rem3A_198, %mul3A_286 : i32
          %add3A_288 = arith.constant 1024 : i32
          %add3A_289 = arith.addi %mul3A_287, %add3A_288 : i32
          %mul3A_290 = arith.constant 16 : i32
          %mul3A_291 = arith.muli %scan3A_279, %mul3A_290 : i32
          %add3A_292 = arith.addi %add3A_289, %mul3A_291 : i32
          %swap3A_293 = arith.index_cast %add3A_292 : i32 to index
          %swap3A_294 = tpu.vector_load %arg5[%swap3A_293] {strides = array<i32>} : memref<10240xf32, #tpu.memory_space<vmem>>, vector<16xf32>,
          tpu.vector_store %arg5[%swap3A_293], %get3A_285 {strides = array<i32>} : memref<10240xf32, #tpu.memory_space<vmem>>, vector<16xf32>,
          %scan3A_295 = arith.constant 0 : i32
          %scan3A_296 = arith.constant 3 : i32
          %scan3A_297 = arith.addi %scan3A_244, %scan3A_296 : i32
          %mul3A_298 = arith.constant 16 : i32
          %mul3A_299 = arith.muli %scan3A_297, %mul3A_298 : i32
          %get3A_300 = arith.index_cast %rem3A_198 : i32 to index
          %get3A_301 = arith.index_cast %select_n3A_236 : i32 to index
          %get3A_302 = arith.index_cast %mul3A_299 : i32 to index
          %get3A_303 = tpu.vector_load %arg4[%get3A_300, %get3A_301, %get3A_302] {strides = array<i32>} : memref<4x56x512xf32, #tpu.memory_space<vmem>>, vector<16xf32>,
          %mul3A_304 = arith.constant 2560 : i32
          %mul3A_305 = arith.muli %rem3A_198, %mul3A_304 : i32
          %add3A_306 = arith.constant 1024 : i32
          %add3A_307 = arith.addi %mul3A_305, %add3A_306 : i32
          %mul3A_308 = arith.constant 16 : i32
          %mul3A_309 = arith.muli %scan3A_297, %mul3A_308 : i32
          %add3A_310 = arith.addi %add3A_307, %mul3A_309 : i32
          %swap3A_311 = arith.index_cast %add3A_310 : i32 to index
          %swap3A_312 = tpu.vector_load %arg5[%swap3A_311] {strides = array<i32>} : memref<10240xf32, #tpu.memory_space<vmem>>, vector<16xf32>,
          tpu.vector_store %arg5[%swap3A_311], %get3A_303 {strides = array<i32>} : memref<10240xf32, #tpu.memory_space<vmem>>, vector<16xf32>,
          %scan3A_313 = arith.constant 0 : i32
          %scan3A_314 = arith.constant 4 : i32
          %scan3A_315 = arith.addi %scan3A_244, %scan3A_314 : i32
          %mul3A_316 = arith.constant 16 : i32
          %mul3A_317 = arith.muli %scan3A_315, %mul3A_316 : i32
          %get3A_318 = arith.index_cast %rem3A_198 : i32 to index
          %get3A_319 = arith.index_cast %select_n3A_236 : i32 to index
          %get3A_320 = arith.index_cast %mul3A_317 : i32 to index
          %get3A_321 = tpu.vector_load %arg4[%get3A_318, %get3A_319, %get3A_320] {strides = array<i32>} : memref<4x56x512xf32, #tpu.memory_space<vmem>>, vector<16xf32>,
          %mul3A_322 = arith.constant 2560 : i32
          %mul3A_323 = arith.muli %rem3A_198, %mul3A_322 : i32
          %add3A_324 = arith.constant 1024 : i32
          %add3A_325 = arith.addi %mul3A_323, %add3A_324 : i32
          %mul3A_326 = arith.constant 16 : i32
          %mul3A_327 = arith.muli %scan3A_315, %mul3A_326 : i32
          %add3A_328 = arith.addi %add3A_325, %mul3A_327 : i32
          %swap3A_329 = arith.index_cast %add3A_328 : i32 to index
          %swap3A_330 = tpu.vector_load %arg5[%swap3A_329] {strides = array<i32>} : memref<10240xf32, #tpu.memory_space<vmem>>, vector<16xf32>,
          tpu.vector_store %arg5[%swap3A_329], %get3A_321 {strides = array<i32>} : memref<10240xf32, #tpu.memory_space<vmem>>, vector<16xf32>,
          %scan3A_331 = arith.constant 0 : i32
          %scan3A_332 = arith.constant 5 : i32
          %scan3A_333 = arith.addi %scan3A_244, %scan3A_332 : i32
          %mul3A_334 = arith.constant 16 : i32
          %mul3A_335 = arith.muli %scan3A_333, %mul3A_334 : i32
          %get3A_336 = arith.index_cast %rem3A_198 : i32 to index
          %get3A_337 = arith.index_cast %select_n3A_236 : i32 to index
          %get3A_338 = arith.index_cast %mul3A_335 : i32 to index
          %get3A_339 = tpu.vector_load %arg4[%get3A_336, %get3A_337, %get3A_338] {strides = array<i32>} : memref<4x56x512xf32, #tpu.memory_space<vmem>>, vector<16xf32>,
          %mul3A_340 = arith.constant 2560 : i32
          %mul3A_341 = arith.muli %rem3A_198, %mul3A_340 : i32
          %add3A_342 = arith.constant 1024 : i32
          %add3A_343 = arith.addi %mul3A_341, %add3A_342 : i32
          %mul3A_344 = arith.constant 16 : i32
          %mul3A_345 = arith.muli %scan3A_333, %mul3A_344 : i32
          %add3A_346 = arith.addi %add3A_343, %mul3A_345 : i32
          %swap3A_347 = arith.index_cast %add3A_346 : i32 to index
          %swap3A_348 = tpu.vector_load %arg5[%swap3A_347] {strides = array<i32>} : memref<10240xf32, #tpu.memory_space<vmem>>, vector<16xf32>,
          tpu.vector_store %arg5[%swap3A_347], %get3A_339 {strides = array<i32>} : memref<10240xf32, #tpu.memory_space<vmem>>, vector<16xf32>,
          %scan3A_349 = arith.constant 0 : i32
          %scan3A_350 = arith.constant 6 : i32
          %scan3A_351 = arith.addi %scan3A_244, %scan3A_350 : i32
          %mul3A_352 = arith.constant 16 : i32
          %mul3A_353 = arith.muli %scan3A_351, %mul3A_352 : i32
          %get3A_354 = arith.index_cast %rem3A_198 : i32 to index
          %get3A_355 = arith.index_cast %select_n3A_236 : i32 to index
          %get3A_356 = arith.index_cast %mul3A_353 : i32 to index
          %get3A_357 = tpu.vector_load %arg4[%get3A_354, %get3A_355, %get3A_356] {strides = array<i32>} : memref<4x56x512xf32, #tpu.memory_space<vmem>>, vector<16xf32>,
          %mul3A_358 = arith.constant 2560 : i32
          %mul3A_359 = arith.muli %rem3A_198, %mul3A_358 : i32
          %add3A_360 = arith.constant 1024 : i32
          %add3A_361 = arith.addi %mul3A_359, %add3A_360 : i32
          %mul3A_362 = arith.constant 16 : i32
          %mul3A_363 = arith.muli %scan3A_351, %mul3A_362 : i32
          %add3A_364 = arith.addi %add3A_361, %mul3A_363 : i32
          %swap3A_365 = arith.index_cast %add3A_364 : i32 to index
          %swap3A_366 = tpu.vector_load %arg5[%swap3A_365] {strides = array<i32>} : memref<10240xf32, #tpu.memory_space<vmem>>, vector<16xf32>,
          tpu.vector_store %arg5[%swap3A_365], %get3A_357 {strides = array<i32>} : memref<10240xf32, #tpu.memory_space<vmem>>, vector<16xf32>,
          %scan3A_367 = arith.constant 0 : i32
          %scan3A_368 = arith.constant 7 : i32
          %scan3A_369 = arith.addi %scan3A_244, %scan3A_368 : i32
          %mul3A_370 = arith.constant 16 : i32
          %mul3A_371 = arith.muli %scan3A_369, %mul3A_370 : i32
          %get3A_372 = arith.index_cast %rem3A_198 : i32 to index
          %get3A_373 = arith.index_cast %select_n3A_236 : i32 to index
          %get3A_374 = arith.index_cast %mul3A_371 : i32 to index
          %get3A_375 = tpu.vector_load %arg4[%get3A_372, %get3A_373, %get3A_374] {strides = array<i32>} : memref<4x56x512xf32, #tpu.memory_space<vmem>>, vector<16xf32>,
          %mul3A_376 = arith.constant 2560 : i32
          %mul3A_377 = arith.muli %rem3A_198, %mul3A_376 : i32
          %add3A_378 = arith.constant 1024 : i32
          %add3A_379 = arith.addi %mul3A_377, %add3A_378 : i32
          %mul3A_380 = arith.constant 16 : i32
          %mul3A_381 = arith.muli %scan3A_369, %mul3A_380 : i32
          %add3A_382 = arith.addi %add3A_379, %mul3A_381 : i32
          %swap3A_383 = arith.index_cast %add3A_382 : i32 to index
          %swap3A_384 = tpu.vector_load %arg5[%swap3A_383] {strides = array<i32>} : memref<10240xf32, #tpu.memory_space<vmem>>, vector<16xf32>,
          tpu.vector_store %arg5[%swap3A_383], %get3A_375 {strides = array<i32>} : memref<10240xf32, #tpu.memory_space<vmem>>, vector<16xf32>,
          %scan3A_385 = arith.constant 0 : i32
          scf.yield %scan3A_385 : i32
        }
        %scan3A_243 = arith.constant 32 : i32
      } else {
      }
      %gt3A_214 = arith.constant 3 : i32
      %gt3A_215 = arith.cmpi sgt, %select_n3A_60, %gt3A_214 : i32
      %convert_element_type3A_216 = arith.extui %gt3A_215 : i1 to i32
      %cond3A_217 = arith.constant 0 : i32
      %cond3A_218 = arith.cmpi ne, %convert_element_type3A_216, %cond3A_217 : i32
      scf.if %cond3A_218 {
        %eq3A_224 = arith.constant 2 : i32
        %eq3A_225 = arith.cmpi eq, %select_n3A_30, %eq3A_224 : i32
        %jit3A_226 = arith.constant 0 : i32
        %jit3A_227 = arith.constant 0 : i32
        %select_n3A_228 = arith.select %eq3A_225, %jit3A_226, %jit3A_227 : i32
        %eq3A_229 = arith.constant 1 : i32
        %eq3A_230 = arith.cmpi eq, %select_n3A_30, %eq3A_229 : i32
        %jit3A_231 = arith.constant 41 : i32
        %select_n3A_232 = arith.select %eq3A_230, %jit3A_231, %select_n3A_228 : i32
        %eq3A_233 = arith.constant 0 : i32
        %eq3A_234 = arith.cmpi eq, %select_n3A_30, %eq3A_233 : i32
        %jit3A_235 = arith.constant 0 : i32
        %select_n3A_236 = arith.select %eq3A_234, %jit3A_235, %select_n3A_232 : i32
        %scan3A_237 = arith.constant 0 : i32
        %scan3A_238 = arith.constant 0 : i32
        %scan3A_239 = arith.constant 32 : i32
        %scan3A_240 = arith.addi %scan3A_238, %scan3A_239 : i32
        %scan3A_241 = arith.constant 8 : i32
        %scan3A_242 = scf.for %scan3A_244 = %scan3A_238 to %scan3A_240 step %scan3A_241 iter_args(%scan3A_245 = %scan3A_237) -> (i32)  : i32 {
          %mul3A_246 = arith.constant 16 : i32
          %mul3A_247 = arith.muli %scan3A_244, %mul3A_246 : i32
          %get3A = arith.index_cast %rem3A_198 : i32 to index
          %get3A_248 = arith.index_cast %select_n3A_236 : i32 to index
          %get3A_249 = arith.index_cast %mul3A_247 : i32 to index
          %get3A_250 = tpu.vector_load %arg4[%get3A, %get3A_248, %get3A_249] {strides = array<i32>} : memref<4x56x512xf32, #tpu.memory_space<vmem>>, vector<16xf32>,
          %mul3A_251 = arith.constant 2560 : i32
          %mul3A_252 = arith.muli %rem3A_198, %mul3A_251 : i32
          %add3A_253 = arith.constant 1536 : i32
          %add3A_254 = arith.addi %mul3A_252, %add3A_253 : i32
          %mul3A_255 = arith.constant 16 : i32
          %mul3A_256 = arith.muli %scan3A_244, %mul3A_255 : i32
          %add3A_257 = arith.addi %add3A_254, %mul3A_256 : i32
          %swap3A = arith.index_cast %add3A_257 : i32 to index
          %swap3A_258 = tpu.vector_load %arg5[%swap3A] {strides = array<i32>} : memref<10240xf32, #tpu.memory_space<vmem>>, vector<16xf32>,
          tpu.vector_store %arg5[%swap3A], %get3A_250 {strides = array<i32>} : memref<10240xf32, #tpu.memory_space<vmem>>, vector<16xf32>,
          %scan3A_259 = arith.constant 0 : i32
          %scan3A_260 = arith.constant 1 : i32
          %scan3A_261 = arith.addi %scan3A_244, %scan3A_260 : i32
          %mul3A_262 = arith.constant 16 : i32
          %mul3A_263 = arith.muli %scan3A_261, %mul3A_262 : i32
          %get3A_264 = arith.index_cast %rem3A_198 : i32 to index
          %get3A_265 = arith.index_cast %select_n3A_236 : i32 to index
          %get3A_266 = arith.index_cast %mul3A_263 : i32 to index
          %get3A_267 = tpu.vector_load %arg4[%get3A_264, %get3A_265, %get3A_266] {strides = array<i32>} : memref<4x56x512xf32, #tpu.memory_space<vmem>>, vector<16xf32>,
          %mul3A_268 = arith.constant 2560 : i32
          %mul3A_269 = arith.muli %rem3A_198, %mul3A_268 : i32
          %add3A_270 = arith.constant 1536 : i32
          %add3A_271 = arith.addi %mul3A_269, %add3A_270 : i32
          %mul3A_272 = arith.constant 16 : i32
          %mul3A_273 = arith.muli %scan3A_261, %mul3A_272 : i32
          %add3A_274 = arith.addi %add3A_271, %mul3A_273 : i32
          %swap3A_275 = arith.index_cast %add3A_274 : i32 to index
          %swap3A_276 = tpu.vector_load %arg5[%swap3A_275] {strides = array<i32>} : memref<10240xf32, #tpu.memory_space<vmem>>, vector<16xf32>,
          tpu.vector_store %arg5[%swap3A_275], %get3A_267 {strides = array<i32>} : memref<10240xf32, #tpu.memory_space<vmem>>, vector<16xf32>,
          %scan3A_277 = arith.constant 0 : i32
          %scan3A_278 = arith.constant 2 : i32
          %scan3A_279 = arith.addi %scan3A_244, %scan3A_278 : i32
          %mul3A_280 = arith.constant 16 : i32
          %mul3A_281 = arith.muli %scan3A_279, %mul3A_280 : i32
          %get3A_282 = arith.index_cast %rem3A_198 : i32 to index
          %get3A_283 = arith.index_cast %select_n3A_236 : i32 to index
          %get3A_284 = arith.index_cast %mul3A_281 : i32 to index
          %get3A_285 = tpu.vector_load %arg4[%get3A_282, %get3A_283, %get3A_284] {strides = array<i32>} : memref<4x56x512xf32, #tpu.memory_space<vmem>>, vector<16xf32>,
          %mul3A_286 = arith.constant 2560 : i32
          %mul3A_287 = arith.muli %rem3A_198, %mul3A_286 : i32
          %add3A_288 = arith.constant 1536 : i32
          %add3A_289 = arith.addi %mul3A_287, %add3A_288 : i32
          %mul3A_290 = arith.constant 16 : i32
          %mul3A_291 = arith.muli %scan3A_279, %mul3A_290 : i32
          %add3A_292 = arith.addi %add3A_289, %mul3A_291 : i32
          %swap3A_293 = arith.index_cast %add3A_292 : i32 to index
          %swap3A_294 = tpu.vector_load %arg5[%swap3A_293] {strides = array<i32>} : memref<10240xf32, #tpu.memory_space<vmem>>, vector<16xf32>,
          tpu.vector_store %arg5[%swap3A_293], %get3A_285 {strides = array<i32>} : memref<10240xf32, #tpu.memory_space<vmem>>, vector<16xf32>,
          %scan3A_295 = arith.constant 0 : i32
          %scan3A_296 = arith.constant 3 : i32
          %scan3A_297 = arith.addi %scan3A_244, %scan3A_296 : i32
          %mul3A_298 = arith.constant 16 : i32
          %mul3A_299 = arith.muli %scan3A_297, %mul3A_298 : i32
          %get3A_300 = arith.index_cast %rem3A_198 : i32 to index
          %get3A_301 = arith.index_cast %select_n3A_236 : i32 to index
          %get3A_302 = arith.index_cast %mul3A_299 : i32 to index
          %get3A_303 = tpu.vector_load %arg4[%get3A_300, %get3A_301, %get3A_302] {strides = array<i32>} : memref<4x56x512xf32, #tpu.memory_space<vmem>>, vector<16xf32>,
          %mul3A_304 = arith.constant 2560 : i32
          %mul3A_305 = arith.muli %rem3A_198, %mul3A_304 : i32
          %add3A_306 = arith.constant 1536 : i32
          %add3A_307 = arith.addi %mul3A_305, %add3A_306 : i32
          %mul3A_308 = arith.constant 16 : i32
          %mul3A_309 = arith.muli %scan3A_297, %mul3A_308 : i32
          %add3A_310 = arith.addi %add3A_307, %mul3A_309 : i32
          %swap3A_311 = arith.index_cast %add3A_310 : i32 to index
          %swap3A_312 = tpu.vector_load %arg5[%swap3A_311] {strides = array<i32>} : memref<10240xf32, #tpu.memory_space<vmem>>, vector<16xf32>,
          tpu.vector_store %arg5[%swap3A_311], %get3A_303 {strides = array<i32>} : memref<10240xf32, #tpu.memory_space<vmem>>, vector<16xf32>,
          %scan3A_313 = arith.constant 0 : i32
          %scan3A_314 = arith.constant 4 : i32
          %scan3A_315 = arith.addi %scan3A_244, %scan3A_314 : i32
          %mul3A_316 = arith.constant 16 : i32
          %mul3A_317 = arith.muli %scan3A_315, %mul3A_316 : i32
          %get3A_318 = arith.index_cast %rem3A_198 : i32 to index
          %get3A_319 = arith.index_cast %select_n3A_236 : i32 to index
          %get3A_320 = arith.index_cast %mul3A_317 : i32 to index
          %get3A_321 = tpu.vector_load %arg4[%get3A_318, %get3A_319, %get3A_320] {strides = array<i32>} : memref<4x56x512xf32, #tpu.memory_space<vmem>>, vector<16xf32>,
          %mul3A_322 = arith.constant 2560 : i32
          %mul3A_323 = arith.muli %rem3A_198, %mul3A_322 : i32
          %add3A_324 = arith.constant 1536 : i32
          %add3A_325 = arith.addi %mul3A_323, %add3A_324 : i32
          %mul3A_326 = arith.constant 16 : i32
          %mul3A_327 = arith.muli %scan3A_315, %mul3A_326 : i32
          %add3A_328 = arith.addi %add3A_325, %mul3A_327 : i32
          %swap3A_329 = arith.index_cast %add3A_328 : i32 to index
          %swap3A_330 = tpu.vector_load %arg5[%swap3A_329] {strides = array<i32>} : memref<10240xf32, #tpu.memory_space<vmem>>, vector<16xf32>,
          tpu.vector_store %arg5[%swap3A_329], %get3A_321 {strides = array<i32>} : memref<10240xf32, #tpu.memory_space<vmem>>, vector<16xf32>,
          %scan3A_331 = arith.constant 0 : i32
          %scan3A_332 = arith.constant 5 : i32
          %scan3A_333 = arith.addi %scan3A_244, %scan3A_332 : i32
          %mul3A_334 = arith.constant 16 : i32
          %mul3A_335 = arith.muli %scan3A_333, %mul3A_334 : i32
          %get3A_336 = arith.index_cast %rem3A_198 : i32 to index
          %get3A_337 = arith.index_cast %select_n3A_236 : i32 to index
          %get3A_338 = arith.index_cast %mul3A_335 : i32 to index
          %get3A_339 = tpu.vector_load %arg4[%get3A_336, %get3A_337, %get3A_338] {strides = array<i32>} : memref<4x56x512xf32, #tpu.memory_space<vmem>>, vector<16xf32>,
          %mul3A_340 = arith.constant 2560 : i32
          %mul3A_341 = arith.muli %rem3A_198, %mul3A_340 : i32
          %add3A_342 = arith.constant 1536 : i32
          %add3A_343 = arith.addi %mul3A_341, %add3A_342 : i32
          %mul3A_344 = arith.constant 16 : i32
          %mul3A_345 = arith.muli %scan3A_333, %mul3A_344 : i32
          %add3A_346 = arith.addi %add3A_343, %mul3A_345 : i32
          %swap3A_347 = arith.index_cast %add3A_346 : i32 to index
          %swap3A_348 = tpu.vector_load %arg5[%swap3A_347] {strides = array<i32>} : memref<10240xf32, #tpu.memory_space<vmem>>, vector<16xf32>,
          tpu.vector_store %arg5[%swap3A_347], %get3A_339 {strides = array<i32>} : memref<10240xf32, #tpu.memory_space<vmem>>, vector<16xf32>,
          %scan3A_349 = arith.constant 0 : i32
          %scan3A_350 = arith.constant 6 : i32
          %scan3A_351 = arith.addi %scan3A_244, %scan3A_350 : i32
          %mul3A_352 = arith.constant 16 : i32
          %mul3A_353 = arith.muli %scan3A_351, %mul3A_352 : i32
          %get3A_354 = arith.index_cast %rem3A_198 : i32 to index
          %get3A_355 = arith.index_cast %select_n3A_236 : i32 to index
          %get3A_356 = arith.index_cast %mul3A_353 : i32 to index
          %get3A_357 = tpu.vector_load %arg4[%get3A_354, %get3A_355, %get3A_356] {strides = array<i32>} : memref<4x56x512xf32, #tpu.memory_space<vmem>>, vector<16xf32>,
          %mul3A_358 = arith.constant 2560 : i32
          %mul3A_359 = arith.muli %rem3A_198, %mul3A_358 : i32
          %add3A_360 = arith.constant 1536 : i32
          %add3A_361 = arith.addi %mul3A_359, %add3A_360 : i32
          %mul3A_362 = arith.constant 16 : i32
          %mul3A_363 = arith.muli %scan3A_351, %mul3A_362 : i32
          %add3A_364 = arith.addi %add3A_361, %mul3A_363 : i32
          %swap3A_365 = arith.index_cast %add3A_364 : i32 to index
          %swap3A_366 = tpu.vector_load %arg5[%swap3A_365] {strides = array<i32>} : memref<10240xf32, #tpu.memory_space<vmem>>, vector<16xf32>,
          tpu.vector_store %arg5[%swap3A_365], %get3A_357 {strides = array<i32>} : memref<10240xf32, #tpu.memory_space<vmem>>, vector<16xf32>,
          %scan3A_367 = arith.constant 0 : i32
          %scan3A_368 = arith.constant 7 : i32
          %scan3A_369 = arith.addi %scan3A_244, %scan3A_368 : i32
          %mul3A_370 = arith.constant 16 : i32
          %mul3A_371 = arith.muli %scan3A_369, %mul3A_370 : i32
          %get3A_372 = arith.index_cast %rem3A_198 : i32 to index
          %get3A_373 = arith.index_cast %select_n3A_236 : i32 to index
          %get3A_374 = arith.index_cast %mul3A_371 : i32 to index
          %get3A_375 = tpu.vector_load %arg4[%get3A_372, %get3A_373, %get3A_374] {strides = array<i32>} : memref<4x56x512xf32, #tpu.memory_space<vmem>>, vector<16xf32>,
          %mul3A_376 = arith.constant 2560 : i32
          %mul3A_377 = arith.muli %rem3A_198, %mul3A_376 : i32
          %add3A_378 = arith.constant 1536 : i32
          %add3A_379 = arith.addi %mul3A_377, %add3A_378 : i32
          %mul3A_380 = arith.constant 16 : i32
          %mul3A_381 = arith.muli %scan3A_369, %mul3A_380 : i32
          %add3A_382 = arith.addi %add3A_379, %mul3A_381 : i32
          %swap3A_383 = arith.index_cast %add3A_382 : i32 to index
          %swap3A_384 = tpu.vector_load %arg5[%swap3A_383] {strides = array<i32>} : memref<10240xf32, #tpu.memory_space<vmem>>, vector<16xf32>,
          tpu.vector_store %arg5[%swap3A_383], %get3A_375 {strides = array<i32>} : memref<10240xf32, #tpu.memory_space<vmem>>, vector<16xf32>,
          %scan3A_385 = arith.constant 0 : i32
          scf.yield %scan3A_385 : i32
        }
        %scan3A_243 = arith.constant 32 : i32
      } else {
      }
      %gt3A_219 = arith.constant 4 : i32
      %gt3A_220 = arith.cmpi sgt, %select_n3A_60, %gt3A_219 : i32
      %convert_element_type3A_221 = arith.extui %gt3A_220 : i1 to i32
      %cond3A_222 = arith.constant 0 : i32
      %cond3A_223 = arith.cmpi ne, %convert_element_type3A_221, %cond3A_222 : i32
      scf.if %cond3A_223 {
        %eq3A_224 = arith.constant 2 : i32
        %eq3A_225 = arith.cmpi eq, %select_n3A_30, %eq3A_224 : i32
        %jit3A_226 = arith.constant 0 : i32
        %jit3A_227 = arith.constant 0 : i32
        %select_n3A_228 = arith.select %eq3A_225, %jit3A_226, %jit3A_227 : i32
        %eq3A_229 = arith.constant 1 : i32
        %eq3A_230 = arith.cmpi eq, %select_n3A_30, %eq3A_229 : i32
        %jit3A_231 = arith.constant 55 : i32
        %select_n3A_232 = arith.select %eq3A_230, %jit3A_231, %select_n3A_228 : i32
        %eq3A_233 = arith.constant 0 : i32
        %eq3A_234 = arith.cmpi eq, %select_n3A_30, %eq3A_233 : i32
        %jit3A_235 = arith.constant 0 : i32
        %select_n3A_236 = arith.select %eq3A_234, %jit3A_235, %select_n3A_232 : i32
        %scan3A_237 = arith.constant 0 : i32
        %scan3A_238 = arith.constant 0 : i32
        %scan3A_239 = arith.constant 32 : i32
        %scan3A_240 = arith.addi %scan3A_238, %scan3A_239 : i32
        %scan3A_241 = arith.constant 8 : i32
        %scan3A_242 = scf.for %scan3A_244 = %scan3A_238 to %scan3A_240 step %scan3A_241 iter_args(%scan3A_245 = %scan3A_237) -> (i32)  : i32 {
          %mul3A_246 = arith.constant 16 : i32
          %mul3A_247 = arith.muli %scan3A_244, %mul3A_246 : i32
          %get3A = arith.index_cast %rem3A_198 : i32 to index
          %get3A_248 = arith.index_cast %select_n3A_236 : i32 to index
          %get3A_249 = arith.index_cast %mul3A_247 : i32 to index
          %get3A_250 = tpu.vector_load %arg4[%get3A, %get3A_248, %get3A_249] {strides = array<i32>} : memref<4x56x512xf32, #tpu.memory_space<vmem>>, vector<16xf32>,
          %mul3A_251 = arith.constant 2560 : i32
          %mul3A_252 = arith.muli %rem3A_198, %mul3A_251 : i32
          %add3A_253 = arith.constant 2048 : i32
          %add3A_254 = arith.addi %mul3A_252, %add3A_253 : i32
          %mul3A_255 = arith.constant 16 : i32
          %mul3A_256 = arith.muli %scan3A_244, %mul3A_255 : i32
          %add3A_257 = arith.addi %add3A_254, %mul3A_256 : i32
          %swap3A = arith.index_cast %add3A_257 : i32 to index
          %swap3A_258 = tpu.vector_load %arg5[%swap3A] {strides = array<i32>} : memref<10240xf32, #tpu.memory_space<vmem>>, vector<16xf32>,
          tpu.vector_store %arg5[%swap3A], %get3A_250 {strides = array<i32>} : memref<10240xf32, #tpu.memory_space<vmem>>, vector<16xf32>,
          %scan3A_259 = arith.constant 0 : i32
          %scan3A_260 = arith.constant 1 : i32
          %scan3A_261 = arith.addi %scan3A_244, %scan3A_260 : i32
          %mul3A_262 = arith.constant 16 : i32
          %mul3A_263 = arith.muli %scan3A_261, %mul3A_262 : i32
          %get3A_264 = arith.index_cast %rem3A_198 : i32 to index
          %get3A_265 = arith.index_cast %select_n3A_236 : i32 to index
          %get3A_266 = arith.index_cast %mul3A_263 : i32 to index
          %get3A_267 = tpu.vector_load %arg4[%get3A_264, %get3A_265, %get3A_266] {strides = array<i32>} : memref<4x56x512xf32, #tpu.memory_space<vmem>>, vector<16xf32>,
          %mul3A_268 = arith.constant 2560 : i32
          %mul3A_269 = arith.muli %rem3A_198, %mul3A_268 : i32
          %add3A_270 = arith.constant 2048 : i32
          %add3A_271 = arith.addi %mul3A_269, %add3A_270 : i32
          %mul3A_272 = arith.constant 16 : i32
          %mul3A_273 = arith.muli %scan3A_261, %mul3A_272 : i32
          %add3A_274 = arith.addi %add3A_271, %mul3A_273 : i32
          %swap3A_275 = arith.index_cast %add3A_274 : i32 to index
          %swap3A_276 = tpu.vector_load %arg5[%swap3A_275] {strides = array<i32>} : memref<10240xf32, #tpu.memory_space<vmem>>, vector<16xf32>,
          tpu.vector_store %arg5[%swap3A_275], %get3A_267 {strides = array<i32>} : memref<10240xf32, #tpu.memory_space<vmem>>, vector<16xf32>,
          %scan3A_277 = arith.constant 0 : i32
          %scan3A_278 = arith.constant 2 : i32
          %scan3A_279 = arith.addi %scan3A_244, %scan3A_278 : i32
          %mul3A_280 = arith.constant 16 : i32
          %mul3A_281 = arith.muli %scan3A_279, %mul3A_280 : i32
          %get3A_282 = arith.index_cast %rem3A_198 : i32 to index
          %get3A_283 = arith.index_cast %select_n3A_236 : i32 to index
          %get3A_284 = arith.index_cast %mul3A_281 : i32 to index
          %get3A_285 = tpu.vector_load %arg4[%get3A_282, %get3A_283, %get3A_284] {strides = array<i32>} : memref<4x56x512xf32, #tpu.memory_space<vmem>>, vector<16xf32>,
          %mul3A_286 = arith.constant 2560 : i32
          %mul3A_287 = arith.muli %rem3A_198, %mul3A_286 : i32
          %add3A_288 = arith.constant 2048 : i32
          %add3A_289 = arith.addi %mul3A_287, %add3A_288 : i32
          %mul3A_290 = arith.constant 16 : i32
          %mul3A_291 = arith.muli %scan3A_279, %mul3A_290 : i32
          %add3A_292 = arith.addi %add3A_289, %mul3A_291 : i32
          %swap3A_293 = arith.index_cast %add3A_292 : i32 to index
          %swap3A_294 = tpu.vector_load %arg5[%swap3A_293] {strides = array<i32>} : memref<10240xf32, #tpu.memory_space<vmem>>, vector<16xf32>,
          tpu.vector_store %arg5[%swap3A_293], %get3A_285 {strides = array<i32>} : memref<10240xf32, #tpu.memory_space<vmem>>, vector<16xf32>,
          %scan3A_295 = arith.constant 0 : i32
          %scan3A_296 = arith.constant 3 : i32
          %scan3A_297 = arith.addi %scan3A_244, %scan3A_296 : i32
          %mul3A_298 = arith.constant 16 : i32
          %mul3A_299 = arith.muli %scan3A_297, %mul3A_298 : i32
          %get3A_300 = arith.index_cast %rem3A_198 : i32 to index
          %get3A_301 = arith.index_cast %select_n3A_236 : i32 to index
          %get3A_302 = arith.index_cast %mul3A_299 : i32 to index
          %get3A_303 = tpu.vector_load %arg4[%get3A_300, %get3A_301, %get3A_302] {strides = array<i32>} : memref<4x56x512xf32, #tpu.memory_space<vmem>>, vector<16xf32>,
          %mul3A_304 = arith.constant 2560 : i32
          %mul3A_305 = arith.muli %rem3A_198, %mul3A_304 : i32
          %add3A_306 = arith.constant 2048 : i32
          %add3A_307 = arith.addi %mul3A_305, %add3A_306 : i32
          %mul3A_308 = arith.constant 16 : i32
          %mul3A_309 = arith.muli %scan3A_297, %mul3A_308 : i32
          %add3A_310 = arith.addi %add3A_307, %mul3A_309 : i32
          %swap3A_311 = arith.index_cast %add3A_310 : i32 to index
          %swap3A_312 = tpu.vector_load %arg5[%swap3A_311] {strides = array<i32>} : memref<10240xf32, #tpu.memory_space<vmem>>, vector<16xf32>,
          tpu.vector_store %arg5[%swap3A_311], %get3A_303 {strides = array<i32>} : memref<10240xf32, #tpu.memory_space<vmem>>, vector<16xf32>,
          %scan3A_313 = arith.constant 0 : i32
          %scan3A_314 = arith.constant 4 : i32
          %scan3A_315 = arith.addi %scan3A_244, %scan3A_314 : i32
          %mul3A_316 = arith.constant 16 : i32
          %mul3A_317 = arith.muli %scan3A_315, %mul3A_316 : i32
          %get3A_318 = arith.index_cast %rem3A_198 : i32 to index
          %get3A_319 = arith.index_cast %select_n3A_236 : i32 to index
          %get3A_320 = arith.index_cast %mul3A_317 : i32 to index
          %get3A_321 = tpu.vector_load %arg4[%get3A_318, %get3A_319, %get3A_320] {strides = array<i32>} : memref<4x56x512xf32, #tpu.memory_space<vmem>>, vector<16xf32>,
          %mul3A_322 = arith.constant 2560 : i32
          %mul3A_323 = arith.muli %rem3A_198, %mul3A_322 : i32
          %add3A_324 = arith.constant 2048 : i32
          %add3A_325 = arith.addi %mul3A_323, %add3A_324 : i32
          %mul3A_326 = arith.constant 16 : i32
          %mul3A_327 = arith.muli %scan3A_315, %mul3A_326 : i32
          %add3A_328 = arith.addi %add3A_325, %mul3A_327 : i32
          %swap3A_329 = arith.index_cast %add3A_328 : i32 to index
          %swap3A_330 = tpu.vector_load %arg5[%swap3A_329] {strides = array<i32>} : memref<10240xf32, #tpu.memory_space<vmem>>, vector<16xf32>,
          tpu.vector_store %arg5[%swap3A_329], %get3A_321 {strides = array<i32>} : memref<10240xf32, #tpu.memory_space<vmem>>, vector<16xf32>,
          %scan3A_331 = arith.constant 0 : i32
          %scan3A_332 = arith.constant 5 : i32
          %scan3A_333 = arith.addi %scan3A_244, %scan3A_332 : i32
          %mul3A_334 = arith.constant 16 : i32
          %mul3A_335 = arith.muli %scan3A_333, %mul3A_334 : i32
          %get3A_336 = arith.index_cast %rem3A_198 : i32 to index
          %get3A_337 = arith.index_cast %select_n3A_236 : i32 to index
          %get3A_338 = arith.index_cast %mul3A_335 : i32 to index
          %get3A_339 = tpu.vector_load %arg4[%get3A_336, %get3A_337, %get3A_338] {strides = array<i32>} : memref<4x56x512xf32, #tpu.memory_space<vmem>>, vector<16xf32>,
          %mul3A_340 = arith.constant 2560 : i32
          %mul3A_341 = arith.muli %rem3A_198, %mul3A_340 : i32
          %add3A_342 = arith.constant 2048 : i32
          %add3A_343 = arith.addi %mul3A_341, %add3A_342 : i32
          %mul3A_344 = arith.constant 16 : i32
          %mul3A_345 = arith.muli %scan3A_333, %mul3A_344 : i32
          %add3A_346 = arith.addi %add3A_343, %mul3A_345 : i32
          %swap3A_347 = arith.index_cast %add3A_346 : i32 to index
          %swap3A_348 = tpu.vector_load %arg5[%swap3A_347] {strides = array<i32>} : memref<10240xf32, #tpu.memory_space<vmem>>, vector<16xf32>,
          tpu.vector_store %arg5[%swap3A_347], %get3A_339 {strides = array<i32>} : memref<10240xf32, #tpu.memory_space<vmem>>, vector<16xf32>,
          %scan3A_349 = arith.constant 0 : i32
          %scan3A_350 = arith.constant 6 : i32
          %scan3A_351 = arith.addi %scan3A_244, %scan3A_350 : i32
          %mul3A_352 = arith.constant 16 : i32
          %mul3A_353 = arith.muli %scan3A_351, %mul3A_352 : i32
          %get3A_354 = arith.index_cast %rem3A_198 : i32 to index
          %get3A_355 = arith.index_cast %select_n3A_236 : i32 to index
          %get3A_356 = arith.index_cast %mul3A_353 : i32 to index
          %get3A_357 = tpu.vector_load %arg4[%get3A_354, %get3A_355, %get3A_356] {strides = array<i32>} : memref<4x56x512xf32, #tpu.memory_space<vmem>>, vector<16xf32>,
          %mul3A_358 = arith.constant 2560 : i32
          %mul3A_359 = arith.muli %rem3A_198, %mul3A_358 : i32
          %add3A_360 = arith.constant 2048 : i32
          %add3A_361 = arith.addi %mul3A_359, %add3A_360 : i32
          %mul3A_362 = arith.constant 16 : i32
          %mul3A_363 = arith.muli %scan3A_351, %mul3A_362 : i32
          %add3A_364 = arith.addi %add3A_361, %mul3A_363 : i32
          %swap3A_365 = arith.index_cast %add3A_364 : i32 to index
          %swap3A_366 = tpu.vector_load %arg5[%swap3A_365] {strides = array<i32>} : memref<10240xf32, #tpu.memory_space<vmem>>, vector<16xf32>,
          tpu.vector_store %arg5[%swap3A_365], %get3A_357 {strides = array<i32>} : memref<10240xf32, #tpu.memory_space<vmem>>, vector<16xf32>,
          %scan3A_367 = arith.constant 0 : i32
          %scan3A_368 = arith.constant 7 : i32
          %scan3A_369 = arith.addi %scan3A_244, %scan3A_368 : i32
          %mul3A_370 = arith.constant 16 : i32
          %mul3A_371 = arith.muli %scan3A_369, %mul3A_370 : i32
          %get3A_372 = arith.index_cast %rem3A_198 : i32 to index
          %get3A_373 = arith.index_cast %select_n3A_236 : i32 to index
          %get3A_374 = arith.index_cast %mul3A_371 : i32 to index
          %get3A_375 = tpu.vector_load %arg4[%get3A_372, %get3A_373, %get3A_374] {strides = array<i32>} : memref<4x56x512xf32, #tpu.memory_space<vmem>>, vector<16xf32>,
          %mul3A_376 = arith.constant 2560 : i32
          %mul3A_377 = arith.muli %rem3A_198, %mul3A_376 : i32
          %add3A_378 = arith.constant 2048 : i32
          %add3A_379 = arith.addi %mul3A_377, %add3A_378 : i32
          %mul3A_380 = arith.constant 16 : i32
          %mul3A_381 = arith.muli %scan3A_369, %mul3A_380 : i32
          %add3A_382 = arith.addi %add3A_379, %mul3A_381 : i32
          %swap3A_383 = arith.index_cast %add3A_382 : i32 to index
          %swap3A_384 = tpu.vector_load %arg5[%swap3A_383] {strides = array<i32>} : memref<10240xf32, #tpu.memory_space<vmem>>, vector<16xf32>,
          tpu.vector_store %arg5[%swap3A_383], %get3A_375 {strides = array<i32>} : memref<10240xf32, #tpu.memory_space<vmem>>, vector<16xf32>,
          %scan3A_385 = arith.constant 0 : i32
          scf.yield %scan3A_385 : i32
        }
        %scan3A_243 = arith.constant 32 : i32
      } else {
      }
    } else {
    }
    %dma_wait3A = arith.constant 0 : i32
    %dma_wait3A_101 = arith.constant 0 : i32
    %dma_wait3A_102 = arith.constant 0 : i32
    %dma_wait3A_103 = arith.constant 0 : i32
    %dma_wait3A_104 = tpu.memref_slice %arg4[%dma_wait3A_101, %dma_wait3A_102, %dma_wait3A_103] : memref<4x56x512xf32, #tpu.memory_space<vmem>> -> memref<1x56x512xf32, #tpu.memory_space<vmem>>
    %dma_wait3A_105 = tpu.memref_squeeze %dma_wait3A_104 : memref<1x56x512xf32, #tpu.memory_space<vmem>> -> memref<56x512xf32, #tpu.memory_space<vmem>>
    %dma_wait3A_106 = arith.constant 0 : i32
    %dma_wait3A_107 = arith.constant 0 : i32
    %dma_wait3A_108 = tpu.memref_slice %arg2[%dma_wait3A, %dma_wait3A_106, %dma_wait3A_107] : memref<512x224x512xf32, #tpu.memory_space<hbm>> -> memref<1x56x512xf32, #tpu.memory_space<hbm>>
    %dma_wait3A_109 = tpu.memref_squeeze %dma_wait3A_108 : memref<1x56x512xf32, #tpu.memory_space<hbm>> -> memref<56x512xf32, #tpu.memory_space<hbm>>
    %dma_wait3A_110 = arith.constant 0 : i32
    %dma_wait3A_111 = arith.constant 0 : i32
    %dma_wait3A_112 = tpu.memref_slice %arg4[%dma_wait3A_101, %dma_wait3A_110, %dma_wait3A_111] : memref<4x56x512xf32, #tpu.memory_space<vmem>> -> memref<1x56x512xf32, #tpu.memory_space<vmem>>
    %dma_wait3A_113 = tpu.memref_squeeze %dma_wait3A_112 : memref<1x56x512xf32, #tpu.memory_space<vmem>> -> memref<56x512xf32, #tpu.memory_space<vmem>>
    %dma_wait3A_114 = arith.constant 0 : i32
    %dma_wait3A_115 = arith.constant 0 : i32
    %dma_wait3A_116 = tpu.memref_slice %arg2[%dma_wait3A, %dma_wait3A_114, %dma_wait3A_115] : memref<512x224x512xf32, #tpu.memory_space<hbm>> -> memref<1x56x512xf32, #tpu.memory_space<hbm>>
    %dma_wait3A_117 = tpu.memref_squeeze %dma_wait3A_116 : memref<1x56x512xf32, #tpu.memory_space<hbm>> -> memref<56x512xf32, #tpu.memory_space<hbm>>
    tpu.wait_dma2 semaphore(%arg6 : memref<!tpu.dma_semaphore, #tpu.memory_space<semaphore_mem>>) src(%dma_wait3A_117 : memref<56x512xf32, #tpu.memory_space<hbm>>) dst(%dma_wait3A_113 : memref<56x512xf32, #tpu.memory_space<vmem>>)
    %rem3A_118 = arith.constant 4 : i32
    %rem3A_119 = arith.remsi %mul3A_32, %rem3A_118 : i32
    %gt3A_120 = arith.constant 0 : i32
    %gt3A_121 = arith.cmpi sgt, %select_n3A_60, %gt3A_120 : i32
    %convert_element_type3A_122 = arith.extui %gt3A_121 : i1 to i32
    %cond3A_123 = arith.constant 0 : i32
    %cond3A_124 = arith.cmpi ne, %convert_element_type3A_122, %cond3A_123 : i32
    scf.if %cond3A_124 {
      %eq3A_177 = arith.constant 2 : i32
      %eq3A_178 = arith.cmpi eq, %select_n3A_30, %eq3A_177 : i32
      %jit3A_179 = arith.constant 48 : i32
      %jit3A_180 = arith.constant 53 : i32
      %select_n3A_181 = arith.select %eq3A_178, %jit3A_179, %jit3A_180 : i32
      %eq3A_182 = arith.constant 1 : i32
      %eq3A_183 = arith.cmpi eq, %select_n3A_30, %eq3A_182 : i32
      %jit3A_184 = arith.constant 28 : i32
      %select_n3A_185 = arith.select %eq3A_183, %jit3A_184, %select_n3A_181 : i32
      %eq3A_186 = arith.constant 0 : i32
      %eq3A_187 = arith.cmpi eq, %select_n3A_30, %eq3A_186 : i32
      %jit3A_188 = arith.constant 36 : i32
      %select_n3A_189 = arith.select %eq3A_187, %jit3A_188, %select_n3A_185 : i32
      %scan3A_190 = arith.constant 0 : i32
      %scan3A_191 = arith.constant 0 : i32
      %scan3A_192 = arith.constant 32 : i32
      %scan3A_193 = arith.addi %scan3A_191, %scan3A_192 : i32
      %scan3A_194 = arith.constant 8 : i32
      %scan3A_195 = scf.for %scan3A_197 = %scan3A_191 to %scan3A_193 step %scan3A_194 iter_args(%scan3A_198 = %scan3A_190) -> (i32)  : i32 {
        %mul3A_199 = arith.constant 16 : i32
        %mul3A_200 = arith.muli %scan3A_197, %mul3A_199 : i32
        %get3A = arith.index_cast %rem3A_119 : i32 to index
        %get3A_201 = arith.index_cast %select_n3A_189 : i32 to index
        %get3A_202 = arith.index_cast %mul3A_200 : i32 to index
        %get3A_203 = tpu.vector_load %arg4[%get3A, %get3A_201, %get3A_202] {strides = array<i32>} : memref<4x56x512xf32, #tpu.memory_space<vmem>>, vector<16xf32>,
        %mul3A_204 = arith.constant 2560 : i32
        %mul3A_205 = arith.muli %rem3A_119, %mul3A_204 : i32
        %add3A_206 = arith.constant 0 : i32
        %add3A_207 = arith.addi %mul3A_205, %add3A_206 : i32
        %mul3A_208 = arith.constant 16 : i32
        %mul3A_209 = arith.muli %scan3A_197, %mul3A_208 : i32
        %add3A_210 = arith.addi %add3A_207, %mul3A_209 : i32
        %swap3A = arith.index_cast %add3A_210 : i32 to index
        %swap3A_211 = tpu.vector_load %arg5[%swap3A] {strides = array<i32>} : memref<10240xf32, #tpu.memory_space<vmem>>, vector<16xf32>,
        tpu.vector_store %arg5[%swap3A], %get3A_203 {strides = array<i32>} : memref<10240xf32, #tpu.memory_space<vmem>>, vector<16xf32>,
        %scan3A_212 = arith.constant 0 : i32
        %scan3A_213 = arith.constant 1 : i32
        %scan3A_214 = arith.addi %scan3A_197, %scan3A_213 : i32
        %mul3A_215 = arith.constant 16 : i32
        %mul3A_216 = arith.muli %scan3A_214, %mul3A_215 : i32
        %get3A_217 = arith.index_cast %rem3A_119 : i32 to index
        %get3A_218 = arith.index_cast %select_n3A_189 : i32 to index
        %get3A_219 = arith.index_cast %mul3A_216 : i32 to index
        %get3A_220 = tpu.vector_load %arg4[%get3A_217, %get3A_218, %get3A_219] {strides = array<i32>} : memref<4x56x512xf32, #tpu.memory_space<vmem>>, vector<16xf32>,
        %mul3A_221 = arith.constant 2560 : i32
        %mul3A_222 = arith.muli %rem3A_119, %mul3A_221 : i32
        %add3A_223 = arith.constant 0 : i32
        %add3A_224 = arith.addi %mul3A_222, %add3A_223 : i32
        %mul3A_225 = arith.constant 16 : i32
        %mul3A_226 = arith.muli %scan3A_214, %mul3A_225 : i32
        %add3A_227 = arith.addi %add3A_224, %mul3A_226 : i32
        %swap3A_228 = arith.index_cast %add3A_227 : i32 to index
        %swap3A_229 = tpu.vector_load %arg5[%swap3A_228] {strides = array<i32>} : memref<10240xf32, #tpu.memory_space<vmem>>, vector<16xf32>,
        tpu.vector_store %arg5[%swap3A_228], %get3A_220 {strides = array<i32>} : memref<10240xf32, #tpu.memory_space<vmem>>, vector<16xf32>,
        %scan3A_230 = arith.constant 0 : i32
        %scan3A_231 = arith.constant 2 : i32
        %scan3A_232 = arith.addi %scan3A_197, %scan3A_231 : i32
        %mul3A_233 = arith.constant 16 : i32
        %mul3A_234 = arith.muli %scan3A_232, %mul3A_233 : i32
        %get3A_235 = arith.index_cast %rem3A_119 : i32 to index
        %get3A_236 = arith.index_cast %select_n3A_189 : i32 to index
        %get3A_237 = arith.index_cast %mul3A_234 : i32 to index
        %get3A_238 = tpu.vector_load %arg4[%get3A_235, %get3A_236, %get3A_237] {strides = array<i32>} : memref<4x56x512xf32, #tpu.memory_space<vmem>>, vector<16xf32>,
        %mul3A_239 = arith.constant 2560 : i32
        %mul3A_240 = arith.muli %rem3A_119, %mul3A_239 : i32
        %add3A_241 = arith.constant 0 : i32
        %add3A_242 = arith.addi %mul3A_240, %add3A_241 : i32
        %mul3A_243 = arith.constant 16 : i32
        %mul3A_244 = arith.muli %scan3A_232, %mul3A_243 : i32
        %add3A_245 = arith.addi %add3A_242, %mul3A_244 : i32
        %swap3A_246 = arith.index_cast %add3A_245 : i32 to index
        %swap3A_247 = tpu.vector_load %arg5[%swap3A_246] {strides = array<i32>} : memref<10240xf32, #tpu.memory_space<vmem>>, vector<16xf32>,
        tpu.vector_store %arg5[%swap3A_246], %get3A_238 {strides = array<i32>} : memref<10240xf32, #tpu.memory_space<vmem>>, vector<16xf32>,
        %scan3A_248 = arith.constant 0 : i32
        %scan3A_249 = arith.constant 3 : i32
        %scan3A_250 = arith.addi %scan3A_197, %scan3A_249 : i32
        %mul3A_251 = arith.constant 16 : i32
        %mul3A_252 = arith.muli %scan3A_250, %mul3A_251 : i32
        %get3A_253 = arith.index_cast %rem3A_119 : i32 to index
        %get3A_254 = arith.index_cast %select_n3A_189 : i32 to index
        %get3A_255 = arith.index_cast %mul3A_252 : i32 to index
        %get3A_256 = tpu.vector_load %arg4[%get3A_253, %get3A_254, %get3A_255] {strides = array<i32>} : memref<4x56x512xf32, #tpu.memory_space<vmem>>, vector<16xf32>,
        %mul3A_257 = arith.constant 2560 : i32
        %mul3A_258 = arith.muli %rem3A_119, %mul3A_257 : i32
        %add3A_259 = arith.constant 0 : i32
        %add3A_260 = arith.addi %mul3A_258, %add3A_259 : i32
        %mul3A_261 = arith.constant 16 : i32
        %mul3A_262 = arith.muli %scan3A_250, %mul3A_261 : i32
        %add3A_263 = arith.addi %add3A_260, %mul3A_262 : i32
        %swap3A_264 = arith.index_cast %add3A_263 : i32 to index
        %swap3A_265 = tpu.vector_load %arg5[%swap3A_264] {strides = array<i32>} : memref<10240xf32, #tpu.memory_space<vmem>>, vector<16xf32>,
        tpu.vector_store %arg5[%swap3A_264], %get3A_256 {strides = array<i32>} : memref<10240xf32, #tpu.memory_space<vmem>>, vector<16xf32>,
        %scan3A_266 = arith.constant 0 : i32
        %scan3A_267 = arith.constant 4 : i32
        %scan3A_268 = arith.addi %scan3A_197, %scan3A_267 : i32
        %mul3A_269 = arith.constant 16 : i32
        %mul3A_270 = arith.muli %scan3A_268, %mul3A_269 : i32
        %get3A_271 = arith.index_cast %rem3A_119 : i32 to index
        %get3A_272 = arith.index_cast %select_n3A_189 : i32 to index
        %get3A_273 = arith.index_cast %mul3A_270 : i32 to index
        %get3A_274 = tpu.vector_load %arg4[%get3A_271, %get3A_272, %get3A_273] {strides = array<i32>} : memref<4x56x512xf32, #tpu.memory_space<vmem>>, vector<16xf32>,
        %mul3A_275 = arith.constant 2560 : i32
        %mul3A_276 = arith.muli %rem3A_119, %mul3A_275 : i32
        %add3A_277 = arith.constant 0 : i32
        %add3A_278 = arith.addi %mul3A_276, %add3A_277 : i32
        %mul3A_279 = arith.constant 16 : i32
        %mul3A_280 = arith.muli %scan3A_268, %mul3A_279 : i32
        %add3A_281 = arith.addi %add3A_278, %mul3A_280 : i32
        %swap3A_282 = arith.index_cast %add3A_281 : i32 to index
        %swap3A_283 = tpu.vector_load %arg5[%swap3A_282] {strides = array<i32>} : memref<10240xf32, #tpu.memory_space<vmem>>, vector<16xf32>,
        tpu.vector_store %arg5[%swap3A_282], %get3A_274 {strides = array<i32>} : memref<10240xf32, #tpu.memory_space<vmem>>, vector<16xf32>,
        %scan3A_284 = arith.constant 0 : i32
        %scan3A_285 = arith.constant 5 : i32
        %scan3A_286 = arith.addi %scan3A_197, %scan3A_285 : i32
        %mul3A_287 = arith.constant 16 : i32
        %mul3A_288 = arith.muli %scan3A_286, %mul3A_287 : i32
        %get3A_289 = arith.index_cast %rem3A_119 : i32 to index
        %get3A_290 = arith.index_cast %select_n3A_189 : i32 to index
        %get3A_291 = arith.index_cast %mul3A_288 : i32 to index
        %get3A_292 = tpu.vector_load %arg4[%get3A_289, %get3A_290, %get3A_291] {strides = array<i32>} : memref<4x56x512xf32, #tpu.memory_space<vmem>>, vector<16xf32>,
        %mul3A_293 = arith.constant 2560 : i32
        %mul3A_294 = arith.muli %rem3A_119, %mul3A_293 : i32
        %add3A_295 = arith.constant 0 : i32
        %add3A_296 = arith.addi %mul3A_294, %add3A_295 : i32
        %mul3A_297 = arith.constant 16 : i32
        %mul3A_298 = arith.muli %scan3A_286, %mul3A_297 : i32
        %add3A_299 = arith.addi %add3A_296, %mul3A_298 : i32
        %swap3A_300 = arith.index_cast %add3A_299 : i32 to index
        %swap3A_301 = tpu.vector_load %arg5[%swap3A_300] {strides = array<i32>} : memref<10240xf32, #tpu.memory_space<vmem>>, vector<16xf32>,
        tpu.vector_store %arg5[%swap3A_300], %get3A_292 {strides = array<i32>} : memref<10240xf32, #tpu.memory_space<vmem>>, vector<16xf32>,
        %scan3A_302 = arith.constant 0 : i32
        %scan3A_303 = arith.constant 6 : i32
        %scan3A_304 = arith.addi %scan3A_197, %scan3A_303 : i32
        %mul3A_305 = arith.constant 16 : i32
        %mul3A_306 = arith.muli %scan3A_304, %mul3A_305 : i32
        %get3A_307 = arith.index_cast %rem3A_119 : i32 to index
        %get3A_308 = arith.index_cast %select_n3A_189 : i32 to index
        %get3A_309 = arith.index_cast %mul3A_306 : i32 to index
        %get3A_310 = tpu.vector_load %arg4[%get3A_307, %get3A_308, %get3A_309] {strides = array<i32>} : memref<4x56x512xf32, #tpu.memory_space<vmem>>, vector<16xf32>,
        %mul3A_311 = arith.constant 2560 : i32
        %mul3A_312 = arith.muli %rem3A_119, %mul3A_311 : i32
        %add3A_313 = arith.constant 0 : i32
        %add3A_314 = arith.addi %mul3A_312, %add3A_313 : i32
        %mul3A_315 = arith.constant 16 : i32
        %mul3A_316 = arith.muli %scan3A_304, %mul3A_315 : i32
        %add3A_317 = arith.addi %add3A_314, %mul3A_316 : i32
        %swap3A_318 = arith.index_cast %add3A_317 : i32 to index
        %swap3A_319 = tpu.vector_load %arg5[%swap3A_318] {strides = array<i32>} : memref<10240xf32, #tpu.memory_space<vmem>>, vector<16xf32>,
        tpu.vector_store %arg5[%swap3A_318], %get3A_310 {strides = array<i32>} : memref<10240xf32, #tpu.memory_space<vmem>>, vector<16xf32>,
        %scan3A_320 = arith.constant 0 : i32
        %scan3A_321 = arith.constant 7 : i32
        %scan3A_322 = arith.addi %scan3A_197, %scan3A_321 : i32
        %mul3A_323 = arith.constant 16 : i32
        %mul3A_324 = arith.muli %scan3A_322, %mul3A_323 : i32
        %get3A_325 = arith.index_cast %rem3A_119 : i32 to index
        %get3A_326 = arith.index_cast %select_n3A_189 : i32 to index
        %get3A_327 = arith.index_cast %mul3A_324 : i32 to index
        %get3A_328 = tpu.vector_load %arg4[%get3A_325, %get3A_326, %get3A_327] {strides = array<i32>} : memref<4x56x512xf32, #tpu.memory_space<vmem>>, vector<16xf32>,
        %mul3A_329 = arith.constant 2560 : i32
        %mul3A_330 = arith.muli %rem3A_119, %mul3A_329 : i32
        %add3A_331 = arith.constant 0 : i32
        %add3A_332 = arith.addi %mul3A_330, %add3A_331 : i32
        %mul3A_333 = arith.constant 16 : i32
        %mul3A_334 = arith.muli %scan3A_322, %mul3A_333 : i32
        %add3A_335 = arith.addi %add3A_332, %mul3A_334 : i32
        %swap3A_336 = arith.index_cast %add3A_335 : i32 to index
        %swap3A_337 = tpu.vector_load %arg5[%swap3A_336] {strides = array<i32>} : memref<10240xf32, #tpu.memory_space<vmem>>, vector<16xf32>,
        tpu.vector_store %arg5[%swap3A_336], %get3A_328 {strides = array<i32>} : memref<10240xf32, #tpu.memory_space<vmem>>, vector<16xf32>,
        %scan3A_338 = arith.constant 0 : i32
        scf.yield %scan3A_338 : i32
      }
      %scan3A_196 = arith.constant 32 : i32
    } else {
    }
    %gt3A_125 = arith.constant 1 : i32
    %gt3A_126 = arith.cmpi sgt, %select_n3A_60, %gt3A_125 : i32
    %convert_element_type3A_127 = arith.extui %gt3A_126 : i1 to i32
    %cond3A_128 = arith.constant 0 : i32
    %cond3A_129 = arith.cmpi ne, %convert_element_type3A_127, %cond3A_128 : i32
    scf.if %cond3A_129 {
      %eq3A_177 = arith.constant 2 : i32
      %eq3A_178 = arith.cmpi eq, %select_n3A_30, %eq3A_177 : i32
      %jit3A_179 = arith.constant 47 : i32
      %jit3A_180 = arith.constant 0 : i32
      %select_n3A_181 = arith.select %eq3A_178, %jit3A_179, %jit3A_180 : i32
      %eq3A_182 = arith.constant 1 : i32
      %eq3A_183 = arith.cmpi eq, %select_n3A_30, %eq3A_182 : i32
      %jit3A_184 = arith.constant 46 : i32
      %select_n3A_185 = arith.select %eq3A_183, %jit3A_184, %select_n3A_181 : i32
      %eq3A_186 = arith.constant 0 : i32
      %eq3A_187 = arith.cmpi eq, %select_n3A_30, %eq3A_186 : i32
      %jit3A_188 = arith.constant 0 : i32
      %select_n3A_189 = arith.select %eq3A_187, %jit3A_188, %select_n3A_185 : i32
      %scan3A_190 = arith.constant 0 : i32
      %scan3A_191 = arith.constant 0 : i32
      %scan3A_192 = arith.constant 32 : i32
      %scan3A_193 = arith.addi %scan3A_191, %scan3A_192 : i32
      %scan3A_194 = arith.constant 8 : i32
      %scan3A_195 = scf.for %scan3A_197 = %scan3A_191 to %scan3A_193 step %scan3A_194 iter_args(%scan3A_198 = %scan3A_190) -> (i32)  : i32 {
        %mul3A_199 = arith.constant 16 : i32
        %mul3A_200 = arith.muli %scan3A_197, %mul3A_199 : i32
        %get3A = arith.index_cast %rem3A_119 : i32 to index
        %get3A_201 = arith.index_cast %select_n3A_189 : i32 to index
        %get3A_202 = arith.index_cast %mul3A_200 : i32 to index
        %get3A_203 = tpu.vector_load %arg4[%get3A, %get3A_201, %get3A_202] {strides = array<i32>} : memref<4x56x512xf32, #tpu.memory_space<vmem>>, vector<16xf32>,
        %mul3A_204 = arith.constant 2560 : i32
        %mul3A_205 = arith.muli %rem3A_119, %mul3A_204 : i32
        %add3A_206 = arith.constant 512 : i32
        %add3A_207 = arith.addi %mul3A_205, %add3A_206 : i32
        %mul3A_208 = arith.constant 16 : i32
        %mul3A_209 = arith.muli %scan3A_197, %mul3A_208 : i32
        %add3A_210 = arith.addi %add3A_207, %mul3A_209 : i32
        %swap3A = arith.index_cast %add3A_210 : i32 to index
        %swap3A_211 = tpu.vector_load %arg5[%swap3A] {strides = array<i32>} : memref<10240xf32, #tpu.memory_space<vmem>>, vector<16xf32>,
        tpu.vector_store %arg5[%swap3A], %get3A_203 {strides = array<i32>} : memref<10240xf32, #tpu.memory_space<vmem>>, vector<16xf32>,
        %scan3A_212 = arith.constant 0 : i32
        %scan3A_213 = arith.constant 1 : i32
        %scan3A_214 = arith.addi %scan3A_197, %scan3A_213 : i32
        %mul3A_215 = arith.constant 16 : i32
        %mul3A_216 = arith.muli %scan3A_214, %mul3A_215 : i32
        %get3A_217 = arith.index_cast %rem3A_119 : i32 to index
        %get3A_218 = arith.index_cast %select_n3A_189 : i32 to index
        %get3A_219 = arith.index_cast %mul3A_216 : i32 to index
        %get3A_220 = tpu.vector_load %arg4[%get3A_217, %get3A_218, %get3A_219] {strides = array<i32>} : memref<4x56x512xf32, #tpu.memory_space<vmem>>, vector<16xf32>,
        %mul3A_221 = arith.constant 2560 : i32
        %mul3A_222 = arith.muli %rem3A_119, %mul3A_221 : i32
        %add3A_223 = arith.constant 512 : i32
        %add3A_224 = arith.addi %mul3A_222, %add3A_223 : i32
        %mul3A_225 = arith.constant 16 : i32
        %mul3A_226 = arith.muli %scan3A_214, %mul3A_225 : i32
        %add3A_227 = arith.addi %add3A_224, %mul3A_226 : i32
        %swap3A_228 = arith.index_cast %add3A_227 : i32 to index
        %swap3A_229 = tpu.vector_load %arg5[%swap3A_228] {strides = array<i32>} : memref<10240xf32, #tpu.memory_space<vmem>>, vector<16xf32>,
        tpu.vector_store %arg5[%swap3A_228], %get3A_220 {strides = array<i32>} : memref<10240xf32, #tpu.memory_space<vmem>>, vector<16xf32>,
        %scan3A_230 = arith.constant 0 : i32
        %scan3A_231 = arith.constant 2 : i32
        %scan3A_232 = arith.addi %scan3A_197, %scan3A_231 : i32
        %mul3A_233 = arith.constant 16 : i32
        %mul3A_234 = arith.muli %scan3A_232, %mul3A_233 : i32
        %get3A_235 = arith.index_cast %rem3A_119 : i32 to index
        %get3A_236 = arith.index_cast %select_n3A_189 : i32 to index
        %get3A_237 = arith.index_cast %mul3A_234 : i32 to index
        %get3A_238 = tpu.vector_load %arg4[%get3A_235, %get3A_236, %get3A_237] {strides = array<i32>} : memref<4x56x512xf32, #tpu.memory_space<vmem>>, vector<16xf32>,
        %mul3A_239 = arith.constant 2560 : i32
        %mul3A_240 = arith.muli %rem3A_119, %mul3A_239 : i32
        %add3A_241 = arith.constant 512 : i32
        %add3A_242 = arith.addi %mul3A_240, %add3A_241 : i32
        %mul3A_243 = arith.constant 16 : i32
        %mul3A_244 = arith.muli %scan3A_232, %mul3A_243 : i32
        %add3A_245 = arith.addi %add3A_242, %mul3A_244 : i32
        %swap3A_246 = arith.index_cast %add3A_245 : i32 to index
        %swap3A_247 = tpu.vector_load %arg5[%swap3A_246] {strides = array<i32>} : memref<10240xf32, #tpu.memory_space<vmem>>, vector<16xf32>,
        tpu.vector_store %arg5[%swap3A_246], %get3A_238 {strides = array<i32>} : memref<10240xf32, #tpu.memory_space<vmem>>, vector<16xf32>,
        %scan3A_248 = arith.constant 0 : i32
        %scan3A_249 = arith.constant 3 : i32
        %scan3A_250 = arith.addi %scan3A_197, %scan3A_249 : i32
        %mul3A_251 = arith.constant 16 : i32
        %mul3A_252 = arith.muli %scan3A_250, %mul3A_251 : i32
        %get3A_253 = arith.index_cast %rem3A_119 : i32 to index
        %get3A_254 = arith.index_cast %select_n3A_189 : i32 to index
        %get3A_255 = arith.index_cast %mul3A_252 : i32 to index
        %get3A_256 = tpu.vector_load %arg4[%get3A_253, %get3A_254, %get3A_255] {strides = array<i32>} : memref<4x56x512xf32, #tpu.memory_space<vmem>>, vector<16xf32>,
        %mul3A_257 = arith.constant 2560 : i32
        %mul3A_258 = arith.muli %rem3A_119, %mul3A_257 : i32
        %add3A_259 = arith.constant 512 : i32
        %add3A_260 = arith.addi %mul3A_258, %add3A_259 : i32
        %mul3A_261 = arith.constant 16 : i32
        %mul3A_262 = arith.muli %scan3A_250, %mul3A_261 : i32
        %add3A_263 = arith.addi %add3A_260, %mul3A_262 : i32
        %swap3A_264 = arith.index_cast %add3A_263 : i32 to index
        %swap3A_265 = tpu.vector_load %arg5[%swap3A_264] {strides = array<i32>} : memref<10240xf32, #tpu.memory_space<vmem>>, vector<16xf32>,
        tpu.vector_store %arg5[%swap3A_264], %get3A_256 {strides = array<i32>} : memref<10240xf32, #tpu.memory_space<vmem>>, vector<16xf32>,
        %scan3A_266 = arith.constant 0 : i32
        %scan3A_267 = arith.constant 4 : i32
        %scan3A_268 = arith.addi %scan3A_197, %scan3A_267 : i32
        %mul3A_269 = arith.constant 16 : i32
        %mul3A_270 = arith.muli %scan3A_268, %mul3A_269 : i32
        %get3A_271 = arith.index_cast %rem3A_119 : i32 to index
        %get3A_272 = arith.index_cast %select_n3A_189 : i32 to index
        %get3A_273 = arith.index_cast %mul3A_270 : i32 to index
        %get3A_274 = tpu.vector_load %arg4[%get3A_271, %get3A_272, %get3A_273] {strides = array<i32>} : memref<4x56x512xf32, #tpu.memory_space<vmem>>, vector<16xf32>,
        %mul3A_275 = arith.constant 2560 : i32
        %mul3A_276 = arith.muli %rem3A_119, %mul3A_275 : i32
        %add3A_277 = arith.constant 512 : i32
        %add3A_278 = arith.addi %mul3A_276, %add3A_277 : i32
        %mul3A_279 = arith.constant 16 : i32
        %mul3A_280 = arith.muli %scan3A_268, %mul3A_279 : i32
        %add3A_281 = arith.addi %add3A_278, %mul3A_280 : i32
        %swap3A_282 = arith.index_cast %add3A_281 : i32 to index
        %swap3A_283 = tpu.vector_load %arg5[%swap3A_282] {strides = array<i32>} : memref<10240xf32, #tpu.memory_space<vmem>>, vector<16xf32>,
        tpu.vector_store %arg5[%swap3A_282], %get3A_274 {strides = array<i32>} : memref<10240xf32, #tpu.memory_space<vmem>>, vector<16xf32>,
        %scan3A_284 = arith.constant 0 : i32
        %scan3A_285 = arith.constant 5 : i32
        %scan3A_286 = arith.addi %scan3A_197, %scan3A_285 : i32
        %mul3A_287 = arith.constant 16 : i32
        %mul3A_288 = arith.muli %scan3A_286, %mul3A_287 : i32
        %get3A_289 = arith.index_cast %rem3A_119 : i32 to index
        %get3A_290 = arith.index_cast %select_n3A_189 : i32 to index
        %get3A_291 = arith.index_cast %mul3A_288 : i32 to index
        %get3A_292 = tpu.vector_load %arg4[%get3A_289, %get3A_290, %get3A_291] {strides = array<i32>} : memref<4x56x512xf32, #tpu.memory_space<vmem>>, vector<16xf32>,
        %mul3A_293 = arith.constant 2560 : i32
        %mul3A_294 = arith.muli %rem3A_119, %mul3A_293 : i32
        %add3A_295 = arith.constant 512 : i32
        %add3A_296 = arith.addi %mul3A_294, %add3A_295 : i32
        %mul3A_297 = arith.constant 16 : i32
        %mul3A_298 = arith.muli %scan3A_286, %mul3A_297 : i32
        %add3A_299 = arith.addi %add3A_296, %mul3A_298 : i32
        %swap3A_300 = arith.index_cast %add3A_299 : i32 to index
        %swap3A_301 = tpu.vector_load %arg5[%swap3A_300] {strides = array<i32>} : memref<10240xf32, #tpu.memory_space<vmem>>, vector<16xf32>,
        tpu.vector_store %arg5[%swap3A_300], %get3A_292 {strides = array<i32>} : memref<10240xf32, #tpu.memory_space<vmem>>, vector<16xf32>,
        %scan3A_302 = arith.constant 0 : i32
        %scan3A_303 = arith.constant 6 : i32
        %scan3A_304 = arith.addi %scan3A_197, %scan3A_303 : i32
        %mul3A_305 = arith.constant 16 : i32
        %mul3A_306 = arith.muli %scan3A_304, %mul3A_305 : i32
        %get3A_307 = arith.index_cast %rem3A_119 : i32 to index
        %get3A_308 = arith.index_cast %select_n3A_189 : i32 to index
        %get3A_309 = arith.index_cast %mul3A_306 : i32 to index
        %get3A_310 = tpu.vector_load %arg4[%get3A_307, %get3A_308, %get3A_309] {strides = array<i32>} : memref<4x56x512xf32, #tpu.memory_space<vmem>>, vector<16xf32>,
        %mul3A_311 = arith.constant 2560 : i32
        %mul3A_312 = arith.muli %rem3A_119, %mul3A_311 : i32
        %add3A_313 = arith.constant 512 : i32
        %add3A_314 = arith.addi %mul3A_312, %add3A_313 : i32
        %mul3A_315 = arith.constant 16 : i32
        %mul3A_316 = arith.muli %scan3A_304, %mul3A_315 : i32
        %add3A_317 = arith.addi %add3A_314, %mul3A_316 : i32
        %swap3A_318 = arith.index_cast %add3A_317 : i32 to index
        %swap3A_319 = tpu.vector_load %arg5[%swap3A_318] {strides = array<i32>} : memref<10240xf32, #tpu.memory_space<vmem>>, vector<16xf32>,
        tpu.vector_store %arg5[%swap3A_318], %get3A_310 {strides = array<i32>} : memref<10240xf32, #tpu.memory_space<vmem>>, vector<16xf32>,
        %scan3A_320 = arith.constant 0 : i32
        %scan3A_321 = arith.constant 7 : i32
        %scan3A_322 = arith.addi %scan3A_197, %scan3A_321 : i32
        %mul3A_323 = arith.constant 16 : i32
        %mul3A_324 = arith.muli %scan3A_322, %mul3A_323 : i32
        %get3A_325 = arith.index_cast %rem3A_119 : i32 to index
        %get3A_326 = arith.index_cast %select_n3A_189 : i32 to index
        %get3A_327 = arith.index_cast %mul3A_324 : i32 to index
        %get3A_328 = tpu.vector_load %arg4[%get3A_325, %get3A_326, %get3A_327] {strides = array<i32>} : memref<4x56x512xf32, #tpu.memory_space<vmem>>, vector<16xf32>,
        %mul3A_329 = arith.constant 2560 : i32
        %mul3A_330 = arith.muli %rem3A_119, %mul3A_329 : i32
        %add3A_331 = arith.constant 512 : i32
        %add3A_332 = arith.addi %mul3A_330, %add3A_331 : i32
        %mul3A_333 = arith.constant 16 : i32
        %mul3A_334 = arith.muli %scan3A_322, %mul3A_333 : i32
        %add3A_335 = arith.addi %add3A_332, %mul3A_334 : i32
        %swap3A_336 = arith.index_cast %add3A_335 : i32 to index
        %swap3A_337 = tpu.vector_load %arg5[%swap3A_336] {strides = array<i32>} : memref<10240xf32, #tpu.memory_space<vmem>>, vector<16xf32>,
        tpu.vector_store %arg5[%swap3A_336], %get3A_328 {strides = array<i32>} : memref<10240xf32, #tpu.memory_space<vmem>>, vector<16xf32>,
        %scan3A_338 = arith.constant 0 : i32
        scf.yield %scan3A_338 : i32
      }
      %scan3A_196 = arith.constant 32 : i32
    } else {
    }
    %gt3A_130 = arith.constant 2 : i32
    %gt3A_131 = arith.cmpi sgt, %select_n3A_60, %gt3A_130 : i32
    %convert_element_type3A_132 = arith.extui %gt3A_131 : i1 to i32
    %cond3A_133 = arith.constant 0 : i32
    %cond3A_134 = arith.cmpi ne, %convert_element_type3A_132, %cond3A_133 : i32
    scf.if %cond3A_134 {
      %eq3A_177 = arith.constant 2 : i32
      %eq3A_178 = arith.cmpi eq, %select_n3A_30, %eq3A_177 : i32
      %jit3A_179 = arith.constant 0 : i32
      %jit3A_180 = arith.constant 0 : i32
      %select_n3A_181 = arith.select %eq3A_178, %jit3A_179, %jit3A_180 : i32
      %eq3A_182 = arith.constant 1 : i32
      %eq3A_183 = arith.cmpi eq, %select_n3A_30, %eq3A_182 : i32
      %jit3A_184 = arith.constant 54 : i32
      %select_n3A_185 = arith.select %eq3A_183, %jit3A_184, %select_n3A_181 : i32
      %eq3A_186 = arith.constant 0 : i32
      %eq3A_187 = arith.cmpi eq, %select_n3A_30, %eq3A_186 : i32
      %jit3A_188 = arith.constant 0 : i32
      %select_n3A_189 = arith.select %eq3A_187, %jit3A_188, %select_n3A_185 : i32
      %scan3A_190 = arith.constant 0 : i32
      %scan3A_191 = arith.constant 0 : i32
      %scan3A_192 = arith.constant 32 : i32
      %scan3A_193 = arith.addi %scan3A_191, %scan3A_192 : i32
      %scan3A_194 = arith.constant 8 : i32
      %scan3A_195 = scf.for %scan3A_197 = %scan3A_191 to %scan3A_193 step %scan3A_194 iter_args(%scan3A_198 = %scan3A_190) -> (i32)  : i32 {
        %mul3A_199 = arith.constant 16 : i32
        %mul3A_200 = arith.muli %scan3A_197, %mul3A_199 : i32
        %get3A = arith.index_cast %rem3A_119 : i32 to index
        %get3A_201 = arith.index_cast %select_n3A_189 : i32 to index
        %get3A_202 = arith.index_cast %mul3A_200 : i32 to index
        %get3A_203 = tpu.vector_load %arg4[%get3A, %get3A_201, %get3A_202] {strides = array<i32>} : memref<4x56x512xf32, #tpu.memory_space<vmem>>, vector<16xf32>,
        %mul3A_204 = arith.constant 2560 : i32
        %mul3A_205 = arith.muli %rem3A_119, %mul3A_204 : i32
        %add3A_206 = arith.constant 1024 : i32
        %add3A_207 = arith.addi %mul3A_205, %add3A_206 : i32
        %mul3A_208 = arith.constant 16 : i32
        %mul3A_209 = arith.muli %scan3A_197, %mul3A_208 : i32
        %add3A_210 = arith.addi %add3A_207, %mul3A_209 : i32
        %swap3A = arith.index_cast %add3A_210 : i32 to index
        %swap3A_211 = tpu.vector_load %arg5[%swap3A] {strides = array<i32>} : memref<10240xf32, #tpu.memory_space<vmem>>, vector<16xf32>,
        tpu.vector_store %arg5[%swap3A], %get3A_203 {strides = array<i32>} : memref<10240xf32, #tpu.memory_space<vmem>>, vector<16xf32>,
        %scan3A_212 = arith.constant 0 : i32
        %scan3A_213 = arith.constant 1 : i32
        %scan3A_214 = arith.addi %scan3A_197, %scan3A_213 : i32
        %mul3A_215 = arith.constant 16 : i32
        %mul3A_216 = arith.muli %scan3A_214, %mul3A_215 : i32
        %get3A_217 = arith.index_cast %rem3A_119 : i32 to index
        %get3A_218 = arith.index_cast %select_n3A_189 : i32 to index
        %get3A_219 = arith.index_cast %mul3A_216 : i32 to index
        %get3A_220 = tpu.vector_load %arg4[%get3A_217, %get3A_218, %get3A_219] {strides = array<i32>} : memref<4x56x512xf32, #tpu.memory_space<vmem>>, vector<16xf32>,
        %mul3A_221 = arith.constant 2560 : i32
        %mul3A_222 = arith.muli %rem3A_119, %mul3A_221 : i32
        %add3A_223 = arith.constant 1024 : i32
        %add3A_224 = arith.addi %mul3A_222, %add3A_223 : i32
        %mul3A_225 = arith.constant 16 : i32
        %mul3A_226 = arith.muli %scan3A_214, %mul3A_225 : i32
        %add3A_227 = arith.addi %add3A_224, %mul3A_226 : i32
        %swap3A_228 = arith.index_cast %add3A_227 : i32 to index
        %swap3A_229 = tpu.vector_load %arg5[%swap3A_228] {strides = array<i32>} : memref<10240xf32, #tpu.memory_space<vmem>>, vector<16xf32>,
        tpu.vector_store %arg5[%swap3A_228], %get3A_220 {strides = array<i32>} : memref<10240xf32, #tpu.memory_space<vmem>>, vector<16xf32>,
        %scan3A_230 = arith.constant 0 : i32
        %scan3A_231 = arith.constant 2 : i32
        %scan3A_232 = arith.addi %scan3A_197, %scan3A_231 : i32
        %mul3A_233 = arith.constant 16 : i32
        %mul3A_234 = arith.muli %scan3A_232, %mul3A_233 : i32
        %get3A_235 = arith.index_cast %rem3A_119 : i32 to index
        %get3A_236 = arith.index_cast %select_n3A_189 : i32 to index
        %get3A_237 = arith.index_cast %mul3A_234 : i32 to index
        %get3A_238 = tpu.vector_load %arg4[%get3A_235, %get3A_236, %get3A_237] {strides = array<i32>} : memref<4x56x512xf32, #tpu.memory_space<vmem>>, vector<16xf32>,
        %mul3A_239 = arith.constant 2560 : i32
        %mul3A_240 = arith.muli %rem3A_119, %mul3A_239 : i32
        %add3A_241 = arith.constant 1024 : i32
        %add3A_242 = arith.addi %mul3A_240, %add3A_241 : i32
        %mul3A_243 = arith.constant 16 : i32
        %mul3A_244 = arith.muli %scan3A_232, %mul3A_243 : i32
        %add3A_245 = arith.addi %add3A_242, %mul3A_244 : i32
        %swap3A_246 = arith.index_cast %add3A_245 : i32 to index
        %swap3A_247 = tpu.vector_load %arg5[%swap3A_246] {strides = array<i32>} : memref<10240xf32, #tpu.memory_space<vmem>>, vector<16xf32>,
        tpu.vector_store %arg5[%swap3A_246], %get3A_238 {strides = array<i32>} : memref<10240xf32, #tpu.memory_space<vmem>>, vector<16xf32>,
        %scan3A_248 = arith.constant 0 : i32
        %scan3A_249 = arith.constant 3 : i32
        %scan3A_250 = arith.addi %scan3A_197, %scan3A_249 : i32
        %mul3A_251 = arith.constant 16 : i32
        %mul3A_252 = arith.muli %scan3A_250, %mul3A_251 : i32
        %get3A_253 = arith.index_cast %rem3A_119 : i32 to index
        %get3A_254 = arith.index_cast %select_n3A_189 : i32 to index
        %get3A_255 = arith.index_cast %mul3A_252 : i32 to index
        %get3A_256 = tpu.vector_load %arg4[%get3A_253, %get3A_254, %get3A_255] {strides = array<i32>} : memref<4x56x512xf32, #tpu.memory_space<vmem>>, vector<16xf32>,
        %mul3A_257 = arith.constant 2560 : i32
        %mul3A_258 = arith.muli %rem3A_119, %mul3A_257 : i32
        %add3A_259 = arith.constant 1024 : i32
        %add3A_260 = arith.addi %mul3A_258, %add3A_259 : i32
        %mul3A_261 = arith.constant 16 : i32
        %mul3A_262 = arith.muli %scan3A_250, %mul3A_261 : i32
        %add3A_263 = arith.addi %add3A_260, %mul3A_262 : i32
        %swap3A_264 = arith.index_cast %add3A_263 : i32 to index
        %swap3A_265 = tpu.vector_load %arg5[%swap3A_264] {strides = array<i32>} : memref<10240xf32, #tpu.memory_space<vmem>>, vector<16xf32>,
        tpu.vector_store %arg5[%swap3A_264], %get3A_256 {strides = array<i32>} : memref<10240xf32, #tpu.memory_space<vmem>>, vector<16xf32>,
        %scan3A_266 = arith.constant 0 : i32
        %scan3A_267 = arith.constant 4 : i32
        %scan3A_268 = arith.addi %scan3A_197, %scan3A_267 : i32
        %mul3A_269 = arith.constant 16 : i32
        %mul3A_270 = arith.muli %scan3A_268, %mul3A_269 : i32
        %get3A_271 = arith.index_cast %rem3A_119 : i32 to index
        %get3A_272 = arith.index_cast %select_n3A_189 : i32 to index
        %get3A_273 = arith.index_cast %mul3A_270 : i32 to index
        %get3A_274 = tpu.vector_load %arg4[%get3A_271, %get3A_272, %get3A_273] {strides = array<i32>} : memref<4x56x512xf32, #tpu.memory_space<vmem>>, vector<16xf32>,
        %mul3A_275 = arith.constant 2560 : i32
        %mul3A_276 = arith.muli %rem3A_119, %mul3A_275 : i32
        %add3A_277 = arith.constant 1024 : i32
        %add3A_278 = arith.addi %mul3A_276, %add3A_277 : i32
        %mul3A_279 = arith.constant 16 : i32
        %mul3A_280 = arith.muli %scan3A_268, %mul3A_279 : i32
        %add3A_281 = arith.addi %add3A_278, %mul3A_280 : i32
        %swap3A_282 = arith.index_cast %add3A_281 : i32 to index
        %swap3A_283 = tpu.vector_load %arg5[%swap3A_282] {strides = array<i32>} : memref<10240xf32, #tpu.memory_space<vmem>>, vector<16xf32>,
        tpu.vector_store %arg5[%swap3A_282], %get3A_274 {strides = array<i32>} : memref<10240xf32, #tpu.memory_space<vmem>>, vector<16xf32>,
        %scan3A_284 = arith.constant 0 : i32
        %scan3A_285 = arith.constant 5 : i32
        %scan3A_286 = arith.addi %scan3A_197, %scan3A_285 : i32
        %mul3A_287 = arith.constant 16 : i32
        %mul3A_288 = arith.muli %scan3A_286, %mul3A_287 : i32
        %get3A_289 = arith.index_cast %rem3A_119 : i32 to index
        %get3A_290 = arith.index_cast %select_n3A_189 : i32 to index
        %get3A_291 = arith.index_cast %mul3A_288 : i32 to index
        %get3A_292 = tpu.vector_load %arg4[%get3A_289, %get3A_290, %get3A_291] {strides = array<i32>} : memref<4x56x512xf32, #tpu.memory_space<vmem>>, vector<16xf32>,
        %mul3A_293 = arith.constant 2560 : i32
        %mul3A_294 = arith.muli %rem3A_119, %mul3A_293 : i32
        %add3A_295 = arith.constant 1024 : i32
        %add3A_296 = arith.addi %mul3A_294, %add3A_295 : i32
        %mul3A_297 = arith.constant 16 : i32
        %mul3A_298 = arith.muli %scan3A_286, %mul3A_297 : i32
        %add3A_299 = arith.addi %add3A_296, %mul3A_298 : i32
        %swap3A_300 = arith.index_cast %add3A_299 : i32 to index
        %swap3A_301 = tpu.vector_load %arg5[%swap3A_300] {strides = array<i32>} : memref<10240xf32, #tpu.memory_space<vmem>>, vector<16xf32>,
        tpu.vector_store %arg5[%swap3A_300], %get3A_292 {strides = array<i32>} : memref<10240xf32, #tpu.memory_space<vmem>>, vector<16xf32>,
        %scan3A_302 = arith.constant 0 : i32
        %scan3A_303 = arith.constant 6 : i32
        %scan3A_304 = arith.addi %scan3A_197, %scan3A_303 : i32
        %mul3A_305 = arith.constant 16 : i32
        %mul3A_306 = arith.muli %scan3A_304, %mul3A_305 : i32
        %get3A_307 = arith.index_cast %rem3A_119 : i32 to index
        %get3A_308 = arith.index_cast %select_n3A_189 : i32 to index
        %get3A_309 = arith.index_cast %mul3A_306 : i32 to index
        %get3A_310 = tpu.vector_load %arg4[%get3A_307, %get3A_308, %get3A_309] {strides = array<i32>} : memref<4x56x512xf32, #tpu.memory_space<vmem>>, vector<16xf32>,
        %mul3A_311 = arith.constant 2560 : i32
        %mul3A_312 = arith.muli %rem3A_119, %mul3A_311 : i32
        %add3A_313 = arith.constant 1024 : i32
        %add3A_314 = arith.addi %mul3A_312, %add3A_313 : i32
        %mul3A_315 = arith.constant 16 : i32
        %mul3A_316 = arith.muli %scan3A_304, %mul3A_315 : i32
        %add3A_317 = arith.addi %add3A_314, %mul3A_316 : i32
        %swap3A_318 = arith.index_cast %add3A_317 : i32 to index
        %swap3A_319 = tpu.vector_load %arg5[%swap3A_318] {strides = array<i32>} : memref<10240xf32, #tpu.memory_space<vmem>>, vector<16xf32>,
        tpu.vector_store %arg5[%swap3A_318], %get3A_310 {strides = array<i32>} : memref<10240xf32, #tpu.memory_space<vmem>>, vector<16xf32>,
        %scan3A_320 = arith.constant 0 : i32
        %scan3A_321 = arith.constant 7 : i32
        %scan3A_322 = arith.addi %scan3A_197, %scan3A_321 : i32
        %mul3A_323 = arith.constant 16 : i32
        %mul3A_324 = arith.muli %scan3A_322, %mul3A_323 : i32
        %get3A_325 = arith.index_cast %rem3A_119 : i32 to index
        %get3A_326 = arith.index_cast %select_n3A_189 : i32 to index
        %get3A_327 = arith.index_cast %mul3A_324 : i32 to index
        %get3A_328 = tpu.vector_load %arg4[%get3A_325, %get3A_326, %get3A_327] {strides = array<i32>} : memref<4x56x512xf32, #tpu.memory_space<vmem>>, vector<16xf32>,
        %mul3A_329 = arith.constant 2560 : i32
        %mul3A_330 = arith.muli %rem3A_119, %mul3A_329 : i32
        %add3A_331 = arith.constant 1024 : i32
        %add3A_332 = arith.addi %mul3A_330, %add3A_331 : i32
        %mul3A_333 = arith.constant 16 : i32
        %mul3A_334 = arith.muli %scan3A_322, %mul3A_333 : i32
        %add3A_335 = arith.addi %add3A_332, %mul3A_334 : i32
        %swap3A_336 = arith.index_cast %add3A_335 : i32 to index
        %swap3A_337 = tpu.vector_load %arg5[%swap3A_336] {strides = array<i32>} : memref<10240xf32, #tpu.memory_space<vmem>>, vector<16xf32>,
        tpu.vector_store %arg5[%swap3A_336], %get3A_328 {strides = array<i32>} : memref<10240xf32, #tpu.memory_space<vmem>>, vector<16xf32>,
        %scan3A_338 = arith.constant 0 : i32
        scf.yield %scan3A_338 : i32
      }
      %scan3A_196 = arith.constant 32 : i32
    } else {
    }
    %gt3A_135 = arith.constant 3 : i32
    %gt3A_136 = arith.cmpi sgt, %select_n3A_60, %gt3A_135 : i32
    %convert_element_type3A_137 = arith.extui %gt3A_136 : i1 to i32
    %cond3A_138 = arith.constant 0 : i32
    %cond3A_139 = arith.cmpi ne, %convert_element_type3A_137, %cond3A_138 : i32
    scf.if %cond3A_139 {
      %eq3A_177 = arith.constant 2 : i32
      %eq3A_178 = arith.cmpi eq, %select_n3A_30, %eq3A_177 : i32
      %jit3A_179 = arith.constant 0 : i32
      %jit3A_180 = arith.constant 0 : i32
      %select_n3A_181 = arith.select %eq3A_178, %jit3A_179, %jit3A_180 : i32
      %eq3A_182 = arith.constant 1 : i32
      %eq3A_183 = arith.cmpi eq, %select_n3A_30, %eq3A_182 : i32
      %jit3A_184 = arith.constant 41 : i32
      %select_n3A_185 = arith.select %eq3A_183, %jit3A_184, %select_n3A_181 : i32
      %eq3A_186 = arith.constant 0 : i32
      %eq3A_187 = arith.cmpi eq, %select_n3A_30, %eq3A_186 : i32
      %jit3A_188 = arith.constant 0 : i32
      %select_n3A_189 = arith.select %eq3A_187, %jit3A_188, %select_n3A_185 : i32
      %scan3A_190 = arith.constant 0 : i32
      %scan3A_191 = arith.constant 0 : i32
      %scan3A_192 = arith.constant 32 : i32
      %scan3A_193 = arith.addi %scan3A_191, %scan3A_192 : i32
      %scan3A_194 = arith.constant 8 : i32
      %scan3A_195 = scf.for %scan3A_197 = %scan3A_191 to %scan3A_193 step %scan3A_194 iter_args(%scan3A_198 = %scan3A_190) -> (i32)  : i32 {
        %mul3A_199 = arith.constant 16 : i32
        %mul3A_200 = arith.muli %scan3A_197, %mul3A_199 : i32
        %get3A = arith.index_cast %rem3A_119 : i32 to index
        %get3A_201 = arith.index_cast %select_n3A_189 : i32 to index
        %get3A_202 = arith.index_cast %mul3A_200 : i32 to index
        %get3A_203 = tpu.vector_load %arg4[%get3A, %get3A_201, %get3A_202] {strides = array<i32>} : memref<4x56x512xf32, #tpu.memory_space<vmem>>, vector<16xf32>,
        %mul3A_204 = arith.constant 2560 : i32
        %mul3A_205 = arith.muli %rem3A_119, %mul3A_204 : i32
        %add3A_206 = arith.constant 1536 : i32
        %add3A_207 = arith.addi %mul3A_205, %add3A_206 : i32
        %mul3A_208 = arith.constant 16 : i32
        %mul3A_209 = arith.muli %scan3A_197, %mul3A_208 : i32
        %add3A_210 = arith.addi %add3A_207, %mul3A_209 : i32
        %swap3A = arith.index_cast %add3A_210 : i32 to index
        %swap3A_211 = tpu.vector_load %arg5[%swap3A] {strides = array<i32>} : memref<10240xf32, #tpu.memory_space<vmem>>, vector<16xf32>,
        tpu.vector_store %arg5[%swap3A], %get3A_203 {strides = array<i32>} : memref<10240xf32, #tpu.memory_space<vmem>>, vector<16xf32>,
        %scan3A_212 = arith.constant 0 : i32
        %scan3A_213 = arith.constant 1 : i32
        %scan3A_214 = arith.addi %scan3A_197, %scan3A_213 : i32
        %mul3A_215 = arith.constant 16 : i32
        %mul3A_216 = arith.muli %scan3A_214, %mul3A_215 : i32
        %get3A_217 = arith.index_cast %rem3A_119 : i32 to index
        %get3A_218 = arith.index_cast %select_n3A_189 : i32 to index
        %get3A_219 = arith.index_cast %mul3A_216 : i32 to index
        %get3A_220 = tpu.vector_load %arg4[%get3A_217, %get3A_218, %get3A_219] {strides = array<i32>} : memref<4x56x512xf32, #tpu.memory_space<vmem>>, vector<16xf32>,
        %mul3A_221 = arith.constant 2560 : i32
        %mul3A_222 = arith.muli %rem3A_119, %mul3A_221 : i32
        %add3A_223 = arith.constant 1536 : i32
        %add3A_224 = arith.addi %mul3A_222, %add3A_223 : i32
        %mul3A_225 = arith.constant 16 : i32
        %mul3A_226 = arith.muli %scan3A_214, %mul3A_225 : i32
        %add3A_227 = arith.addi %add3A_224, %mul3A_226 : i32
        %swap3A_228 = arith.index_cast %add3A_227 : i32 to index
        %swap3A_229 = tpu.vector_load %arg5[%swap3A_228] {strides = array<i32>} : memref<10240xf32, #tpu.memory_space<vmem>>, vector<16xf32>,
        tpu.vector_store %arg5[%swap3A_228], %get3A_220 {strides = array<i32>} : memref<10240xf32, #tpu.memory_space<vmem>>, vector<16xf32>,
        %scan3A_230 = arith.constant 0 : i32
        %scan3A_231 = arith.constant 2 : i32
        %scan3A_232 = arith.addi %scan3A_197, %scan3A_231 : i32
        %mul3A_233 = arith.constant 16 : i32
        %mul3A_234 = arith.muli %scan3A_232, %mul3A_233 : i32
        %get3A_235 = arith.index_cast %rem3A_119 : i32 to index
        %get3A_236 = arith.index_cast %select_n3A_189 : i32 to index
        %get3A_237 = arith.index_cast %mul3A_234 : i32 to index
        %get3A_238 = tpu.vector_load %arg4[%get3A_235, %get3A_236, %get3A_237] {strides = array<i32>} : memref<4x56x512xf32, #tpu.memory_space<vmem>>, vector<16xf32>,
        %mul3A_239 = arith.constant 2560 : i32
        %mul3A_240 = arith.muli %rem3A_119, %mul3A_239 : i32
        %add3A_241 = arith.constant 1536 : i32
        %add3A_242 = arith.addi %mul3A_240, %add3A_241 : i32
        %mul3A_243 = arith.constant 16 : i32
        %mul3A_244 = arith.muli %scan3A_232, %mul3A_243 : i32
        %add3A_245 = arith.addi %add3A_242, %mul3A_244 : i32
        %swap3A_246 = arith.index_cast %add3A_245 : i32 to index
        %swap3A_247 = tpu.vector_load %arg5[%swap3A_246] {strides = array<i32>} : memref<10240xf32, #tpu.memory_space<vmem>>, vector<16xf32>,
        tpu.vector_store %arg5[%swap3A_246], %get3A_238 {strides = array<i32>} : memref<10240xf32, #tpu.memory_space<vmem>>, vector<16xf32>,
        %scan3A_248 = arith.constant 0 : i32
        %scan3A_249 = arith.constant 3 : i32
        %scan3A_250 = arith.addi %scan3A_197, %scan3A_249 : i32
        %mul3A_251 = arith.constant 16 : i32
        %mul3A_252 = arith.muli %scan3A_250, %mul3A_251 : i32
        %get3A_253 = arith.index_cast %rem3A_119 : i32 to index
        %get3A_254 = arith.index_cast %select_n3A_189 : i32 to index
        %get3A_255 = arith.index_cast %mul3A_252 : i32 to index
        %get3A_256 = tpu.vector_load %arg4[%get3A_253, %get3A_254, %get3A_255] {strides = array<i32>} : memref<4x56x512xf32, #tpu.memory_space<vmem>>, vector<16xf32>,
        %mul3A_257 = arith.constant 2560 : i32
        %mul3A_258 = arith.muli %rem3A_119, %mul3A_257 : i32
        %add3A_259 = arith.constant 1536 : i32
        %add3A_260 = arith.addi %mul3A_258, %add3A_259 : i32
        %mul3A_261 = arith.constant 16 : i32
        %mul3A_262 = arith.muli %scan3A_250, %mul3A_261 : i32
        %add3A_263 = arith.addi %add3A_260, %mul3A_262 : i32
        %swap3A_264 = arith.index_cast %add3A_263 : i32 to index
        %swap3A_265 = tpu.vector_load %arg5[%swap3A_264] {strides = array<i32>} : memref<10240xf32, #tpu.memory_space<vmem>>, vector<16xf32>,
        tpu.vector_store %arg5[%swap3A_264], %get3A_256 {strides = array<i32>} : memref<10240xf32, #tpu.memory_space<vmem>>, vector<16xf32>,
        %scan3A_266 = arith.constant 0 : i32
        %scan3A_267 = arith.constant 4 : i32
        %scan3A_268 = arith.addi %scan3A_197, %scan3A_267 : i32
        %mul3A_269 = arith.constant 16 : i32
        %mul3A_270 = arith.muli %scan3A_268, %mul3A_269 : i32
        %get3A_271 = arith.index_cast %rem3A_119 : i32 to index
        %get3A_272 = arith.index_cast %select_n3A_189 : i32 to index
        %get3A_273 = arith.index_cast %mul3A_270 : i32 to index
        %get3A_274 = tpu.vector_load %arg4[%get3A_271, %get3A_272, %get3A_273] {strides = array<i32>} : memref<4x56x512xf32, #tpu.memory_space<vmem>>, vector<16xf32>,
        %mul3A_275 = arith.constant 2560 : i32
        %mul3A_276 = arith.muli %rem3A_119, %mul3A_275 : i32
        %add3A_277 = arith.constant 1536 : i32
        %add3A_278 = arith.addi %mul3A_276, %add3A_277 : i32
        %mul3A_279 = arith.constant 16 : i32
        %mul3A_280 = arith.muli %scan3A_268, %mul3A_279 : i32
        %add3A_281 = arith.addi %add3A_278, %mul3A_280 : i32
        %swap3A_282 = arith.index_cast %add3A_281 : i32 to index
        %swap3A_283 = tpu.vector_load %arg5[%swap3A_282] {strides = array<i32>} : memref<10240xf32, #tpu.memory_space<vmem>>, vector<16xf32>,
        tpu.vector_store %arg5[%swap3A_282], %get3A_274 {strides = array<i32>} : memref<10240xf32, #tpu.memory_space<vmem>>, vector<16xf32>,
        %scan3A_284 = arith.constant 0 : i32
        %scan3A_285 = arith.constant 5 : i32
        %scan3A_286 = arith.addi %scan3A_197, %scan3A_285 : i32
        %mul3A_287 = arith.constant 16 : i32
        %mul3A_288 = arith.muli %scan3A_286, %mul3A_287 : i32
        %get3A_289 = arith.index_cast %rem3A_119 : i32 to index
        %get3A_290 = arith.index_cast %select_n3A_189 : i32 to index
        %get3A_291 = arith.index_cast %mul3A_288 : i32 to index
        %get3A_292 = tpu.vector_load %arg4[%get3A_289, %get3A_290, %get3A_291] {strides = array<i32>} : memref<4x56x512xf32, #tpu.memory_space<vmem>>, vector<16xf32>,
        %mul3A_293 = arith.constant 2560 : i32
        %mul3A_294 = arith.muli %rem3A_119, %mul3A_293 : i32
        %add3A_295 = arith.constant 1536 : i32
        %add3A_296 = arith.addi %mul3A_294, %add3A_295 : i32
        %mul3A_297 = arith.constant 16 : i32
        %mul3A_298 = arith.muli %scan3A_286, %mul3A_297 : i32
        %add3A_299 = arith.addi %add3A_296, %mul3A_298 : i32
        %swap3A_300 = arith.index_cast %add3A_299 : i32 to index
        %swap3A_301 = tpu.vector_load %arg5[%swap3A_300] {strides = array<i32>} : memref<10240xf32, #tpu.memory_space<vmem>>, vector<16xf32>,
        tpu.vector_store %arg5[%swap3A_300], %get3A_292 {strides = array<i32>} : memref<10240xf32, #tpu.memory_space<vmem>>, vector<16xf32>,
        %scan3A_302 = arith.constant 0 : i32
        %scan3A_303 = arith.constant 6 : i32
        %scan3A_304 = arith.addi %scan3A_197, %scan3A_303 : i32
        %mul3A_305 = arith.constant 16 : i32
        %mul3A_306 = arith.muli %scan3A_304, %mul3A_305 : i32
        %get3A_307 = arith.index_cast %rem3A_119 : i32 to index
        %get3A_308 = arith.index_cast %select_n3A_189 : i32 to index
        %get3A_309 = arith.index_cast %mul3A_306 : i32 to index
        %get3A_310 = tpu.vector_load %arg4[%get3A_307, %get3A_308, %get3A_309] {strides = array<i32>} : memref<4x56x512xf32, #tpu.memory_space<vmem>>, vector<16xf32>,
        %mul3A_311 = arith.constant 2560 : i32
        %mul3A_312 = arith.muli %rem3A_119, %mul3A_311 : i32
        %add3A_313 = arith.constant 1536 : i32
        %add3A_314 = arith.addi %mul3A_312, %add3A_313 : i32
        %mul3A_315 = arith.constant 16 : i32
        %mul3A_316 = arith.muli %scan3A_304, %mul3A_315 : i32
        %add3A_317 = arith.addi %add3A_314, %mul3A_316 : i32
        %swap3A_318 = arith.index_cast %add3A_317 : i32 to index
        %swap3A_319 = tpu.vector_load %arg5[%swap3A_318] {strides = array<i32>} : memref<10240xf32, #tpu.memory_space<vmem>>, vector<16xf32>,
        tpu.vector_store %arg5[%swap3A_318], %get3A_310 {strides = array<i32>} : memref<10240xf32, #tpu.memory_space<vmem>>, vector<16xf32>,
        %scan3A_320 = arith.constant 0 : i32
        %scan3A_321 = arith.constant 7 : i32
        %scan3A_322 = arith.addi %scan3A_197, %scan3A_321 : i32
        %mul3A_323 = arith.constant 16 : i32
        %mul3A_324 = arith.muli %scan3A_322, %mul3A_323 : i32
        %get3A_325 = arith.index_cast %rem3A_119 : i32 to index
        %get3A_326 = arith.index_cast %select_n3A_189 : i32 to index
        %get3A_327 = arith.index_cast %mul3A_324 : i32 to index
        %get3A_328 = tpu.vector_load %arg4[%get3A_325, %get3A_326, %get3A_327] {strides = array<i32>} : memref<4x56x512xf32, #tpu.memory_space<vmem>>, vector<16xf32>,
        %mul3A_329 = arith.constant 2560 : i32
        %mul3A_330 = arith.muli %rem3A_119, %mul3A_329 : i32
        %add3A_331 = arith.constant 1536 : i32
        %add3A_332 = arith.addi %mul3A_330, %add3A_331 : i32
        %mul3A_333 = arith.constant 16 : i32
        %mul3A_334 = arith.muli %scan3A_322, %mul3A_333 : i32
        %add3A_335 = arith.addi %add3A_332, %mul3A_334 : i32
        %swap3A_336 = arith.index_cast %add3A_335 : i32 to index
        %swap3A_337 = tpu.vector_load %arg5[%swap3A_336] {strides = array<i32>} : memref<10240xf32, #tpu.memory_space<vmem>>, vector<16xf32>,
        tpu.vector_store %arg5[%swap3A_336], %get3A_328 {strides = array<i32>} : memref<10240xf32, #tpu.memory_space<vmem>>, vector<16xf32>,
        %scan3A_338 = arith.constant 0 : i32
        scf.yield %scan3A_338 : i32
      }
      %scan3A_196 = arith.constant 32 : i32
    } else {
    }
    %gt3A_140 = arith.constant 4 : i32
    %gt3A_141 = arith.cmpi sgt, %select_n3A_60, %gt3A_140 : i32
    %convert_element_type3A_142 = arith.extui %gt3A_141 : i1 to i32
    %cond3A_143 = arith.constant 0 : i32
    %cond3A_144 = arith.cmpi ne, %convert_element_type3A_142, %cond3A_143 : i32
    scf.if %cond3A_144 {
      %eq3A_177 = arith.constant 2 : i32
      %eq3A_178 = arith.cmpi eq, %select_n3A_30, %eq3A_177 : i32
      %jit3A_179 = arith.constant 0 : i32
      %jit3A_180 = arith.constant 0 : i32
      %select_n3A_181 = arith.select %eq3A_178, %jit3A_179, %jit3A_180 : i32
      %eq3A_182 = arith.constant 1 : i32
      %eq3A_183 = arith.cmpi eq, %select_n3A_30, %eq3A_182 : i32
      %jit3A_184 = arith.constant 55 : i32
      %select_n3A_185 = arith.select %eq3A_183, %jit3A_184, %select_n3A_181 : i32
      %eq3A_186 = arith.constant 0 : i32
      %eq3A_187 = arith.cmpi eq, %select_n3A_30, %eq3A_186 : i32
      %jit3A_188 = arith.constant 0 : i32
      %select_n3A_189 = arith.select %eq3A_187, %jit3A_188, %select_n3A_185 : i32
      %scan3A_190 = arith.constant 0 : i32
      %scan3A_191 = arith.constant 0 : i32
      %scan3A_192 = arith.constant 32 : i32
      %scan3A_193 = arith.addi %scan3A_191, %scan3A_192 : i32
      %scan3A_194 = arith.constant 8 : i32
      %scan3A_195 = scf.for %scan3A_197 = %scan3A_191 to %scan3A_193 step %scan3A_194 iter_args(%scan3A_198 = %scan3A_190) -> (i32)  : i32 {
        %mul3A_199 = arith.constant 16 : i32
        %mul3A_200 = arith.muli %scan3A_197, %mul3A_199 : i32
        %get3A = arith.index_cast %rem3A_119 : i32 to index
        %get3A_201 = arith.index_cast %select_n3A_189 : i32 to index
        %get3A_202 = arith.index_cast %mul3A_200 : i32 to index
        %get3A_203 = tpu.vector_load %arg4[%get3A, %get3A_201, %get3A_202] {strides = array<i32>} : memref<4x56x512xf32, #tpu.memory_space<vmem>>, vector<16xf32>,
        %mul3A_204 = arith.constant 2560 : i32
        %mul3A_205 = arith.muli %rem3A_119, %mul3A_204 : i32
        %add3A_206 = arith.constant 2048 : i32
        %add3A_207 = arith.addi %mul3A_205, %add3A_206 : i32
        %mul3A_208 = arith.constant 16 : i32
        %mul3A_209 = arith.muli %scan3A_197, %mul3A_208 : i32
        %add3A_210 = arith.addi %add3A_207, %mul3A_209 : i32
        %swap3A = arith.index_cast %add3A_210 : i32 to index
        %swap3A_211 = tpu.vector_load %arg5[%swap3A] {strides = array<i32>} : memref<10240xf32, #tpu.memory_space<vmem>>, vector<16xf32>,
        tpu.vector_store %arg5[%swap3A], %get3A_203 {strides = array<i32>} : memref<10240xf32, #tpu.memory_space<vmem>>, vector<16xf32>,
        %scan3A_212 = arith.constant 0 : i32
        %scan3A_213 = arith.constant 1 : i32
        %scan3A_214 = arith.addi %scan3A_197, %scan3A_213 : i32
        %mul3A_215 = arith.constant 16 : i32
        %mul3A_216 = arith.muli %scan3A_214, %mul3A_215 : i32
        %get3A_217 = arith.index_cast %rem3A_119 : i32 to index
        %get3A_218 = arith.index_cast %select_n3A_189 : i32 to index
        %get3A_219 = arith.index_cast %mul3A_216 : i32 to index
        %get3A_220 = tpu.vector_load %arg4[%get3A_217, %get3A_218, %get3A_219] {strides = array<i32>} : memref<4x56x512xf32, #tpu.memory_space<vmem>>, vector<16xf32>,
        %mul3A_221 = arith.constant 2560 : i32
        %mul3A_222 = arith.muli %rem3A_119, %mul3A_221 : i32
        %add3A_223 = arith.constant 2048 : i32
        %add3A_224 = arith.addi %mul3A_222, %add3A_223 : i32
        %mul3A_225 = arith.constant 16 : i32
        %mul3A_226 = arith.muli %scan3A_214, %mul3A_225 : i32
        %add3A_227 = arith.addi %add3A_224, %mul3A_226 : i32
        %swap3A_228 = arith.index_cast %add3A_227 : i32 to index
        %swap3A_229 = tpu.vector_load %arg5[%swap3A_228] {strides = array<i32>} : memref<10240xf32, #tpu.memory_space<vmem>>, vector<16xf32>,
        tpu.vector_store %arg5[%swap3A_228], %get3A_220 {strides = array<i32>} : memref<10240xf32, #tpu.memory_space<vmem>>, vector<16xf32>,
        %scan3A_230 = arith.constant 0 : i32
        %scan3A_231 = arith.constant 2 : i32
        %scan3A_232 = arith.addi %scan3A_197, %scan3A_231 : i32
        %mul3A_233 = arith.constant 16 : i32
        %mul3A_234 = arith.muli %scan3A_232, %mul3A_233 : i32
        %get3A_235 = arith.index_cast %rem3A_119 : i32 to index
        %get3A_236 = arith.index_cast %select_n3A_189 : i32 to index
        %get3A_237 = arith.index_cast %mul3A_234 : i32 to index
        %get3A_238 = tpu.vector_load %arg4[%get3A_235, %get3A_236, %get3A_237] {strides = array<i32>} : memref<4x56x512xf32, #tpu.memory_space<vmem>>, vector<16xf32>,
        %mul3A_239 = arith.constant 2560 : i32
        %mul3A_240 = arith.muli %rem3A_119, %mul3A_239 : i32
        %add3A_241 = arith.constant 2048 : i32
        %add3A_242 = arith.addi %mul3A_240, %add3A_241 : i32
        %mul3A_243 = arith.constant 16 : i32
        %mul3A_244 = arith.muli %scan3A_232, %mul3A_243 : i32
        %add3A_245 = arith.addi %add3A_242, %mul3A_244 : i32
        %swap3A_246 = arith.index_cast %add3A_245 : i32 to index
        %swap3A_247 = tpu.vector_load %arg5[%swap3A_246] {strides = array<i32>} : memref<10240xf32, #tpu.memory_space<vmem>>, vector<16xf32>,
        tpu.vector_store %arg5[%swap3A_246], %get3A_238 {strides = array<i32>} : memref<10240xf32, #tpu.memory_space<vmem>>, vector<16xf32>,
        %scan3A_248 = arith.constant 0 : i32
        %scan3A_249 = arith.constant 3 : i32
        %scan3A_250 = arith.addi %scan3A_197, %scan3A_249 : i32
        %mul3A_251 = arith.constant 16 : i32
        %mul3A_252 = arith.muli %scan3A_250, %mul3A_251 : i32
        %get3A_253 = arith.index_cast %rem3A_119 : i32 to index
        %get3A_254 = arith.index_cast %select_n3A_189 : i32 to index
        %get3A_255 = arith.index_cast %mul3A_252 : i32 to index
        %get3A_256 = tpu.vector_load %arg4[%get3A_253, %get3A_254, %get3A_255] {strides = array<i32>} : memref<4x56x512xf32, #tpu.memory_space<vmem>>, vector<16xf32>,
        %mul3A_257 = arith.constant 2560 : i32
        %mul3A_258 = arith.muli %rem3A_119, %mul3A_257 : i32
        %add3A_259 = arith.constant 2048 : i32
        %add3A_260 = arith.addi %mul3A_258, %add3A_259 : i32
        %mul3A_261 = arith.constant 16 : i32
        %mul3A_262 = arith.muli %scan3A_250, %mul3A_261 : i32
        %add3A_263 = arith.addi %add3A_260, %mul3A_262 : i32
        %swap3A_264 = arith.index_cast %add3A_263 : i32 to index
        %swap3A_265 = tpu.vector_load %arg5[%swap3A_264] {strides = array<i32>} : memref<10240xf32, #tpu.memory_space<vmem>>, vector<16xf32>,
        tpu.vector_store %arg5[%swap3A_264], %get3A_256 {strides = array<i32>} : memref<10240xf32, #tpu.memory_space<vmem>>, vector<16xf32>,
        %scan3A_266 = arith.constant 0 : i32
        %scan3A_267 = arith.constant 4 : i32
        %scan3A_268 = arith.addi %scan3A_197, %scan3A_267 : i32
        %mul3A_269 = arith.constant 16 : i32
        %mul3A_270 = arith.muli %scan3A_268, %mul3A_269 : i32
        %get3A_271 = arith.index_cast %rem3A_119 : i32 to index
        %get3A_272 = arith.index_cast %select_n3A_189 : i32 to index
        %get3A_273 = arith.index_cast %mul3A_270 : i32 to index
        %get3A_274 = tpu.vector_load %arg4[%get3A_271, %get3A_272, %get3A_273] {strides = array<i32>} : memref<4x56x512xf32, #tpu.memory_space<vmem>>, vector<16xf32>,
        %mul3A_275 = arith.constant 2560 : i32
        %mul3A_276 = arith.muli %rem3A_119, %mul3A_275 : i32
        %add3A_277 = arith.constant 2048 : i32
        %add3A_278 = arith.addi %mul3A_276, %add3A_277 : i32
        %mul3A_279 = arith.constant 16 : i32
        %mul3A_280 = arith.muli %scan3A_268, %mul3A_279 : i32
        %add3A_281 = arith.addi %add3A_278, %mul3A_280 : i32
        %swap3A_282 = arith.index_cast %add3A_281 : i32 to index
        %swap3A_283 = tpu.vector_load %arg5[%swap3A_282] {strides = array<i32>} : memref<10240xf32, #tpu.memory_space<vmem>>, vector<16xf32>,
        tpu.vector_store %arg5[%swap3A_282], %get3A_274 {strides = array<i32>} : memref<10240xf32, #tpu.memory_space<vmem>>, vector<16xf32>,
        %scan3A_284 = arith.constant 0 : i32
        %scan3A_285 = arith.constant 5 : i32
        %scan3A_286 = arith.addi %scan3A_197, %scan3A_285 : i32
        %mul3A_287 = arith.constant 16 : i32
        %mul3A_288 = arith.muli %scan3A_286, %mul3A_287 : i32
        %get3A_289 = arith.index_cast %rem3A_119 : i32 to index
        %get3A_290 = arith.index_cast %select_n3A_189 : i32 to index
        %get3A_291 = arith.index_cast %mul3A_288 : i32 to index
        %get3A_292 = tpu.vector_load %arg4[%get3A_289, %get3A_290, %get3A_291] {strides = array<i32>} : memref<4x56x512xf32, #tpu.memory_space<vmem>>, vector<16xf32>,
        %mul3A_293 = arith.constant 2560 : i32
        %mul3A_294 = arith.muli %rem3A_119, %mul3A_293 : i32
        %add3A_295 = arith.constant 2048 : i32
        %add3A_296 = arith.addi %mul3A_294, %add3A_295 : i32
        %mul3A_297 = arith.constant 16 : i32
        %mul3A_298 = arith.muli %scan3A_286, %mul3A_297 : i32
        %add3A_299 = arith.addi %add3A_296, %mul3A_298 : i32
        %swap3A_300 = arith.index_cast %add3A_299 : i32 to index
        %swap3A_301 = tpu.vector_load %arg5[%swap3A_300] {strides = array<i32>} : memref<10240xf32, #tpu.memory_space<vmem>>, vector<16xf32>,
        tpu.vector_store %arg5[%swap3A_300], %get3A_292 {strides = array<i32>} : memref<10240xf32, #tpu.memory_space<vmem>>, vector<16xf32>,
        %scan3A_302 = arith.constant 0 : i32
        %scan3A_303 = arith.constant 6 : i32
        %scan3A_304 = arith.addi %scan3A_197, %scan3A_303 : i32
        %mul3A_305 = arith.constant 16 : i32
        %mul3A_306 = arith.muli %scan3A_304, %mul3A_305 : i32
        %get3A_307 = arith.index_cast %rem3A_119 : i32 to index
        %get3A_308 = arith.index_cast %select_n3A_189 : i32 to index
        %get3A_309 = arith.index_cast %mul3A_306 : i32 to index
        %get3A_310 = tpu.vector_load %arg4[%get3A_307, %get3A_308, %get3A_309] {strides = array<i32>} : memref<4x56x512xf32, #tpu.memory_space<vmem>>, vector<16xf32>,
        %mul3A_311 = arith.constant 2560 : i32
        %mul3A_312 = arith.muli %rem3A_119, %mul3A_311 : i32
        %add3A_313 = arith.constant 2048 : i32
        %add3A_314 = arith.addi %mul3A_312, %add3A_313 : i32
        %mul3A_315 = arith.constant 16 : i32
        %mul3A_316 = arith.muli %scan3A_304, %mul3A_315 : i32
        %add3A_317 = arith.addi %add3A_314, %mul3A_316 : i32
        %swap3A_318 = arith.index_cast %add3A_317 : i32 to index
        %swap3A_319 = tpu.vector_load %arg5[%swap3A_318] {strides = array<i32>} : memref<10240xf32, #tpu.memory_space<vmem>>, vector<16xf32>,
        tpu.vector_store %arg5[%swap3A_318], %get3A_310 {strides = array<i32>} : memref<10240xf32, #tpu.memory_space<vmem>>, vector<16xf32>,
        %scan3A_320 = arith.constant 0 : i32
        %scan3A_321 = arith.constant 7 : i32
        %scan3A_322 = arith.addi %scan3A_197, %scan3A_321 : i32
        %mul3A_323 = arith.constant 16 : i32
        %mul3A_324 = arith.muli %scan3A_322, %mul3A_323 : i32
        %get3A_325 = arith.index_cast %rem3A_119 : i32 to index
        %get3A_326 = arith.index_cast %select_n3A_189 : i32 to index
        %get3A_327 = arith.index_cast %mul3A_324 : i32 to index
        %get3A_328 = tpu.vector_load %arg4[%get3A_325, %get3A_326, %get3A_327] {strides = array<i32>} : memref<4x56x512xf32, #tpu.memory_space<vmem>>, vector<16xf32>,
        %mul3A_329 = arith.constant 2560 : i32
        %mul3A_330 = arith.muli %rem3A_119, %mul3A_329 : i32
        %add3A_331 = arith.constant 2048 : i32
        %add3A_332 = arith.addi %mul3A_330, %add3A_331 : i32
        %mul3A_333 = arith.constant 16 : i32
        %mul3A_334 = arith.muli %scan3A_322, %mul3A_333 : i32
        %add3A_335 = arith.addi %add3A_332, %mul3A_334 : i32
        %swap3A_336 = arith.index_cast %add3A_335 : i32 to index
        %swap3A_337 = tpu.vector_load %arg5[%swap3A_336] {strides = array<i32>} : memref<10240xf32, #tpu.memory_space<vmem>>, vector<16xf32>,
        tpu.vector_store %arg5[%swap3A_336], %get3A_328 {strides = array<i32>} : memref<10240xf32, #tpu.memory_space<vmem>>, vector<16xf32>,
        %scan3A_338 = arith.constant 0 : i32
        scf.yield %scan3A_338 : i32
      }
      %scan3A_196 = arith.constant 32 : i32
    } else {
    }
    %eq3A_145 = arith.constant 0 : i32
    %eq3A_146 = arith.cmpi eq, %select_n3A_9, %eq3A_145 : i32
    %convert_element_type3A_147 = arith.extui %eq3A_146 : i1 to i32
    %cond3A_148 = arith.constant 0 : i32
    %cond3A_149 = arith.cmpi ne, %convert_element_type3A_147, %cond3A_148 : i32
    scf.if %cond3A_149 {
      %while3A = arith.constant 0 : i32
      %while3A_177 = arith.subi %select_n3A_60, %select_n3A_47 : i32
      %while3A_178 = arith.addi %select_n3A_47, %while3A_177 : i32
      %while3A_179 = arith.constant 1 : i32
      %while3A_180 = arith.divsi %while3A_177, %while3A_179 : i32
      %while3A_181 = arith.muli %while3A_180, %while3A_179 : i32
      %while3A_182 = arith.addi %select_n3A_47, %while3A_181 : i32
      %while3A_183 = arith.constant 1 : i32
      %while3A_184 = scf.for %while3A_199 = %select_n3A_47 to %while3A_182 step %while3A_183 iter_args(%while3A_200 = %while3A) -> (i32)  : i32 {
        %scan3A_201 = arith.constant 0 : i32
        %scan3A_202 = arith.constant 0 : i32
        %scan3A_203 = arith.constant 32 : i32
        %scan3A_204 = arith.addi %scan3A_202, %scan3A_203 : i32
        %scan3A_205 = arith.constant 1 : i32
        %scan3A_206 = scf.for %scan3A_209 = %scan3A_202 to %scan3A_204 step %scan3A_205 iter_args(%scan3A_210 = %scan3A_201) -> (i32)  : i32 {
          %mul3A_211 = arith.constant 512 : i32
          %mul3A_212 = arith.muli %while3A_199, %mul3A_211 : i32
          %mul3A_213 = arith.constant 16 : i32
          %mul3A_214 = arith.muli %scan3A_209, %mul3A_213 : i32
          %add3A_215 = arith.addi %mul3A_212, %mul3A_214 : i32
          %sub3A_216 = arith.constant 1 : i32
          %sub3A_217 = arith.subi %add3A_215, %sub3A_216 : i32
          %add3A_218 = vector.broadcast %sub3A_217 : i32 to vector<16xi32>
          %add3A_219 = arith.addi %iota3A, %add3A_218 : vector<16xi32>
          %gather3A = tpu.vector_load_idx %arg5[%add3A_219] : memref<10240xf32, #tpu.memory_space<vmem>>[vector<16xi32>], vector<16xf32>,
          %mul3A_220 = arith.constant 512 : i32
          %mul3A_221 = arith.muli %while3A_199, %mul3A_220 : i32
          %add3A_222 = arith.constant 7680 : i32
          %add3A_223 = arith.addi %add3A_222, %mul3A_221 : i32
          %mul3A_224 = arith.constant 16 : i32
          %mul3A_225 = arith.muli %scan3A_209, %mul3A_224 : i32
          %add3A_226 = arith.addi %add3A_223, %mul3A_225 : i32
          %swap3A = arith.index_cast %add3A_226 : i32 to index
          %swap3A_227 = tpu.vector_load %arg5[%swap3A] {strides = array<i32>} : memref<10240xf32, #tpu.memory_space<vmem>>, vector<16xf32>,
          tpu.vector_store %arg5[%swap3A], %gather3A {strides = array<i32>} : memref<10240xf32, #tpu.memory_space<vmem>>, vector<16xf32>,
          %scan3A_228 = arith.constant 0 : i32
          scf.yield %scan3A_228 : i32
        }
        %scan3A_207 = arith.constant 32 : i32
        %while3A_208 = arith.constant 0 : i32
        scf.yield %while3A_208 : i32
      }
      %while3A_185 = arith.constant 1 : i32
      %while3A_186 = scf.for %while3A_199 = %while3A_182 to %while3A_178 step %while3A_185 iter_args(%while3A_200 = %while3A_184) -> (i32)  : i32 {
        %scan3A_201 = arith.constant 0 : i32
        %scan3A_202 = arith.constant 0 : i32
        %scan3A_203 = arith.constant 32 : i32
        %scan3A_204 = arith.addi %scan3A_202, %scan3A_203 : i32
        %scan3A_205 = arith.constant 1 : i32
        %scan3A_206 = scf.for %scan3A_209 = %scan3A_202 to %scan3A_204 step %scan3A_205 iter_args(%scan3A_210 = %scan3A_201) -> (i32)  : i32 {
          %mul3A_211 = arith.constant 512 : i32
          %mul3A_212 = arith.muli %while3A_199, %mul3A_211 : i32
          %mul3A_213 = arith.constant 16 : i32
          %mul3A_214 = arith.muli %scan3A_209, %mul3A_213 : i32
          %add3A_215 = arith.addi %mul3A_212, %mul3A_214 : i32
          %sub3A_216 = arith.constant 1 : i32
          %sub3A_217 = arith.subi %add3A_215, %sub3A_216 : i32
          %add3A_218 = vector.broadcast %sub3A_217 : i32 to vector<16xi32>
          %add3A_219 = arith.addi %iota3A, %add3A_218 : vector<16xi32>
          %gather3A = tpu.vector_load_idx %arg5[%add3A_219] : memref<10240xf32, #tpu.memory_space<vmem>>[vector<16xi32>], vector<16xf32>,
          %mul3A_220 = arith.constant 512 : i32
          %mul3A_221 = arith.muli %while3A_199, %mul3A_220 : i32
          %add3A_222 = arith.constant 7680 : i32
          %add3A_223 = arith.addi %add3A_222, %mul3A_221 : i32
          %mul3A_224 = arith.constant 16 : i32
          %mul3A_225 = arith.muli %scan3A_209, %mul3A_224 : i32
          %add3A_226 = arith.addi %add3A_223, %mul3A_225 : i32
          %swap3A = arith.index_cast %add3A_226 : i32 to index
          %swap3A_227 = tpu.vector_load %arg5[%swap3A] {strides = array<i32>} : memref<10240xf32, #tpu.memory_space<vmem>>, vector<16xf32>,
          tpu.vector_store %arg5[%swap3A], %gather3A {strides = array<i32>} : memref<10240xf32, #tpu.memory_space<vmem>>, vector<16xf32>,
          %scan3A_228 = arith.constant 0 : i32
          scf.yield %scan3A_228 : i32
        }
        %scan3A_207 = arith.constant 32 : i32
        %while3A_208 = arith.constant 0 : i32
        scf.yield %while3A_208 : i32
      }
      %add3A_187 = vector.broadcast %select_n3A_47 : i32 to vector<16xi32>
      %add3A_188 = arith.addi %add3A_187, %iota3A : vector<16xi32>
      %mul3A_189 = arith.constant 512 : i32
      %mul3A_190 = vector.broadcast %mul3A_189 : i32 to vector<16xi32>
      %mul3A_191 = arith.muli %add3A_188, %mul3A_190 : vector<16xi32>
      %add3A_192 = arith.constant 7680 : i32
      %add3A_193 = vector.broadcast %add3A_192 : i32 to vector<16xi32>
      %add3A_194 = arith.addi %add3A_193, %mul3A_191 : vector<16xi32>
      %broadcast_in_dim3A = arith.constant 0.000000e+00 : f32
      %broadcast_in_dim3A_195 = vector.broadcast %broadcast_in_dim3A : f32 to vector<16xf32>
      %sub3A_196 = arith.subi %select_n3A_60, %select_n3A_47 : i32
      %lt3A_197 = vector.broadcast %sub3A_196 : i32 to vector<16xi32>
      %lt3A_198 = arith.cmpi slt, %iota3A, %lt3A_197 : vector<16xi32>
      tpu.vector_store_idx %arg5[%add3A_194], %broadcast_in_dim3A_195 masked %lt3A_198 : memref<10240xf32, #tpu.memory_space<vmem>>[vector<16xi32>], vector<16xf32>, vector<16xi1>
    } else {
    }
    %add3A_150 = arith.constant 64 : i32
    %add3A_151 = arith.addi %mul3A_32, %add3A_150 : i32
    %min3A = arith.constant 511 : i32
    %min3A_152 = arith.minsi %add3A_151, %min3A : i32
    %scan3A = arith.constant 0 : i32
    %scan3A_153 = arith.constant 0 : i32
    %scan3A_154 = arith.constant 64 : i32
    %scan3A_155 = arith.addi %scan3A_153, %scan3A_154 : i32
    %scan3A_156 = arith.constant 1 : i32
    %scan3A_157 = scf.for %scan3A_177 = %scan3A_153 to %scan3A_155 step %scan3A_156 iter_args(%scan3A_178 = %scan3A) -> (i32)  : i32 {
      %add3A_179 = arith.addi %mul3A_32, %scan3A_177 : i32
      %ge3A = arith.constant 1 : i32
      %ge3A_180 = arith.cmpi sge, %scan3A_177, %ge3A : i32
      %convert_element_type3A_181 = arith.extui %ge3A_180 : i1 to i32
      %cond3A_182 = arith.constant 0 : i32
      %cond3A_183 = arith.cmpi ne, %convert_element_type3A_181, %cond3A_182 : i32
      scf.if %cond3A_183 {
        %dma_wait3A_296 = arith.constant 0 : i32
        %dma_wait3A_297 = arith.constant 0 : i32
        %dma_wait3A_298 = arith.constant 0 : i32
        %dma_wait3A_299 = arith.constant 0 : i32
        %dma_wait3A_300 = tpu.memref_slice %arg4[%dma_wait3A_297, %dma_wait3A_298, %dma_wait3A_299] : memref<4x56x512xf32, #tpu.memory_space<vmem>> -> memref<1x56x512xf32, #tpu.memory_space<vmem>>
        %dma_wait3A_301 = tpu.memref_squeeze %dma_wait3A_300 : memref<1x56x512xf32, #tpu.memory_space<vmem>> -> memref<56x512xf32, #tpu.memory_space<vmem>>
        %dma_wait3A_302 = arith.constant 0 : i32
        %dma_wait3A_303 = arith.constant 0 : i32
        %dma_wait3A_304 = tpu.memref_slice %arg2[%dma_wait3A_296, %dma_wait3A_302, %dma_wait3A_303] : memref<512x224x512xf32, #tpu.memory_space<hbm>> -> memref<1x56x512xf32, #tpu.memory_space<hbm>>
        %dma_wait3A_305 = tpu.memref_squeeze %dma_wait3A_304 : memref<1x56x512xf32, #tpu.memory_space<hbm>> -> memref<56x512xf32, #tpu.memory_space<hbm>>
        %dma_wait3A_306 = arith.constant 0 : i32
        %dma_wait3A_307 = arith.constant 0 : i32
        %dma_wait3A_308 = tpu.memref_slice %arg4[%dma_wait3A_297, %dma_wait3A_306, %dma_wait3A_307] : memref<4x56x512xf32, #tpu.memory_space<vmem>> -> memref<1x56x512xf32, #tpu.memory_space<vmem>>
        %dma_wait3A_309 = tpu.memref_squeeze %dma_wait3A_308 : memref<1x56x512xf32, #tpu.memory_space<vmem>> -> memref<56x512xf32, #tpu.memory_space<vmem>>
        %dma_wait3A_310 = arith.constant 0 : i32
        %dma_wait3A_311 = arith.constant 0 : i32
        %dma_wait3A_312 = tpu.memref_slice %arg2[%dma_wait3A_296, %dma_wait3A_310, %dma_wait3A_311] : memref<512x224x512xf32, #tpu.memory_space<hbm>> -> memref<1x56x512xf32, #tpu.memory_space<hbm>>
        %dma_wait3A_313 = tpu.memref_squeeze %dma_wait3A_312 : memref<1x56x512xf32, #tpu.memory_space<hbm>> -> memref<56x512xf32, #tpu.memory_space<hbm>>
        tpu.wait_dma2 semaphore(%arg7 : memref<!tpu.dma_semaphore, #tpu.memory_space<semaphore_mem>>) src(%dma_wait3A_313 : memref<56x512xf32, #tpu.memory_space<hbm>>) dst(%dma_wait3A_309 : memref<56x512xf32, #tpu.memory_space<vmem>>)
      } else {
      }
      %add3A_184 = arith.constant 2 : i32
      %add3A_185 = arith.addi %add3A_179, %add3A_184 : i32
      %le3A = arith.cmpi sle, %add3A_185, %min3A_152 : i32
      %convert_element_type3A_186 = arith.extui %le3A : i1 to i32
      %cond3A_187 = arith.constant 0 : i32
      %cond3A_188 = arith.cmpi ne, %convert_element_type3A_186, %cond3A_187 : i32
      scf.if %cond3A_188 {
        %add3A_296 = arith.constant 2 : i32
        %add3A_297 = arith.addi %add3A_179, %add3A_296 : i32
        %rem3A_298 = arith.constant 4 : i32
        %rem3A_299 = arith.remsi %add3A_297, %rem3A_298 : i32
        %dma_start3A_300 = arith.constant 0 : i32
        %dma_start3A_301 = arith.constant 0 : i32
        %dma_start3A_302 = tpu.memref_slice %arg4[%rem3A_299, %dma_start3A_300, %dma_start3A_301] : memref<4x56x512xf32, #tpu.memory_space<vmem>> -> memref<1x56x512xf32, #tpu.memory_space<vmem>>
        %dma_start3A_303 = tpu.memref_squeeze %dma_start3A_302 : memref<1x56x512xf32, #tpu.memory_space<vmem>> -> memref<56x512xf32, #tpu.memory_space<vmem>>
        %dma_start3A_304 = arith.constant 0 : i32
        %dma_start3A_305 = tpu.memref_slice %arg2[%add3A_297, %mul3A_34, %dma_start3A_304] : memref<512x224x512xf32, #tpu.memory_space<hbm>> -> memref<1x56x512xf32, #tpu.memory_space<hbm>>
        %dma_start3A_306 = tpu.memref_squeeze %dma_start3A_305 : memref<1x56x512xf32, #tpu.memory_space<hbm>> -> memref<56x512xf32, #tpu.memory_space<hbm>>
        %dma_start3A_307 = arith.constant 0 : i32
        %dma_start3A_308 = arith.constant 0 : i32
        %dma_start3A_309 = tpu.memref_slice %arg4[%rem3A_299, %dma_start3A_307, %dma_start3A_308] : memref<4x56x512xf32, #tpu.memory_space<vmem>> -> memref<1x56x512xf32, #tpu.memory_space<vmem>>
        %dma_start3A_310 = tpu.memref_squeeze %dma_start3A_309 : memref<1x56x512xf32, #tpu.memory_space<vmem>> -> memref<56x512xf32, #tpu.memory_space<vmem>>
        %dma_start3A_311 = arith.constant 0 : i32
        %dma_start3A_312 = tpu.memref_slice %arg2[%add3A_297, %mul3A_34, %dma_start3A_311] : memref<512x224x512xf32, #tpu.memory_space<hbm>> -> memref<1x56x512xf32, #tpu.memory_space<hbm>>
        %dma_start3A_313 = tpu.memref_squeeze %dma_start3A_312 : memref<1x56x512xf32, #tpu.memory_space<hbm>> -> memref<56x512xf32, #tpu.memory_space<hbm>>
        tpu.enqueue_dma source(%dma_start3A_313 : memref<56x512xf32, #tpu.memory_space<hbm>>) target(%dma_start3A_310 : memref<56x512xf32, #tpu.memory_space<vmem>>) target_semaphore(%arg6 : memref<!tpu.dma_semaphore, #tpu.memory_space<semaphore_mem>>)
      } else {
      }
      %rem3A_189 = arith.constant 4 : i32
      %rem3A_190 = arith.remsi %add3A_179, %rem3A_189 : i32
      %add3A_191 = arith.constant 3 : i32
      %add3A_192 = arith.addi %add3A_179, %add3A_191 : i32
      %rem3A_193 = arith.constant 4 : i32
      %rem3A_194 = arith.remsi %add3A_192, %rem3A_193 : i32
      %le3A_195 = arith.constant 0 : i32
      %le3A_196 = arith.cmpi sle, %select_n3A_47, %le3A_195 : i32
      %gt3A_197 = arith.constant 0 : i32
      %gt3A_198 = arith.cmpi sgt, %select_n3A_60, %gt3A_197 : i32
      %and3A_199 = arith.andi %le3A_196, %gt3A_198 : i1
      %convert_element_type3A_200 = arith.extui %and3A_199 : i1 to i32
      %cond3A_201 = arith.constant 0 : i32
      %cond3A_202 = arith.cmpi ne, %convert_element_type3A_200, %cond3A_201 : i32
      scf.if %cond3A_202 {
        %eq3A_296 = arith.constant 2 : i32
        %eq3A_297 = arith.cmpi eq, %select_n3A_30, %eq3A_296 : i32
        %jit3A_298 = arith.constant 48 : i32
        %jit3A_299 = arith.constant 53 : i32
        %select_n3A_300 = arith.select %eq3A_297, %jit3A_298, %jit3A_299 : i32
        %eq3A_301 = arith.constant 1 : i32
        %eq3A_302 = arith.cmpi eq, %select_n3A_30, %eq3A_301 : i32
        %jit3A_303 = arith.constant 28 : i32
        %select_n3A_304 = arith.select %eq3A_302, %jit3A_303, %select_n3A_300 : i32
        %eq3A_305 = arith.constant 0 : i32
        %eq3A_306 = arith.cmpi eq, %select_n3A_30, %eq3A_305 : i32
        %jit3A_307 = arith.constant 36 : i32
        %select_n3A_308 = arith.select %eq3A_306, %jit3A_307, %select_n3A_304 : i32
        %scan3A_309 = arith.constant 0 : i32
        %scan3A_310 = arith.constant 0 : i32
        %scan3A_311 = arith.constant 32 : i32
        %scan3A_312 = arith.addi %scan3A_310, %scan3A_311 : i32
        %scan3A_313 = arith.constant 8 : i32
        %scan3A_314 = scf.for %scan3A_316 = %scan3A_310 to %scan3A_312 step %scan3A_313 iter_args(%scan3A_317 = %scan3A_309) -> (i32)  : i32 {
          %mul3A_318 = arith.constant 2560 : i32
          %mul3A_319 = arith.muli %rem3A_194, %mul3A_318 : i32
          %add3A_320 = arith.constant 0 : i32
          %add3A_321 = arith.addi %mul3A_319, %add3A_320 : i32
          %mul3A_322 = arith.constant 16 : i32
          %mul3A_323 = arith.muli %scan3A_316, %mul3A_322 : i32
          %add3A_324 = arith.addi %add3A_321, %mul3A_323 : i32
          %get3A = arith.index_cast %add3A_324 : i32 to index
          %get3A_325 = tpu.vector_load %arg5[%get3A] {strides = array<i32>} : memref<10240xf32, #tpu.memory_space<vmem>>, vector<16xf32>,
          %mul3A_326 = arith.constant 16 : i32
          %mul3A_327 = arith.muli %scan3A_316, %mul3A_326 : i32
          %swap3A = arith.index_cast %rem3A_190 : i32 to index
          %swap3A_328 = arith.index_cast %select_n3A_308 : i32 to index
          %swap3A_329 = arith.index_cast %mul3A_327 : i32 to index
          %swap3A_330 = tpu.vector_load %arg4[%swap3A, %swap3A_328, %swap3A_329] {strides = array<i32>} : memref<4x56x512xf32, #tpu.memory_space<vmem>>, vector<16xf32>,
          tpu.vector_store %arg4[%swap3A, %swap3A_328, %swap3A_329], %get3A_325 {strides = array<i32>} : memref<4x56x512xf32, #tpu.memory_space<vmem>>, vector<16xf32>,
          %scan3A_331 = arith.constant 0 : i32
          %scan3A_332 = arith.constant 1 : i32
          %scan3A_333 = arith.addi %scan3A_316, %scan3A_332 : i32
          %mul3A_334 = arith.constant 2560 : i32
          %mul3A_335 = arith.muli %rem3A_194, %mul3A_334 : i32
          %add3A_336 = arith.constant 0 : i32
          %add3A_337 = arith.addi %mul3A_335, %add3A_336 : i32
          %mul3A_338 = arith.constant 16 : i32
          %mul3A_339 = arith.muli %scan3A_333, %mul3A_338 : i32
          %add3A_340 = arith.addi %add3A_337, %mul3A_339 : i32
          %get3A_341 = arith.index_cast %add3A_340 : i32 to index
          %get3A_342 = tpu.vector_load %arg5[%get3A_341] {strides = array<i32>} : memref<10240xf32, #tpu.memory_space<vmem>>, vector<16xf32>,
          %mul3A_343 = arith.constant 16 : i32
          %mul3A_344 = arith.muli %scan3A_333, %mul3A_343 : i32
          %swap3A_345 = arith.index_cast %rem3A_190 : i32 to index
          %swap3A_346 = arith.index_cast %select_n3A_308 : i32 to index
          %swap3A_347 = arith.index_cast %mul3A_344 : i32 to index
          %swap3A_348 = tpu.vector_load %arg4[%swap3A_345, %swap3A_346, %swap3A_347] {strides = array<i32>} : memref<4x56x512xf32, #tpu.memory_space<vmem>>, vector<16xf32>,
          tpu.vector_store %arg4[%swap3A_345, %swap3A_346, %swap3A_347], %get3A_342 {strides = array<i32>} : memref<4x56x512xf32, #tpu.memory_space<vmem>>, vector<16xf32>,
          %scan3A_349 = arith.constant 0 : i32
          %scan3A_350 = arith.constant 2 : i32
          %scan3A_351 = arith.addi %scan3A_316, %scan3A_350 : i32
          %mul3A_352 = arith.constant 2560 : i32
          %mul3A_353 = arith.muli %rem3A_194, %mul3A_352 : i32
          %add3A_354 = arith.constant 0 : i32
          %add3A_355 = arith.addi %mul3A_353, %add3A_354 : i32
          %mul3A_356 = arith.constant 16 : i32
          %mul3A_357 = arith.muli %scan3A_351, %mul3A_356 : i32
          %add3A_358 = arith.addi %add3A_355, %mul3A_357 : i32
          %get3A_359 = arith.index_cast %add3A_358 : i32 to index
          %get3A_360 = tpu.vector_load %arg5[%get3A_359] {strides = array<i32>} : memref<10240xf32, #tpu.memory_space<vmem>>, vector<16xf32>,
          %mul3A_361 = arith.constant 16 : i32
          %mul3A_362 = arith.muli %scan3A_351, %mul3A_361 : i32
          %swap3A_363 = arith.index_cast %rem3A_190 : i32 to index
          %swap3A_364 = arith.index_cast %select_n3A_308 : i32 to index
          %swap3A_365 = arith.index_cast %mul3A_362 : i32 to index
          %swap3A_366 = tpu.vector_load %arg4[%swap3A_363, %swap3A_364, %swap3A_365] {strides = array<i32>} : memref<4x56x512xf32, #tpu.memory_space<vmem>>, vector<16xf32>,
          tpu.vector_store %arg4[%swap3A_363, %swap3A_364, %swap3A_365], %get3A_360 {strides = array<i32>} : memref<4x56x512xf32, #tpu.memory_space<vmem>>, vector<16xf32>,
          %scan3A_367 = arith.constant 0 : i32
          %scan3A_368 = arith.constant 3 : i32
          %scan3A_369 = arith.addi %scan3A_316, %scan3A_368 : i32
          %mul3A_370 = arith.constant 2560 : i32
          %mul3A_371 = arith.muli %rem3A_194, %mul3A_370 : i32
          %add3A_372 = arith.constant 0 : i32
          %add3A_373 = arith.addi %mul3A_371, %add3A_372 : i32
          %mul3A_374 = arith.constant 16 : i32
          %mul3A_375 = arith.muli %scan3A_369, %mul3A_374 : i32
          %add3A_376 = arith.addi %add3A_373, %mul3A_375 : i32
          %get3A_377 = arith.index_cast %add3A_376 : i32 to index
          %get3A_378 = tpu.vector_load %arg5[%get3A_377] {strides = array<i32>} : memref<10240xf32, #tpu.memory_space<vmem>>, vector<16xf32>,
          %mul3A_379 = arith.constant 16 : i32
          %mul3A_380 = arith.muli %scan3A_369, %mul3A_379 : i32
          %swap3A_381 = arith.index_cast %rem3A_190 : i32 to index
          %swap3A_382 = arith.index_cast %select_n3A_308 : i32 to index
          %swap3A_383 = arith.index_cast %mul3A_380 : i32 to index
          %swap3A_384 = tpu.vector_load %arg4[%swap3A_381, %swap3A_382, %swap3A_383] {strides = array<i32>} : memref<4x56x512xf32, #tpu.memory_space<vmem>>, vector<16xf32>,
          tpu.vector_store %arg4[%swap3A_381, %swap3A_382, %swap3A_383], %get3A_378 {strides = array<i32>} : memref<4x56x512xf32, #tpu.memory_space<vmem>>, vector<16xf32>,
          %scan3A_385 = arith.constant 0 : i32
          %scan3A_386 = arith.constant 4 : i32
          %scan3A_387 = arith.addi %scan3A_316, %scan3A_386 : i32
          %mul3A_388 = arith.constant 2560 : i32
          %mul3A_389 = arith.muli %rem3A_194, %mul3A_388 : i32
          %add3A_390 = arith.constant 0 : i32
          %add3A_391 = arith.addi %mul3A_389, %add3A_390 : i32
          %mul3A_392 = arith.constant 16 : i32
          %mul3A_393 = arith.muli %scan3A_387, %mul3A_392 : i32
          %add3A_394 = arith.addi %add3A_391, %mul3A_393 : i32
          %get3A_395 = arith.index_cast %add3A_394 : i32 to index
          %get3A_396 = tpu.vector_load %arg5[%get3A_395] {strides = array<i32>} : memref<10240xf32, #tpu.memory_space<vmem>>, vector<16xf32>,
          %mul3A_397 = arith.constant 16 : i32
          %mul3A_398 = arith.muli %scan3A_387, %mul3A_397 : i32
          %swap3A_399 = arith.index_cast %rem3A_190 : i32 to index
          %swap3A_400 = arith.index_cast %select_n3A_308 : i32 to index
          %swap3A_401 = arith.index_cast %mul3A_398 : i32 to index
          %swap3A_402 = tpu.vector_load %arg4[%swap3A_399, %swap3A_400, %swap3A_401] {strides = array<i32>} : memref<4x56x512xf32, #tpu.memory_space<vmem>>, vector<16xf32>,
          tpu.vector_store %arg4[%swap3A_399, %swap3A_400, %swap3A_401], %get3A_396 {strides = array<i32>} : memref<4x56x512xf32, #tpu.memory_space<vmem>>, vector<16xf32>,
          %scan3A_403 = arith.constant 0 : i32
          %scan3A_404 = arith.constant 5 : i32
          %scan3A_405 = arith.addi %scan3A_316, %scan3A_404 : i32
          %mul3A_406 = arith.constant 2560 : i32
          %mul3A_407 = arith.muli %rem3A_194, %mul3A_406 : i32
          %add3A_408 = arith.constant 0 : i32
          %add3A_409 = arith.addi %mul3A_407, %add3A_408 : i32
          %mul3A_410 = arith.constant 16 : i32
          %mul3A_411 = arith.muli %scan3A_405, %mul3A_410 : i32
          %add3A_412 = arith.addi %add3A_409, %mul3A_411 : i32
          %get3A_413 = arith.index_cast %add3A_412 : i32 to index
          %get3A_414 = tpu.vector_load %arg5[%get3A_413] {strides = array<i32>} : memref<10240xf32, #tpu.memory_space<vmem>>, vector<16xf32>,
          %mul3A_415 = arith.constant 16 : i32
          %mul3A_416 = arith.muli %scan3A_405, %mul3A_415 : i32
          %swap3A_417 = arith.index_cast %rem3A_190 : i32 to index
          %swap3A_418 = arith.index_cast %select_n3A_308 : i32 to index
          %swap3A_419 = arith.index_cast %mul3A_416 : i32 to index
          %swap3A_420 = tpu.vector_load %arg4[%swap3A_417, %swap3A_418, %swap3A_419] {strides = array<i32>} : memref<4x56x512xf32, #tpu.memory_space<vmem>>, vector<16xf32>,
          tpu.vector_store %arg4[%swap3A_417, %swap3A_418, %swap3A_419], %get3A_414 {strides = array<i32>} : memref<4x56x512xf32, #tpu.memory_space<vmem>>, vector<16xf32>,
          %scan3A_421 = arith.constant 0 : i32
          %scan3A_422 = arith.constant 6 : i32
          %scan3A_423 = arith.addi %scan3A_316, %scan3A_422 : i32
          %mul3A_424 = arith.constant 2560 : i32
          %mul3A_425 = arith.muli %rem3A_194, %mul3A_424 : i32
          %add3A_426 = arith.constant 0 : i32
          %add3A_427 = arith.addi %mul3A_425, %add3A_426 : i32
          %mul3A_428 = arith.constant 16 : i32
          %mul3A_429 = arith.muli %scan3A_423, %mul3A_428 : i32
          %add3A_430 = arith.addi %add3A_427, %mul3A_429 : i32
          %get3A_431 = arith.index_cast %add3A_430 : i32 to index
          %get3A_432 = tpu.vector_load %arg5[%get3A_431] {strides = array<i32>} : memref<10240xf32, #tpu.memory_space<vmem>>, vector<16xf32>,
          %mul3A_433 = arith.constant 16 : i32
          %mul3A_434 = arith.muli %scan3A_423, %mul3A_433 : i32
          %swap3A_435 = arith.index_cast %rem3A_190 : i32 to index
          %swap3A_436 = arith.index_cast %select_n3A_308 : i32 to index
          %swap3A_437 = arith.index_cast %mul3A_434 : i32 to index
          %swap3A_438 = tpu.vector_load %arg4[%swap3A_435, %swap3A_436, %swap3A_437] {strides = array<i32>} : memref<4x56x512xf32, #tpu.memory_space<vmem>>, vector<16xf32>,
          tpu.vector_store %arg4[%swap3A_435, %swap3A_436, %swap3A_437], %get3A_432 {strides = array<i32>} : memref<4x56x512xf32, #tpu.memory_space<vmem>>, vector<16xf32>,
          %scan3A_439 = arith.constant 0 : i32
          %scan3A_440 = arith.constant 7 : i32
          %scan3A_441 = arith.addi %scan3A_316, %scan3A_440 : i32
          %mul3A_442 = arith.constant 2560 : i32
          %mul3A_443 = arith.muli %rem3A_194, %mul3A_442 : i32
          %add3A_444 = arith.constant 0 : i32
          %add3A_445 = arith.addi %mul3A_443, %add3A_444 : i32
          %mul3A_446 = arith.constant 16 : i32
          %mul3A_447 = arith.muli %scan3A_441, %mul3A_446 : i32
          %add3A_448 = arith.addi %add3A_445, %mul3A_447 : i32
          %get3A_449 = arith.index_cast %add3A_448 : i32 to index
          %get3A_450 = tpu.vector_load %arg5[%get3A_449] {strides = array<i32>} : memref<10240xf32, #tpu.memory_space<vmem>>, vector<16xf32>,
          %mul3A_451 = arith.constant 16 : i32
          %mul3A_452 = arith.muli %scan3A_441, %mul3A_451 : i32
          %swap3A_453 = arith.index_cast %rem3A_190 : i32 to index
          %swap3A_454 = arith.index_cast %select_n3A_308 : i32 to index
          %swap3A_455 = arith.index_cast %mul3A_452 : i32 to index
          %swap3A_456 = tpu.vector_load %arg4[%swap3A_453, %swap3A_454, %swap3A_455] {strides = array<i32>} : memref<4x56x512xf32, #tpu.memory_space<vmem>>, vector<16xf32>,
          tpu.vector_store %arg4[%swap3A_453, %swap3A_454, %swap3A_455], %get3A_450 {strides = array<i32>} : memref<4x56x512xf32, #tpu.memory_space<vmem>>, vector<16xf32>,
          %scan3A_457 = arith.constant 0 : i32
          scf.yield %scan3A_457 : i32
        }
        %scan3A_315 = arith.constant 32 : i32
      } else {
      }
      %le3A_203 = arith.constant 1 : i32
      %le3A_204 = arith.cmpi sle, %select_n3A_47, %le3A_203 : i32
      %gt3A_205 = arith.constant 1 : i32
      %gt3A_206 = arith.cmpi sgt, %select_n3A_60, %gt3A_205 : i32
      %and3A_207 = arith.andi %le3A_204, %gt3A_206 : i1
      %convert_element_type3A_208 = arith.extui %and3A_207 : i1 to i32
      %cond3A_209 = arith.constant 0 : i32
      %cond3A_210 = arith.cmpi ne, %convert_element_type3A_208, %cond3A_209 : i32
      scf.if %cond3A_210 {
        %eq3A_296 = arith.constant 2 : i32
        %eq3A_297 = arith.cmpi eq, %select_n3A_30, %eq3A_296 : i32
        %jit3A_298 = arith.constant 47 : i32
        %jit3A_299 = arith.constant 0 : i32
        %select_n3A_300 = arith.select %eq3A_297, %jit3A_298, %jit3A_299 : i32
        %eq3A_301 = arith.constant 1 : i32
        %eq3A_302 = arith.cmpi eq, %select_n3A_30, %eq3A_301 : i32
        %jit3A_303 = arith.constant 46 : i32
        %select_n3A_304 = arith.select %eq3A_302, %jit3A_303, %select_n3A_300 : i32
        %eq3A_305 = arith.constant 0 : i32
        %eq3A_306 = arith.cmpi eq, %select_n3A_30, %eq3A_305 : i32
        %jit3A_307 = arith.constant 0 : i32
        %select_n3A_308 = arith.select %eq3A_306, %jit3A_307, %select_n3A_304 : i32
        %scan3A_309 = arith.constant 0 : i32
        %scan3A_310 = arith.constant 0 : i32
        %scan3A_311 = arith.constant 32 : i32
        %scan3A_312 = arith.addi %scan3A_310, %scan3A_311 : i32
        %scan3A_313 = arith.constant 8 : i32
        %scan3A_314 = scf.for %scan3A_316 = %scan3A_310 to %scan3A_312 step %scan3A_313 iter_args(%scan3A_317 = %scan3A_309) -> (i32)  : i32 {
          %mul3A_318 = arith.constant 2560 : i32
          %mul3A_319 = arith.muli %rem3A_194, %mul3A_318 : i32
          %add3A_320 = arith.constant 512 : i32
          %add3A_321 = arith.addi %mul3A_319, %add3A_320 : i32
          %mul3A_322 = arith.constant 16 : i32
          %mul3A_323 = arith.muli %scan3A_316, %mul3A_322 : i32
          %add3A_324 = arith.addi %add3A_321, %mul3A_323 : i32
          %get3A = arith.index_cast %add3A_324 : i32 to index
          %get3A_325 = tpu.vector_load %arg5[%get3A] {strides = array<i32>} : memref<10240xf32, #tpu.memory_space<vmem>>, vector<16xf32>,
          %mul3A_326 = arith.constant 16 : i32
          %mul3A_327 = arith.muli %scan3A_316, %mul3A_326 : i32
          %swap3A = arith.index_cast %rem3A_190 : i32 to index
          %swap3A_328 = arith.index_cast %select_n3A_308 : i32 to index
          %swap3A_329 = arith.index_cast %mul3A_327 : i32 to index
          %swap3A_330 = tpu.vector_load %arg4[%swap3A, %swap3A_328, %swap3A_329] {strides = array<i32>} : memref<4x56x512xf32, #tpu.memory_space<vmem>>, vector<16xf32>,
          tpu.vector_store %arg4[%swap3A, %swap3A_328, %swap3A_329], %get3A_325 {strides = array<i32>} : memref<4x56x512xf32, #tpu.memory_space<vmem>>, vector<16xf32>,
          %scan3A_331 = arith.constant 0 : i32
          %scan3A_332 = arith.constant 1 : i32
          %scan3A_333 = arith.addi %scan3A_316, %scan3A_332 : i32
          %mul3A_334 = arith.constant 2560 : i32
          %mul3A_335 = arith.muli %rem3A_194, %mul3A_334 : i32
          %add3A_336 = arith.constant 512 : i32
          %add3A_337 = arith.addi %mul3A_335, %add3A_336 : i32
          %mul3A_338 = arith.constant 16 : i32
          %mul3A_339 = arith.muli %scan3A_333, %mul3A_338 : i32
          %add3A_340 = arith.addi %add3A_337, %mul3A_339 : i32
          %get3A_341 = arith.index_cast %add3A_340 : i32 to index
          %get3A_342 = tpu.vector_load %arg5[%get3A_341] {strides = array<i32>} : memref<10240xf32, #tpu.memory_space<vmem>>, vector<16xf32>,
          %mul3A_343 = arith.constant 16 : i32
          %mul3A_344 = arith.muli %scan3A_333, %mul3A_343 : i32
          %swap3A_345 = arith.index_cast %rem3A_190 : i32 to index
          %swap3A_346 = arith.index_cast %select_n3A_308 : i32 to index
          %swap3A_347 = arith.index_cast %mul3A_344 : i32 to index
          %swap3A_348 = tpu.vector_load %arg4[%swap3A_345, %swap3A_346, %swap3A_347] {strides = array<i32>} : memref<4x56x512xf32, #tpu.memory_space<vmem>>, vector<16xf32>,
          tpu.vector_store %arg4[%swap3A_345, %swap3A_346, %swap3A_347], %get3A_342 {strides = array<i32>} : memref<4x56x512xf32, #tpu.memory_space<vmem>>, vector<16xf32>,
          %scan3A_349 = arith.constant 0 : i32
          %scan3A_350 = arith.constant 2 : i32
          %scan3A_351 = arith.addi %scan3A_316, %scan3A_350 : i32
          %mul3A_352 = arith.constant 2560 : i32
          %mul3A_353 = arith.muli %rem3A_194, %mul3A_352 : i32
          %add3A_354 = arith.constant 512 : i32
          %add3A_355 = arith.addi %mul3A_353, %add3A_354 : i32
          %mul3A_356 = arith.constant 16 : i32
          %mul3A_357 = arith.muli %scan3A_351, %mul3A_356 : i32
          %add3A_358 = arith.addi %add3A_355, %mul3A_357 : i32
          %get3A_359 = arith.index_cast %add3A_358 : i32 to index
          %get3A_360 = tpu.vector_load %arg5[%get3A_359] {strides = array<i32>} : memref<10240xf32, #tpu.memory_space<vmem>>, vector<16xf32>,
          %mul3A_361 = arith.constant 16 : i32
          %mul3A_362 = arith.muli %scan3A_351, %mul3A_361 : i32
          %swap3A_363 = arith.index_cast %rem3A_190 : i32 to index
          %swap3A_364 = arith.index_cast %select_n3A_308 : i32 to index
          %swap3A_365 = arith.index_cast %mul3A_362 : i32 to index
          %swap3A_366 = tpu.vector_load %arg4[%swap3A_363, %swap3A_364, %swap3A_365] {strides = array<i32>} : memref<4x56x512xf32, #tpu.memory_space<vmem>>, vector<16xf32>,
          tpu.vector_store %arg4[%swap3A_363, %swap3A_364, %swap3A_365], %get3A_360 {strides = array<i32>} : memref<4x56x512xf32, #tpu.memory_space<vmem>>, vector<16xf32>,
          %scan3A_367 = arith.constant 0 : i32
          %scan3A_368 = arith.constant 3 : i32
          %scan3A_369 = arith.addi %scan3A_316, %scan3A_368 : i32
          %mul3A_370 = arith.constant 2560 : i32
          %mul3A_371 = arith.muli %rem3A_194, %mul3A_370 : i32
          %add3A_372 = arith.constant 512 : i32
          %add3A_373 = arith.addi %mul3A_371, %add3A_372 : i32
          %mul3A_374 = arith.constant 16 : i32
          %mul3A_375 = arith.muli %scan3A_369, %mul3A_374 : i32
          %add3A_376 = arith.addi %add3A_373, %mul3A_375 : i32
          %get3A_377 = arith.index_cast %add3A_376 : i32 to index
          %get3A_378 = tpu.vector_load %arg5[%get3A_377] {strides = array<i32>} : memref<10240xf32, #tpu.memory_space<vmem>>, vector<16xf32>,
          %mul3A_379 = arith.constant 16 : i32
          %mul3A_380 = arith.muli %scan3A_369, %mul3A_379 : i32
          %swap3A_381 = arith.index_cast %rem3A_190 : i32 to index
          %swap3A_382 = arith.index_cast %select_n3A_308 : i32 to index
          %swap3A_383 = arith.index_cast %mul3A_380 : i32 to index
          %swap3A_384 = tpu.vector_load %arg4[%swap3A_381, %swap3A_382, %swap3A_383] {strides = array<i32>} : memref<4x56x512xf32, #tpu.memory_space<vmem>>, vector<16xf32>,
          tpu.vector_store %arg4[%swap3A_381, %swap3A_382, %swap3A_383], %get3A_378 {strides = array<i32>} : memref<4x56x512xf32, #tpu.memory_space<vmem>>, vector<16xf32>,
          %scan3A_385 = arith.constant 0 : i32
          %scan3A_386 = arith.constant 4 : i32
          %scan3A_387 = arith.addi %scan3A_316, %scan3A_386 : i32
          %mul3A_388 = arith.constant 2560 : i32
          %mul3A_389 = arith.muli %rem3A_194, %mul3A_388 : i32
          %add3A_390 = arith.constant 512 : i32
          %add3A_391 = arith.addi %mul3A_389, %add3A_390 : i32
          %mul3A_392 = arith.constant 16 : i32
          %mul3A_393 = arith.muli %scan3A_387, %mul3A_392 : i32
          %add3A_394 = arith.addi %add3A_391, %mul3A_393 : i32
          %get3A_395 = arith.index_cast %add3A_394 : i32 to index
          %get3A_396 = tpu.vector_load %arg5[%get3A_395] {strides = array<i32>} : memref<10240xf32, #tpu.memory_space<vmem>>, vector<16xf32>,
          %mul3A_397 = arith.constant 16 : i32
          %mul3A_398 = arith.muli %scan3A_387, %mul3A_397 : i32
          %swap3A_399 = arith.index_cast %rem3A_190 : i32 to index
          %swap3A_400 = arith.index_cast %select_n3A_308 : i32 to index
          %swap3A_401 = arith.index_cast %mul3A_398 : i32 to index
          %swap3A_402 = tpu.vector_load %arg4[%swap3A_399, %swap3A_400, %swap3A_401] {strides = array<i32>} : memref<4x56x512xf32, #tpu.memory_space<vmem>>, vector<16xf32>,
          tpu.vector_store %arg4[%swap3A_399, %swap3A_400, %swap3A_401], %get3A_396 {strides = array<i32>} : memref<4x56x512xf32, #tpu.memory_space<vmem>>, vector<16xf32>,
          %scan3A_403 = arith.constant 0 : i32
          %scan3A_404 = arith.constant 5 : i32
          %scan3A_405 = arith.addi %scan3A_316, %scan3A_404 : i32
          %mul3A_406 = arith.constant 2560 : i32
          %mul3A_407 = arith.muli %rem3A_194, %mul3A_406 : i32
          %add3A_408 = arith.constant 512 : i32
          %add3A_409 = arith.addi %mul3A_407, %add3A_408 : i32
          %mul3A_410 = arith.constant 16 : i32
          %mul3A_411 = arith.muli %scan3A_405, %mul3A_410 : i32
          %add3A_412 = arith.addi %add3A_409, %mul3A_411 : i32
          %get3A_413 = arith.index_cast %add3A_412 : i32 to index
          %get3A_414 = tpu.vector_load %arg5[%get3A_413] {strides = array<i32>} : memref<10240xf32, #tpu.memory_space<vmem>>, vector<16xf32>,
          %mul3A_415 = arith.constant 16 : i32
          %mul3A_416 = arith.muli %scan3A_405, %mul3A_415 : i32
          %swap3A_417 = arith.index_cast %rem3A_190 : i32 to index
          %swap3A_418 = arith.index_cast %select_n3A_308 : i32 to index
          %swap3A_419 = arith.index_cast %mul3A_416 : i32 to index
          %swap3A_420 = tpu.vector_load %arg4[%swap3A_417, %swap3A_418, %swap3A_419] {strides = array<i32>} : memref<4x56x512xf32, #tpu.memory_space<vmem>>, vector<16xf32>,
          tpu.vector_store %arg4[%swap3A_417, %swap3A_418, %swap3A_419], %get3A_414 {strides = array<i32>} : memref<4x56x512xf32, #tpu.memory_space<vmem>>, vector<16xf32>,
          %scan3A_421 = arith.constant 0 : i32
          %scan3A_422 = arith.constant 6 : i32
          %scan3A_423 = arith.addi %scan3A_316, %scan3A_422 : i32
          %mul3A_424 = arith.constant 2560 : i32
          %mul3A_425 = arith.muli %rem3A_194, %mul3A_424 : i32
          %add3A_426 = arith.constant 512 : i32
          %add3A_427 = arith.addi %mul3A_425, %add3A_426 : i32
          %mul3A_428 = arith.constant 16 : i32
          %mul3A_429 = arith.muli %scan3A_423, %mul3A_428 : i32
          %add3A_430 = arith.addi %add3A_427, %mul3A_429 : i32
          %get3A_431 = arith.index_cast %add3A_430 : i32 to index
          %get3A_432 = tpu.vector_load %arg5[%get3A_431] {strides = array<i32>} : memref<10240xf32, #tpu.memory_space<vmem>>, vector<16xf32>,
          %mul3A_433 = arith.constant 16 : i32
          %mul3A_434 = arith.muli %scan3A_423, %mul3A_433 : i32
          %swap3A_435 = arith.index_cast %rem3A_190 : i32 to index
          %swap3A_436 = arith.index_cast %select_n3A_308 : i32 to index
          %swap3A_437 = arith.index_cast %mul3A_434 : i32 to index
          %swap3A_438 = tpu.vector_load %arg4[%swap3A_435, %swap3A_436, %swap3A_437] {strides = array<i32>} : memref<4x56x512xf32, #tpu.memory_space<vmem>>, vector<16xf32>,
          tpu.vector_store %arg4[%swap3A_435, %swap3A_436, %swap3A_437], %get3A_432 {strides = array<i32>} : memref<4x56x512xf32, #tpu.memory_space<vmem>>, vector<16xf32>,
          %scan3A_439 = arith.constant 0 : i32
          %scan3A_440 = arith.constant 7 : i32
          %scan3A_441 = arith.addi %scan3A_316, %scan3A_440 : i32
          %mul3A_442 = arith.constant 2560 : i32
          %mul3A_443 = arith.muli %rem3A_194, %mul3A_442 : i32
          %add3A_444 = arith.constant 512 : i32
          %add3A_445 = arith.addi %mul3A_443, %add3A_444 : i32
          %mul3A_446 = arith.constant 16 : i32
          %mul3A_447 = arith.muli %scan3A_441, %mul3A_446 : i32
          %add3A_448 = arith.addi %add3A_445, %mul3A_447 : i32
          %get3A_449 = arith.index_cast %add3A_448 : i32 to index
          %get3A_450 = tpu.vector_load %arg5[%get3A_449] {strides = array<i32>} : memref<10240xf32, #tpu.memory_space<vmem>>, vector<16xf32>,
          %mul3A_451 = arith.constant 16 : i32
          %mul3A_452 = arith.muli %scan3A_441, %mul3A_451 : i32
          %swap3A_453 = arith.index_cast %rem3A_190 : i32 to index
          %swap3A_454 = arith.index_cast %select_n3A_308 : i32 to index
          %swap3A_455 = arith.index_cast %mul3A_452 : i32 to index
          %swap3A_456 = tpu.vector_load %arg4[%swap3A_453, %swap3A_454, %swap3A_455] {strides = array<i32>} : memref<4x56x512xf32, #tpu.memory_space<vmem>>, vector<16xf32>,
          tpu.vector_store %arg4[%swap3A_453, %swap3A_454, %swap3A_455], %get3A_450 {strides = array<i32>} : memref<4x56x512xf32, #tpu.memory_space<vmem>>, vector<16xf32>,
          %scan3A_457 = arith.constant 0 : i32
          scf.yield %scan3A_457 : i32
        }
        %scan3A_315 = arith.constant 32 : i32
      } else {
      }
      %le3A_211 = arith.constant 2 : i32
      %le3A_212 = arith.cmpi sle, %select_n3A_47, %le3A_211 : i32
      %gt3A_213 = arith.constant 2 : i32
      %gt3A_214 = arith.cmpi sgt, %select_n3A_60, %gt3A_213 : i32
      %and3A_215 = arith.andi %le3A_212, %gt3A_214 : i1
      %convert_element_type3A_216 = arith.extui %and3A_215 : i1 to i32
      %cond3A_217 = arith.constant 0 : i32
      %cond3A_218 = arith.cmpi ne, %convert_element_type3A_216, %cond3A_217 : i32
      scf.if %cond3A_218 {
        %eq3A_296 = arith.constant 2 : i32
        %eq3A_297 = arith.cmpi eq, %select_n3A_30, %eq3A_296 : i32
        %jit3A_298 = arith.constant 0 : i32
        %jit3A_299 = arith.constant 0 : i32
        %select_n3A_300 = arith.select %eq3A_297, %jit3A_298, %jit3A_299 : i32
        %eq3A_301 = arith.constant 1 : i32
        %eq3A_302 = arith.cmpi eq, %select_n3A_30, %eq3A_301 : i32
        %jit3A_303 = arith.constant 54 : i32
        %select_n3A_304 = arith.select %eq3A_302, %jit3A_303, %select_n3A_300 : i32
        %eq3A_305 = arith.constant 0 : i32
        %eq3A_306 = arith.cmpi eq, %select_n3A_30, %eq3A_305 : i32
        %jit3A_307 = arith.constant 0 : i32
        %select_n3A_308 = arith.select %eq3A_306, %jit3A_307, %select_n3A_304 : i32
        %scan3A_309 = arith.constant 0 : i32
        %scan3A_310 = arith.constant 0 : i32
        %scan3A_311 = arith.constant 32 : i32
        %scan3A_312 = arith.addi %scan3A_310, %scan3A_311 : i32
        %scan3A_313 = arith.constant 8 : i32
        %scan3A_314 = scf.for %scan3A_316 = %scan3A_310 to %scan3A_312 step %scan3A_313 iter_args(%scan3A_317 = %scan3A_309) -> (i32)  : i32 {
          %mul3A_318 = arith.constant 2560 : i32
          %mul3A_319 = arith.muli %rem3A_194, %mul3A_318 : i32
          %add3A_320 = arith.constant 1024 : i32
          %add3A_321 = arith.addi %mul3A_319, %add3A_320 : i32
          %mul3A_322 = arith.constant 16 : i32
          %mul3A_323 = arith.muli %scan3A_316, %mul3A_322 : i32
          %add3A_324 = arith.addi %add3A_321, %mul3A_323 : i32
          %get3A = arith.index_cast %add3A_324 : i32 to index
          %get3A_325 = tpu.vector_load %arg5[%get3A] {strides = array<i32>} : memref<10240xf32, #tpu.memory_space<vmem>>, vector<16xf32>,
          %mul3A_326 = arith.constant 16 : i32
          %mul3A_327 = arith.muli %scan3A_316, %mul3A_326 : i32
          %swap3A = arith.index_cast %rem3A_190 : i32 to index
          %swap3A_328 = arith.index_cast %select_n3A_308 : i32 to index
          %swap3A_329 = arith.index_cast %mul3A_327 : i32 to index
          %swap3A_330 = tpu.vector_load %arg4[%swap3A, %swap3A_328, %swap3A_329] {strides = array<i32>} : memref<4x56x512xf32, #tpu.memory_space<vmem>>, vector<16xf32>,
          tpu.vector_store %arg4[%swap3A, %swap3A_328, %swap3A_329], %get3A_325 {strides = array<i32>} : memref<4x56x512xf32, #tpu.memory_space<vmem>>, vector<16xf32>,
          %scan3A_331 = arith.constant 0 : i32
          %scan3A_332 = arith.constant 1 : i32
          %scan3A_333 = arith.addi %scan3A_316, %scan3A_332 : i32
          %mul3A_334 = arith.constant 2560 : i32
          %mul3A_335 = arith.muli %rem3A_194, %mul3A_334 : i32
          %add3A_336 = arith.constant 1024 : i32
          %add3A_337 = arith.addi %mul3A_335, %add3A_336 : i32
          %mul3A_338 = arith.constant 16 : i32
          %mul3A_339 = arith.muli %scan3A_333, %mul3A_338 : i32
          %add3A_340 = arith.addi %add3A_337, %mul3A_339 : i32
          %get3A_341 = arith.index_cast %add3A_340 : i32 to index
          %get3A_342 = tpu.vector_load %arg5[%get3A_341] {strides = array<i32>} : memref<10240xf32, #tpu.memory_space<vmem>>, vector<16xf32>,
          %mul3A_343 = arith.constant 16 : i32
          %mul3A_344 = arith.muli %scan3A_333, %mul3A_343 : i32
          %swap3A_345 = arith.index_cast %rem3A_190 : i32 to index
          %swap3A_346 = arith.index_cast %select_n3A_308 : i32 to index
          %swap3A_347 = arith.index_cast %mul3A_344 : i32 to index
          %swap3A_348 = tpu.vector_load %arg4[%swap3A_345, %swap3A_346, %swap3A_347] {strides = array<i32>} : memref<4x56x512xf32, #tpu.memory_space<vmem>>, vector<16xf32>,
          tpu.vector_store %arg4[%swap3A_345, %swap3A_346, %swap3A_347], %get3A_342 {strides = array<i32>} : memref<4x56x512xf32, #tpu.memory_space<vmem>>, vector<16xf32>,
          %scan3A_349 = arith.constant 0 : i32
          %scan3A_350 = arith.constant 2 : i32
          %scan3A_351 = arith.addi %scan3A_316, %scan3A_350 : i32
          %mul3A_352 = arith.constant 2560 : i32
          %mul3A_353 = arith.muli %rem3A_194, %mul3A_352 : i32
          %add3A_354 = arith.constant 1024 : i32
          %add3A_355 = arith.addi %mul3A_353, %add3A_354 : i32
          %mul3A_356 = arith.constant 16 : i32
          %mul3A_357 = arith.muli %scan3A_351, %mul3A_356 : i32
          %add3A_358 = arith.addi %add3A_355, %mul3A_357 : i32
          %get3A_359 = arith.index_cast %add3A_358 : i32 to index
          %get3A_360 = tpu.vector_load %arg5[%get3A_359] {strides = array<i32>} : memref<10240xf32, #tpu.memory_space<vmem>>, vector<16xf32>,
          %mul3A_361 = arith.constant 16 : i32
          %mul3A_362 = arith.muli %scan3A_351, %mul3A_361 : i32
          %swap3A_363 = arith.index_cast %rem3A_190 : i32 to index
          %swap3A_364 = arith.index_cast %select_n3A_308 : i32 to index
          %swap3A_365 = arith.index_cast %mul3A_362 : i32 to index
          %swap3A_366 = tpu.vector_load %arg4[%swap3A_363, %swap3A_364, %swap3A_365] {strides = array<i32>} : memref<4x56x512xf32, #tpu.memory_space<vmem>>, vector<16xf32>,
          tpu.vector_store %arg4[%swap3A_363, %swap3A_364, %swap3A_365], %get3A_360 {strides = array<i32>} : memref<4x56x512xf32, #tpu.memory_space<vmem>>, vector<16xf32>,
          %scan3A_367 = arith.constant 0 : i32
          %scan3A_368 = arith.constant 3 : i32
          %scan3A_369 = arith.addi %scan3A_316, %scan3A_368 : i32
          %mul3A_370 = arith.constant 2560 : i32
          %mul3A_371 = arith.muli %rem3A_194, %mul3A_370 : i32
          %add3A_372 = arith.constant 1024 : i32
          %add3A_373 = arith.addi %mul3A_371, %add3A_372 : i32
          %mul3A_374 = arith.constant 16 : i32
          %mul3A_375 = arith.muli %scan3A_369, %mul3A_374 : i32
          %add3A_376 = arith.addi %add3A_373, %mul3A_375 : i32
          %get3A_377 = arith.index_cast %add3A_376 : i32 to index
          %get3A_378 = tpu.vector_load %arg5[%get3A_377] {strides = array<i32>} : memref<10240xf32, #tpu.memory_space<vmem>>, vector<16xf32>,
          %mul3A_379 = arith.constant 16 : i32
          %mul3A_380 = arith.muli %scan3A_369, %mul3A_379 : i32
          %swap3A_381 = arith.index_cast %rem3A_190 : i32 to index
          %swap3A_382 = arith.index_cast %select_n3A_308 : i32 to index
          %swap3A_383 = arith.index_cast %mul3A_380 : i32 to index
          %swap3A_384 = tpu.vector_load %arg4[%swap3A_381, %swap3A_382, %swap3A_383] {strides = array<i32>} : memref<4x56x512xf32, #tpu.memory_space<vmem>>, vector<16xf32>,
          tpu.vector_store %arg4[%swap3A_381, %swap3A_382, %swap3A_383], %get3A_378 {strides = array<i32>} : memref<4x56x512xf32, #tpu.memory_space<vmem>>, vector<16xf32>,
          %scan3A_385 = arith.constant 0 : i32
          %scan3A_386 = arith.constant 4 : i32
          %scan3A_387 = arith.addi %scan3A_316, %scan3A_386 : i32
          %mul3A_388 = arith.constant 2560 : i32
          %mul3A_389 = arith.muli %rem3A_194, %mul3A_388 : i32
          %add3A_390 = arith.constant 1024 : i32
          %add3A_391 = arith.addi %mul3A_389, %add3A_390 : i32
          %mul3A_392 = arith.constant 16 : i32
          %mul3A_393 = arith.muli %scan3A_387, %mul3A_392 : i32
          %add3A_394 = arith.addi %add3A_391, %mul3A_393 : i32
          %get3A_395 = arith.index_cast %add3A_394 : i32 to index
          %get3A_396 = tpu.vector_load %arg5[%get3A_395] {strides = array<i32>} : memref<10240xf32, #tpu.memory_space<vmem>>, vector<16xf32>,
          %mul3A_397 = arith.constant 16 : i32
          %mul3A_398 = arith.muli %scan3A_387, %mul3A_397 : i32
          %swap3A_399 = arith.index_cast %rem3A_190 : i32 to index
          %swap3A_400 = arith.index_cast %select_n3A_308 : i32 to index
          %swap3A_401 = arith.index_cast %mul3A_398 : i32 to index
          %swap3A_402 = tpu.vector_load %arg4[%swap3A_399, %swap3A_400, %swap3A_401] {strides = array<i32>} : memref<4x56x512xf32, #tpu.memory_space<vmem>>, vector<16xf32>,
          tpu.vector_store %arg4[%swap3A_399, %swap3A_400, %swap3A_401], %get3A_396 {strides = array<i32>} : memref<4x56x512xf32, #tpu.memory_space<vmem>>, vector<16xf32>,
          %scan3A_403 = arith.constant 0 : i32
          %scan3A_404 = arith.constant 5 : i32
          %scan3A_405 = arith.addi %scan3A_316, %scan3A_404 : i32
          %mul3A_406 = arith.constant 2560 : i32
          %mul3A_407 = arith.muli %rem3A_194, %mul3A_406 : i32
          %add3A_408 = arith.constant 1024 : i32
          %add3A_409 = arith.addi %mul3A_407, %add3A_408 : i32
          %mul3A_410 = arith.constant 16 : i32
          %mul3A_411 = arith.muli %scan3A_405, %mul3A_410 : i32
          %add3A_412 = arith.addi %add3A_409, %mul3A_411 : i32
          %get3A_413 = arith.index_cast %add3A_412 : i32 to index
          %get3A_414 = tpu.vector_load %arg5[%get3A_413] {strides = array<i32>} : memref<10240xf32, #tpu.memory_space<vmem>>, vector<16xf32>,
          %mul3A_415 = arith.constant 16 : i32
          %mul3A_416 = arith.muli %scan3A_405, %mul3A_415 : i32
          %swap3A_417 = arith.index_cast %rem3A_190 : i32 to index
          %swap3A_418 = arith.index_cast %select_n3A_308 : i32 to index
          %swap3A_419 = arith.index_cast %mul3A_416 : i32 to index
          %swap3A_420 = tpu.vector_load %arg4[%swap3A_417, %swap3A_418, %swap3A_419] {strides = array<i32>} : memref<4x56x512xf32, #tpu.memory_space<vmem>>, vector<16xf32>,
          tpu.vector_store %arg4[%swap3A_417, %swap3A_418, %swap3A_419], %get3A_414 {strides = array<i32>} : memref<4x56x512xf32, #tpu.memory_space<vmem>>, vector<16xf32>,
          %scan3A_421 = arith.constant 0 : i32
          %scan3A_422 = arith.constant 6 : i32
          %scan3A_423 = arith.addi %scan3A_316, %scan3A_422 : i32
          %mul3A_424 = arith.constant 2560 : i32
          %mul3A_425 = arith.muli %rem3A_194, %mul3A_424 : i32
          %add3A_426 = arith.constant 1024 : i32
          %add3A_427 = arith.addi %mul3A_425, %add3A_426 : i32
          %mul3A_428 = arith.constant 16 : i32
          %mul3A_429 = arith.muli %scan3A_423, %mul3A_428 : i32
          %add3A_430 = arith.addi %add3A_427, %mul3A_429 : i32
          %get3A_431 = arith.index_cast %add3A_430 : i32 to index
          %get3A_432 = tpu.vector_load %arg5[%get3A_431] {strides = array<i32>} : memref<10240xf32, #tpu.memory_space<vmem>>, vector<16xf32>,
          %mul3A_433 = arith.constant 16 : i32
          %mul3A_434 = arith.muli %scan3A_423, %mul3A_433 : i32
          %swap3A_435 = arith.index_cast %rem3A_190 : i32 to index
          %swap3A_436 = arith.index_cast %select_n3A_308 : i32 to index
          %swap3A_437 = arith.index_cast %mul3A_434 : i32 to index
          %swap3A_438 = tpu.vector_load %arg4[%swap3A_435, %swap3A_436, %swap3A_437] {strides = array<i32>} : memref<4x56x512xf32, #tpu.memory_space<vmem>>, vector<16xf32>,
          tpu.vector_store %arg4[%swap3A_435, %swap3A_436, %swap3A_437], %get3A_432 {strides = array<i32>} : memref<4x56x512xf32, #tpu.memory_space<vmem>>, vector<16xf32>,
          %scan3A_439 = arith.constant 0 : i32
          %scan3A_440 = arith.constant 7 : i32
          %scan3A_441 = arith.addi %scan3A_316, %scan3A_440 : i32
          %mul3A_442 = arith.constant 2560 : i32
          %mul3A_443 = arith.muli %rem3A_194, %mul3A_442 : i32
          %add3A_444 = arith.constant 1024 : i32
          %add3A_445 = arith.addi %mul3A_443, %add3A_444 : i32
          %mul3A_446 = arith.constant 16 : i32
          %mul3A_447 = arith.muli %scan3A_441, %mul3A_446 : i32
          %add3A_448 = arith.addi %add3A_445, %mul3A_447 : i32
          %get3A_449 = arith.index_cast %add3A_448 : i32 to index
          %get3A_450 = tpu.vector_load %arg5[%get3A_449] {strides = array<i32>} : memref<10240xf32, #tpu.memory_space<vmem>>, vector<16xf32>,
          %mul3A_451 = arith.constant 16 : i32
          %mul3A_452 = arith.muli %scan3A_441, %mul3A_451 : i32
          %swap3A_453 = arith.index_cast %rem3A_190 : i32 to index
          %swap3A_454 = arith.index_cast %select_n3A_308 : i32 to index
          %swap3A_455 = arith.index_cast %mul3A_452 : i32 to index
          %swap3A_456 = tpu.vector_load %arg4[%swap3A_453, %swap3A_454, %swap3A_455] {strides = array<i32>} : memref<4x56x512xf32, #tpu.memory_space<vmem>>, vector<16xf32>,
          tpu.vector_store %arg4[%swap3A_453, %swap3A_454, %swap3A_455], %get3A_450 {strides = array<i32>} : memref<4x56x512xf32, #tpu.memory_space<vmem>>, vector<16xf32>,
          %scan3A_457 = arith.constant 0 : i32
          scf.yield %scan3A_457 : i32
        }
        %scan3A_315 = arith.constant 32 : i32
      } else {
      }
      %le3A_219 = arith.constant 3 : i32
      %le3A_220 = arith.cmpi sle, %select_n3A_47, %le3A_219 : i32
      %gt3A_221 = arith.constant 3 : i32
      %gt3A_222 = arith.cmpi sgt, %select_n3A_60, %gt3A_221 : i32
      %and3A_223 = arith.andi %le3A_220, %gt3A_222 : i1
      %convert_element_type3A_224 = arith.extui %and3A_223 : i1 to i32
      %cond3A_225 = arith.constant 0 : i32
      %cond3A_226 = arith.cmpi ne, %convert_element_type3A_224, %cond3A_225 : i32
      scf.if %cond3A_226 {
        %eq3A_296 = arith.constant 2 : i32
        %eq3A_297 = arith.cmpi eq, %select_n3A_30, %eq3A_296 : i32
        %jit3A_298 = arith.constant 0 : i32
        %jit3A_299 = arith.constant 0 : i32
        %select_n3A_300 = arith.select %eq3A_297, %jit3A_298, %jit3A_299 : i32
        %eq3A_301 = arith.constant 1 : i32
        %eq3A_302 = arith.cmpi eq, %select_n3A_30, %eq3A_301 : i32
        %jit3A_303 = arith.constant 41 : i32
        %select_n3A_304 = arith.select %eq3A_302, %jit3A_303, %select_n3A_300 : i32
        %eq3A_305 = arith.constant 0 : i32
        %eq3A_306 = arith.cmpi eq, %select_n3A_30, %eq3A_305 : i32
        %jit3A_307 = arith.constant 0 : i32
        %select_n3A_308 = arith.select %eq3A_306, %jit3A_307, %select_n3A_304 : i32
        %scan3A_309 = arith.constant 0 : i32
        %scan3A_310 = arith.constant 0 : i32
        %scan3A_311 = arith.constant 32 : i32
        %scan3A_312 = arith.addi %scan3A_310, %scan3A_311 : i32
        %scan3A_313 = arith.constant 8 : i32
        %scan3A_314 = scf.for %scan3A_316 = %scan3A_310 to %scan3A_312 step %scan3A_313 iter_args(%scan3A_317 = %scan3A_309) -> (i32)  : i32 {
          %mul3A_318 = arith.constant 2560 : i32
          %mul3A_319 = arith.muli %rem3A_194, %mul3A_318 : i32
          %add3A_320 = arith.constant 1536 : i32
          %add3A_321 = arith.addi %mul3A_319, %add3A_320 : i32
          %mul3A_322 = arith.constant 16 : i32
          %mul3A_323 = arith.muli %scan3A_316, %mul3A_322 : i32
          %add3A_324 = arith.addi %add3A_321, %mul3A_323 : i32
          %get3A = arith.index_cast %add3A_324 : i32 to index
          %get3A_325 = tpu.vector_load %arg5[%get3A] {strides = array<i32>} : memref<10240xf32, #tpu.memory_space<vmem>>, vector<16xf32>,
          %mul3A_326 = arith.constant 16 : i32
          %mul3A_327 = arith.muli %scan3A_316, %mul3A_326 : i32
          %swap3A = arith.index_cast %rem3A_190 : i32 to index
          %swap3A_328 = arith.index_cast %select_n3A_308 : i32 to index
          %swap3A_329 = arith.index_cast %mul3A_327 : i32 to index
          %swap3A_330 = tpu.vector_load %arg4[%swap3A, %swap3A_328, %swap3A_329] {strides = array<i32>} : memref<4x56x512xf32, #tpu.memory_space<vmem>>, vector<16xf32>,
          tpu.vector_store %arg4[%swap3A, %swap3A_328, %swap3A_329], %get3A_325 {strides = array<i32>} : memref<4x56x512xf32, #tpu.memory_space<vmem>>, vector<16xf32>,
          %scan3A_331 = arith.constant 0 : i32
          %scan3A_332 = arith.constant 1 : i32
          %scan3A_333 = arith.addi %scan3A_316, %scan3A_332 : i32
          %mul3A_334 = arith.constant 2560 : i32
          %mul3A_335 = arith.muli %rem3A_194, %mul3A_334 : i32
          %add3A_336 = arith.constant 1536 : i32
          %add3A_337 = arith.addi %mul3A_335, %add3A_336 : i32
          %mul3A_338 = arith.constant 16 : i32
          %mul3A_339 = arith.muli %scan3A_333, %mul3A_338 : i32
          %add3A_340 = arith.addi %add3A_337, %mul3A_339 : i32
          %get3A_341 = arith.index_cast %add3A_340 : i32 to index
          %get3A_342 = tpu.vector_load %arg5[%get3A_341] {strides = array<i32>} : memref<10240xf32, #tpu.memory_space<vmem>>, vector<16xf32>,
          %mul3A_343 = arith.constant 16 : i32
          %mul3A_344 = arith.muli %scan3A_333, %mul3A_343 : i32
          %swap3A_345 = arith.index_cast %rem3A_190 : i32 to index
          %swap3A_346 = arith.index_cast %select_n3A_308 : i32 to index
          %swap3A_347 = arith.index_cast %mul3A_344 : i32 to index
          %swap3A_348 = tpu.vector_load %arg4[%swap3A_345, %swap3A_346, %swap3A_347] {strides = array<i32>} : memref<4x56x512xf32, #tpu.memory_space<vmem>>, vector<16xf32>,
          tpu.vector_store %arg4[%swap3A_345, %swap3A_346, %swap3A_347], %get3A_342 {strides = array<i32>} : memref<4x56x512xf32, #tpu.memory_space<vmem>>, vector<16xf32>,
          %scan3A_349 = arith.constant 0 : i32
          %scan3A_350 = arith.constant 2 : i32
          %scan3A_351 = arith.addi %scan3A_316, %scan3A_350 : i32
          %mul3A_352 = arith.constant 2560 : i32
          %mul3A_353 = arith.muli %rem3A_194, %mul3A_352 : i32
          %add3A_354 = arith.constant 1536 : i32
          %add3A_355 = arith.addi %mul3A_353, %add3A_354 : i32
          %mul3A_356 = arith.constant 16 : i32
          %mul3A_357 = arith.muli %scan3A_351, %mul3A_356 : i32
          %add3A_358 = arith.addi %add3A_355, %mul3A_357 : i32
          %get3A_359 = arith.index_cast %add3A_358 : i32 to index
          %get3A_360 = tpu.vector_load %arg5[%get3A_359] {strides = array<i32>} : memref<10240xf32, #tpu.memory_space<vmem>>, vector<16xf32>,
          %mul3A_361 = arith.constant 16 : i32
          %mul3A_362 = arith.muli %scan3A_351, %mul3A_361 : i32
          %swap3A_363 = arith.index_cast %rem3A_190 : i32 to index
          %swap3A_364 = arith.index_cast %select_n3A_308 : i32 to index
          %swap3A_365 = arith.index_cast %mul3A_362 : i32 to index
          %swap3A_366 = tpu.vector_load %arg4[%swap3A_363, %swap3A_364, %swap3A_365] {strides = array<i32>} : memref<4x56x512xf32, #tpu.memory_space<vmem>>, vector<16xf32>,
          tpu.vector_store %arg4[%swap3A_363, %swap3A_364, %swap3A_365], %get3A_360 {strides = array<i32>} : memref<4x56x512xf32, #tpu.memory_space<vmem>>, vector<16xf32>,
          %scan3A_367 = arith.constant 0 : i32
          %scan3A_368 = arith.constant 3 : i32
          %scan3A_369 = arith.addi %scan3A_316, %scan3A_368 : i32
          %mul3A_370 = arith.constant 2560 : i32
          %mul3A_371 = arith.muli %rem3A_194, %mul3A_370 : i32
          %add3A_372 = arith.constant 1536 : i32
          %add3A_373 = arith.addi %mul3A_371, %add3A_372 : i32
          %mul3A_374 = arith.constant 16 : i32
          %mul3A_375 = arith.muli %scan3A_369, %mul3A_374 : i32
          %add3A_376 = arith.addi %add3A_373, %mul3A_375 : i32
          %get3A_377 = arith.index_cast %add3A_376 : i32 to index
          %get3A_378 = tpu.vector_load %arg5[%get3A_377] {strides = array<i32>} : memref<10240xf32, #tpu.memory_space<vmem>>, vector<16xf32>,
          %mul3A_379 = arith.constant 16 : i32
          %mul3A_380 = arith.muli %scan3A_369, %mul3A_379 : i32
          %swap3A_381 = arith.index_cast %rem3A_190 : i32 to index
          %swap3A_382 = arith.index_cast %select_n3A_308 : i32 to index
          %swap3A_383 = arith.index_cast %mul3A_380 : i32 to index
          %swap3A_384 = tpu.vector_load %arg4[%swap3A_381, %swap3A_382, %swap3A_383] {strides = array<i32>} : memref<4x56x512xf32, #tpu.memory_space<vmem>>, vector<16xf32>,
          tpu.vector_store %arg4[%swap3A_381, %swap3A_382, %swap3A_383], %get3A_378 {strides = array<i32>} : memref<4x56x512xf32, #tpu.memory_space<vmem>>, vector<16xf32>,
          %scan3A_385 = arith.constant 0 : i32
          %scan3A_386 = arith.constant 4 : i32
          %scan3A_387 = arith.addi %scan3A_316, %scan3A_386 : i32
          %mul3A_388 = arith.constant 2560 : i32
          %mul3A_389 = arith.muli %rem3A_194, %mul3A_388 : i32
          %add3A_390 = arith.constant 1536 : i32
          %add3A_391 = arith.addi %mul3A_389, %add3A_390 : i32
          %mul3A_392 = arith.constant 16 : i32
          %mul3A_393 = arith.muli %scan3A_387, %mul3A_392 : i32
          %add3A_394 = arith.addi %add3A_391, %mul3A_393 : i32
          %get3A_395 = arith.index_cast %add3A_394 : i32 to index
          %get3A_396 = tpu.vector_load %arg5[%get3A_395] {strides = array<i32>} : memref<10240xf32, #tpu.memory_space<vmem>>, vector<16xf32>,
          %mul3A_397 = arith.constant 16 : i32
          %mul3A_398 = arith.muli %scan3A_387, %mul3A_397 : i32
          %swap3A_399 = arith.index_cast %rem3A_190 : i32 to index
          %swap3A_400 = arith.index_cast %select_n3A_308 : i32 to index
          %swap3A_401 = arith.index_cast %mul3A_398 : i32 to index
          %swap3A_402 = tpu.vector_load %arg4[%swap3A_399, %swap3A_400, %swap3A_401] {strides = array<i32>} : memref<4x56x512xf32, #tpu.memory_space<vmem>>, vector<16xf32>,
          tpu.vector_store %arg4[%swap3A_399, %swap3A_400, %swap3A_401], %get3A_396 {strides = array<i32>} : memref<4x56x512xf32, #tpu.memory_space<vmem>>, vector<16xf32>,
          %scan3A_403 = arith.constant 0 : i32
          %scan3A_404 = arith.constant 5 : i32
          %scan3A_405 = arith.addi %scan3A_316, %scan3A_404 : i32
          %mul3A_406 = arith.constant 2560 : i32
          %mul3A_407 = arith.muli %rem3A_194, %mul3A_406 : i32
          %add3A_408 = arith.constant 1536 : i32
          %add3A_409 = arith.addi %mul3A_407, %add3A_408 : i32
          %mul3A_410 = arith.constant 16 : i32
          %mul3A_411 = arith.muli %scan3A_405, %mul3A_410 : i32
          %add3A_412 = arith.addi %add3A_409, %mul3A_411 : i32
          %get3A_413 = arith.index_cast %add3A_412 : i32 to index
          %get3A_414 = tpu.vector_load %arg5[%get3A_413] {strides = array<i32>} : memref<10240xf32, #tpu.memory_space<vmem>>, vector<16xf32>,
          %mul3A_415 = arith.constant 16 : i32
          %mul3A_416 = arith.muli %scan3A_405, %mul3A_415 : i32
          %swap3A_417 = arith.index_cast %rem3A_190 : i32 to index
          %swap3A_418 = arith.index_cast %select_n3A_308 : i32 to index
          %swap3A_419 = arith.index_cast %mul3A_416 : i32 to index
          %swap3A_420 = tpu.vector_load %arg4[%swap3A_417, %swap3A_418, %swap3A_419] {strides = array<i32>} : memref<4x56x512xf32, #tpu.memory_space<vmem>>, vector<16xf32>,
          tpu.vector_store %arg4[%swap3A_417, %swap3A_418, %swap3A_419], %get3A_414 {strides = array<i32>} : memref<4x56x512xf32, #tpu.memory_space<vmem>>, vector<16xf32>,
          %scan3A_421 = arith.constant 0 : i32
          %scan3A_422 = arith.constant 6 : i32
          %scan3A_423 = arith.addi %scan3A_316, %scan3A_422 : i32
          %mul3A_424 = arith.constant 2560 : i32
          %mul3A_425 = arith.muli %rem3A_194, %mul3A_424 : i32
          %add3A_426 = arith.constant 1536 : i32
          %add3A_427 = arith.addi %mul3A_425, %add3A_426 : i32
          %mul3A_428 = arith.constant 16 : i32
          %mul3A_429 = arith.muli %scan3A_423, %mul3A_428 : i32
          %add3A_430 = arith.addi %add3A_427, %mul3A_429 : i32
          %get3A_431 = arith.index_cast %add3A_430 : i32 to index
          %get3A_432 = tpu.vector_load %arg5[%get3A_431] {strides = array<i32>} : memref<10240xf32, #tpu.memory_space<vmem>>, vector<16xf32>,
          %mul3A_433 = arith.constant 16 : i32
          %mul3A_434 = arith.muli %scan3A_423, %mul3A_433 : i32
          %swap3A_435 = arith.index_cast %rem3A_190 : i32 to index
          %swap3A_436 = arith.index_cast %select_n3A_308 : i32 to index
          %swap3A_437 = arith.index_cast %mul3A_434 : i32 to index
          %swap3A_438 = tpu.vector_load %arg4[%swap3A_435, %swap3A_436, %swap3A_437] {strides = array<i32>} : memref<4x56x512xf32, #tpu.memory_space<vmem>>, vector<16xf32>,
          tpu.vector_store %arg4[%swap3A_435, %swap3A_436, %swap3A_437], %get3A_432 {strides = array<i32>} : memref<4x56x512xf32, #tpu.memory_space<vmem>>, vector<16xf32>,
          %scan3A_439 = arith.constant 0 : i32
          %scan3A_440 = arith.constant 7 : i32
          %scan3A_441 = arith.addi %scan3A_316, %scan3A_440 : i32
          %mul3A_442 = arith.constant 2560 : i32
          %mul3A_443 = arith.muli %rem3A_194, %mul3A_442 : i32
          %add3A_444 = arith.constant 1536 : i32
          %add3A_445 = arith.addi %mul3A_443, %add3A_444 : i32
          %mul3A_446 = arith.constant 16 : i32
          %mul3A_447 = arith.muli %scan3A_441, %mul3A_446 : i32
          %add3A_448 = arith.addi %add3A_445, %mul3A_447 : i32
          %get3A_449 = arith.index_cast %add3A_448 : i32 to index
          %get3A_450 = tpu.vector_load %arg5[%get3A_449] {strides = array<i32>} : memref<10240xf32, #tpu.memory_space<vmem>>, vector<16xf32>,
          %mul3A_451 = arith.constant 16 : i32
          %mul3A_452 = arith.muli %scan3A_441, %mul3A_451 : i32
          %swap3A_453 = arith.index_cast %rem3A_190 : i32 to index
          %swap3A_454 = arith.index_cast %select_n3A_308 : i32 to index
          %swap3A_455 = arith.index_cast %mul3A_452 : i32 to index
          %swap3A_456 = tpu.vector_load %arg4[%swap3A_453, %swap3A_454, %swap3A_455] {strides = array<i32>} : memref<4x56x512xf32, #tpu.memory_space<vmem>>, vector<16xf32>,
          tpu.vector_store %arg4[%swap3A_453, %swap3A_454, %swap3A_455], %get3A_450 {strides = array<i32>} : memref<4x56x512xf32, #tpu.memory_space<vmem>>, vector<16xf32>,
          %scan3A_457 = arith.constant 0 : i32
          scf.yield %scan3A_457 : i32
        }
        %scan3A_315 = arith.constant 32 : i32
      } else {
      }
      %le3A_227 = arith.constant 4 : i32
      %le3A_228 = arith.cmpi sle, %select_n3A_47, %le3A_227 : i32
      %gt3A_229 = arith.constant 4 : i32
      %gt3A_230 = arith.cmpi sgt, %select_n3A_60, %gt3A_229 : i32
      %and3A_231 = arith.andi %le3A_228, %gt3A_230 : i1
      %convert_element_type3A_232 = arith.extui %and3A_231 : i1 to i32
      %cond3A_233 = arith.constant 0 : i32
      %cond3A_234 = arith.cmpi ne, %convert_element_type3A_232, %cond3A_233 : i32
      scf.if %cond3A_234 {
        %eq3A_296 = arith.constant 2 : i32
        %eq3A_297 = arith.cmpi eq, %select_n3A_30, %eq3A_296 : i32
        %jit3A_298 = arith.constant 0 : i32
        %jit3A_299 = arith.constant 0 : i32
        %select_n3A_300 = arith.select %eq3A_297, %jit3A_298, %jit3A_299 : i32
        %eq3A_301 = arith.constant 1 : i32
        %eq3A_302 = arith.cmpi eq, %select_n3A_30, %eq3A_301 : i32
        %jit3A_303 = arith.constant 55 : i32
        %select_n3A_304 = arith.select %eq3A_302, %jit3A_303, %select_n3A_300 : i32
        %eq3A_305 = arith.constant 0 : i32
        %eq3A_306 = arith.cmpi eq, %select_n3A_30, %eq3A_305 : i32
        %jit3A_307 = arith.constant 0 : i32
        %select_n3A_308 = arith.select %eq3A_306, %jit3A_307, %select_n3A_304 : i32
        %scan3A_309 = arith.constant 0 : i32
        %scan3A_310 = arith.constant 0 : i32
        %scan3A_311 = arith.constant 32 : i32
        %scan3A_312 = arith.addi %scan3A_310, %scan3A_311 : i32
        %scan3A_313 = arith.constant 8 : i32
        %scan3A_314 = scf.for %scan3A_316 = %scan3A_310 to %scan3A_312 step %scan3A_313 iter_args(%scan3A_317 = %scan3A_309) -> (i32)  : i32 {
          %mul3A_318 = arith.constant 2560 : i32
          %mul3A_319 = arith.muli %rem3A_194, %mul3A_318 : i32
          %add3A_320 = arith.constant 2048 : i32
          %add3A_321 = arith.addi %mul3A_319, %add3A_320 : i32
          %mul3A_322 = arith.constant 16 : i32
          %mul3A_323 = arith.muli %scan3A_316, %mul3A_322 : i32
          %add3A_324 = arith.addi %add3A_321, %mul3A_323 : i32
          %get3A = arith.index_cast %add3A_324 : i32 to index
          %get3A_325 = tpu.vector_load %arg5[%get3A] {strides = array<i32>} : memref<10240xf32, #tpu.memory_space<vmem>>, vector<16xf32>,
          %mul3A_326 = arith.constant 16 : i32
          %mul3A_327 = arith.muli %scan3A_316, %mul3A_326 : i32
          %swap3A = arith.index_cast %rem3A_190 : i32 to index
          %swap3A_328 = arith.index_cast %select_n3A_308 : i32 to index
          %swap3A_329 = arith.index_cast %mul3A_327 : i32 to index
          %swap3A_330 = tpu.vector_load %arg4[%swap3A, %swap3A_328, %swap3A_329] {strides = array<i32>} : memref<4x56x512xf32, #tpu.memory_space<vmem>>, vector<16xf32>,
          tpu.vector_store %arg4[%swap3A, %swap3A_328, %swap3A_329], %get3A_325 {strides = array<i32>} : memref<4x56x512xf32, #tpu.memory_space<vmem>>, vector<16xf32>,
          %scan3A_331 = arith.constant 0 : i32
          %scan3A_332 = arith.constant 1 : i32
          %scan3A_333 = arith.addi %scan3A_316, %scan3A_332 : i32
          %mul3A_334 = arith.constant 2560 : i32
          %mul3A_335 = arith.muli %rem3A_194, %mul3A_334 : i32
          %add3A_336 = arith.constant 2048 : i32
          %add3A_337 = arith.addi %mul3A_335, %add3A_336 : i32
          %mul3A_338 = arith.constant 16 : i32
          %mul3A_339 = arith.muli %scan3A_333, %mul3A_338 : i32
          %add3A_340 = arith.addi %add3A_337, %mul3A_339 : i32
          %get3A_341 = arith.index_cast %add3A_340 : i32 to index
          %get3A_342 = tpu.vector_load %arg5[%get3A_341] {strides = array<i32>} : memref<10240xf32, #tpu.memory_space<vmem>>, vector<16xf32>,
          %mul3A_343 = arith.constant 16 : i32
          %mul3A_344 = arith.muli %scan3A_333, %mul3A_343 : i32
          %swap3A_345 = arith.index_cast %rem3A_190 : i32 to index
          %swap3A_346 = arith.index_cast %select_n3A_308 : i32 to index
          %swap3A_347 = arith.index_cast %mul3A_344 : i32 to index
          %swap3A_348 = tpu.vector_load %arg4[%swap3A_345, %swap3A_346, %swap3A_347] {strides = array<i32>} : memref<4x56x512xf32, #tpu.memory_space<vmem>>, vector<16xf32>,
          tpu.vector_store %arg4[%swap3A_345, %swap3A_346, %swap3A_347], %get3A_342 {strides = array<i32>} : memref<4x56x512xf32, #tpu.memory_space<vmem>>, vector<16xf32>,
          %scan3A_349 = arith.constant 0 : i32
          %scan3A_350 = arith.constant 2 : i32
          %scan3A_351 = arith.addi %scan3A_316, %scan3A_350 : i32
          %mul3A_352 = arith.constant 2560 : i32
          %mul3A_353 = arith.muli %rem3A_194, %mul3A_352 : i32
          %add3A_354 = arith.constant 2048 : i32
          %add3A_355 = arith.addi %mul3A_353, %add3A_354 : i32
          %mul3A_356 = arith.constant 16 : i32
          %mul3A_357 = arith.muli %scan3A_351, %mul3A_356 : i32
          %add3A_358 = arith.addi %add3A_355, %mul3A_357 : i32
          %get3A_359 = arith.index_cast %add3A_358 : i32 to index
          %get3A_360 = tpu.vector_load %arg5[%get3A_359] {strides = array<i32>} : memref<10240xf32, #tpu.memory_space<vmem>>, vector<16xf32>,
          %mul3A_361 = arith.constant 16 : i32
          %mul3A_362 = arith.muli %scan3A_351, %mul3A_361 : i32
          %swap3A_363 = arith.index_cast %rem3A_190 : i32 to index
          %swap3A_364 = arith.index_cast %select_n3A_308 : i32 to index
          %swap3A_365 = arith.index_cast %mul3A_362 : i32 to index
          %swap3A_366 = tpu.vector_load %arg4[%swap3A_363, %swap3A_364, %swap3A_365] {strides = array<i32>} : memref<4x56x512xf32, #tpu.memory_space<vmem>>, vector<16xf32>,
          tpu.vector_store %arg4[%swap3A_363, %swap3A_364, %swap3A_365], %get3A_360 {strides = array<i32>} : memref<4x56x512xf32, #tpu.memory_space<vmem>>, vector<16xf32>,
          %scan3A_367 = arith.constant 0 : i32
          %scan3A_368 = arith.constant 3 : i32
          %scan3A_369 = arith.addi %scan3A_316, %scan3A_368 : i32
          %mul3A_370 = arith.constant 2560 : i32
          %mul3A_371 = arith.muli %rem3A_194, %mul3A_370 : i32
          %add3A_372 = arith.constant 2048 : i32
          %add3A_373 = arith.addi %mul3A_371, %add3A_372 : i32
          %mul3A_374 = arith.constant 16 : i32
          %mul3A_375 = arith.muli %scan3A_369, %mul3A_374 : i32
          %add3A_376 = arith.addi %add3A_373, %mul3A_375 : i32
          %get3A_377 = arith.index_cast %add3A_376 : i32 to index
          %get3A_378 = tpu.vector_load %arg5[%get3A_377] {strides = array<i32>} : memref<10240xf32, #tpu.memory_space<vmem>>, vector<16xf32>,
          %mul3A_379 = arith.constant 16 : i32
          %mul3A_380 = arith.muli %scan3A_369, %mul3A_379 : i32
          %swap3A_381 = arith.index_cast %rem3A_190 : i32 to index
          %swap3A_382 = arith.index_cast %select_n3A_308 : i32 to index
          %swap3A_383 = arith.index_cast %mul3A_380 : i32 to index
          %swap3A_384 = tpu.vector_load %arg4[%swap3A_381, %swap3A_382, %swap3A_383] {strides = array<i32>} : memref<4x56x512xf32, #tpu.memory_space<vmem>>, vector<16xf32>,
          tpu.vector_store %arg4[%swap3A_381, %swap3A_382, %swap3A_383], %get3A_378 {strides = array<i32>} : memref<4x56x512xf32, #tpu.memory_space<vmem>>, vector<16xf32>,
          %scan3A_385 = arith.constant 0 : i32
          %scan3A_386 = arith.constant 4 : i32
          %scan3A_387 = arith.addi %scan3A_316, %scan3A_386 : i32
          %mul3A_388 = arith.constant 2560 : i32
          %mul3A_389 = arith.muli %rem3A_194, %mul3A_388 : i32
          %add3A_390 = arith.constant 2048 : i32
          %add3A_391 = arith.addi %mul3A_389, %add3A_390 : i32
          %mul3A_392 = arith.constant 16 : i32
          %mul3A_393 = arith.muli %scan3A_387, %mul3A_392 : i32
          %add3A_394 = arith.addi %add3A_391, %mul3A_393 : i32
          %get3A_395 = arith.index_cast %add3A_394 : i32 to index
          %get3A_396 = tpu.vector_load %arg5[%get3A_395] {strides = array<i32>} : memref<10240xf32, #tpu.memory_space<vmem>>, vector<16xf32>,
          %mul3A_397 = arith.constant 16 : i32
          %mul3A_398 = arith.muli %scan3A_387, %mul3A_397 : i32
          %swap3A_399 = arith.index_cast %rem3A_190 : i32 to index
          %swap3A_400 = arith.index_cast %select_n3A_308 : i32 to index
          %swap3A_401 = arith.index_cast %mul3A_398 : i32 to index
          %swap3A_402 = tpu.vector_load %arg4[%swap3A_399, %swap3A_400, %swap3A_401] {strides = array<i32>} : memref<4x56x512xf32, #tpu.memory_space<vmem>>, vector<16xf32>,
          tpu.vector_store %arg4[%swap3A_399, %swap3A_400, %swap3A_401], %get3A_396 {strides = array<i32>} : memref<4x56x512xf32, #tpu.memory_space<vmem>>, vector<16xf32>,
          %scan3A_403 = arith.constant 0 : i32
          %scan3A_404 = arith.constant 5 : i32
          %scan3A_405 = arith.addi %scan3A_316, %scan3A_404 : i32
          %mul3A_406 = arith.constant 2560 : i32
          %mul3A_407 = arith.muli %rem3A_194, %mul3A_406 : i32
          %add3A_408 = arith.constant 2048 : i32
          %add3A_409 = arith.addi %mul3A_407, %add3A_408 : i32
          %mul3A_410 = arith.constant 16 : i32
          %mul3A_411 = arith.muli %scan3A_405, %mul3A_410 : i32
          %add3A_412 = arith.addi %add3A_409, %mul3A_411 : i32
          %get3A_413 = arith.index_cast %add3A_412 : i32 to index
          %get3A_414 = tpu.vector_load %arg5[%get3A_413] {strides = array<i32>} : memref<10240xf32, #tpu.memory_space<vmem>>, vector<16xf32>,
          %mul3A_415 = arith.constant 16 : i32
          %mul3A_416 = arith.muli %scan3A_405, %mul3A_415 : i32
          %swap3A_417 = arith.index_cast %rem3A_190 : i32 to index
          %swap3A_418 = arith.index_cast %select_n3A_308 : i32 to index
          %swap3A_419 = arith.index_cast %mul3A_416 : i32 to index
          %swap3A_420 = tpu.vector_load %arg4[%swap3A_417, %swap3A_418, %swap3A_419] {strides = array<i32>} : memref<4x56x512xf32, #tpu.memory_space<vmem>>, vector<16xf32>,
          tpu.vector_store %arg4[%swap3A_417, %swap3A_418, %swap3A_419], %get3A_414 {strides = array<i32>} : memref<4x56x512xf32, #tpu.memory_space<vmem>>, vector<16xf32>,
          %scan3A_421 = arith.constant 0 : i32
          %scan3A_422 = arith.constant 6 : i32
          %scan3A_423 = arith.addi %scan3A_316, %scan3A_422 : i32
          %mul3A_424 = arith.constant 2560 : i32
          %mul3A_425 = arith.muli %rem3A_194, %mul3A_424 : i32
          %add3A_426 = arith.constant 2048 : i32
          %add3A_427 = arith.addi %mul3A_425, %add3A_426 : i32
          %mul3A_428 = arith.constant 16 : i32
          %mul3A_429 = arith.muli %scan3A_423, %mul3A_428 : i32
          %add3A_430 = arith.addi %add3A_427, %mul3A_429 : i32
          %get3A_431 = arith.index_cast %add3A_430 : i32 to index
          %get3A_432 = tpu.vector_load %arg5[%get3A_431] {strides = array<i32>} : memref<10240xf32, #tpu.memory_space<vmem>>, vector<16xf32>,
          %mul3A_433 = arith.constant 16 : i32
          %mul3A_434 = arith.muli %scan3A_423, %mul3A_433 : i32
          %swap3A_435 = arith.index_cast %rem3A_190 : i32 to index
          %swap3A_436 = arith.index_cast %select_n3A_308 : i32 to index
          %swap3A_437 = arith.index_cast %mul3A_434 : i32 to index
          %swap3A_438 = tpu.vector_load %arg4[%swap3A_435, %swap3A_436, %swap3A_437] {strides = array<i32>} : memref<4x56x512xf32, #tpu.memory_space<vmem>>, vector<16xf32>,
          tpu.vector_store %arg4[%swap3A_435, %swap3A_436, %swap3A_437], %get3A_432 {strides = array<i32>} : memref<4x56x512xf32, #tpu.memory_space<vmem>>, vector<16xf32>,
          %scan3A_439 = arith.constant 0 : i32
          %scan3A_440 = arith.constant 7 : i32
          %scan3A_441 = arith.addi %scan3A_316, %scan3A_440 : i32
          %mul3A_442 = arith.constant 2560 : i32
          %mul3A_443 = arith.muli %rem3A_194, %mul3A_442 : i32
          %add3A_444 = arith.constant 2048 : i32
          %add3A_445 = arith.addi %mul3A_443, %add3A_444 : i32
          %mul3A_446 = arith.constant 16 : i32
          %mul3A_447 = arith.muli %scan3A_441, %mul3A_446 : i32
          %add3A_448 = arith.addi %add3A_445, %mul3A_447 : i32
          %get3A_449 = arith.index_cast %add3A_448 : i32 to index
          %get3A_450 = tpu.vector_load %arg5[%get3A_449] {strides = array<i32>} : memref<10240xf32, #tpu.memory_space<vmem>>, vector<16xf32>,
          %mul3A_451 = arith.constant 16 : i32
          %mul3A_452 = arith.muli %scan3A_441, %mul3A_451 : i32
          %swap3A_453 = arith.index_cast %rem3A_190 : i32 to index
          %swap3A_454 = arith.index_cast %select_n3A_308 : i32 to index
          %swap3A_455 = arith.index_cast %mul3A_452 : i32 to index
          %swap3A_456 = tpu.vector_load %arg4[%swap3A_453, %swap3A_454, %swap3A_455] {strides = array<i32>} : memref<4x56x512xf32, #tpu.memory_space<vmem>>, vector<16xf32>,
          tpu.vector_store %arg4[%swap3A_453, %swap3A_454, %swap3A_455], %get3A_450 {strides = array<i32>} : memref<4x56x512xf32, #tpu.memory_space<vmem>>, vector<16xf32>,
          %scan3A_457 = arith.constant 0 : i32
          scf.yield %scan3A_457 : i32
        }
        %scan3A_315 = arith.constant 32 : i32
      } else {
      }
      %add3A_235 = arith.constant 1 : i32
      %add3A_236 = arith.addi %add3A_179, %add3A_235 : i32
      %le3A_237 = arith.cmpi sle, %add3A_236, %min3A_152 : i32
      %convert_element_type3A_238 = arith.extui %le3A_237 : i1 to i32
      %cond3A_239 = arith.constant 0 : i32
      %cond3A_240 = arith.cmpi ne, %convert_element_type3A_238, %cond3A_239 : i32
      scf.if %cond3A_240 {
        %dma_wait3A_296 = arith.constant 0 : i32
        %dma_wait3A_297 = arith.constant 0 : i32
        %dma_wait3A_298 = arith.constant 0 : i32
        %dma_wait3A_299 = arith.constant 0 : i32
        %dma_wait3A_300 = tpu.memref_slice %arg4[%dma_wait3A_297, %dma_wait3A_298, %dma_wait3A_299] : memref<4x56x512xf32, #tpu.memory_space<vmem>> -> memref<1x56x512xf32, #tpu.memory_space<vmem>>
        %dma_wait3A_301 = tpu.memref_squeeze %dma_wait3A_300 : memref<1x56x512xf32, #tpu.memory_space<vmem>> -> memref<56x512xf32, #tpu.memory_space<vmem>>
        %dma_wait3A_302 = arith.constant 0 : i32
        %dma_wait3A_303 = arith.constant 0 : i32
        %dma_wait3A_304 = tpu.memref_slice %arg2[%dma_wait3A_296, %dma_wait3A_302, %dma_wait3A_303] : memref<512x224x512xf32, #tpu.memory_space<hbm>> -> memref<1x56x512xf32, #tpu.memory_space<hbm>>
        %dma_wait3A_305 = tpu.memref_squeeze %dma_wait3A_304 : memref<1x56x512xf32, #tpu.memory_space<hbm>> -> memref<56x512xf32, #tpu.memory_space<hbm>>
        %dma_wait3A_306 = arith.constant 0 : i32
        %dma_wait3A_307 = arith.constant 0 : i32
        %dma_wait3A_308 = tpu.memref_slice %arg4[%dma_wait3A_297, %dma_wait3A_306, %dma_wait3A_307] : memref<4x56x512xf32, #tpu.memory_space<vmem>> -> memref<1x56x512xf32, #tpu.memory_space<vmem>>
        %dma_wait3A_309 = tpu.memref_squeeze %dma_wait3A_308 : memref<1x56x512xf32, #tpu.memory_space<vmem>> -> memref<56x512xf32, #tpu.memory_space<vmem>>
        %dma_wait3A_310 = arith.constant 0 : i32
        %dma_wait3A_311 = arith.constant 0 : i32
        %dma_wait3A_312 = tpu.memref_slice %arg2[%dma_wait3A_296, %dma_wait3A_310, %dma_wait3A_311] : memref<512x224x512xf32, #tpu.memory_space<hbm>> -> memref<1x56x512xf32, #tpu.memory_space<hbm>>
        %dma_wait3A_313 = tpu.memref_squeeze %dma_wait3A_312 : memref<1x56x512xf32, #tpu.memory_space<hbm>> -> memref<56x512xf32, #tpu.memory_space<hbm>>
        tpu.wait_dma2 semaphore(%arg6 : memref<!tpu.dma_semaphore, #tpu.memory_space<semaphore_mem>>) src(%dma_wait3A_313 : memref<56x512xf32, #tpu.memory_space<hbm>>) dst(%dma_wait3A_309 : memref<56x512xf32, #tpu.memory_space<vmem>>)
        %add3A_314 = arith.constant 1 : i32
        %add3A_315 = arith.addi %add3A_179, %add3A_314 : i32
        %rem3A_316 = arith.constant 4 : i32
        %rem3A_317 = arith.remsi %add3A_315, %rem3A_316 : i32
        %gt3A_318 = arith.constant 0 : i32
        %gt3A_319 = arith.cmpi sgt, %select_n3A_60, %gt3A_318 : i32
        %convert_element_type3A_320 = arith.extui %gt3A_319 : i1 to i32
        %cond3A_321 = arith.constant 0 : i32
        %cond3A_322 = arith.cmpi ne, %convert_element_type3A_320, %cond3A_321 : i32
        scf.if %cond3A_322 {
          %eq3A_343 = arith.constant 2 : i32
          %eq3A_344 = arith.cmpi eq, %select_n3A_30, %eq3A_343 : i32
          %jit3A_345 = arith.constant 48 : i32
          %jit3A_346 = arith.constant 53 : i32
          %select_n3A_347 = arith.select %eq3A_344, %jit3A_345, %jit3A_346 : i32
          %eq3A_348 = arith.constant 1 : i32
          %eq3A_349 = arith.cmpi eq, %select_n3A_30, %eq3A_348 : i32
          %jit3A_350 = arith.constant 28 : i32
          %select_n3A_351 = arith.select %eq3A_349, %jit3A_350, %select_n3A_347 : i32
          %eq3A_352 = arith.constant 0 : i32
          %eq3A_353 = arith.cmpi eq, %select_n3A_30, %eq3A_352 : i32
          %jit3A_354 = arith.constant 36 : i32
          %select_n3A_355 = arith.select %eq3A_353, %jit3A_354, %select_n3A_351 : i32
          %scan3A_356 = arith.constant 0 : i32
          %scan3A_357 = arith.constant 0 : i32
          %scan3A_358 = arith.constant 32 : i32
          %scan3A_359 = arith.addi %scan3A_357, %scan3A_358 : i32
          %scan3A_360 = arith.constant 8 : i32
          %scan3A_361 = scf.for %scan3A_363 = %scan3A_357 to %scan3A_359 step %scan3A_360 iter_args(%scan3A_364 = %scan3A_356) -> (i32)  : i32 {
            %mul3A_365 = arith.constant 16 : i32
            %mul3A_366 = arith.muli %scan3A_363, %mul3A_365 : i32
            %get3A = arith.index_cast %rem3A_317 : i32 to index
            %get3A_367 = arith.index_cast %select_n3A_355 : i32 to index
            %get3A_368 = arith.index_cast %mul3A_366 : i32 to index
            %get3A_369 = tpu.vector_load %arg4[%get3A, %get3A_367, %get3A_368] {strides = array<i32>} : memref<4x56x512xf32, #tpu.memory_space<vmem>>, vector<16xf32>,
            %mul3A_370 = arith.constant 2560 : i32
            %mul3A_371 = arith.muli %rem3A_317, %mul3A_370 : i32
            %add3A_372 = arith.constant 0 : i32
            %add3A_373 = arith.addi %mul3A_371, %add3A_372 : i32
            %mul3A_374 = arith.constant 16 : i32
            %mul3A_375 = arith.muli %scan3A_363, %mul3A_374 : i32
            %add3A_376 = arith.addi %add3A_373, %mul3A_375 : i32
            %swap3A = arith.index_cast %add3A_376 : i32 to index
            %swap3A_377 = tpu.vector_load %arg5[%swap3A] {strides = array<i32>} : memref<10240xf32, #tpu.memory_space<vmem>>, vector<16xf32>,
            tpu.vector_store %arg5[%swap3A], %get3A_369 {strides = array<i32>} : memref<10240xf32, #tpu.memory_space<vmem>>, vector<16xf32>,
            %scan3A_378 = arith.constant 0 : i32
            %scan3A_379 = arith.constant 1 : i32
            %scan3A_380 = arith.addi %scan3A_363, %scan3A_379 : i32
            %mul3A_381 = arith.constant 16 : i32
            %mul3A_382 = arith.muli %scan3A_380, %mul3A_381 : i32
            %get3A_383 = arith.index_cast %rem3A_317 : i32 to index
            %get3A_384 = arith.index_cast %select_n3A_355 : i32 to index
            %get3A_385 = arith.index_cast %mul3A_382 : i32 to index
            %get3A_386 = tpu.vector_load %arg4[%get3A_383, %get3A_384, %get3A_385] {strides = array<i32>} : memref<4x56x512xf32, #tpu.memory_space<vmem>>, vector<16xf32>,
            %mul3A_387 = arith.constant 2560 : i32
            %mul3A_388 = arith.muli %rem3A_317, %mul3A_387 : i32
            %add3A_389 = arith.constant 0 : i32
            %add3A_390 = arith.addi %mul3A_388, %add3A_389 : i32
            %mul3A_391 = arith.constant 16 : i32
            %mul3A_392 = arith.muli %scan3A_380, %mul3A_391 : i32
            %add3A_393 = arith.addi %add3A_390, %mul3A_392 : i32
            %swap3A_394 = arith.index_cast %add3A_393 : i32 to index
            %swap3A_395 = tpu.vector_load %arg5[%swap3A_394] {strides = array<i32>} : memref<10240xf32, #tpu.memory_space<vmem>>, vector<16xf32>,
            tpu.vector_store %arg5[%swap3A_394], %get3A_386 {strides = array<i32>} : memref<10240xf32, #tpu.memory_space<vmem>>, vector<16xf32>,
            %scan3A_396 = arith.constant 0 : i32
            %scan3A_397 = arith.constant 2 : i32
            %scan3A_398 = arith.addi %scan3A_363, %scan3A_397 : i32
            %mul3A_399 = arith.constant 16 : i32
            %mul3A_400 = arith.muli %scan3A_398, %mul3A_399 : i32
            %get3A_401 = arith.index_cast %rem3A_317 : i32 to index
            %get3A_402 = arith.index_cast %select_n3A_355 : i32 to index
            %get3A_403 = arith.index_cast %mul3A_400 : i32 to index
            %get3A_404 = tpu.vector_load %arg4[%get3A_401, %get3A_402, %get3A_403] {strides = array<i32>} : memref<4x56x512xf32, #tpu.memory_space<vmem>>, vector<16xf32>,
            %mul3A_405 = arith.constant 2560 : i32
            %mul3A_406 = arith.muli %rem3A_317, %mul3A_405 : i32
            %add3A_407 = arith.constant 0 : i32
            %add3A_408 = arith.addi %mul3A_406, %add3A_407 : i32
            %mul3A_409 = arith.constant 16 : i32
            %mul3A_410 = arith.muli %scan3A_398, %mul3A_409 : i32
            %add3A_411 = arith.addi %add3A_408, %mul3A_410 : i32
            %swap3A_412 = arith.index_cast %add3A_411 : i32 to index
            %swap3A_413 = tpu.vector_load %arg5[%swap3A_412] {strides = array<i32>} : memref<10240xf32, #tpu.memory_space<vmem>>, vector<16xf32>,
            tpu.vector_store %arg5[%swap3A_412], %get3A_404 {strides = array<i32>} : memref<10240xf32, #tpu.memory_space<vmem>>, vector<16xf32>,
            %scan3A_414 = arith.constant 0 : i32
            %scan3A_415 = arith.constant 3 : i32
            %scan3A_416 = arith.addi %scan3A_363, %scan3A_415 : i32
            %mul3A_417 = arith.constant 16 : i32
            %mul3A_418 = arith.muli %scan3A_416, %mul3A_417 : i32
            %get3A_419 = arith.index_cast %rem3A_317 : i32 to index
            %get3A_420 = arith.index_cast %select_n3A_355 : i32 to index
            %get3A_421 = arith.index_cast %mul3A_418 : i32 to index
            %get3A_422 = tpu.vector_load %arg4[%get3A_419, %get3A_420, %get3A_421] {strides = array<i32>} : memref<4x56x512xf32, #tpu.memory_space<vmem>>, vector<16xf32>,
            %mul3A_423 = arith.constant 2560 : i32
            %mul3A_424 = arith.muli %rem3A_317, %mul3A_423 : i32
            %add3A_425 = arith.constant 0 : i32
            %add3A_426 = arith.addi %mul3A_424, %add3A_425 : i32
            %mul3A_427 = arith.constant 16 : i32
            %mul3A_428 = arith.muli %scan3A_416, %mul3A_427 : i32
            %add3A_429 = arith.addi %add3A_426, %mul3A_428 : i32
            %swap3A_430 = arith.index_cast %add3A_429 : i32 to index
            %swap3A_431 = tpu.vector_load %arg5[%swap3A_430] {strides = array<i32>} : memref<10240xf32, #tpu.memory_space<vmem>>, vector<16xf32>,
            tpu.vector_store %arg5[%swap3A_430], %get3A_422 {strides = array<i32>} : memref<10240xf32, #tpu.memory_space<vmem>>, vector<16xf32>,
            %scan3A_432 = arith.constant 0 : i32
            %scan3A_433 = arith.constant 4 : i32
            %scan3A_434 = arith.addi %scan3A_363, %scan3A_433 : i32
            %mul3A_435 = arith.constant 16 : i32
            %mul3A_436 = arith.muli %scan3A_434, %mul3A_435 : i32
            %get3A_437 = arith.index_cast %rem3A_317 : i32 to index
            %get3A_438 = arith.index_cast %select_n3A_355 : i32 to index
            %get3A_439 = arith.index_cast %mul3A_436 : i32 to index
            %get3A_440 = tpu.vector_load %arg4[%get3A_437, %get3A_438, %get3A_439] {strides = array<i32>} : memref<4x56x512xf32, #tpu.memory_space<vmem>>, vector<16xf32>,
            %mul3A_441 = arith.constant 2560 : i32
            %mul3A_442 = arith.muli %rem3A_317, %mul3A_441 : i32
            %add3A_443 = arith.constant 0 : i32
            %add3A_444 = arith.addi %mul3A_442, %add3A_443 : i32
            %mul3A_445 = arith.constant 16 : i32
            %mul3A_446 = arith.muli %scan3A_434, %mul3A_445 : i32
            %add3A_447 = arith.addi %add3A_444, %mul3A_446 : i32
            %swap3A_448 = arith.index_cast %add3A_447 : i32 to index
            %swap3A_449 = tpu.vector_load %arg5[%swap3A_448] {strides = array<i32>} : memref<10240xf32, #tpu.memory_space<vmem>>, vector<16xf32>,
            tpu.vector_store %arg5[%swap3A_448], %get3A_440 {strides = array<i32>} : memref<10240xf32, #tpu.memory_space<vmem>>, vector<16xf32>,
            %scan3A_450 = arith.constant 0 : i32
            %scan3A_451 = arith.constant 5 : i32
            %scan3A_452 = arith.addi %scan3A_363, %scan3A_451 : i32
            %mul3A_453 = arith.constant 16 : i32
            %mul3A_454 = arith.muli %scan3A_452, %mul3A_453 : i32
            %get3A_455 = arith.index_cast %rem3A_317 : i32 to index
            %get3A_456 = arith.index_cast %select_n3A_355 : i32 to index
            %get3A_457 = arith.index_cast %mul3A_454 : i32 to index
            %get3A_458 = tpu.vector_load %arg4[%get3A_455, %get3A_456, %get3A_457] {strides = array<i32>} : memref<4x56x512xf32, #tpu.memory_space<vmem>>, vector<16xf32>,
            %mul3A_459 = arith.constant 2560 : i32
            %mul3A_460 = arith.muli %rem3A_317, %mul3A_459 : i32
            %add3A_461 = arith.constant 0 : i32
            %add3A_462 = arith.addi %mul3A_460, %add3A_461 : i32
            %mul3A_463 = arith.constant 16 : i32
            %mul3A_464 = arith.muli %scan3A_452, %mul3A_463 : i32
            %add3A_465 = arith.addi %add3A_462, %mul3A_464 : i32
            %swap3A_466 = arith.index_cast %add3A_465 : i32 to index
            %swap3A_467 = tpu.vector_load %arg5[%swap3A_466] {strides = array<i32>} : memref<10240xf32, #tpu.memory_space<vmem>>, vector<16xf32>,
            tpu.vector_store %arg5[%swap3A_466], %get3A_458 {strides = array<i32>} : memref<10240xf32, #tpu.memory_space<vmem>>, vector<16xf32>,
            %scan3A_468 = arith.constant 0 : i32
            %scan3A_469 = arith.constant 6 : i32
            %scan3A_470 = arith.addi %scan3A_363, %scan3A_469 : i32
            %mul3A_471 = arith.constant 16 : i32
            %mul3A_472 = arith.muli %scan3A_470, %mul3A_471 : i32
            %get3A_473 = arith.index_cast %rem3A_317 : i32 to index
            %get3A_474 = arith.index_cast %select_n3A_355 : i32 to index
            %get3A_475 = arith.index_cast %mul3A_472 : i32 to index
            %get3A_476 = tpu.vector_load %arg4[%get3A_473, %get3A_474, %get3A_475] {strides = array<i32>} : memref<4x56x512xf32, #tpu.memory_space<vmem>>, vector<16xf32>,
            %mul3A_477 = arith.constant 2560 : i32
            %mul3A_478 = arith.muli %rem3A_317, %mul3A_477 : i32
            %add3A_479 = arith.constant 0 : i32
            %add3A_480 = arith.addi %mul3A_478, %add3A_479 : i32
            %mul3A_481 = arith.constant 16 : i32
            %mul3A_482 = arith.muli %scan3A_470, %mul3A_481 : i32
            %add3A_483 = arith.addi %add3A_480, %mul3A_482 : i32
            %swap3A_484 = arith.index_cast %add3A_483 : i32 to index
            %swap3A_485 = tpu.vector_load %arg5[%swap3A_484] {strides = array<i32>} : memref<10240xf32, #tpu.memory_space<vmem>>, vector<16xf32>,
            tpu.vector_store %arg5[%swap3A_484], %get3A_476 {strides = array<i32>} : memref<10240xf32, #tpu.memory_space<vmem>>, vector<16xf32>,
            %scan3A_486 = arith.constant 0 : i32
            %scan3A_487 = arith.constant 7 : i32
            %scan3A_488 = arith.addi %scan3A_363, %scan3A_487 : i32
            %mul3A_489 = arith.constant 16 : i32
            %mul3A_490 = arith.muli %scan3A_488, %mul3A_489 : i32
            %get3A_491 = arith.index_cast %rem3A_317 : i32 to index
            %get3A_492 = arith.index_cast %select_n3A_355 : i32 to index
            %get3A_493 = arith.index_cast %mul3A_490 : i32 to index
            %get3A_494 = tpu.vector_load %arg4[%get3A_491, %get3A_492, %get3A_493] {strides = array<i32>} : memref<4x56x512xf32, #tpu.memory_space<vmem>>, vector<16xf32>,
            %mul3A_495 = arith.constant 2560 : i32
            %mul3A_496 = arith.muli %rem3A_317, %mul3A_495 : i32
            %add3A_497 = arith.constant 0 : i32
            %add3A_498 = arith.addi %mul3A_496, %add3A_497 : i32
            %mul3A_499 = arith.constant 16 : i32
            %mul3A_500 = arith.muli %scan3A_488, %mul3A_499 : i32
            %add3A_501 = arith.addi %add3A_498, %mul3A_500 : i32
            %swap3A_502 = arith.index_cast %add3A_501 : i32 to index
            %swap3A_503 = tpu.vector_load %arg5[%swap3A_502] {strides = array<i32>} : memref<10240xf32, #tpu.memory_space<vmem>>, vector<16xf32>,
            tpu.vector_store %arg5[%swap3A_502], %get3A_494 {strides = array<i32>} : memref<10240xf32, #tpu.memory_space<vmem>>, vector<16xf32>,
            %scan3A_504 = arith.constant 0 : i32
            scf.yield %scan3A_504 : i32
          }
          %scan3A_362 = arith.constant 32 : i32
        } else {
        }
        %gt3A_323 = arith.constant 1 : i32
        %gt3A_324 = arith.cmpi sgt, %select_n3A_60, %gt3A_323 : i32
        %convert_element_type3A_325 = arith.extui %gt3A_324 : i1 to i32
        %cond3A_326 = arith.constant 0 : i32
        %cond3A_327 = arith.cmpi ne, %convert_element_type3A_325, %cond3A_326 : i32
        scf.if %cond3A_327 {
          %eq3A_343 = arith.constant 2 : i32
          %eq3A_344 = arith.cmpi eq, %select_n3A_30, %eq3A_343 : i32
          %jit3A_345 = arith.constant 47 : i32
          %jit3A_346 = arith.constant 0 : i32
          %select_n3A_347 = arith.select %eq3A_344, %jit3A_345, %jit3A_346 : i32
          %eq3A_348 = arith.constant 1 : i32
          %eq3A_349 = arith.cmpi eq, %select_n3A_30, %eq3A_348 : i32
          %jit3A_350 = arith.constant 46 : i32
          %select_n3A_351 = arith.select %eq3A_349, %jit3A_350, %select_n3A_347 : i32
          %eq3A_352 = arith.constant 0 : i32
          %eq3A_353 = arith.cmpi eq, %select_n3A_30, %eq3A_352 : i32
          %jit3A_354 = arith.constant 0 : i32
          %select_n3A_355 = arith.select %eq3A_353, %jit3A_354, %select_n3A_351 : i32
          %scan3A_356 = arith.constant 0 : i32
          %scan3A_357 = arith.constant 0 : i32
          %scan3A_358 = arith.constant 32 : i32
          %scan3A_359 = arith.addi %scan3A_357, %scan3A_358 : i32
          %scan3A_360 = arith.constant 8 : i32
          %scan3A_361 = scf.for %scan3A_363 = %scan3A_357 to %scan3A_359 step %scan3A_360 iter_args(%scan3A_364 = %scan3A_356) -> (i32)  : i32 {
            %mul3A_365 = arith.constant 16 : i32
            %mul3A_366 = arith.muli %scan3A_363, %mul3A_365 : i32
            %get3A = arith.index_cast %rem3A_317 : i32 to index
            %get3A_367 = arith.index_cast %select_n3A_355 : i32 to index
            %get3A_368 = arith.index_cast %mul3A_366 : i32 to index
            %get3A_369 = tpu.vector_load %arg4[%get3A, %get3A_367, %get3A_368] {strides = array<i32>} : memref<4x56x512xf32, #tpu.memory_space<vmem>>, vector<16xf32>,
            %mul3A_370 = arith.constant 2560 : i32
            %mul3A_371 = arith.muli %rem3A_317, %mul3A_370 : i32
            %add3A_372 = arith.constant 512 : i32
            %add3A_373 = arith.addi %mul3A_371, %add3A_372 : i32
            %mul3A_374 = arith.constant 16 : i32
            %mul3A_375 = arith.muli %scan3A_363, %mul3A_374 : i32
            %add3A_376 = arith.addi %add3A_373, %mul3A_375 : i32
            %swap3A = arith.index_cast %add3A_376 : i32 to index
            %swap3A_377 = tpu.vector_load %arg5[%swap3A] {strides = array<i32>} : memref<10240xf32, #tpu.memory_space<vmem>>, vector<16xf32>,
            tpu.vector_store %arg5[%swap3A], %get3A_369 {strides = array<i32>} : memref<10240xf32, #tpu.memory_space<vmem>>, vector<16xf32>,
            %scan3A_378 = arith.constant 0 : i32
            %scan3A_379 = arith.constant 1 : i32
            %scan3A_380 = arith.addi %scan3A_363, %scan3A_379 : i32
            %mul3A_381 = arith.constant 16 : i32
            %mul3A_382 = arith.muli %scan3A_380, %mul3A_381 : i32
            %get3A_383 = arith.index_cast %rem3A_317 : i32 to index
            %get3A_384 = arith.index_cast %select_n3A_355 : i32 to index
            %get3A_385 = arith.index_cast %mul3A_382 : i32 to index
            %get3A_386 = tpu.vector_load %arg4[%get3A_383, %get3A_384, %get3A_385] {strides = array<i32>} : memref<4x56x512xf32, #tpu.memory_space<vmem>>, vector<16xf32>,
            %mul3A_387 = arith.constant 2560 : i32
            %mul3A_388 = arith.muli %rem3A_317, %mul3A_387 : i32
            %add3A_389 = arith.constant 512 : i32
            %add3A_390 = arith.addi %mul3A_388, %add3A_389 : i32
            %mul3A_391 = arith.constant 16 : i32
            %mul3A_392 = arith.muli %scan3A_380, %mul3A_391 : i32
            %add3A_393 = arith.addi %add3A_390, %mul3A_392 : i32
            %swap3A_394 = arith.index_cast %add3A_393 : i32 to index
            %swap3A_395 = tpu.vector_load %arg5[%swap3A_394] {strides = array<i32>} : memref<10240xf32, #tpu.memory_space<vmem>>, vector<16xf32>,
            tpu.vector_store %arg5[%swap3A_394], %get3A_386 {strides = array<i32>} : memref<10240xf32, #tpu.memory_space<vmem>>, vector<16xf32>,
            %scan3A_396 = arith.constant 0 : i32
            %scan3A_397 = arith.constant 2 : i32
            %scan3A_398 = arith.addi %scan3A_363, %scan3A_397 : i32
            %mul3A_399 = arith.constant 16 : i32
            %mul3A_400 = arith.muli %scan3A_398, %mul3A_399 : i32
            %get3A_401 = arith.index_cast %rem3A_317 : i32 to index
            %get3A_402 = arith.index_cast %select_n3A_355 : i32 to index
            %get3A_403 = arith.index_cast %mul3A_400 : i32 to index
            %get3A_404 = tpu.vector_load %arg4[%get3A_401, %get3A_402, %get3A_403] {strides = array<i32>} : memref<4x56x512xf32, #tpu.memory_space<vmem>>, vector<16xf32>,
            %mul3A_405 = arith.constant 2560 : i32
            %mul3A_406 = arith.muli %rem3A_317, %mul3A_405 : i32
            %add3A_407 = arith.constant 512 : i32
            %add3A_408 = arith.addi %mul3A_406, %add3A_407 : i32
            %mul3A_409 = arith.constant 16 : i32
            %mul3A_410 = arith.muli %scan3A_398, %mul3A_409 : i32
            %add3A_411 = arith.addi %add3A_408, %mul3A_410 : i32
            %swap3A_412 = arith.index_cast %add3A_411 : i32 to index
            %swap3A_413 = tpu.vector_load %arg5[%swap3A_412] {strides = array<i32>} : memref<10240xf32, #tpu.memory_space<vmem>>, vector<16xf32>,
            tpu.vector_store %arg5[%swap3A_412], %get3A_404 {strides = array<i32>} : memref<10240xf32, #tpu.memory_space<vmem>>, vector<16xf32>,
            %scan3A_414 = arith.constant 0 : i32
            %scan3A_415 = arith.constant 3 : i32
            %scan3A_416 = arith.addi %scan3A_363, %scan3A_415 : i32
            %mul3A_417 = arith.constant 16 : i32
            %mul3A_418 = arith.muli %scan3A_416, %mul3A_417 : i32
            %get3A_419 = arith.index_cast %rem3A_317 : i32 to index
            %get3A_420 = arith.index_cast %select_n3A_355 : i32 to index
            %get3A_421 = arith.index_cast %mul3A_418 : i32 to index
            %get3A_422 = tpu.vector_load %arg4[%get3A_419, %get3A_420, %get3A_421] {strides = array<i32>} : memref<4x56x512xf32, #tpu.memory_space<vmem>>, vector<16xf32>,
            %mul3A_423 = arith.constant 2560 : i32
            %mul3A_424 = arith.muli %rem3A_317, %mul3A_423 : i32
            %add3A_425 = arith.constant 512 : i32
            %add3A_426 = arith.addi %mul3A_424, %add3A_425 : i32
            %mul3A_427 = arith.constant 16 : i32
            %mul3A_428 = arith.muli %scan3A_416, %mul3A_427 : i32
            %add3A_429 = arith.addi %add3A_426, %mul3A_428 : i32
            %swap3A_430 = arith.index_cast %add3A_429 : i32 to index
            %swap3A_431 = tpu.vector_load %arg5[%swap3A_430] {strides = array<i32>} : memref<10240xf32, #tpu.memory_space<vmem>>, vector<16xf32>,
            tpu.vector_store %arg5[%swap3A_430], %get3A_422 {strides = array<i32>} : memref<10240xf32, #tpu.memory_space<vmem>>, vector<16xf32>,
            %scan3A_432 = arith.constant 0 : i32
            %scan3A_433 = arith.constant 4 : i32
            %scan3A_434 = arith.addi %scan3A_363, %scan3A_433 : i32
            %mul3A_435 = arith.constant 16 : i32
            %mul3A_436 = arith.muli %scan3A_434, %mul3A_435 : i32
            %get3A_437 = arith.index_cast %rem3A_317 : i32 to index
            %get3A_438 = arith.index_cast %select_n3A_355 : i32 to index
            %get3A_439 = arith.index_cast %mul3A_436 : i32 to index
            %get3A_440 = tpu.vector_load %arg4[%get3A_437, %get3A_438, %get3A_439] {strides = array<i32>} : memref<4x56x512xf32, #tpu.memory_space<vmem>>, vector<16xf32>,
            %mul3A_441 = arith.constant 2560 : i32
            %mul3A_442 = arith.muli %rem3A_317, %mul3A_441 : i32
            %add3A_443 = arith.constant 512 : i32
            %add3A_444 = arith.addi %mul3A_442, %add3A_443 : i32
            %mul3A_445 = arith.constant 16 : i32
            %mul3A_446 = arith.muli %scan3A_434, %mul3A_445 : i32
            %add3A_447 = arith.addi %add3A_444, %mul3A_446 : i32
            %swap3A_448 = arith.index_cast %add3A_447 : i32 to index
            %swap3A_449 = tpu.vector_load %arg5[%swap3A_448] {strides = array<i32>} : memref<10240xf32, #tpu.memory_space<vmem>>, vector<16xf32>,
            tpu.vector_store %arg5[%swap3A_448], %get3A_440 {strides = array<i32>} : memref<10240xf32, #tpu.memory_space<vmem>>, vector<16xf32>,
            %scan3A_450 = arith.constant 0 : i32
            %scan3A_451 = arith.constant 5 : i32
            %scan3A_452 = arith.addi %scan3A_363, %scan3A_451 : i32
            %mul3A_453 = arith.constant 16 : i32
            %mul3A_454 = arith.muli %scan3A_452, %mul3A_453 : i32
            %get3A_455 = arith.index_cast %rem3A_317 : i32 to index
            %get3A_456 = arith.index_cast %select_n3A_355 : i32 to index
            %get3A_457 = arith.index_cast %mul3A_454 : i32 to index
            %get3A_458 = tpu.vector_load %arg4[%get3A_455, %get3A_456, %get3A_457] {strides = array<i32>} : memref<4x56x512xf32, #tpu.memory_space<vmem>>, vector<16xf32>,
            %mul3A_459 = arith.constant 2560 : i32
            %mul3A_460 = arith.muli %rem3A_317, %mul3A_459 : i32
            %add3A_461 = arith.constant 512 : i32
            %add3A_462 = arith.addi %mul3A_460, %add3A_461 : i32
            %mul3A_463 = arith.constant 16 : i32
            %mul3A_464 = arith.muli %scan3A_452, %mul3A_463 : i32
            %add3A_465 = arith.addi %add3A_462, %mul3A_464 : i32
            %swap3A_466 = arith.index_cast %add3A_465 : i32 to index
            %swap3A_467 = tpu.vector_load %arg5[%swap3A_466] {strides = array<i32>} : memref<10240xf32, #tpu.memory_space<vmem>>, vector<16xf32>,
            tpu.vector_store %arg5[%swap3A_466], %get3A_458 {strides = array<i32>} : memref<10240xf32, #tpu.memory_space<vmem>>, vector<16xf32>,
            %scan3A_468 = arith.constant 0 : i32
            %scan3A_469 = arith.constant 6 : i32
            %scan3A_470 = arith.addi %scan3A_363, %scan3A_469 : i32
            %mul3A_471 = arith.constant 16 : i32
            %mul3A_472 = arith.muli %scan3A_470, %mul3A_471 : i32
            %get3A_473 = arith.index_cast %rem3A_317 : i32 to index
            %get3A_474 = arith.index_cast %select_n3A_355 : i32 to index
            %get3A_475 = arith.index_cast %mul3A_472 : i32 to index
            %get3A_476 = tpu.vector_load %arg4[%get3A_473, %get3A_474, %get3A_475] {strides = array<i32>} : memref<4x56x512xf32, #tpu.memory_space<vmem>>, vector<16xf32>,
            %mul3A_477 = arith.constant 2560 : i32
            %mul3A_478 = arith.muli %rem3A_317, %mul3A_477 : i32
            %add3A_479 = arith.constant 512 : i32
            %add3A_480 = arith.addi %mul3A_478, %add3A_479 : i32
            %mul3A_481 = arith.constant 16 : i32
            %mul3A_482 = arith.muli %scan3A_470, %mul3A_481 : i32
            %add3A_483 = arith.addi %add3A_480, %mul3A_482 : i32
            %swap3A_484 = arith.index_cast %add3A_483 : i32 to index
            %swap3A_485 = tpu.vector_load %arg5[%swap3A_484] {strides = array<i32>} : memref<10240xf32, #tpu.memory_space<vmem>>, vector<16xf32>,
            tpu.vector_store %arg5[%swap3A_484], %get3A_476 {strides = array<i32>} : memref<10240xf32, #tpu.memory_space<vmem>>, vector<16xf32>,
            %scan3A_486 = arith.constant 0 : i32
            %scan3A_487 = arith.constant 7 : i32
            %scan3A_488 = arith.addi %scan3A_363, %scan3A_487 : i32
            %mul3A_489 = arith.constant 16 : i32
            %mul3A_490 = arith.muli %scan3A_488, %mul3A_489 : i32
            %get3A_491 = arith.index_cast %rem3A_317 : i32 to index
            %get3A_492 = arith.index_cast %select_n3A_355 : i32 to index
            %get3A_493 = arith.index_cast %mul3A_490 : i32 to index
            %get3A_494 = tpu.vector_load %arg4[%get3A_491, %get3A_492, %get3A_493] {strides = array<i32>} : memref<4x56x512xf32, #tpu.memory_space<vmem>>, vector<16xf32>,
            %mul3A_495 = arith.constant 2560 : i32
            %mul3A_496 = arith.muli %rem3A_317, %mul3A_495 : i32
            %add3A_497 = arith.constant 512 : i32
            %add3A_498 = arith.addi %mul3A_496, %add3A_497 : i32
            %mul3A_499 = arith.constant 16 : i32
            %mul3A_500 = arith.muli %scan3A_488, %mul3A_499 : i32
            %add3A_501 = arith.addi %add3A_498, %mul3A_500 : i32
            %swap3A_502 = arith.index_cast %add3A_501 : i32 to index
            %swap3A_503 = tpu.vector_load %arg5[%swap3A_502] {strides = array<i32>} : memref<10240xf32, #tpu.memory_space<vmem>>, vector<16xf32>,
            tpu.vector_store %arg5[%swap3A_502], %get3A_494 {strides = array<i32>} : memref<10240xf32, #tpu.memory_space<vmem>>, vector<16xf32>,
            %scan3A_504 = arith.constant 0 : i32
            scf.yield %scan3A_504 : i32
          }
          %scan3A_362 = arith.constant 32 : i32
        } else {
        }
        %gt3A_328 = arith.constant 2 : i32
        %gt3A_329 = arith.cmpi sgt, %select_n3A_60, %gt3A_328 : i32
        %convert_element_type3A_330 = arith.extui %gt3A_329 : i1 to i32
        %cond3A_331 = arith.constant 0 : i32
        %cond3A_332 = arith.cmpi ne, %convert_element_type3A_330, %cond3A_331 : i32
        scf.if %cond3A_332 {
          %eq3A_343 = arith.constant 2 : i32
          %eq3A_344 = arith.cmpi eq, %select_n3A_30, %eq3A_343 : i32
          %jit3A_345 = arith.constant 0 : i32
          %jit3A_346 = arith.constant 0 : i32
          %select_n3A_347 = arith.select %eq3A_344, %jit3A_345, %jit3A_346 : i32
          %eq3A_348 = arith.constant 1 : i32
          %eq3A_349 = arith.cmpi eq, %select_n3A_30, %eq3A_348 : i32
          %jit3A_350 = arith.constant 54 : i32
          %select_n3A_351 = arith.select %eq3A_349, %jit3A_350, %select_n3A_347 : i32
          %eq3A_352 = arith.constant 0 : i32
          %eq3A_353 = arith.cmpi eq, %select_n3A_30, %eq3A_352 : i32
          %jit3A_354 = arith.constant 0 : i32
          %select_n3A_355 = arith.select %eq3A_353, %jit3A_354, %select_n3A_351 : i32
          %scan3A_356 = arith.constant 0 : i32
          %scan3A_357 = arith.constant 0 : i32
          %scan3A_358 = arith.constant 32 : i32
          %scan3A_359 = arith.addi %scan3A_357, %scan3A_358 : i32
          %scan3A_360 = arith.constant 8 : i32
          %scan3A_361 = scf.for %scan3A_363 = %scan3A_357 to %scan3A_359 step %scan3A_360 iter_args(%scan3A_364 = %scan3A_356) -> (i32)  : i32 {
            %mul3A_365 = arith.constant 16 : i32
            %mul3A_366 = arith.muli %scan3A_363, %mul3A_365 : i32
            %get3A = arith.index_cast %rem3A_317 : i32 to index
            %get3A_367 = arith.index_cast %select_n3A_355 : i32 to index
            %get3A_368 = arith.index_cast %mul3A_366 : i32 to index
            %get3A_369 = tpu.vector_load %arg4[%get3A, %get3A_367, %get3A_368] {strides = array<i32>} : memref<4x56x512xf32, #tpu.memory_space<vmem>>, vector<16xf32>,
            %mul3A_370 = arith.constant 2560 : i32
            %mul3A_371 = arith.muli %rem3A_317, %mul3A_370 : i32
            %add3A_372 = arith.constant 1024 : i32
            %add3A_373 = arith.addi %mul3A_371, %add3A_372 : i32
            %mul3A_374 = arith.constant 16 : i32
            %mul3A_375 = arith.muli %scan3A_363, %mul3A_374 : i32
            %add3A_376 = arith.addi %add3A_373, %mul3A_375 : i32
            %swap3A = arith.index_cast %add3A_376 : i32 to index
            %swap3A_377 = tpu.vector_load %arg5[%swap3A] {strides = array<i32>} : memref<10240xf32, #tpu.memory_space<vmem>>, vector<16xf32>,
            tpu.vector_store %arg5[%swap3A], %get3A_369 {strides = array<i32>} : memref<10240xf32, #tpu.memory_space<vmem>>, vector<16xf32>,
            %scan3A_378 = arith.constant 0 : i32
            %scan3A_379 = arith.constant 1 : i32
            %scan3A_380 = arith.addi %scan3A_363, %scan3A_379 : i32
            %mul3A_381 = arith.constant 16 : i32
            %mul3A_382 = arith.muli %scan3A_380, %mul3A_381 : i32
            %get3A_383 = arith.index_cast %rem3A_317 : i32 to index
            %get3A_384 = arith.index_cast %select_n3A_355 : i32 to index
            %get3A_385 = arith.index_cast %mul3A_382 : i32 to index
            %get3A_386 = tpu.vector_load %arg4[%get3A_383, %get3A_384, %get3A_385] {strides = array<i32>} : memref<4x56x512xf32, #tpu.memory_space<vmem>>, vector<16xf32>,
            %mul3A_387 = arith.constant 2560 : i32
            %mul3A_388 = arith.muli %rem3A_317, %mul3A_387 : i32
            %add3A_389 = arith.constant 1024 : i32
            %add3A_390 = arith.addi %mul3A_388, %add3A_389 : i32
            %mul3A_391 = arith.constant 16 : i32
            %mul3A_392 = arith.muli %scan3A_380, %mul3A_391 : i32
            %add3A_393 = arith.addi %add3A_390, %mul3A_392 : i32
            %swap3A_394 = arith.index_cast %add3A_393 : i32 to index
            %swap3A_395 = tpu.vector_load %arg5[%swap3A_394] {strides = array<i32>} : memref<10240xf32, #tpu.memory_space<vmem>>, vector<16xf32>,
            tpu.vector_store %arg5[%swap3A_394], %get3A_386 {strides = array<i32>} : memref<10240xf32, #tpu.memory_space<vmem>>, vector<16xf32>,
            %scan3A_396 = arith.constant 0 : i32
            %scan3A_397 = arith.constant 2 : i32
            %scan3A_398 = arith.addi %scan3A_363, %scan3A_397 : i32
            %mul3A_399 = arith.constant 16 : i32
            %mul3A_400 = arith.muli %scan3A_398, %mul3A_399 : i32
            %get3A_401 = arith.index_cast %rem3A_317 : i32 to index
            %get3A_402 = arith.index_cast %select_n3A_355 : i32 to index
            %get3A_403 = arith.index_cast %mul3A_400 : i32 to index
            %get3A_404 = tpu.vector_load %arg4[%get3A_401, %get3A_402, %get3A_403] {strides = array<i32>} : memref<4x56x512xf32, #tpu.memory_space<vmem>>, vector<16xf32>,
            %mul3A_405 = arith.constant 2560 : i32
            %mul3A_406 = arith.muli %rem3A_317, %mul3A_405 : i32
            %add3A_407 = arith.constant 1024 : i32
            %add3A_408 = arith.addi %mul3A_406, %add3A_407 : i32
            %mul3A_409 = arith.constant 16 : i32
            %mul3A_410 = arith.muli %scan3A_398, %mul3A_409 : i32
            %add3A_411 = arith.addi %add3A_408, %mul3A_410 : i32
            %swap3A_412 = arith.index_cast %add3A_411 : i32 to index
            %swap3A_413 = tpu.vector_load %arg5[%swap3A_412] {strides = array<i32>} : memref<10240xf32, #tpu.memory_space<vmem>>, vector<16xf32>,
            tpu.vector_store %arg5[%swap3A_412], %get3A_404 {strides = array<i32>} : memref<10240xf32, #tpu.memory_space<vmem>>, vector<16xf32>,
            %scan3A_414 = arith.constant 0 : i32
            %scan3A_415 = arith.constant 3 : i32
            %scan3A_416 = arith.addi %scan3A_363, %scan3A_415 : i32
            %mul3A_417 = arith.constant 16 : i32
            %mul3A_418 = arith.muli %scan3A_416, %mul3A_417 : i32
            %get3A_419 = arith.index_cast %rem3A_317 : i32 to index
            %get3A_420 = arith.index_cast %select_n3A_355 : i32 to index
            %get3A_421 = arith.index_cast %mul3A_418 : i32 to index
            %get3A_422 = tpu.vector_load %arg4[%get3A_419, %get3A_420, %get3A_421] {strides = array<i32>} : memref<4x56x512xf32, #tpu.memory_space<vmem>>, vector<16xf32>,
            %mul3A_423 = arith.constant 2560 : i32
            %mul3A_424 = arith.muli %rem3A_317, %mul3A_423 : i32
            %add3A_425 = arith.constant 1024 : i32
            %add3A_426 = arith.addi %mul3A_424, %add3A_425 : i32
            %mul3A_427 = arith.constant 16 : i32
            %mul3A_428 = arith.muli %scan3A_416, %mul3A_427 : i32
            %add3A_429 = arith.addi %add3A_426, %mul3A_428 : i32
            %swap3A_430 = arith.index_cast %add3A_429 : i32 to index
            %swap3A_431 = tpu.vector_load %arg5[%swap3A_430] {strides = array<i32>} : memref<10240xf32, #tpu.memory_space<vmem>>, vector<16xf32>,
            tpu.vector_store %arg5[%swap3A_430], %get3A_422 {strides = array<i32>} : memref<10240xf32, #tpu.memory_space<vmem>>, vector<16xf32>,
            %scan3A_432 = arith.constant 0 : i32
            %scan3A_433 = arith.constant 4 : i32
            %scan3A_434 = arith.addi %scan3A_363, %scan3A_433 : i32
            %mul3A_435 = arith.constant 16 : i32
            %mul3A_436 = arith.muli %scan3A_434, %mul3A_435 : i32
            %get3A_437 = arith.index_cast %rem3A_317 : i32 to index
            %get3A_438 = arith.index_cast %select_n3A_355 : i32 to index
            %get3A_439 = arith.index_cast %mul3A_436 : i32 to index
            %get3A_440 = tpu.vector_load %arg4[%get3A_437, %get3A_438, %get3A_439] {strides = array<i32>} : memref<4x56x512xf32, #tpu.memory_space<vmem>>, vector<16xf32>,
            %mul3A_441 = arith.constant 2560 : i32
            %mul3A_442 = arith.muli %rem3A_317, %mul3A_441 : i32
            %add3A_443 = arith.constant 1024 : i32
            %add3A_444 = arith.addi %mul3A_442, %add3A_443 : i32
            %mul3A_445 = arith.constant 16 : i32
            %mul3A_446 = arith.muli %scan3A_434, %mul3A_445 : i32
            %add3A_447 = arith.addi %add3A_444, %mul3A_446 : i32
            %swap3A_448 = arith.index_cast %add3A_447 : i32 to index
            %swap3A_449 = tpu.vector_load %arg5[%swap3A_448] {strides = array<i32>} : memref<10240xf32, #tpu.memory_space<vmem>>, vector<16xf32>,
            tpu.vector_store %arg5[%swap3A_448], %get3A_440 {strides = array<i32>} : memref<10240xf32, #tpu.memory_space<vmem>>, vector<16xf32>,
            %scan3A_450 = arith.constant 0 : i32
            %scan3A_451 = arith.constant 5 : i32
            %scan3A_452 = arith.addi %scan3A_363, %scan3A_451 : i32
            %mul3A_453 = arith.constant 16 : i32
            %mul3A_454 = arith.muli %scan3A_452, %mul3A_453 : i32
            %get3A_455 = arith.index_cast %rem3A_317 : i32 to index
            %get3A_456 = arith.index_cast %select_n3A_355 : i32 to index
            %get3A_457 = arith.index_cast %mul3A_454 : i32 to index
            %get3A_458 = tpu.vector_load %arg4[%get3A_455, %get3A_456, %get3A_457] {strides = array<i32>} : memref<4x56x512xf32, #tpu.memory_space<vmem>>, vector<16xf32>,
            %mul3A_459 = arith.constant 2560 : i32
            %mul3A_460 = arith.muli %rem3A_317, %mul3A_459 : i32
            %add3A_461 = arith.constant 1024 : i32
            %add3A_462 = arith.addi %mul3A_460, %add3A_461 : i32
            %mul3A_463 = arith.constant 16 : i32
            %mul3A_464 = arith.muli %scan3A_452, %mul3A_463 : i32
            %add3A_465 = arith.addi %add3A_462, %mul3A_464 : i32
            %swap3A_466 = arith.index_cast %add3A_465 : i32 to index
            %swap3A_467 = tpu.vector_load %arg5[%swap3A_466] {strides = array<i32>} : memref<10240xf32, #tpu.memory_space<vmem>>, vector<16xf32>,
            tpu.vector_store %arg5[%swap3A_466], %get3A_458 {strides = array<i32>} : memref<10240xf32, #tpu.memory_space<vmem>>, vector<16xf32>,
            %scan3A_468 = arith.constant 0 : i32
            %scan3A_469 = arith.constant 6 : i32
            %scan3A_470 = arith.addi %scan3A_363, %scan3A_469 : i32
            %mul3A_471 = arith.constant 16 : i32
            %mul3A_472 = arith.muli %scan3A_470, %mul3A_471 : i32
            %get3A_473 = arith.index_cast %rem3A_317 : i32 to index
            %get3A_474 = arith.index_cast %select_n3A_355 : i32 to index
            %get3A_475 = arith.index_cast %mul3A_472 : i32 to index
            %get3A_476 = tpu.vector_load %arg4[%get3A_473, %get3A_474, %get3A_475] {strides = array<i32>} : memref<4x56x512xf32, #tpu.memory_space<vmem>>, vector<16xf32>,
            %mul3A_477 = arith.constant 2560 : i32
            %mul3A_478 = arith.muli %rem3A_317, %mul3A_477 : i32
            %add3A_479 = arith.constant 1024 : i32
            %add3A_480 = arith.addi %mul3A_478, %add3A_479 : i32
            %mul3A_481 = arith.constant 16 : i32
            %mul3A_482 = arith.muli %scan3A_470, %mul3A_481 : i32
            %add3A_483 = arith.addi %add3A_480, %mul3A_482 : i32
            %swap3A_484 = arith.index_cast %add3A_483 : i32 to index
            %swap3A_485 = tpu.vector_load %arg5[%swap3A_484] {strides = array<i32>} : memref<10240xf32, #tpu.memory_space<vmem>>, vector<16xf32>,
            tpu.vector_store %arg5[%swap3A_484], %get3A_476 {strides = array<i32>} : memref<10240xf32, #tpu.memory_space<vmem>>, vector<16xf32>,
            %scan3A_486 = arith.constant 0 : i32
            %scan3A_487 = arith.constant 7 : i32
            %scan3A_488 = arith.addi %scan3A_363, %scan3A_487 : i32
            %mul3A_489 = arith.constant 16 : i32
            %mul3A_490 = arith.muli %scan3A_488, %mul3A_489 : i32
            %get3A_491 = arith.index_cast %rem3A_317 : i32 to index
            %get3A_492 = arith.index_cast %select_n3A_355 : i32 to index
            %get3A_493 = arith.index_cast %mul3A_490 : i32 to index
            %get3A_494 = tpu.vector_load %arg4[%get3A_491, %get3A_492, %get3A_493] {strides = array<i32>} : memref<4x56x512xf32, #tpu.memory_space<vmem>>, vector<16xf32>,
            %mul3A_495 = arith.constant 2560 : i32
            %mul3A_496 = arith.muli %rem3A_317, %mul3A_495 : i32
            %add3A_497 = arith.constant 1024 : i32
            %add3A_498 = arith.addi %mul3A_496, %add3A_497 : i32
            %mul3A_499 = arith.constant 16 : i32
            %mul3A_500 = arith.muli %scan3A_488, %mul3A_499 : i32
            %add3A_501 = arith.addi %add3A_498, %mul3A_500 : i32
            %swap3A_502 = arith.index_cast %add3A_501 : i32 to index
            %swap3A_503 = tpu.vector_load %arg5[%swap3A_502] {strides = array<i32>} : memref<10240xf32, #tpu.memory_space<vmem>>, vector<16xf32>,
            tpu.vector_store %arg5[%swap3A_502], %get3A_494 {strides = array<i32>} : memref<10240xf32, #tpu.memory_space<vmem>>, vector<16xf32>,
            %scan3A_504 = arith.constant 0 : i32
            scf.yield %scan3A_504 : i32
          }
          %scan3A_362 = arith.constant 32 : i32
        } else {
        }
        %gt3A_333 = arith.constant 3 : i32
        %gt3A_334 = arith.cmpi sgt, %select_n3A_60, %gt3A_333 : i32
        %convert_element_type3A_335 = arith.extui %gt3A_334 : i1 to i32
        %cond3A_336 = arith.constant 0 : i32
        %cond3A_337 = arith.cmpi ne, %convert_element_type3A_335, %cond3A_336 : i32
        scf.if %cond3A_337 {
          %eq3A_343 = arith.constant 2 : i32
          %eq3A_344 = arith.cmpi eq, %select_n3A_30, %eq3A_343 : i32
          %jit3A_345 = arith.constant 0 : i32
          %jit3A_346 = arith.constant 0 : i32
          %select_n3A_347 = arith.select %eq3A_344, %jit3A_345, %jit3A_346 : i32
          %eq3A_348 = arith.constant 1 : i32
          %eq3A_349 = arith.cmpi eq, %select_n3A_30, %eq3A_348 : i32
          %jit3A_350 = arith.constant 41 : i32
          %select_n3A_351 = arith.select %eq3A_349, %jit3A_350, %select_n3A_347 : i32
          %eq3A_352 = arith.constant 0 : i32
          %eq3A_353 = arith.cmpi eq, %select_n3A_30, %eq3A_352 : i32
          %jit3A_354 = arith.constant 0 : i32
          %select_n3A_355 = arith.select %eq3A_353, %jit3A_354, %select_n3A_351 : i32
          %scan3A_356 = arith.constant 0 : i32
          %scan3A_357 = arith.constant 0 : i32
          %scan3A_358 = arith.constant 32 : i32
          %scan3A_359 = arith.addi %scan3A_357, %scan3A_358 : i32
          %scan3A_360 = arith.constant 8 : i32
          %scan3A_361 = scf.for %scan3A_363 = %scan3A_357 to %scan3A_359 step %scan3A_360 iter_args(%scan3A_364 = %scan3A_356) -> (i32)  : i32 {
            %mul3A_365 = arith.constant 16 : i32
            %mul3A_366 = arith.muli %scan3A_363, %mul3A_365 : i32
            %get3A = arith.index_cast %rem3A_317 : i32 to index
            %get3A_367 = arith.index_cast %select_n3A_355 : i32 to index
            %get3A_368 = arith.index_cast %mul3A_366 : i32 to index
            %get3A_369 = tpu.vector_load %arg4[%get3A, %get3A_367, %get3A_368] {strides = array<i32>} : memref<4x56x512xf32, #tpu.memory_space<vmem>>, vector<16xf32>,
            %mul3A_370 = arith.constant 2560 : i32
            %mul3A_371 = arith.muli %rem3A_317, %mul3A_370 : i32
            %add3A_372 = arith.constant 1536 : i32
            %add3A_373 = arith.addi %mul3A_371, %add3A_372 : i32
            %mul3A_374 = arith.constant 16 : i32
            %mul3A_375 = arith.muli %scan3A_363, %mul3A_374 : i32
            %add3A_376 = arith.addi %add3A_373, %mul3A_375 : i32
            %swap3A = arith.index_cast %add3A_376 : i32 to index
            %swap3A_377 = tpu.vector_load %arg5[%swap3A] {strides = array<i32>} : memref<10240xf32, #tpu.memory_space<vmem>>, vector<16xf32>,
            tpu.vector_store %arg5[%swap3A], %get3A_369 {strides = array<i32>} : memref<10240xf32, #tpu.memory_space<vmem>>, vector<16xf32>,
            %scan3A_378 = arith.constant 0 : i32
            %scan3A_379 = arith.constant 1 : i32
            %scan3A_380 = arith.addi %scan3A_363, %scan3A_379 : i32
            %mul3A_381 = arith.constant 16 : i32
            %mul3A_382 = arith.muli %scan3A_380, %mul3A_381 : i32
            %get3A_383 = arith.index_cast %rem3A_317 : i32 to index
            %get3A_384 = arith.index_cast %select_n3A_355 : i32 to index
            %get3A_385 = arith.index_cast %mul3A_382 : i32 to index
            %get3A_386 = tpu.vector_load %arg4[%get3A_383, %get3A_384, %get3A_385] {strides = array<i32>} : memref<4x56x512xf32, #tpu.memory_space<vmem>>, vector<16xf32>,
            %mul3A_387 = arith.constant 2560 : i32
            %mul3A_388 = arith.muli %rem3A_317, %mul3A_387 : i32
            %add3A_389 = arith.constant 1536 : i32
            %add3A_390 = arith.addi %mul3A_388, %add3A_389 : i32
            %mul3A_391 = arith.constant 16 : i32
            %mul3A_392 = arith.muli %scan3A_380, %mul3A_391 : i32
            %add3A_393 = arith.addi %add3A_390, %mul3A_392 : i32
            %swap3A_394 = arith.index_cast %add3A_393 : i32 to index
            %swap3A_395 = tpu.vector_load %arg5[%swap3A_394] {strides = array<i32>} : memref<10240xf32, #tpu.memory_space<vmem>>, vector<16xf32>,
            tpu.vector_store %arg5[%swap3A_394], %get3A_386 {strides = array<i32>} : memref<10240xf32, #tpu.memory_space<vmem>>, vector<16xf32>,
            %scan3A_396 = arith.constant 0 : i32
            %scan3A_397 = arith.constant 2 : i32
            %scan3A_398 = arith.addi %scan3A_363, %scan3A_397 : i32
            %mul3A_399 = arith.constant 16 : i32
            %mul3A_400 = arith.muli %scan3A_398, %mul3A_399 : i32
            %get3A_401 = arith.index_cast %rem3A_317 : i32 to index
            %get3A_402 = arith.index_cast %select_n3A_355 : i32 to index
            %get3A_403 = arith.index_cast %mul3A_400 : i32 to index
            %get3A_404 = tpu.vector_load %arg4[%get3A_401, %get3A_402, %get3A_403] {strides = array<i32>} : memref<4x56x512xf32, #tpu.memory_space<vmem>>, vector<16xf32>,
            %mul3A_405 = arith.constant 2560 : i32
            %mul3A_406 = arith.muli %rem3A_317, %mul3A_405 : i32
            %add3A_407 = arith.constant 1536 : i32
            %add3A_408 = arith.addi %mul3A_406, %add3A_407 : i32
            %mul3A_409 = arith.constant 16 : i32
            %mul3A_410 = arith.muli %scan3A_398, %mul3A_409 : i32
            %add3A_411 = arith.addi %add3A_408, %mul3A_410 : i32
            %swap3A_412 = arith.index_cast %add3A_411 : i32 to index
            %swap3A_413 = tpu.vector_load %arg5[%swap3A_412] {strides = array<i32>} : memref<10240xf32, #tpu.memory_space<vmem>>, vector<16xf32>,
            tpu.vector_store %arg5[%swap3A_412], %get3A_404 {strides = array<i32>} : memref<10240xf32, #tpu.memory_space<vmem>>, vector<16xf32>,
            %scan3A_414 = arith.constant 0 : i32
            %scan3A_415 = arith.constant 3 : i32
            %scan3A_416 = arith.addi %scan3A_363, %scan3A_415 : i32
            %mul3A_417 = arith.constant 16 : i32
            %mul3A_418 = arith.muli %scan3A_416, %mul3A_417 : i32
            %get3A_419 = arith.index_cast %rem3A_317 : i32 to index
            %get3A_420 = arith.index_cast %select_n3A_355 : i32 to index
            %get3A_421 = arith.index_cast %mul3A_418 : i32 to index
            %get3A_422 = tpu.vector_load %arg4[%get3A_419, %get3A_420, %get3A_421] {strides = array<i32>} : memref<4x56x512xf32, #tpu.memory_space<vmem>>, vector<16xf32>,
            %mul3A_423 = arith.constant 2560 : i32
            %mul3A_424 = arith.muli %rem3A_317, %mul3A_423 : i32
            %add3A_425 = arith.constant 1536 : i32
            %add3A_426 = arith.addi %mul3A_424, %add3A_425 : i32
            %mul3A_427 = arith.constant 16 : i32
            %mul3A_428 = arith.muli %scan3A_416, %mul3A_427 : i32
            %add3A_429 = arith.addi %add3A_426, %mul3A_428 : i32
            %swap3A_430 = arith.index_cast %add3A_429 : i32 to index
            %swap3A_431 = tpu.vector_load %arg5[%swap3A_430] {strides = array<i32>} : memref<10240xf32, #tpu.memory_space<vmem>>, vector<16xf32>,
            tpu.vector_store %arg5[%swap3A_430], %get3A_422 {strides = array<i32>} : memref<10240xf32, #tpu.memory_space<vmem>>, vector<16xf32>,
            %scan3A_432 = arith.constant 0 : i32
            %scan3A_433 = arith.constant 4 : i32
            %scan3A_434 = arith.addi %scan3A_363, %scan3A_433 : i32
            %mul3A_435 = arith.constant 16 : i32
            %mul3A_436 = arith.muli %scan3A_434, %mul3A_435 : i32
            %get3A_437 = arith.index_cast %rem3A_317 : i32 to index
            %get3A_438 = arith.index_cast %select_n3A_355 : i32 to index
            %get3A_439 = arith.index_cast %mul3A_436 : i32 to index
            %get3A_440 = tpu.vector_load %arg4[%get3A_437, %get3A_438, %get3A_439] {strides = array<i32>} : memref<4x56x512xf32, #tpu.memory_space<vmem>>, vector<16xf32>,
            %mul3A_441 = arith.constant 2560 : i32
            %mul3A_442 = arith.muli %rem3A_317, %mul3A_441 : i32
            %add3A_443 = arith.constant 1536 : i32
            %add3A_444 = arith.addi %mul3A_442, %add3A_443 : i32
            %mul3A_445 = arith.constant 16 : i32
            %mul3A_446 = arith.muli %scan3A_434, %mul3A_445 : i32
            %add3A_447 = arith.addi %add3A_444, %mul3A_446 : i32
            %swap3A_448 = arith.index_cast %add3A_447 : i32 to index
            %swap3A_449 = tpu.vector_load %arg5[%swap3A_448] {strides = array<i32>} : memref<10240xf32, #tpu.memory_space<vmem>>, vector<16xf32>,
            tpu.vector_store %arg5[%swap3A_448], %get3A_440 {strides = array<i32>} : memref<10240xf32, #tpu.memory_space<vmem>>, vector<16xf32>,
            %scan3A_450 = arith.constant 0 : i32
            %scan3A_451 = arith.constant 5 : i32
            %scan3A_452 = arith.addi %scan3A_363, %scan3A_451 : i32
            %mul3A_453 = arith.constant 16 : i32
            %mul3A_454 = arith.muli %scan3A_452, %mul3A_453 : i32
            %get3A_455 = arith.index_cast %rem3A_317 : i32 to index
            %get3A_456 = arith.index_cast %select_n3A_355 : i32 to index
            %get3A_457 = arith.index_cast %mul3A_454 : i32 to index
            %get3A_458 = tpu.vector_load %arg4[%get3A_455, %get3A_456, %get3A_457] {strides = array<i32>} : memref<4x56x512xf32, #tpu.memory_space<vmem>>, vector<16xf32>,
            %mul3A_459 = arith.constant 2560 : i32
            %mul3A_460 = arith.muli %rem3A_317, %mul3A_459 : i32
            %add3A_461 = arith.constant 1536 : i32
            %add3A_462 = arith.addi %mul3A_460, %add3A_461 : i32
            %mul3A_463 = arith.constant 16 : i32
            %mul3A_464 = arith.muli %scan3A_452, %mul3A_463 : i32
            %add3A_465 = arith.addi %add3A_462, %mul3A_464 : i32
            %swap3A_466 = arith.index_cast %add3A_465 : i32 to index
            %swap3A_467 = tpu.vector_load %arg5[%swap3A_466] {strides = array<i32>} : memref<10240xf32, #tpu.memory_space<vmem>>, vector<16xf32>,
            tpu.vector_store %arg5[%swap3A_466], %get3A_458 {strides = array<i32>} : memref<10240xf32, #tpu.memory_space<vmem>>, vector<16xf32>,
            %scan3A_468 = arith.constant 0 : i32
            %scan3A_469 = arith.constant 6 : i32
            %scan3A_470 = arith.addi %scan3A_363, %scan3A_469 : i32
            %mul3A_471 = arith.constant 16 : i32
            %mul3A_472 = arith.muli %scan3A_470, %mul3A_471 : i32
            %get3A_473 = arith.index_cast %rem3A_317 : i32 to index
            %get3A_474 = arith.index_cast %select_n3A_355 : i32 to index
            %get3A_475 = arith.index_cast %mul3A_472 : i32 to index
            %get3A_476 = tpu.vector_load %arg4[%get3A_473, %get3A_474, %get3A_475] {strides = array<i32>} : memref<4x56x512xf32, #tpu.memory_space<vmem>>, vector<16xf32>,
            %mul3A_477 = arith.constant 2560 : i32
            %mul3A_478 = arith.muli %rem3A_317, %mul3A_477 : i32
            %add3A_479 = arith.constant 1536 : i32
            %add3A_480 = arith.addi %mul3A_478, %add3A_479 : i32
            %mul3A_481 = arith.constant 16 : i32
            %mul3A_482 = arith.muli %scan3A_470, %mul3A_481 : i32
            %add3A_483 = arith.addi %add3A_480, %mul3A_482 : i32
            %swap3A_484 = arith.index_cast %add3A_483 : i32 to index
            %swap3A_485 = tpu.vector_load %arg5[%swap3A_484] {strides = array<i32>} : memref<10240xf32, #tpu.memory_space<vmem>>, vector<16xf32>,
            tpu.vector_store %arg5[%swap3A_484], %get3A_476 {strides = array<i32>} : memref<10240xf32, #tpu.memory_space<vmem>>, vector<16xf32>,
            %scan3A_486 = arith.constant 0 : i32
            %scan3A_487 = arith.constant 7 : i32
            %scan3A_488 = arith.addi %scan3A_363, %scan3A_487 : i32
            %mul3A_489 = arith.constant 16 : i32
            %mul3A_490 = arith.muli %scan3A_488, %mul3A_489 : i32
            %get3A_491 = arith.index_cast %rem3A_317 : i32 to index
            %get3A_492 = arith.index_cast %select_n3A_355 : i32 to index
            %get3A_493 = arith.index_cast %mul3A_490 : i32 to index
            %get3A_494 = tpu.vector_load %arg4[%get3A_491, %get3A_492, %get3A_493] {strides = array<i32>} : memref<4x56x512xf32, #tpu.memory_space<vmem>>, vector<16xf32>,
            %mul3A_495 = arith.constant 2560 : i32
            %mul3A_496 = arith.muli %rem3A_317, %mul3A_495 : i32
            %add3A_497 = arith.constant 1536 : i32
            %add3A_498 = arith.addi %mul3A_496, %add3A_497 : i32
            %mul3A_499 = arith.constant 16 : i32
            %mul3A_500 = arith.muli %scan3A_488, %mul3A_499 : i32
            %add3A_501 = arith.addi %add3A_498, %mul3A_500 : i32
            %swap3A_502 = arith.index_cast %add3A_501 : i32 to index
            %swap3A_503 = tpu.vector_load %arg5[%swap3A_502] {strides = array<i32>} : memref<10240xf32, #tpu.memory_space<vmem>>, vector<16xf32>,
            tpu.vector_store %arg5[%swap3A_502], %get3A_494 {strides = array<i32>} : memref<10240xf32, #tpu.memory_space<vmem>>, vector<16xf32>,
            %scan3A_504 = arith.constant 0 : i32
            scf.yield %scan3A_504 : i32
          }
          %scan3A_362 = arith.constant 32 : i32
        } else {
        }
        %gt3A_338 = arith.constant 4 : i32
        %gt3A_339 = arith.cmpi sgt, %select_n3A_60, %gt3A_338 : i32
        %convert_element_type3A_340 = arith.extui %gt3A_339 : i1 to i32
        %cond3A_341 = arith.constant 0 : i32
        %cond3A_342 = arith.cmpi ne, %convert_element_type3A_340, %cond3A_341 : i32
        scf.if %cond3A_342 {
          %eq3A_343 = arith.constant 2 : i32
          %eq3A_344 = arith.cmpi eq, %select_n3A_30, %eq3A_343 : i32
          %jit3A_345 = arith.constant 0 : i32
          %jit3A_346 = arith.constant 0 : i32
          %select_n3A_347 = arith.select %eq3A_344, %jit3A_345, %jit3A_346 : i32
          %eq3A_348 = arith.constant 1 : i32
          %eq3A_349 = arith.cmpi eq, %select_n3A_30, %eq3A_348 : i32
          %jit3A_350 = arith.constant 55 : i32
          %select_n3A_351 = arith.select %eq3A_349, %jit3A_350, %select_n3A_347 : i32
          %eq3A_352 = arith.constant 0 : i32
          %eq3A_353 = arith.cmpi eq, %select_n3A_30, %eq3A_352 : i32
          %jit3A_354 = arith.constant 0 : i32
          %select_n3A_355 = arith.select %eq3A_353, %jit3A_354, %select_n3A_351 : i32
          %scan3A_356 = arith.constant 0 : i32
          %scan3A_357 = arith.constant 0 : i32
          %scan3A_358 = arith.constant 32 : i32
          %scan3A_359 = arith.addi %scan3A_357, %scan3A_358 : i32
          %scan3A_360 = arith.constant 8 : i32
          %scan3A_361 = scf.for %scan3A_363 = %scan3A_357 to %scan3A_359 step %scan3A_360 iter_args(%scan3A_364 = %scan3A_356) -> (i32)  : i32 {
            %mul3A_365 = arith.constant 16 : i32
            %mul3A_366 = arith.muli %scan3A_363, %mul3A_365 : i32
            %get3A = arith.index_cast %rem3A_317 : i32 to index
            %get3A_367 = arith.index_cast %select_n3A_355 : i32 to index
            %get3A_368 = arith.index_cast %mul3A_366 : i32 to index
            %get3A_369 = tpu.vector_load %arg4[%get3A, %get3A_367, %get3A_368] {strides = array<i32>} : memref<4x56x512xf32, #tpu.memory_space<vmem>>, vector<16xf32>,
            %mul3A_370 = arith.constant 2560 : i32
            %mul3A_371 = arith.muli %rem3A_317, %mul3A_370 : i32
            %add3A_372 = arith.constant 2048 : i32
            %add3A_373 = arith.addi %mul3A_371, %add3A_372 : i32
            %mul3A_374 = arith.constant 16 : i32
            %mul3A_375 = arith.muli %scan3A_363, %mul3A_374 : i32
            %add3A_376 = arith.addi %add3A_373, %mul3A_375 : i32
            %swap3A = arith.index_cast %add3A_376 : i32 to index
            %swap3A_377 = tpu.vector_load %arg5[%swap3A] {strides = array<i32>} : memref<10240xf32, #tpu.memory_space<vmem>>, vector<16xf32>,
            tpu.vector_store %arg5[%swap3A], %get3A_369 {strides = array<i32>} : memref<10240xf32, #tpu.memory_space<vmem>>, vector<16xf32>,
            %scan3A_378 = arith.constant 0 : i32
            %scan3A_379 = arith.constant 1 : i32
            %scan3A_380 = arith.addi %scan3A_363, %scan3A_379 : i32
            %mul3A_381 = arith.constant 16 : i32
            %mul3A_382 = arith.muli %scan3A_380, %mul3A_381 : i32
            %get3A_383 = arith.index_cast %rem3A_317 : i32 to index
            %get3A_384 = arith.index_cast %select_n3A_355 : i32 to index
            %get3A_385 = arith.index_cast %mul3A_382 : i32 to index
            %get3A_386 = tpu.vector_load %arg4[%get3A_383, %get3A_384, %get3A_385] {strides = array<i32>} : memref<4x56x512xf32, #tpu.memory_space<vmem>>, vector<16xf32>,
            %mul3A_387 = arith.constant 2560 : i32
            %mul3A_388 = arith.muli %rem3A_317, %mul3A_387 : i32
            %add3A_389 = arith.constant 2048 : i32
            %add3A_390 = arith.addi %mul3A_388, %add3A_389 : i32
            %mul3A_391 = arith.constant 16 : i32
            %mul3A_392 = arith.muli %scan3A_380, %mul3A_391 : i32
            %add3A_393 = arith.addi %add3A_390, %mul3A_392 : i32
            %swap3A_394 = arith.index_cast %add3A_393 : i32 to index
            %swap3A_395 = tpu.vector_load %arg5[%swap3A_394] {strides = array<i32>} : memref<10240xf32, #tpu.memory_space<vmem>>, vector<16xf32>,
            tpu.vector_store %arg5[%swap3A_394], %get3A_386 {strides = array<i32>} : memref<10240xf32, #tpu.memory_space<vmem>>, vector<16xf32>,
            %scan3A_396 = arith.constant 0 : i32
            %scan3A_397 = arith.constant 2 : i32
            %scan3A_398 = arith.addi %scan3A_363, %scan3A_397 : i32
            %mul3A_399 = arith.constant 16 : i32
            %mul3A_400 = arith.muli %scan3A_398, %mul3A_399 : i32
            %get3A_401 = arith.index_cast %rem3A_317 : i32 to index
            %get3A_402 = arith.index_cast %select_n3A_355 : i32 to index
            %get3A_403 = arith.index_cast %mul3A_400 : i32 to index
            %get3A_404 = tpu.vector_load %arg4[%get3A_401, %get3A_402, %get3A_403] {strides = array<i32>} : memref<4x56x512xf32, #tpu.memory_space<vmem>>, vector<16xf32>,
            %mul3A_405 = arith.constant 2560 : i32
            %mul3A_406 = arith.muli %rem3A_317, %mul3A_405 : i32
            %add3A_407 = arith.constant 2048 : i32
            %add3A_408 = arith.addi %mul3A_406, %add3A_407 : i32
            %mul3A_409 = arith.constant 16 : i32
            %mul3A_410 = arith.muli %scan3A_398, %mul3A_409 : i32
            %add3A_411 = arith.addi %add3A_408, %mul3A_410 : i32
            %swap3A_412 = arith.index_cast %add3A_411 : i32 to index
            %swap3A_413 = tpu.vector_load %arg5[%swap3A_412] {strides = array<i32>} : memref<10240xf32, #tpu.memory_space<vmem>>, vector<16xf32>,
            tpu.vector_store %arg5[%swap3A_412], %get3A_404 {strides = array<i32>} : memref<10240xf32, #tpu.memory_space<vmem>>, vector<16xf32>,
            %scan3A_414 = arith.constant 0 : i32
            %scan3A_415 = arith.constant 3 : i32
            %scan3A_416 = arith.addi %scan3A_363, %scan3A_415 : i32
            %mul3A_417 = arith.constant 16 : i32
            %mul3A_418 = arith.muli %scan3A_416, %mul3A_417 : i32
            %get3A_419 = arith.index_cast %rem3A_317 : i32 to index
            %get3A_420 = arith.index_cast %select_n3A_355 : i32 to index
            %get3A_421 = arith.index_cast %mul3A_418 : i32 to index
            %get3A_422 = tpu.vector_load %arg4[%get3A_419, %get3A_420, %get3A_421] {strides = array<i32>} : memref<4x56x512xf32, #tpu.memory_space<vmem>>, vector<16xf32>,
            %mul3A_423 = arith.constant 2560 : i32
            %mul3A_424 = arith.muli %rem3A_317, %mul3A_423 : i32
            %add3A_425 = arith.constant 2048 : i32
            %add3A_426 = arith.addi %mul3A_424, %add3A_425 : i32
            %mul3A_427 = arith.constant 16 : i32
            %mul3A_428 = arith.muli %scan3A_416, %mul3A_427 : i32
            %add3A_429 = arith.addi %add3A_426, %mul3A_428 : i32
            %swap3A_430 = arith.index_cast %add3A_429 : i32 to index
            %swap3A_431 = tpu.vector_load %arg5[%swap3A_430] {strides = array<i32>} : memref<10240xf32, #tpu.memory_space<vmem>>, vector<16xf32>,
            tpu.vector_store %arg5[%swap3A_430], %get3A_422 {strides = array<i32>} : memref<10240xf32, #tpu.memory_space<vmem>>, vector<16xf32>,
            %scan3A_432 = arith.constant 0 : i32
            %scan3A_433 = arith.constant 4 : i32
            %scan3A_434 = arith.addi %scan3A_363, %scan3A_433 : i32
            %mul3A_435 = arith.constant 16 : i32
            %mul3A_436 = arith.muli %scan3A_434, %mul3A_435 : i32
            %get3A_437 = arith.index_cast %rem3A_317 : i32 to index
            %get3A_438 = arith.index_cast %select_n3A_355 : i32 to index
            %get3A_439 = arith.index_cast %mul3A_436 : i32 to index
            %get3A_440 = tpu.vector_load %arg4[%get3A_437, %get3A_438, %get3A_439] {strides = array<i32>} : memref<4x56x512xf32, #tpu.memory_space<vmem>>, vector<16xf32>,
            %mul3A_441 = arith.constant 2560 : i32
            %mul3A_442 = arith.muli %rem3A_317, %mul3A_441 : i32
            %add3A_443 = arith.constant 2048 : i32
            %add3A_444 = arith.addi %mul3A_442, %add3A_443 : i32
            %mul3A_445 = arith.constant 16 : i32
            %mul3A_446 = arith.muli %scan3A_434, %mul3A_445 : i32
            %add3A_447 = arith.addi %add3A_444, %mul3A_446 : i32
            %swap3A_448 = arith.index_cast %add3A_447 : i32 to index
            %swap3A_449 = tpu.vector_load %arg5[%swap3A_448] {strides = array<i32>} : memref<10240xf32, #tpu.memory_space<vmem>>, vector<16xf32>,
            tpu.vector_store %arg5[%swap3A_448], %get3A_440 {strides = array<i32>} : memref<10240xf32, #tpu.memory_space<vmem>>, vector<16xf32>,
            %scan3A_450 = arith.constant 0 : i32
            %scan3A_451 = arith.constant 5 : i32
            %scan3A_452 = arith.addi %scan3A_363, %scan3A_451 : i32
            %mul3A_453 = arith.constant 16 : i32
            %mul3A_454 = arith.muli %scan3A_452, %mul3A_453 : i32
            %get3A_455 = arith.index_cast %rem3A_317 : i32 to index
            %get3A_456 = arith.index_cast %select_n3A_355 : i32 to index
            %get3A_457 = arith.index_cast %mul3A_454 : i32 to index
            %get3A_458 = tpu.vector_load %arg4[%get3A_455, %get3A_456, %get3A_457] {strides = array<i32>} : memref<4x56x512xf32, #tpu.memory_space<vmem>>, vector<16xf32>,
            %mul3A_459 = arith.constant 2560 : i32
            %mul3A_460 = arith.muli %rem3A_317, %mul3A_459 : i32
            %add3A_461 = arith.constant 2048 : i32
            %add3A_462 = arith.addi %mul3A_460, %add3A_461 : i32
            %mul3A_463 = arith.constant 16 : i32
            %mul3A_464 = arith.muli %scan3A_452, %mul3A_463 : i32
            %add3A_465 = arith.addi %add3A_462, %mul3A_464 : i32
            %swap3A_466 = arith.index_cast %add3A_465 : i32 to index
            %swap3A_467 = tpu.vector_load %arg5[%swap3A_466] {strides = array<i32>} : memref<10240xf32, #tpu.memory_space<vmem>>, vector<16xf32>,
            tpu.vector_store %arg5[%swap3A_466], %get3A_458 {strides = array<i32>} : memref<10240xf32, #tpu.memory_space<vmem>>, vector<16xf32>,
            %scan3A_468 = arith.constant 0 : i32
            %scan3A_469 = arith.constant 6 : i32
            %scan3A_470 = arith.addi %scan3A_363, %scan3A_469 : i32
            %mul3A_471 = arith.constant 16 : i32
            %mul3A_472 = arith.muli %scan3A_470, %mul3A_471 : i32
            %get3A_473 = arith.index_cast %rem3A_317 : i32 to index
            %get3A_474 = arith.index_cast %select_n3A_355 : i32 to index
            %get3A_475 = arith.index_cast %mul3A_472 : i32 to index
            %get3A_476 = tpu.vector_load %arg4[%get3A_473, %get3A_474, %get3A_475] {strides = array<i32>} : memref<4x56x512xf32, #tpu.memory_space<vmem>>, vector<16xf32>,
            %mul3A_477 = arith.constant 2560 : i32
            %mul3A_478 = arith.muli %rem3A_317, %mul3A_477 : i32
            %add3A_479 = arith.constant 2048 : i32
            %add3A_480 = arith.addi %mul3A_478, %add3A_479 : i32
            %mul3A_481 = arith.constant 16 : i32
            %mul3A_482 = arith.muli %scan3A_470, %mul3A_481 : i32
            %add3A_483 = arith.addi %add3A_480, %mul3A_482 : i32
            %swap3A_484 = arith.index_cast %add3A_483 : i32 to index
            %swap3A_485 = tpu.vector_load %arg5[%swap3A_484] {strides = array<i32>} : memref<10240xf32, #tpu.memory_space<vmem>>, vector<16xf32>,
            tpu.vector_store %arg5[%swap3A_484], %get3A_476 {strides = array<i32>} : memref<10240xf32, #tpu.memory_space<vmem>>, vector<16xf32>,
            %scan3A_486 = arith.constant 0 : i32
            %scan3A_487 = arith.constant 7 : i32
            %scan3A_488 = arith.addi %scan3A_363, %scan3A_487 : i32
            %mul3A_489 = arith.constant 16 : i32
            %mul3A_490 = arith.muli %scan3A_488, %mul3A_489 : i32
            %get3A_491 = arith.index_cast %rem3A_317 : i32 to index
            %get3A_492 = arith.index_cast %select_n3A_355 : i32 to index
            %get3A_493 = arith.index_cast %mul3A_490 : i32 to index
            %get3A_494 = tpu.vector_load %arg4[%get3A_491, %get3A_492, %get3A_493] {strides = array<i32>} : memref<4x56x512xf32, #tpu.memory_space<vmem>>, vector<16xf32>,
            %mul3A_495 = arith.constant 2560 : i32
            %mul3A_496 = arith.muli %rem3A_317, %mul3A_495 : i32
            %add3A_497 = arith.constant 2048 : i32
            %add3A_498 = arith.addi %mul3A_496, %add3A_497 : i32
            %mul3A_499 = arith.constant 16 : i32
            %mul3A_500 = arith.muli %scan3A_488, %mul3A_499 : i32
            %add3A_501 = arith.addi %add3A_498, %mul3A_500 : i32
            %swap3A_502 = arith.index_cast %add3A_501 : i32 to index
            %swap3A_503 = tpu.vector_load %arg5[%swap3A_502] {strides = array<i32>} : memref<10240xf32, #tpu.memory_space<vmem>>, vector<16xf32>,
            tpu.vector_store %arg5[%swap3A_502], %get3A_494 {strides = array<i32>} : memref<10240xf32, #tpu.memory_space<vmem>>, vector<16xf32>,
            %scan3A_504 = arith.constant 0 : i32
            scf.yield %scan3A_504 : i32
          }
          %scan3A_362 = arith.constant 32 : i32
        } else {
        }
      } else {
      }
      %add3A_241 = arith.constant 1 : i32
      %add3A_242 = arith.addi %add3A_179, %add3A_241 : i32
      %eq3A_243 = arith.constant 512 : i32
      %eq3A_244 = arith.cmpi eq, %add3A_242, %eq3A_243 : i32
      %convert_element_type3A_245 = arith.extui %eq3A_244 : i1 to i32
      %cond3A_246 = arith.constant 0 : i32
      %cond3A_247 = arith.cmpi ne, %convert_element_type3A_245, %cond3A_246 : i32
      scf.if %cond3A_247 {
        %while3A = arith.constant 0 : i32
        %while3A_296 = arith.constant 0 : i32
        %while3A_297 = arith.subi %select_n3A_47, %while3A : i32
        %while3A_298 = arith.addi %while3A, %while3A_297 : i32
        %while3A_299 = arith.constant 1 : i32
        %while3A_300 = arith.divsi %while3A_297, %while3A_299 : i32
        %while3A_301 = arith.muli %while3A_300, %while3A_299 : i32
        %while3A_302 = arith.addi %while3A, %while3A_301 : i32
        %while3A_303 = arith.constant 1 : i32
        %while3A_304 = scf.for %while3A_316 = %while3A to %while3A_302 step %while3A_303 iter_args(%while3A_317 = %while3A_296) -> (i32)  : i32 {
          %scan3A_318 = arith.constant 0 : i32
          %scan3A_319 = arith.constant 0 : i32
          %scan3A_320 = arith.constant 32 : i32
          %scan3A_321 = arith.addi %scan3A_319, %scan3A_320 : i32
          %scan3A_322 = arith.constant 1 : i32
          %scan3A_323 = scf.for %scan3A_326 = %scan3A_319 to %scan3A_321 step %scan3A_322 iter_args(%scan3A_327 = %scan3A_318) -> (i32)  : i32 {
            %mul3A_328 = arith.constant 512 : i32
            %mul3A_329 = arith.muli %while3A_316, %mul3A_328 : i32
            %add3A_330 = arith.constant 7680 : i32
            %add3A_331 = arith.addi %add3A_330, %mul3A_329 : i32
            %mul3A_332 = arith.constant 16 : i32
            %mul3A_333 = arith.muli %scan3A_326, %mul3A_332 : i32
            %add3A_334 = arith.addi %add3A_331, %mul3A_333 : i32
            %add3A_335 = arith.constant 1 : i32
            %add3A_336 = arith.addi %add3A_334, %add3A_335 : i32
            %add3A_337 = vector.broadcast %add3A_336 : i32 to vector<16xi32>
            %add3A_338 = arith.addi %iota3A, %add3A_337 : vector<16xi32>
            %gather3A = tpu.vector_load_idx %arg5[%add3A_338] : memref<10240xf32, #tpu.memory_space<vmem>>[vector<16xi32>], vector<16xf32>,
            %mul3A_339 = arith.constant 512 : i32
            %mul3A_340 = arith.muli %while3A_316, %mul3A_339 : i32
            %mul3A_341 = arith.constant 16 : i32
            %mul3A_342 = arith.muli %scan3A_326, %mul3A_341 : i32
            %add3A_343 = arith.addi %mul3A_340, %mul3A_342 : i32
            %swap3A = arith.index_cast %add3A_343 : i32 to index
            %swap3A_344 = tpu.vector_load %arg5[%swap3A] {strides = array<i32>} : memref<10240xf32, #tpu.memory_space<vmem>>, vector<16xf32>,
            tpu.vector_store %arg5[%swap3A], %gather3A {strides = array<i32>} : memref<10240xf32, #tpu.memory_space<vmem>>, vector<16xf32>,
            %scan3A_345 = arith.constant 0 : i32
            scf.yield %scan3A_345 : i32
          }
          %scan3A_324 = arith.constant 32 : i32
          %while3A_325 = arith.constant 0 : i32
          scf.yield %while3A_325 : i32
        }
        %while3A_305 = arith.constant 1 : i32
        %while3A_306 = scf.for %while3A_316 = %while3A_302 to %while3A_298 step %while3A_305 iter_args(%while3A_317 = %while3A_304) -> (i32)  : i32 {
          %scan3A_318 = arith.constant 0 : i32
          %scan3A_319 = arith.constant 0 : i32
          %scan3A_320 = arith.constant 32 : i32
          %scan3A_321 = arith.addi %scan3A_319, %scan3A_320 : i32
          %scan3A_322 = arith.constant 1 : i32
          %scan3A_323 = scf.for %scan3A_326 = %scan3A_319 to %scan3A_321 step %scan3A_322 iter_args(%scan3A_327 = %scan3A_318) -> (i32)  : i32 {
            %mul3A_328 = arith.constant 512 : i32
            %mul3A_329 = arith.muli %while3A_316, %mul3A_328 : i32
            %add3A_330 = arith.constant 7680 : i32
            %add3A_331 = arith.addi %add3A_330, %mul3A_329 : i32
            %mul3A_332 = arith.constant 16 : i32
            %mul3A_333 = arith.muli %scan3A_326, %mul3A_332 : i32
            %add3A_334 = arith.addi %add3A_331, %mul3A_333 : i32
            %add3A_335 = arith.constant 1 : i32
            %add3A_336 = arith.addi %add3A_334, %add3A_335 : i32
            %add3A_337 = vector.broadcast %add3A_336 : i32 to vector<16xi32>
            %add3A_338 = arith.addi %iota3A, %add3A_337 : vector<16xi32>
            %gather3A = tpu.vector_load_idx %arg5[%add3A_338] : memref<10240xf32, #tpu.memory_space<vmem>>[vector<16xi32>], vector<16xf32>,
            %mul3A_339 = arith.constant 512 : i32
            %mul3A_340 = arith.muli %while3A_316, %mul3A_339 : i32
            %mul3A_341 = arith.constant 16 : i32
            %mul3A_342 = arith.muli %scan3A_326, %mul3A_341 : i32
            %add3A_343 = arith.addi %mul3A_340, %mul3A_342 : i32
            %swap3A = arith.index_cast %add3A_343 : i32 to index
            %swap3A_344 = tpu.vector_load %arg5[%swap3A] {strides = array<i32>} : memref<10240xf32, #tpu.memory_space<vmem>>, vector<16xf32>,
            tpu.vector_store %arg5[%swap3A], %gather3A {strides = array<i32>} : memref<10240xf32, #tpu.memory_space<vmem>>, vector<16xf32>,
            %scan3A_345 = arith.constant 0 : i32
            scf.yield %scan3A_345 : i32
          }
          %scan3A_324 = arith.constant 32 : i32
          %while3A_325 = arith.constant 0 : i32
          scf.yield %while3A_325 : i32
        }
        %mul3A_307 = arith.constant 512 : i32
        %mul3A_308 = vector.broadcast %mul3A_307 : i32 to vector<16xi32>
        %mul3A_309 = arith.muli %iota3A, %mul3A_308 : vector<16xi32>
        %add3A_310 = arith.constant 511 : i32
        %add3A_311 = vector.broadcast %add3A_310 : i32 to vector<16xi32>
        %add3A_312 = arith.addi %mul3A_309, %add3A_311 : vector<16xi32>
        %broadcast_in_dim3A = arith.constant 0.000000e+00 : f32
        %broadcast_in_dim3A_313 = vector.broadcast %broadcast_in_dim3A : f32 to vector<16xf32>
        %lt3A_314 = vector.broadcast %select_n3A_47 : i32 to vector<16xi32>
        %lt3A_315 = arith.cmpi slt, %iota3A, %lt3A_314 : vector<16xi32>
        tpu.vector_store_idx %arg5[%add3A_312], %broadcast_in_dim3A_313 masked %lt3A_315 : memref<10240xf32, #tpu.memory_space<vmem>>[vector<16xi32>], vector<16xf32>, vector<16xi1>
      } else {
      }
      %rem3A_248 = arith.constant 4 : i32
      %rem3A_249 = arith.remsi %add3A_179, %rem3A_248 : i32
      %add3A_250 = arith.constant 1 : i32
      %add3A_251 = arith.addi %add3A_179, %add3A_250 : i32
      %rem3A_252 = arith.constant 4 : i32
      %rem3A_253 = arith.remsi %add3A_251, %rem3A_252 : i32
      %gt3A_254 = arith.constant 0 : i32
      %gt3A_255 = arith.cmpi sgt, %select_n3A_47, %gt3A_254 : i32
      %convert_element_type3A_256 = arith.extui %gt3A_255 : i1 to i32
      %cond3A_257 = arith.constant 0 : i32
      %cond3A_258 = arith.cmpi ne, %convert_element_type3A_256, %cond3A_257 : i32
      scf.if %cond3A_258 {
        %eq3A_296 = arith.constant 2 : i32
        %eq3A_297 = arith.cmpi eq, %select_n3A_30, %eq3A_296 : i32
        %jit3A_298 = arith.constant 48 : i32
        %jit3A_299 = arith.constant 53 : i32
        %select_n3A_300 = arith.select %eq3A_297, %jit3A_298, %jit3A_299 : i32
        %eq3A_301 = arith.constant 1 : i32
        %eq3A_302 = arith.cmpi eq, %select_n3A_30, %eq3A_301 : i32
        %jit3A_303 = arith.constant 28 : i32
        %select_n3A_304 = arith.select %eq3A_302, %jit3A_303, %select_n3A_300 : i32
        %eq3A_305 = arith.constant 0 : i32
        %eq3A_306 = arith.cmpi eq, %select_n3A_30, %eq3A_305 : i32
        %jit3A_307 = arith.constant 36 : i32
        %select_n3A_308 = arith.select %eq3A_306, %jit3A_307, %select_n3A_304 : i32
        %scan3A_309 = arith.constant 0 : i32
        %scan3A_310 = arith.constant 0 : i32
        %scan3A_311 = arith.constant 32 : i32
        %scan3A_312 = arith.addi %scan3A_310, %scan3A_311 : i32
        %scan3A_313 = arith.constant 8 : i32
        %scan3A_314 = scf.for %scan3A_316 = %scan3A_310 to %scan3A_312 step %scan3A_313 iter_args(%scan3A_317 = %scan3A_309) -> (i32)  : i32 {
          %mul3A_318 = arith.constant 2560 : i32
          %mul3A_319 = arith.muli %rem3A_253, %mul3A_318 : i32
          %add3A_320 = arith.constant 0 : i32
          %add3A_321 = arith.addi %mul3A_319, %add3A_320 : i32
          %mul3A_322 = arith.constant 16 : i32
          %mul3A_323 = arith.muli %scan3A_316, %mul3A_322 : i32
          %add3A_324 = arith.addi %add3A_321, %mul3A_323 : i32
          %get3A = arith.index_cast %add3A_324 : i32 to index
          %get3A_325 = tpu.vector_load %arg5[%get3A] {strides = array<i32>} : memref<10240xf32, #tpu.memory_space<vmem>>, vector<16xf32>,
          %mul3A_326 = arith.constant 16 : i32
          %mul3A_327 = arith.muli %scan3A_316, %mul3A_326 : i32
          %swap3A = arith.index_cast %rem3A_249 : i32 to index
          %swap3A_328 = arith.index_cast %select_n3A_308 : i32 to index
          %swap3A_329 = arith.index_cast %mul3A_327 : i32 to index
          %swap3A_330 = tpu.vector_load %arg4[%swap3A, %swap3A_328, %swap3A_329] {strides = array<i32>} : memref<4x56x512xf32, #tpu.memory_space<vmem>>, vector<16xf32>,
          tpu.vector_store %arg4[%swap3A, %swap3A_328, %swap3A_329], %get3A_325 {strides = array<i32>} : memref<4x56x512xf32, #tpu.memory_space<vmem>>, vector<16xf32>,
          %scan3A_331 = arith.constant 0 : i32
          %scan3A_332 = arith.constant 1 : i32
          %scan3A_333 = arith.addi %scan3A_316, %scan3A_332 : i32
          %mul3A_334 = arith.constant 2560 : i32
          %mul3A_335 = arith.muli %rem3A_253, %mul3A_334 : i32
          %add3A_336 = arith.constant 0 : i32
          %add3A_337 = arith.addi %mul3A_335, %add3A_336 : i32
          %mul3A_338 = arith.constant 16 : i32
          %mul3A_339 = arith.muli %scan3A_333, %mul3A_338 : i32
          %add3A_340 = arith.addi %add3A_337, %mul3A_339 : i32
          %get3A_341 = arith.index_cast %add3A_340 : i32 to index
          %get3A_342 = tpu.vector_load %arg5[%get3A_341] {strides = array<i32>} : memref<10240xf32, #tpu.memory_space<vmem>>, vector<16xf32>,
          %mul3A_343 = arith.constant 16 : i32
          %mul3A_344 = arith.muli %scan3A_333, %mul3A_343 : i32
          %swap3A_345 = arith.index_cast %rem3A_249 : i32 to index
          %swap3A_346 = arith.index_cast %select_n3A_308 : i32 to index
          %swap3A_347 = arith.index_cast %mul3A_344 : i32 to index
          %swap3A_348 = tpu.vector_load %arg4[%swap3A_345, %swap3A_346, %swap3A_347] {strides = array<i32>} : memref<4x56x512xf32, #tpu.memory_space<vmem>>, vector<16xf32>,
          tpu.vector_store %arg4[%swap3A_345, %swap3A_346, %swap3A_347], %get3A_342 {strides = array<i32>} : memref<4x56x512xf32, #tpu.memory_space<vmem>>, vector<16xf32>,
          %scan3A_349 = arith.constant 0 : i32
          %scan3A_350 = arith.constant 2 : i32
          %scan3A_351 = arith.addi %scan3A_316, %scan3A_350 : i32
          %mul3A_352 = arith.constant 2560 : i32
          %mul3A_353 = arith.muli %rem3A_253, %mul3A_352 : i32
          %add3A_354 = arith.constant 0 : i32
          %add3A_355 = arith.addi %mul3A_353, %add3A_354 : i32
          %mul3A_356 = arith.constant 16 : i32
          %mul3A_357 = arith.muli %scan3A_351, %mul3A_356 : i32
          %add3A_358 = arith.addi %add3A_355, %mul3A_357 : i32
          %get3A_359 = arith.index_cast %add3A_358 : i32 to index
          %get3A_360 = tpu.vector_load %arg5[%get3A_359] {strides = array<i32>} : memref<10240xf32, #tpu.memory_space<vmem>>, vector<16xf32>,
          %mul3A_361 = arith.constant 16 : i32
          %mul3A_362 = arith.muli %scan3A_351, %mul3A_361 : i32
          %swap3A_363 = arith.index_cast %rem3A_249 : i32 to index
          %swap3A_364 = arith.index_cast %select_n3A_308 : i32 to index
          %swap3A_365 = arith.index_cast %mul3A_362 : i32 to index
          %swap3A_366 = tpu.vector_load %arg4[%swap3A_363, %swap3A_364, %swap3A_365] {strides = array<i32>} : memref<4x56x512xf32, #tpu.memory_space<vmem>>, vector<16xf32>,
          tpu.vector_store %arg4[%swap3A_363, %swap3A_364, %swap3A_365], %get3A_360 {strides = array<i32>} : memref<4x56x512xf32, #tpu.memory_space<vmem>>, vector<16xf32>,
          %scan3A_367 = arith.constant 0 : i32
          %scan3A_368 = arith.constant 3 : i32
          %scan3A_369 = arith.addi %scan3A_316, %scan3A_368 : i32
          %mul3A_370 = arith.constant 2560 : i32
          %mul3A_371 = arith.muli %rem3A_253, %mul3A_370 : i32
          %add3A_372 = arith.constant 0 : i32
          %add3A_373 = arith.addi %mul3A_371, %add3A_372 : i32
          %mul3A_374 = arith.constant 16 : i32
          %mul3A_375 = arith.muli %scan3A_369, %mul3A_374 : i32
          %add3A_376 = arith.addi %add3A_373, %mul3A_375 : i32
          %get3A_377 = arith.index_cast %add3A_376 : i32 to index
          %get3A_378 = tpu.vector_load %arg5[%get3A_377] {strides = array<i32>} : memref<10240xf32, #tpu.memory_space<vmem>>, vector<16xf32>,
          %mul3A_379 = arith.constant 16 : i32
          %mul3A_380 = arith.muli %scan3A_369, %mul3A_379 : i32
          %swap3A_381 = arith.index_cast %rem3A_249 : i32 to index
          %swap3A_382 = arith.index_cast %select_n3A_308 : i32 to index
          %swap3A_383 = arith.index_cast %mul3A_380 : i32 to index
          %swap3A_384 = tpu.vector_load %arg4[%swap3A_381, %swap3A_382, %swap3A_383] {strides = array<i32>} : memref<4x56x512xf32, #tpu.memory_space<vmem>>, vector<16xf32>,
          tpu.vector_store %arg4[%swap3A_381, %swap3A_382, %swap3A_383], %get3A_378 {strides = array<i32>} : memref<4x56x512xf32, #tpu.memory_space<vmem>>, vector<16xf32>,
          %scan3A_385 = arith.constant 0 : i32
          %scan3A_386 = arith.constant 4 : i32
          %scan3A_387 = arith.addi %scan3A_316, %scan3A_386 : i32
          %mul3A_388 = arith.constant 2560 : i32
          %mul3A_389 = arith.muli %rem3A_253, %mul3A_388 : i32
          %add3A_390 = arith.constant 0 : i32
          %add3A_391 = arith.addi %mul3A_389, %add3A_390 : i32
          %mul3A_392 = arith.constant 16 : i32
          %mul3A_393 = arith.muli %scan3A_387, %mul3A_392 : i32
          %add3A_394 = arith.addi %add3A_391, %mul3A_393 : i32
          %get3A_395 = arith.index_cast %add3A_394 : i32 to index
          %get3A_396 = tpu.vector_load %arg5[%get3A_395] {strides = array<i32>} : memref<10240xf32, #tpu.memory_space<vmem>>, vector<16xf32>,
          %mul3A_397 = arith.constant 16 : i32
          %mul3A_398 = arith.muli %scan3A_387, %mul3A_397 : i32
          %swap3A_399 = arith.index_cast %rem3A_249 : i32 to index
          %swap3A_400 = arith.index_cast %select_n3A_308 : i32 to index
          %swap3A_401 = arith.index_cast %mul3A_398 : i32 to index
          %swap3A_402 = tpu.vector_load %arg4[%swap3A_399, %swap3A_400, %swap3A_401] {strides = array<i32>} : memref<4x56x512xf32, #tpu.memory_space<vmem>>, vector<16xf32>,
          tpu.vector_store %arg4[%swap3A_399, %swap3A_400, %swap3A_401], %get3A_396 {strides = array<i32>} : memref<4x56x512xf32, #tpu.memory_space<vmem>>, vector<16xf32>,
          %scan3A_403 = arith.constant 0 : i32
          %scan3A_404 = arith.constant 5 : i32
          %scan3A_405 = arith.addi %scan3A_316, %scan3A_404 : i32
          %mul3A_406 = arith.constant 2560 : i32
          %mul3A_407 = arith.muli %rem3A_253, %mul3A_406 : i32
          %add3A_408 = arith.constant 0 : i32
          %add3A_409 = arith.addi %mul3A_407, %add3A_408 : i32
          %mul3A_410 = arith.constant 16 : i32
          %mul3A_411 = arith.muli %scan3A_405, %mul3A_410 : i32
          %add3A_412 = arith.addi %add3A_409, %mul3A_411 : i32
          %get3A_413 = arith.index_cast %add3A_412 : i32 to index
          %get3A_414 = tpu.vector_load %arg5[%get3A_413] {strides = array<i32>} : memref<10240xf32, #tpu.memory_space<vmem>>, vector<16xf32>,
          %mul3A_415 = arith.constant 16 : i32
          %mul3A_416 = arith.muli %scan3A_405, %mul3A_415 : i32
          %swap3A_417 = arith.index_cast %rem3A_249 : i32 to index
          %swap3A_418 = arith.index_cast %select_n3A_308 : i32 to index
          %swap3A_419 = arith.index_cast %mul3A_416 : i32 to index
          %swap3A_420 = tpu.vector_load %arg4[%swap3A_417, %swap3A_418, %swap3A_419] {strides = array<i32>} : memref<4x56x512xf32, #tpu.memory_space<vmem>>, vector<16xf32>,
          tpu.vector_store %arg4[%swap3A_417, %swap3A_418, %swap3A_419], %get3A_414 {strides = array<i32>} : memref<4x56x512xf32, #tpu.memory_space<vmem>>, vector<16xf32>,
          %scan3A_421 = arith.constant 0 : i32
          %scan3A_422 = arith.constant 6 : i32
          %scan3A_423 = arith.addi %scan3A_316, %scan3A_422 : i32
          %mul3A_424 = arith.constant 2560 : i32
          %mul3A_425 = arith.muli %rem3A_253, %mul3A_424 : i32
          %add3A_426 = arith.constant 0 : i32
          %add3A_427 = arith.addi %mul3A_425, %add3A_426 : i32
          %mul3A_428 = arith.constant 16 : i32
          %mul3A_429 = arith.muli %scan3A_423, %mul3A_428 : i32
          %add3A_430 = arith.addi %add3A_427, %mul3A_429 : i32
          %get3A_431 = arith.index_cast %add3A_430 : i32 to index
          %get3A_432 = tpu.vector_load %arg5[%get3A_431] {strides = array<i32>} : memref<10240xf32, #tpu.memory_space<vmem>>, vector<16xf32>,
          %mul3A_433 = arith.constant 16 : i32
          %mul3A_434 = arith.muli %scan3A_423, %mul3A_433 : i32
          %swap3A_435 = arith.index_cast %rem3A_249 : i32 to index
          %swap3A_436 = arith.index_cast %select_n3A_308 : i32 to index
          %swap3A_437 = arith.index_cast %mul3A_434 : i32 to index
          %swap3A_438 = tpu.vector_load %arg4[%swap3A_435, %swap3A_436, %swap3A_437] {strides = array<i32>} : memref<4x56x512xf32, #tpu.memory_space<vmem>>, vector<16xf32>,
          tpu.vector_store %arg4[%swap3A_435, %swap3A_436, %swap3A_437], %get3A_432 {strides = array<i32>} : memref<4x56x512xf32, #tpu.memory_space<vmem>>, vector<16xf32>,
          %scan3A_439 = arith.constant 0 : i32
          %scan3A_440 = arith.constant 7 : i32
          %scan3A_441 = arith.addi %scan3A_316, %scan3A_440 : i32
          %mul3A_442 = arith.constant 2560 : i32
          %mul3A_443 = arith.muli %rem3A_253, %mul3A_442 : i32
          %add3A_444 = arith.constant 0 : i32
          %add3A_445 = arith.addi %mul3A_443, %add3A_444 : i32
          %mul3A_446 = arith.constant 16 : i32
          %mul3A_447 = arith.muli %scan3A_441, %mul3A_446 : i32
          %add3A_448 = arith.addi %add3A_445, %mul3A_447 : i32
          %get3A_449 = arith.index_cast %add3A_448 : i32 to index
          %get3A_450 = tpu.vector_load %arg5[%get3A_449] {strides = array<i32>} : memref<10240xf32, #tpu.memory_space<vmem>>, vector<16xf32>,
          %mul3A_451 = arith.constant 16 : i32
          %mul3A_452 = arith.muli %scan3A_441, %mul3A_451 : i32
          %swap3A_453 = arith.index_cast %rem3A_249 : i32 to index
          %swap3A_454 = arith.index_cast %select_n3A_308 : i32 to index
          %swap3A_455 = arith.index_cast %mul3A_452 : i32 to index
          %swap3A_456 = tpu.vector_load %arg4[%swap3A_453, %swap3A_454, %swap3A_455] {strides = array<i32>} : memref<4x56x512xf32, #tpu.memory_space<vmem>>, vector<16xf32>,
          tpu.vector_store %arg4[%swap3A_453, %swap3A_454, %swap3A_455], %get3A_450 {strides = array<i32>} : memref<4x56x512xf32, #tpu.memory_space<vmem>>, vector<16xf32>,
          %scan3A_457 = arith.constant 0 : i32
          scf.yield %scan3A_457 : i32
        }
        %scan3A_315 = arith.constant 32 : i32
      } else {
      }
      %gt3A_259 = arith.constant 1 : i32
      %gt3A_260 = arith.cmpi sgt, %select_n3A_47, %gt3A_259 : i32
      %convert_element_type3A_261 = arith.extui %gt3A_260 : i1 to i32
      %cond3A_262 = arith.constant 0 : i32
      %cond3A_263 = arith.cmpi ne, %convert_element_type3A_261, %cond3A_262 : i32
      scf.if %cond3A_263 {
        %eq3A_296 = arith.constant 2 : i32
        %eq3A_297 = arith.cmpi eq, %select_n3A_30, %eq3A_296 : i32
        %jit3A_298 = arith.constant 47 : i32
        %jit3A_299 = arith.constant 0 : i32
        %select_n3A_300 = arith.select %eq3A_297, %jit3A_298, %jit3A_299 : i32
        %eq3A_301 = arith.constant 1 : i32
        %eq3A_302 = arith.cmpi eq, %select_n3A_30, %eq3A_301 : i32
        %jit3A_303 = arith.constant 46 : i32
        %select_n3A_304 = arith.select %eq3A_302, %jit3A_303, %select_n3A_300 : i32
        %eq3A_305 = arith.constant 0 : i32
        %eq3A_306 = arith.cmpi eq, %select_n3A_30, %eq3A_305 : i32
        %jit3A_307 = arith.constant 0 : i32
        %select_n3A_308 = arith.select %eq3A_306, %jit3A_307, %select_n3A_304 : i32
        %scan3A_309 = arith.constant 0 : i32
        %scan3A_310 = arith.constant 0 : i32
        %scan3A_311 = arith.constant 32 : i32
        %scan3A_312 = arith.addi %scan3A_310, %scan3A_311 : i32
        %scan3A_313 = arith.constant 8 : i32
        %scan3A_314 = scf.for %scan3A_316 = %scan3A_310 to %scan3A_312 step %scan3A_313 iter_args(%scan3A_317 = %scan3A_309) -> (i32)  : i32 {
          %mul3A_318 = arith.constant 2560 : i32
          %mul3A_319 = arith.muli %rem3A_253, %mul3A_318 : i32
          %add3A_320 = arith.constant 512 : i32
          %add3A_321 = arith.addi %mul3A_319, %add3A_320 : i32
          %mul3A_322 = arith.constant 16 : i32
          %mul3A_323 = arith.muli %scan3A_316, %mul3A_322 : i32
          %add3A_324 = arith.addi %add3A_321, %mul3A_323 : i32
          %get3A = arith.index_cast %add3A_324 : i32 to index
          %get3A_325 = tpu.vector_load %arg5[%get3A] {strides = array<i32>} : memref<10240xf32, #tpu.memory_space<vmem>>, vector<16xf32>,
          %mul3A_326 = arith.constant 16 : i32
          %mul3A_327 = arith.muli %scan3A_316, %mul3A_326 : i32
          %swap3A = arith.index_cast %rem3A_249 : i32 to index
          %swap3A_328 = arith.index_cast %select_n3A_308 : i32 to index
          %swap3A_329 = arith.index_cast %mul3A_327 : i32 to index
          %swap3A_330 = tpu.vector_load %arg4[%swap3A, %swap3A_328, %swap3A_329] {strides = array<i32>} : memref<4x56x512xf32, #tpu.memory_space<vmem>>, vector<16xf32>,
          tpu.vector_store %arg4[%swap3A, %swap3A_328, %swap3A_329], %get3A_325 {strides = array<i32>} : memref<4x56x512xf32, #tpu.memory_space<vmem>>, vector<16xf32>,
          %scan3A_331 = arith.constant 0 : i32
          %scan3A_332 = arith.constant 1 : i32
          %scan3A_333 = arith.addi %scan3A_316, %scan3A_332 : i32
          %mul3A_334 = arith.constant 2560 : i32
          %mul3A_335 = arith.muli %rem3A_253, %mul3A_334 : i32
          %add3A_336 = arith.constant 512 : i32
          %add3A_337 = arith.addi %mul3A_335, %add3A_336 : i32
          %mul3A_338 = arith.constant 16 : i32
          %mul3A_339 = arith.muli %scan3A_333, %mul3A_338 : i32
          %add3A_340 = arith.addi %add3A_337, %mul3A_339 : i32
          %get3A_341 = arith.index_cast %add3A_340 : i32 to index
          %get3A_342 = tpu.vector_load %arg5[%get3A_341] {strides = array<i32>} : memref<10240xf32, #tpu.memory_space<vmem>>, vector<16xf32>,
          %mul3A_343 = arith.constant 16 : i32
          %mul3A_344 = arith.muli %scan3A_333, %mul3A_343 : i32
          %swap3A_345 = arith.index_cast %rem3A_249 : i32 to index
          %swap3A_346 = arith.index_cast %select_n3A_308 : i32 to index
          %swap3A_347 = arith.index_cast %mul3A_344 : i32 to index
          %swap3A_348 = tpu.vector_load %arg4[%swap3A_345, %swap3A_346, %swap3A_347] {strides = array<i32>} : memref<4x56x512xf32, #tpu.memory_space<vmem>>, vector<16xf32>,
          tpu.vector_store %arg4[%swap3A_345, %swap3A_346, %swap3A_347], %get3A_342 {strides = array<i32>} : memref<4x56x512xf32, #tpu.memory_space<vmem>>, vector<16xf32>,
          %scan3A_349 = arith.constant 0 : i32
          %scan3A_350 = arith.constant 2 : i32
          %scan3A_351 = arith.addi %scan3A_316, %scan3A_350 : i32
          %mul3A_352 = arith.constant 2560 : i32
          %mul3A_353 = arith.muli %rem3A_253, %mul3A_352 : i32
          %add3A_354 = arith.constant 512 : i32
          %add3A_355 = arith.addi %mul3A_353, %add3A_354 : i32
          %mul3A_356 = arith.constant 16 : i32
          %mul3A_357 = arith.muli %scan3A_351, %mul3A_356 : i32
          %add3A_358 = arith.addi %add3A_355, %mul3A_357 : i32
          %get3A_359 = arith.index_cast %add3A_358 : i32 to index
          %get3A_360 = tpu.vector_load %arg5[%get3A_359] {strides = array<i32>} : memref<10240xf32, #tpu.memory_space<vmem>>, vector<16xf32>,
          %mul3A_361 = arith.constant 16 : i32
          %mul3A_362 = arith.muli %scan3A_351, %mul3A_361 : i32
          %swap3A_363 = arith.index_cast %rem3A_249 : i32 to index
          %swap3A_364 = arith.index_cast %select_n3A_308 : i32 to index
          %swap3A_365 = arith.index_cast %mul3A_362 : i32 to index
          %swap3A_366 = tpu.vector_load %arg4[%swap3A_363, %swap3A_364, %swap3A_365] {strides = array<i32>} : memref<4x56x512xf32, #tpu.memory_space<vmem>>, vector<16xf32>,
          tpu.vector_store %arg4[%swap3A_363, %swap3A_364, %swap3A_365], %get3A_360 {strides = array<i32>} : memref<4x56x512xf32, #tpu.memory_space<vmem>>, vector<16xf32>,
          %scan3A_367 = arith.constant 0 : i32
          %scan3A_368 = arith.constant 3 : i32
          %scan3A_369 = arith.addi %scan3A_316, %scan3A_368 : i32
          %mul3A_370 = arith.constant 2560 : i32
          %mul3A_371 = arith.muli %rem3A_253, %mul3A_370 : i32
          %add3A_372 = arith.constant 512 : i32
          %add3A_373 = arith.addi %mul3A_371, %add3A_372 : i32
          %mul3A_374 = arith.constant 16 : i32
          %mul3A_375 = arith.muli %scan3A_369, %mul3A_374 : i32
          %add3A_376 = arith.addi %add3A_373, %mul3A_375 : i32
          %get3A_377 = arith.index_cast %add3A_376 : i32 to index
          %get3A_378 = tpu.vector_load %arg5[%get3A_377] {strides = array<i32>} : memref<10240xf32, #tpu.memory_space<vmem>>, vector<16xf32>,
          %mul3A_379 = arith.constant 16 : i32
          %mul3A_380 = arith.muli %scan3A_369, %mul3A_379 : i32
          %swap3A_381 = arith.index_cast %rem3A_249 : i32 to index
          %swap3A_382 = arith.index_cast %select_n3A_308 : i32 to index
          %swap3A_383 = arith.index_cast %mul3A_380 : i32 to index
          %swap3A_384 = tpu.vector_load %arg4[%swap3A_381, %swap3A_382, %swap3A_383] {strides = array<i32>} : memref<4x56x512xf32, #tpu.memory_space<vmem>>, vector<16xf32>,
          tpu.vector_store %arg4[%swap3A_381, %swap3A_382, %swap3A_383], %get3A_378 {strides = array<i32>} : memref<4x56x512xf32, #tpu.memory_space<vmem>>, vector<16xf32>,
          %scan3A_385 = arith.constant 0 : i32
          %scan3A_386 = arith.constant 4 : i32
          %scan3A_387 = arith.addi %scan3A_316, %scan3A_386 : i32
          %mul3A_388 = arith.constant 2560 : i32
          %mul3A_389 = arith.muli %rem3A_253, %mul3A_388 : i32
          %add3A_390 = arith.constant 512 : i32
          %add3A_391 = arith.addi %mul3A_389, %add3A_390 : i32
          %mul3A_392 = arith.constant 16 : i32
          %mul3A_393 = arith.muli %scan3A_387, %mul3A_392 : i32
          %add3A_394 = arith.addi %add3A_391, %mul3A_393 : i32
          %get3A_395 = arith.index_cast %add3A_394 : i32 to index
          %get3A_396 = tpu.vector_load %arg5[%get3A_395] {strides = array<i32>} : memref<10240xf32, #tpu.memory_space<vmem>>, vector<16xf32>,
          %mul3A_397 = arith.constant 16 : i32
          %mul3A_398 = arith.muli %scan3A_387, %mul3A_397 : i32
          %swap3A_399 = arith.index_cast %rem3A_249 : i32 to index
          %swap3A_400 = arith.index_cast %select_n3A_308 : i32 to index
          %swap3A_401 = arith.index_cast %mul3A_398 : i32 to index
          %swap3A_402 = tpu.vector_load %arg4[%swap3A_399, %swap3A_400, %swap3A_401] {strides = array<i32>} : memref<4x56x512xf32, #tpu.memory_space<vmem>>, vector<16xf32>,
          tpu.vector_store %arg4[%swap3A_399, %swap3A_400, %swap3A_401], %get3A_396 {strides = array<i32>} : memref<4x56x512xf32, #tpu.memory_space<vmem>>, vector<16xf32>,
          %scan3A_403 = arith.constant 0 : i32
          %scan3A_404 = arith.constant 5 : i32
          %scan3A_405 = arith.addi %scan3A_316, %scan3A_404 : i32
          %mul3A_406 = arith.constant 2560 : i32
          %mul3A_407 = arith.muli %rem3A_253, %mul3A_406 : i32
          %add3A_408 = arith.constant 512 : i32
          %add3A_409 = arith.addi %mul3A_407, %add3A_408 : i32
          %mul3A_410 = arith.constant 16 : i32
          %mul3A_411 = arith.muli %scan3A_405, %mul3A_410 : i32
          %add3A_412 = arith.addi %add3A_409, %mul3A_411 : i32
          %get3A_413 = arith.index_cast %add3A_412 : i32 to index
          %get3A_414 = tpu.vector_load %arg5[%get3A_413] {strides = array<i32>} : memref<10240xf32, #tpu.memory_space<vmem>>, vector<16xf32>,
          %mul3A_415 = arith.constant 16 : i32
          %mul3A_416 = arith.muli %scan3A_405, %mul3A_415 : i32
          %swap3A_417 = arith.index_cast %rem3A_249 : i32 to index
          %swap3A_418 = arith.index_cast %select_n3A_308 : i32 to index
          %swap3A_419 = arith.index_cast %mul3A_416 : i32 to index
          %swap3A_420 = tpu.vector_load %arg4[%swap3A_417, %swap3A_418, %swap3A_419] {strides = array<i32>} : memref<4x56x512xf32, #tpu.memory_space<vmem>>, vector<16xf32>,
          tpu.vector_store %arg4[%swap3A_417, %swap3A_418, %swap3A_419], %get3A_414 {strides = array<i32>} : memref<4x56x512xf32, #tpu.memory_space<vmem>>, vector<16xf32>,
          %scan3A_421 = arith.constant 0 : i32
          %scan3A_422 = arith.constant 6 : i32
          %scan3A_423 = arith.addi %scan3A_316, %scan3A_422 : i32
          %mul3A_424 = arith.constant 2560 : i32
          %mul3A_425 = arith.muli %rem3A_253, %mul3A_424 : i32
          %add3A_426 = arith.constant 512 : i32
          %add3A_427 = arith.addi %mul3A_425, %add3A_426 : i32
          %mul3A_428 = arith.constant 16 : i32
          %mul3A_429 = arith.muli %scan3A_423, %mul3A_428 : i32
          %add3A_430 = arith.addi %add3A_427, %mul3A_429 : i32
          %get3A_431 = arith.index_cast %add3A_430 : i32 to index
          %get3A_432 = tpu.vector_load %arg5[%get3A_431] {strides = array<i32>} : memref<10240xf32, #tpu.memory_space<vmem>>, vector<16xf32>,
          %mul3A_433 = arith.constant 16 : i32
          %mul3A_434 = arith.muli %scan3A_423, %mul3A_433 : i32
          %swap3A_435 = arith.index_cast %rem3A_249 : i32 to index
          %swap3A_436 = arith.index_cast %select_n3A_308 : i32 to index
          %swap3A_437 = arith.index_cast %mul3A_434 : i32 to index
          %swap3A_438 = tpu.vector_load %arg4[%swap3A_435, %swap3A_436, %swap3A_437] {strides = array<i32>} : memref<4x56x512xf32, #tpu.memory_space<vmem>>, vector<16xf32>,
          tpu.vector_store %arg4[%swap3A_435, %swap3A_436, %swap3A_437], %get3A_432 {strides = array<i32>} : memref<4x56x512xf32, #tpu.memory_space<vmem>>, vector<16xf32>,
          %scan3A_439 = arith.constant 0 : i32
          %scan3A_440 = arith.constant 7 : i32
          %scan3A_441 = arith.addi %scan3A_316, %scan3A_440 : i32
          %mul3A_442 = arith.constant 2560 : i32
          %mul3A_443 = arith.muli %rem3A_253, %mul3A_442 : i32
          %add3A_444 = arith.constant 512 : i32
          %add3A_445 = arith.addi %mul3A_443, %add3A_444 : i32
          %mul3A_446 = arith.constant 16 : i32
          %mul3A_447 = arith.muli %scan3A_441, %mul3A_446 : i32
          %add3A_448 = arith.addi %add3A_445, %mul3A_447 : i32
          %get3A_449 = arith.index_cast %add3A_448 : i32 to index
          %get3A_450 = tpu.vector_load %arg5[%get3A_449] {strides = array<i32>} : memref<10240xf32, #tpu.memory_space<vmem>>, vector<16xf32>,
          %mul3A_451 = arith.constant 16 : i32
          %mul3A_452 = arith.muli %scan3A_441, %mul3A_451 : i32
          %swap3A_453 = arith.index_cast %rem3A_249 : i32 to index
          %swap3A_454 = arith.index_cast %select_n3A_308 : i32 to index
          %swap3A_455 = arith.index_cast %mul3A_452 : i32 to index
          %swap3A_456 = tpu.vector_load %arg4[%swap3A_453, %swap3A_454, %swap3A_455] {strides = array<i32>} : memref<4x56x512xf32, #tpu.memory_space<vmem>>, vector<16xf32>,
          tpu.vector_store %arg4[%swap3A_453, %swap3A_454, %swap3A_455], %get3A_450 {strides = array<i32>} : memref<4x56x512xf32, #tpu.memory_space<vmem>>, vector<16xf32>,
          %scan3A_457 = arith.constant 0 : i32
          scf.yield %scan3A_457 : i32
        }
        %scan3A_315 = arith.constant 32 : i32
      } else {
      }
      %gt3A_264 = arith.constant 2 : i32
      %gt3A_265 = arith.cmpi sgt, %select_n3A_47, %gt3A_264 : i32
      %convert_element_type3A_266 = arith.extui %gt3A_265 : i1 to i32
      %cond3A_267 = arith.constant 0 : i32
      %cond3A_268 = arith.cmpi ne, %convert_element_type3A_266, %cond3A_267 : i32
      scf.if %cond3A_268 {
        %eq3A_296 = arith.constant 2 : i32
        %eq3A_297 = arith.cmpi eq, %select_n3A_30, %eq3A_296 : i32
        %jit3A_298 = arith.constant 0 : i32
        %jit3A_299 = arith.constant 0 : i32
        %select_n3A_300 = arith.select %eq3A_297, %jit3A_298, %jit3A_299 : i32
        %eq3A_301 = arith.constant 1 : i32
        %eq3A_302 = arith.cmpi eq, %select_n3A_30, %eq3A_301 : i32
        %jit3A_303 = arith.constant 54 : i32
        %select_n3A_304 = arith.select %eq3A_302, %jit3A_303, %select_n3A_300 : i32
        %eq3A_305 = arith.constant 0 : i32
        %eq3A_306 = arith.cmpi eq, %select_n3A_30, %eq3A_305 : i32
        %jit3A_307 = arith.constant 0 : i32
        %select_n3A_308 = arith.select %eq3A_306, %jit3A_307, %select_n3A_304 : i32
        %scan3A_309 = arith.constant 0 : i32
        %scan3A_310 = arith.constant 0 : i32
        %scan3A_311 = arith.constant 32 : i32
        %scan3A_312 = arith.addi %scan3A_310, %scan3A_311 : i32
        %scan3A_313 = arith.constant 8 : i32
        %scan3A_314 = scf.for %scan3A_316 = %scan3A_310 to %scan3A_312 step %scan3A_313 iter_args(%scan3A_317 = %scan3A_309) -> (i32)  : i32 {
          %mul3A_318 = arith.constant 2560 : i32
          %mul3A_319 = arith.muli %rem3A_253, %mul3A_318 : i32
          %add3A_320 = arith.constant 1024 : i32
          %add3A_321 = arith.addi %mul3A_319, %add3A_320 : i32
          %mul3A_322 = arith.constant 16 : i32
          %mul3A_323 = arith.muli %scan3A_316, %mul3A_322 : i32
          %add3A_324 = arith.addi %add3A_321, %mul3A_323 : i32
          %get3A = arith.index_cast %add3A_324 : i32 to index
          %get3A_325 = tpu.vector_load %arg5[%get3A] {strides = array<i32>} : memref<10240xf32, #tpu.memory_space<vmem>>, vector<16xf32>,
          %mul3A_326 = arith.constant 16 : i32
          %mul3A_327 = arith.muli %scan3A_316, %mul3A_326 : i32
          %swap3A = arith.index_cast %rem3A_249 : i32 to index
          %swap3A_328 = arith.index_cast %select_n3A_308 : i32 to index
          %swap3A_329 = arith.index_cast %mul3A_327 : i32 to index
          %swap3A_330 = tpu.vector_load %arg4[%swap3A, %swap3A_328, %swap3A_329] {strides = array<i32>} : memref<4x56x512xf32, #tpu.memory_space<vmem>>, vector<16xf32>,
          tpu.vector_store %arg4[%swap3A, %swap3A_328, %swap3A_329], %get3A_325 {strides = array<i32>} : memref<4x56x512xf32, #tpu.memory_space<vmem>>, vector<16xf32>,
          %scan3A_331 = arith.constant 0 : i32
          %scan3A_332 = arith.constant 1 : i32
          %scan3A_333 = arith.addi %scan3A_316, %scan3A_332 : i32
          %mul3A_334 = arith.constant 2560 : i32
          %mul3A_335 = arith.muli %rem3A_253, %mul3A_334 : i32
          %add3A_336 = arith.constant 1024 : i32
          %add3A_337 = arith.addi %mul3A_335, %add3A_336 : i32
          %mul3A_338 = arith.constant 16 : i32
          %mul3A_339 = arith.muli %scan3A_333, %mul3A_338 : i32
          %add3A_340 = arith.addi %add3A_337, %mul3A_339 : i32
          %get3A_341 = arith.index_cast %add3A_340 : i32 to index
          %get3A_342 = tpu.vector_load %arg5[%get3A_341] {strides = array<i32>} : memref<10240xf32, #tpu.memory_space<vmem>>, vector<16xf32>,
          %mul3A_343 = arith.constant 16 : i32
          %mul3A_344 = arith.muli %scan3A_333, %mul3A_343 : i32
          %swap3A_345 = arith.index_cast %rem3A_249 : i32 to index
          %swap3A_346 = arith.index_cast %select_n3A_308 : i32 to index
          %swap3A_347 = arith.index_cast %mul3A_344 : i32 to index
          %swap3A_348 = tpu.vector_load %arg4[%swap3A_345, %swap3A_346, %swap3A_347] {strides = array<i32>} : memref<4x56x512xf32, #tpu.memory_space<vmem>>, vector<16xf32>,
          tpu.vector_store %arg4[%swap3A_345, %swap3A_346, %swap3A_347], %get3A_342 {strides = array<i32>} : memref<4x56x512xf32, #tpu.memory_space<vmem>>, vector<16xf32>,
          %scan3A_349 = arith.constant 0 : i32
          %scan3A_350 = arith.constant 2 : i32
          %scan3A_351 = arith.addi %scan3A_316, %scan3A_350 : i32
          %mul3A_352 = arith.constant 2560 : i32
          %mul3A_353 = arith.muli %rem3A_253, %mul3A_352 : i32
          %add3A_354 = arith.constant 1024 : i32
          %add3A_355 = arith.addi %mul3A_353, %add3A_354 : i32
          %mul3A_356 = arith.constant 16 : i32
          %mul3A_357 = arith.muli %scan3A_351, %mul3A_356 : i32
          %add3A_358 = arith.addi %add3A_355, %mul3A_357 : i32
          %get3A_359 = arith.index_cast %add3A_358 : i32 to index
          %get3A_360 = tpu.vector_load %arg5[%get3A_359] {strides = array<i32>} : memref<10240xf32, #tpu.memory_space<vmem>>, vector<16xf32>,
          %mul3A_361 = arith.constant 16 : i32
          %mul3A_362 = arith.muli %scan3A_351, %mul3A_361 : i32
          %swap3A_363 = arith.index_cast %rem3A_249 : i32 to index
          %swap3A_364 = arith.index_cast %select_n3A_308 : i32 to index
          %swap3A_365 = arith.index_cast %mul3A_362 : i32 to index
          %swap3A_366 = tpu.vector_load %arg4[%swap3A_363, %swap3A_364, %swap3A_365] {strides = array<i32>} : memref<4x56x512xf32, #tpu.memory_space<vmem>>, vector<16xf32>,
          tpu.vector_store %arg4[%swap3A_363, %swap3A_364, %swap3A_365], %get3A_360 {strides = array<i32>} : memref<4x56x512xf32, #tpu.memory_space<vmem>>, vector<16xf32>,
          %scan3A_367 = arith.constant 0 : i32
          %scan3A_368 = arith.constant 3 : i32
          %scan3A_369 = arith.addi %scan3A_316, %scan3A_368 : i32
          %mul3A_370 = arith.constant 2560 : i32
          %mul3A_371 = arith.muli %rem3A_253, %mul3A_370 : i32
          %add3A_372 = arith.constant 1024 : i32
          %add3A_373 = arith.addi %mul3A_371, %add3A_372 : i32
          %mul3A_374 = arith.constant 16 : i32
          %mul3A_375 = arith.muli %scan3A_369, %mul3A_374 : i32
          %add3A_376 = arith.addi %add3A_373, %mul3A_375 : i32
          %get3A_377 = arith.index_cast %add3A_376 : i32 to index
          %get3A_378 = tpu.vector_load %arg5[%get3A_377] {strides = array<i32>} : memref<10240xf32, #tpu.memory_space<vmem>>, vector<16xf32>,
          %mul3A_379 = arith.constant 16 : i32
          %mul3A_380 = arith.muli %scan3A_369, %mul3A_379 : i32
          %swap3A_381 = arith.index_cast %rem3A_249 : i32 to index
          %swap3A_382 = arith.index_cast %select_n3A_308 : i32 to index
          %swap3A_383 = arith.index_cast %mul3A_380 : i32 to index
          %swap3A_384 = tpu.vector_load %arg4[%swap3A_381, %swap3A_382, %swap3A_383] {strides = array<i32>} : memref<4x56x512xf32, #tpu.memory_space<vmem>>, vector<16xf32>,
          tpu.vector_store %arg4[%swap3A_381, %swap3A_382, %swap3A_383], %get3A_378 {strides = array<i32>} : memref<4x56x512xf32, #tpu.memory_space<vmem>>, vector<16xf32>,
          %scan3A_385 = arith.constant 0 : i32
          %scan3A_386 = arith.constant 4 : i32
          %scan3A_387 = arith.addi %scan3A_316, %scan3A_386 : i32
          %mul3A_388 = arith.constant 2560 : i32
          %mul3A_389 = arith.muli %rem3A_253, %mul3A_388 : i32
          %add3A_390 = arith.constant 1024 : i32
          %add3A_391 = arith.addi %mul3A_389, %add3A_390 : i32
          %mul3A_392 = arith.constant 16 : i32
          %mul3A_393 = arith.muli %scan3A_387, %mul3A_392 : i32
          %add3A_394 = arith.addi %add3A_391, %mul3A_393 : i32
          %get3A_395 = arith.index_cast %add3A_394 : i32 to index
          %get3A_396 = tpu.vector_load %arg5[%get3A_395] {strides = array<i32>} : memref<10240xf32, #tpu.memory_space<vmem>>, vector<16xf32>,
          %mul3A_397 = arith.constant 16 : i32
          %mul3A_398 = arith.muli %scan3A_387, %mul3A_397 : i32
          %swap3A_399 = arith.index_cast %rem3A_249 : i32 to index
          %swap3A_400 = arith.index_cast %select_n3A_308 : i32 to index
          %swap3A_401 = arith.index_cast %mul3A_398 : i32 to index
          %swap3A_402 = tpu.vector_load %arg4[%swap3A_399, %swap3A_400, %swap3A_401] {strides = array<i32>} : memref<4x56x512xf32, #tpu.memory_space<vmem>>, vector<16xf32>,
          tpu.vector_store %arg4[%swap3A_399, %swap3A_400, %swap3A_401], %get3A_396 {strides = array<i32>} : memref<4x56x512xf32, #tpu.memory_space<vmem>>, vector<16xf32>,
          %scan3A_403 = arith.constant 0 : i32
          %scan3A_404 = arith.constant 5 : i32
          %scan3A_405 = arith.addi %scan3A_316, %scan3A_404 : i32
          %mul3A_406 = arith.constant 2560 : i32
          %mul3A_407 = arith.muli %rem3A_253, %mul3A_406 : i32
          %add3A_408 = arith.constant 1024 : i32
          %add3A_409 = arith.addi %mul3A_407, %add3A_408 : i32
          %mul3A_410 = arith.constant 16 : i32
          %mul3A_411 = arith.muli %scan3A_405, %mul3A_410 : i32
          %add3A_412 = arith.addi %add3A_409, %mul3A_411 : i32
          %get3A_413 = arith.index_cast %add3A_412 : i32 to index
          %get3A_414 = tpu.vector_load %arg5[%get3A_413] {strides = array<i32>} : memref<10240xf32, #tpu.memory_space<vmem>>, vector<16xf32>,
          %mul3A_415 = arith.constant 16 : i32
          %mul3A_416 = arith.muli %scan3A_405, %mul3A_415 : i32
          %swap3A_417 = arith.index_cast %rem3A_249 : i32 to index
          %swap3A_418 = arith.index_cast %select_n3A_308 : i32 to index
          %swap3A_419 = arith.index_cast %mul3A_416 : i32 to index
          %swap3A_420 = tpu.vector_load %arg4[%swap3A_417, %swap3A_418, %swap3A_419] {strides = array<i32>} : memref<4x56x512xf32, #tpu.memory_space<vmem>>, vector<16xf32>,
          tpu.vector_store %arg4[%swap3A_417, %swap3A_418, %swap3A_419], %get3A_414 {strides = array<i32>} : memref<4x56x512xf32, #tpu.memory_space<vmem>>, vector<16xf32>,
          %scan3A_421 = arith.constant 0 : i32
          %scan3A_422 = arith.constant 6 : i32
          %scan3A_423 = arith.addi %scan3A_316, %scan3A_422 : i32
          %mul3A_424 = arith.constant 2560 : i32
          %mul3A_425 = arith.muli %rem3A_253, %mul3A_424 : i32
          %add3A_426 = arith.constant 1024 : i32
          %add3A_427 = arith.addi %mul3A_425, %add3A_426 : i32
          %mul3A_428 = arith.constant 16 : i32
          %mul3A_429 = arith.muli %scan3A_423, %mul3A_428 : i32
          %add3A_430 = arith.addi %add3A_427, %mul3A_429 : i32
          %get3A_431 = arith.index_cast %add3A_430 : i32 to index
          %get3A_432 = tpu.vector_load %arg5[%get3A_431] {strides = array<i32>} : memref<10240xf32, #tpu.memory_space<vmem>>, vector<16xf32>,
          %mul3A_433 = arith.constant 16 : i32
          %mul3A_434 = arith.muli %scan3A_423, %mul3A_433 : i32
          %swap3A_435 = arith.index_cast %rem3A_249 : i32 to index
          %swap3A_436 = arith.index_cast %select_n3A_308 : i32 to index
          %swap3A_437 = arith.index_cast %mul3A_434 : i32 to index
          %swap3A_438 = tpu.vector_load %arg4[%swap3A_435, %swap3A_436, %swap3A_437] {strides = array<i32>} : memref<4x56x512xf32, #tpu.memory_space<vmem>>, vector<16xf32>,
          tpu.vector_store %arg4[%swap3A_435, %swap3A_436, %swap3A_437], %get3A_432 {strides = array<i32>} : memref<4x56x512xf32, #tpu.memory_space<vmem>>, vector<16xf32>,
          %scan3A_439 = arith.constant 0 : i32
          %scan3A_440 = arith.constant 7 : i32
          %scan3A_441 = arith.addi %scan3A_316, %scan3A_440 : i32
          %mul3A_442 = arith.constant 2560 : i32
          %mul3A_443 = arith.muli %rem3A_253, %mul3A_442 : i32
          %add3A_444 = arith.constant 1024 : i32
          %add3A_445 = arith.addi %mul3A_443, %add3A_444 : i32
          %mul3A_446 = arith.constant 16 : i32
          %mul3A_447 = arith.muli %scan3A_441, %mul3A_446 : i32
          %add3A_448 = arith.addi %add3A_445, %mul3A_447 : i32
          %get3A_449 = arith.index_cast %add3A_448 : i32 to index
          %get3A_450 = tpu.vector_load %arg5[%get3A_449] {strides = array<i32>} : memref<10240xf32, #tpu.memory_space<vmem>>, vector<16xf32>,
          %mul3A_451 = arith.constant 16 : i32
          %mul3A_452 = arith.muli %scan3A_441, %mul3A_451 : i32
          %swap3A_453 = arith.index_cast %rem3A_249 : i32 to index
          %swap3A_454 = arith.index_cast %select_n3A_308 : i32 to index
          %swap3A_455 = arith.index_cast %mul3A_452 : i32 to index
          %swap3A_456 = tpu.vector_load %arg4[%swap3A_453, %swap3A_454, %swap3A_455] {strides = array<i32>} : memref<4x56x512xf32, #tpu.memory_space<vmem>>, vector<16xf32>,
          tpu.vector_store %arg4[%swap3A_453, %swap3A_454, %swap3A_455], %get3A_450 {strides = array<i32>} : memref<4x56x512xf32, #tpu.memory_space<vmem>>, vector<16xf32>,
          %scan3A_457 = arith.constant 0 : i32
          scf.yield %scan3A_457 : i32
        }
        %scan3A_315 = arith.constant 32 : i32
      } else {
      }
      %gt3A_269 = arith.constant 3 : i32
      %gt3A_270 = arith.cmpi sgt, %select_n3A_47, %gt3A_269 : i32
      %convert_element_type3A_271 = arith.extui %gt3A_270 : i1 to i32
      %cond3A_272 = arith.constant 0 : i32
      %cond3A_273 = arith.cmpi ne, %convert_element_type3A_271, %cond3A_272 : i32
      scf.if %cond3A_273 {
        %eq3A_296 = arith.constant 2 : i32
        %eq3A_297 = arith.cmpi eq, %select_n3A_30, %eq3A_296 : i32
        %jit3A_298 = arith.constant 0 : i32
        %jit3A_299 = arith.constant 0 : i32
        %select_n3A_300 = arith.select %eq3A_297, %jit3A_298, %jit3A_299 : i32
        %eq3A_301 = arith.constant 1 : i32
        %eq3A_302 = arith.cmpi eq, %select_n3A_30, %eq3A_301 : i32
        %jit3A_303 = arith.constant 41 : i32
        %select_n3A_304 = arith.select %eq3A_302, %jit3A_303, %select_n3A_300 : i32
        %eq3A_305 = arith.constant 0 : i32
        %eq3A_306 = arith.cmpi eq, %select_n3A_30, %eq3A_305 : i32
        %jit3A_307 = arith.constant 0 : i32
        %select_n3A_308 = arith.select %eq3A_306, %jit3A_307, %select_n3A_304 : i32
        %scan3A_309 = arith.constant 0 : i32
        %scan3A_310 = arith.constant 0 : i32
        %scan3A_311 = arith.constant 32 : i32
        %scan3A_312 = arith.addi %scan3A_310, %scan3A_311 : i32
        %scan3A_313 = arith.constant 8 : i32
        %scan3A_314 = scf.for %scan3A_316 = %scan3A_310 to %scan3A_312 step %scan3A_313 iter_args(%scan3A_317 = %scan3A_309) -> (i32)  : i32 {
          %mul3A_318 = arith.constant 2560 : i32
          %mul3A_319 = arith.muli %rem3A_253, %mul3A_318 : i32
          %add3A_320 = arith.constant 1536 : i32
          %add3A_321 = arith.addi %mul3A_319, %add3A_320 : i32
          %mul3A_322 = arith.constant 16 : i32
          %mul3A_323 = arith.muli %scan3A_316, %mul3A_322 : i32
          %add3A_324 = arith.addi %add3A_321, %mul3A_323 : i32
          %get3A = arith.index_cast %add3A_324 : i32 to index
          %get3A_325 = tpu.vector_load %arg5[%get3A] {strides = array<i32>} : memref<10240xf32, #tpu.memory_space<vmem>>, vector<16xf32>,
          %mul3A_326 = arith.constant 16 : i32
          %mul3A_327 = arith.muli %scan3A_316, %mul3A_326 : i32
          %swap3A = arith.index_cast %rem3A_249 : i32 to index
          %swap3A_328 = arith.index_cast %select_n3A_308 : i32 to index
          %swap3A_329 = arith.index_cast %mul3A_327 : i32 to index
          %swap3A_330 = tpu.vector_load %arg4[%swap3A, %swap3A_328, %swap3A_329] {strides = array<i32>} : memref<4x56x512xf32, #tpu.memory_space<vmem>>, vector<16xf32>,
          tpu.vector_store %arg4[%swap3A, %swap3A_328, %swap3A_329], %get3A_325 {strides = array<i32>} : memref<4x56x512xf32, #tpu.memory_space<vmem>>, vector<16xf32>,
          %scan3A_331 = arith.constant 0 : i32
          %scan3A_332 = arith.constant 1 : i32
          %scan3A_333 = arith.addi %scan3A_316, %scan3A_332 : i32
          %mul3A_334 = arith.constant 2560 : i32
          %mul3A_335 = arith.muli %rem3A_253, %mul3A_334 : i32
          %add3A_336 = arith.constant 1536 : i32
          %add3A_337 = arith.addi %mul3A_335, %add3A_336 : i32
          %mul3A_338 = arith.constant 16 : i32
          %mul3A_339 = arith.muli %scan3A_333, %mul3A_338 : i32
          %add3A_340 = arith.addi %add3A_337, %mul3A_339 : i32
          %get3A_341 = arith.index_cast %add3A_340 : i32 to index
          %get3A_342 = tpu.vector_load %arg5[%get3A_341] {strides = array<i32>} : memref<10240xf32, #tpu.memory_space<vmem>>, vector<16xf32>,
          %mul3A_343 = arith.constant 16 : i32
          %mul3A_344 = arith.muli %scan3A_333, %mul3A_343 : i32
          %swap3A_345 = arith.index_cast %rem3A_249 : i32 to index
          %swap3A_346 = arith.index_cast %select_n3A_308 : i32 to index
          %swap3A_347 = arith.index_cast %mul3A_344 : i32 to index
          %swap3A_348 = tpu.vector_load %arg4[%swap3A_345, %swap3A_346, %swap3A_347] {strides = array<i32>} : memref<4x56x512xf32, #tpu.memory_space<vmem>>, vector<16xf32>,
          tpu.vector_store %arg4[%swap3A_345, %swap3A_346, %swap3A_347], %get3A_342 {strides = array<i32>} : memref<4x56x512xf32, #tpu.memory_space<vmem>>, vector<16xf32>,
          %scan3A_349 = arith.constant 0 : i32
          %scan3A_350 = arith.constant 2 : i32
          %scan3A_351 = arith.addi %scan3A_316, %scan3A_350 : i32
          %mul3A_352 = arith.constant 2560 : i32
          %mul3A_353 = arith.muli %rem3A_253, %mul3A_352 : i32
          %add3A_354 = arith.constant 1536 : i32
          %add3A_355 = arith.addi %mul3A_353, %add3A_354 : i32
          %mul3A_356 = arith.constant 16 : i32
          %mul3A_357 = arith.muli %scan3A_351, %mul3A_356 : i32
          %add3A_358 = arith.addi %add3A_355, %mul3A_357 : i32
          %get3A_359 = arith.index_cast %add3A_358 : i32 to index
          %get3A_360 = tpu.vector_load %arg5[%get3A_359] {strides = array<i32>} : memref<10240xf32, #tpu.memory_space<vmem>>, vector<16xf32>,
          %mul3A_361 = arith.constant 16 : i32
          %mul3A_362 = arith.muli %scan3A_351, %mul3A_361 : i32
          %swap3A_363 = arith.index_cast %rem3A_249 : i32 to index
          %swap3A_364 = arith.index_cast %select_n3A_308 : i32 to index
          %swap3A_365 = arith.index_cast %mul3A_362 : i32 to index
          %swap3A_366 = tpu.vector_load %arg4[%swap3A_363, %swap3A_364, %swap3A_365] {strides = array<i32>} : memref<4x56x512xf32, #tpu.memory_space<vmem>>, vector<16xf32>,
          tpu.vector_store %arg4[%swap3A_363, %swap3A_364, %swap3A_365], %get3A_360 {strides = array<i32>} : memref<4x56x512xf32, #tpu.memory_space<vmem>>, vector<16xf32>,
          %scan3A_367 = arith.constant 0 : i32
          %scan3A_368 = arith.constant 3 : i32
          %scan3A_369 = arith.addi %scan3A_316, %scan3A_368 : i32
          %mul3A_370 = arith.constant 2560 : i32
          %mul3A_371 = arith.muli %rem3A_253, %mul3A_370 : i32
          %add3A_372 = arith.constant 1536 : i32
          %add3A_373 = arith.addi %mul3A_371, %add3A_372 : i32
          %mul3A_374 = arith.constant 16 : i32
          %mul3A_375 = arith.muli %scan3A_369, %mul3A_374 : i32
          %add3A_376 = arith.addi %add3A_373, %mul3A_375 : i32
          %get3A_377 = arith.index_cast %add3A_376 : i32 to index
          %get3A_378 = tpu.vector_load %arg5[%get3A_377] {strides = array<i32>} : memref<10240xf32, #tpu.memory_space<vmem>>, vector<16xf32>,
          %mul3A_379 = arith.constant 16 : i32
          %mul3A_380 = arith.muli %scan3A_369, %mul3A_379 : i32
          %swap3A_381 = arith.index_cast %rem3A_249 : i32 to index
          %swap3A_382 = arith.index_cast %select_n3A_308 : i32 to index
          %swap3A_383 = arith.index_cast %mul3A_380 : i32 to index
          %swap3A_384 = tpu.vector_load %arg4[%swap3A_381, %swap3A_382, %swap3A_383] {strides = array<i32>} : memref<4x56x512xf32, #tpu.memory_space<vmem>>, vector<16xf32>,
          tpu.vector_store %arg4[%swap3A_381, %swap3A_382, %swap3A_383], %get3A_378 {strides = array<i32>} : memref<4x56x512xf32, #tpu.memory_space<vmem>>, vector<16xf32>,
          %scan3A_385 = arith.constant 0 : i32
          %scan3A_386 = arith.constant 4 : i32
          %scan3A_387 = arith.addi %scan3A_316, %scan3A_386 : i32
          %mul3A_388 = arith.constant 2560 : i32
          %mul3A_389 = arith.muli %rem3A_253, %mul3A_388 : i32
          %add3A_390 = arith.constant 1536 : i32
          %add3A_391 = arith.addi %mul3A_389, %add3A_390 : i32
          %mul3A_392 = arith.constant 16 : i32
          %mul3A_393 = arith.muli %scan3A_387, %mul3A_392 : i32
          %add3A_394 = arith.addi %add3A_391, %mul3A_393 : i32
          %get3A_395 = arith.index_cast %add3A_394 : i32 to index
          %get3A_396 = tpu.vector_load %arg5[%get3A_395] {strides = array<i32>} : memref<10240xf32, #tpu.memory_space<vmem>>, vector<16xf32>,
          %mul3A_397 = arith.constant 16 : i32
          %mul3A_398 = arith.muli %scan3A_387, %mul3A_397 : i32
          %swap3A_399 = arith.index_cast %rem3A_249 : i32 to index
          %swap3A_400 = arith.index_cast %select_n3A_308 : i32 to index
          %swap3A_401 = arith.index_cast %mul3A_398 : i32 to index
          %swap3A_402 = tpu.vector_load %arg4[%swap3A_399, %swap3A_400, %swap3A_401] {strides = array<i32>} : memref<4x56x512xf32, #tpu.memory_space<vmem>>, vector<16xf32>,
          tpu.vector_store %arg4[%swap3A_399, %swap3A_400, %swap3A_401], %get3A_396 {strides = array<i32>} : memref<4x56x512xf32, #tpu.memory_space<vmem>>, vector<16xf32>,
          %scan3A_403 = arith.constant 0 : i32
          %scan3A_404 = arith.constant 5 : i32
          %scan3A_405 = arith.addi %scan3A_316, %scan3A_404 : i32
          %mul3A_406 = arith.constant 2560 : i32
          %mul3A_407 = arith.muli %rem3A_253, %mul3A_406 : i32
          %add3A_408 = arith.constant 1536 : i32
          %add3A_409 = arith.addi %mul3A_407, %add3A_408 : i32
          %mul3A_410 = arith.constant 16 : i32
          %mul3A_411 = arith.muli %scan3A_405, %mul3A_410 : i32
          %add3A_412 = arith.addi %add3A_409, %mul3A_411 : i32
          %get3A_413 = arith.index_cast %add3A_412 : i32 to index
          %get3A_414 = tpu.vector_load %arg5[%get3A_413] {strides = array<i32>} : memref<10240xf32, #tpu.memory_space<vmem>>, vector<16xf32>,
          %mul3A_415 = arith.constant 16 : i32
          %mul3A_416 = arith.muli %scan3A_405, %mul3A_415 : i32
          %swap3A_417 = arith.index_cast %rem3A_249 : i32 to index
          %swap3A_418 = arith.index_cast %select_n3A_308 : i32 to index
          %swap3A_419 = arith.index_cast %mul3A_416 : i32 to index
          %swap3A_420 = tpu.vector_load %arg4[%swap3A_417, %swap3A_418, %swap3A_419] {strides = array<i32>} : memref<4x56x512xf32, #tpu.memory_space<vmem>>, vector<16xf32>,
          tpu.vector_store %arg4[%swap3A_417, %swap3A_418, %swap3A_419], %get3A_414 {strides = array<i32>} : memref<4x56x512xf32, #tpu.memory_space<vmem>>, vector<16xf32>,
          %scan3A_421 = arith.constant 0 : i32
          %scan3A_422 = arith.constant 6 : i32
          %scan3A_423 = arith.addi %scan3A_316, %scan3A_422 : i32
          %mul3A_424 = arith.constant 2560 : i32
          %mul3A_425 = arith.muli %rem3A_253, %mul3A_424 : i32
          %add3A_426 = arith.constant 1536 : i32
          %add3A_427 = arith.addi %mul3A_425, %add3A_426 : i32
          %mul3A_428 = arith.constant 16 : i32
          %mul3A_429 = arith.muli %scan3A_423, %mul3A_428 : i32
          %add3A_430 = arith.addi %add3A_427, %mul3A_429 : i32
          %get3A_431 = arith.index_cast %add3A_430 : i32 to index
          %get3A_432 = tpu.vector_load %arg5[%get3A_431] {strides = array<i32>} : memref<10240xf32, #tpu.memory_space<vmem>>, vector<16xf32>,
          %mul3A_433 = arith.constant 16 : i32
          %mul3A_434 = arith.muli %scan3A_423, %mul3A_433 : i32
          %swap3A_435 = arith.index_cast %rem3A_249 : i32 to index
          %swap3A_436 = arith.index_cast %select_n3A_308 : i32 to index
          %swap3A_437 = arith.index_cast %mul3A_434 : i32 to index
          %swap3A_438 = tpu.vector_load %arg4[%swap3A_435, %swap3A_436, %swap3A_437] {strides = array<i32>} : memref<4x56x512xf32, #tpu.memory_space<vmem>>, vector<16xf32>,
          tpu.vector_store %arg4[%swap3A_435, %swap3A_436, %swap3A_437], %get3A_432 {strides = array<i32>} : memref<4x56x512xf32, #tpu.memory_space<vmem>>, vector<16xf32>,
          %scan3A_439 = arith.constant 0 : i32
          %scan3A_440 = arith.constant 7 : i32
          %scan3A_441 = arith.addi %scan3A_316, %scan3A_440 : i32
          %mul3A_442 = arith.constant 2560 : i32
          %mul3A_443 = arith.muli %rem3A_253, %mul3A_442 : i32
          %add3A_444 = arith.constant 1536 : i32
          %add3A_445 = arith.addi %mul3A_443, %add3A_444 : i32
          %mul3A_446 = arith.constant 16 : i32
          %mul3A_447 = arith.muli %scan3A_441, %mul3A_446 : i32
          %add3A_448 = arith.addi %add3A_445, %mul3A_447 : i32
          %get3A_449 = arith.index_cast %add3A_448 : i32 to index
          %get3A_450 = tpu.vector_load %arg5[%get3A_449] {strides = array<i32>} : memref<10240xf32, #tpu.memory_space<vmem>>, vector<16xf32>,
          %mul3A_451 = arith.constant 16 : i32
          %mul3A_452 = arith.muli %scan3A_441, %mul3A_451 : i32
          %swap3A_453 = arith.index_cast %rem3A_249 : i32 to index
          %swap3A_454 = arith.index_cast %select_n3A_308 : i32 to index
          %swap3A_455 = arith.index_cast %mul3A_452 : i32 to index
          %swap3A_456 = tpu.vector_load %arg4[%swap3A_453, %swap3A_454, %swap3A_455] {strides = array<i32>} : memref<4x56x512xf32, #tpu.memory_space<vmem>>, vector<16xf32>,
          tpu.vector_store %arg4[%swap3A_453, %swap3A_454, %swap3A_455], %get3A_450 {strides = array<i32>} : memref<4x56x512xf32, #tpu.memory_space<vmem>>, vector<16xf32>,
          %scan3A_457 = arith.constant 0 : i32
          scf.yield %scan3A_457 : i32
        }
        %scan3A_315 = arith.constant 32 : i32
      } else {
      }
      %gt3A_274 = arith.constant 4 : i32
      %gt3A_275 = arith.cmpi sgt, %select_n3A_47, %gt3A_274 : i32
      %convert_element_type3A_276 = arith.extui %gt3A_275 : i1 to i32
      %cond3A_277 = arith.constant 0 : i32
      %cond3A_278 = arith.cmpi ne, %convert_element_type3A_276, %cond3A_277 : i32
      scf.if %cond3A_278 {
        %eq3A_296 = arith.constant 2 : i32
        %eq3A_297 = arith.cmpi eq, %select_n3A_30, %eq3A_296 : i32
        %jit3A_298 = arith.constant 0 : i32
        %jit3A_299 = arith.constant 0 : i32
        %select_n3A_300 = arith.select %eq3A_297, %jit3A_298, %jit3A_299 : i32
        %eq3A_301 = arith.constant 1 : i32
        %eq3A_302 = arith.cmpi eq, %select_n3A_30, %eq3A_301 : i32
        %jit3A_303 = arith.constant 55 : i32
        %select_n3A_304 = arith.select %eq3A_302, %jit3A_303, %select_n3A_300 : i32
        %eq3A_305 = arith.constant 0 : i32
        %eq3A_306 = arith.cmpi eq, %select_n3A_30, %eq3A_305 : i32
        %jit3A_307 = arith.constant 0 : i32
        %select_n3A_308 = arith.select %eq3A_306, %jit3A_307, %select_n3A_304 : i32
        %scan3A_309 = arith.constant 0 : i32
        %scan3A_310 = arith.constant 0 : i32
        %scan3A_311 = arith.constant 32 : i32
        %scan3A_312 = arith.addi %scan3A_310, %scan3A_311 : i32
        %scan3A_313 = arith.constant 8 : i32
        %scan3A_314 = scf.for %scan3A_316 = %scan3A_310 to %scan3A_312 step %scan3A_313 iter_args(%scan3A_317 = %scan3A_309) -> (i32)  : i32 {
          %mul3A_318 = arith.constant 2560 : i32
          %mul3A_319 = arith.muli %rem3A_253, %mul3A_318 : i32
          %add3A_320 = arith.constant 2048 : i32
          %add3A_321 = arith.addi %mul3A_319, %add3A_320 : i32
          %mul3A_322 = arith.constant 16 : i32
          %mul3A_323 = arith.muli %scan3A_316, %mul3A_322 : i32
          %add3A_324 = arith.addi %add3A_321, %mul3A_323 : i32
          %get3A = arith.index_cast %add3A_324 : i32 to index
          %get3A_325 = tpu.vector_load %arg5[%get3A] {strides = array<i32>} : memref<10240xf32, #tpu.memory_space<vmem>>, vector<16xf32>,
          %mul3A_326 = arith.constant 16 : i32
          %mul3A_327 = arith.muli %scan3A_316, %mul3A_326 : i32
          %swap3A = arith.index_cast %rem3A_249 : i32 to index
          %swap3A_328 = arith.index_cast %select_n3A_308 : i32 to index
          %swap3A_329 = arith.index_cast %mul3A_327 : i32 to index
          %swap3A_330 = tpu.vector_load %arg4[%swap3A, %swap3A_328, %swap3A_329] {strides = array<i32>} : memref<4x56x512xf32, #tpu.memory_space<vmem>>, vector<16xf32>,
          tpu.vector_store %arg4[%swap3A, %swap3A_328, %swap3A_329], %get3A_325 {strides = array<i32>} : memref<4x56x512xf32, #tpu.memory_space<vmem>>, vector<16xf32>,
          %scan3A_331 = arith.constant 0 : i32
          %scan3A_332 = arith.constant 1 : i32
          %scan3A_333 = arith.addi %scan3A_316, %scan3A_332 : i32
          %mul3A_334 = arith.constant 2560 : i32
          %mul3A_335 = arith.muli %rem3A_253, %mul3A_334 : i32
          %add3A_336 = arith.constant 2048 : i32
          %add3A_337 = arith.addi %mul3A_335, %add3A_336 : i32
          %mul3A_338 = arith.constant 16 : i32
          %mul3A_339 = arith.muli %scan3A_333, %mul3A_338 : i32
          %add3A_340 = arith.addi %add3A_337, %mul3A_339 : i32
          %get3A_341 = arith.index_cast %add3A_340 : i32 to index
          %get3A_342 = tpu.vector_load %arg5[%get3A_341] {strides = array<i32>} : memref<10240xf32, #tpu.memory_space<vmem>>, vector<16xf32>,
          %mul3A_343 = arith.constant 16 : i32
          %mul3A_344 = arith.muli %scan3A_333, %mul3A_343 : i32
          %swap3A_345 = arith.index_cast %rem3A_249 : i32 to index
          %swap3A_346 = arith.index_cast %select_n3A_308 : i32 to index
          %swap3A_347 = arith.index_cast %mul3A_344 : i32 to index
          %swap3A_348 = tpu.vector_load %arg4[%swap3A_345, %swap3A_346, %swap3A_347] {strides = array<i32>} : memref<4x56x512xf32, #tpu.memory_space<vmem>>, vector<16xf32>,
          tpu.vector_store %arg4[%swap3A_345, %swap3A_346, %swap3A_347], %get3A_342 {strides = array<i32>} : memref<4x56x512xf32, #tpu.memory_space<vmem>>, vector<16xf32>,
          %scan3A_349 = arith.constant 0 : i32
          %scan3A_350 = arith.constant 2 : i32
          %scan3A_351 = arith.addi %scan3A_316, %scan3A_350 : i32
          %mul3A_352 = arith.constant 2560 : i32
          %mul3A_353 = arith.muli %rem3A_253, %mul3A_352 : i32
          %add3A_354 = arith.constant 2048 : i32
          %add3A_355 = arith.addi %mul3A_353, %add3A_354 : i32
          %mul3A_356 = arith.constant 16 : i32
          %mul3A_357 = arith.muli %scan3A_351, %mul3A_356 : i32
          %add3A_358 = arith.addi %add3A_355, %mul3A_357 : i32
          %get3A_359 = arith.index_cast %add3A_358 : i32 to index
          %get3A_360 = tpu.vector_load %arg5[%get3A_359] {strides = array<i32>} : memref<10240xf32, #tpu.memory_space<vmem>>, vector<16xf32>,
          %mul3A_361 = arith.constant 16 : i32
          %mul3A_362 = arith.muli %scan3A_351, %mul3A_361 : i32
          %swap3A_363 = arith.index_cast %rem3A_249 : i32 to index
          %swap3A_364 = arith.index_cast %select_n3A_308 : i32 to index
          %swap3A_365 = arith.index_cast %mul3A_362 : i32 to index
          %swap3A_366 = tpu.vector_load %arg4[%swap3A_363, %swap3A_364, %swap3A_365] {strides = array<i32>} : memref<4x56x512xf32, #tpu.memory_space<vmem>>, vector<16xf32>,
          tpu.vector_store %arg4[%swap3A_363, %swap3A_364, %swap3A_365], %get3A_360 {strides = array<i32>} : memref<4x56x512xf32, #tpu.memory_space<vmem>>, vector<16xf32>,
          %scan3A_367 = arith.constant 0 : i32
          %scan3A_368 = arith.constant 3 : i32
          %scan3A_369 = arith.addi %scan3A_316, %scan3A_368 : i32
          %mul3A_370 = arith.constant 2560 : i32
          %mul3A_371 = arith.muli %rem3A_253, %mul3A_370 : i32
          %add3A_372 = arith.constant 2048 : i32
          %add3A_373 = arith.addi %mul3A_371, %add3A_372 : i32
          %mul3A_374 = arith.constant 16 : i32
          %mul3A_375 = arith.muli %scan3A_369, %mul3A_374 : i32
          %add3A_376 = arith.addi %add3A_373, %mul3A_375 : i32
          %get3A_377 = arith.index_cast %add3A_376 : i32 to index
          %get3A_378 = tpu.vector_load %arg5[%get3A_377] {strides = array<i32>} : memref<10240xf32, #tpu.memory_space<vmem>>, vector<16xf32>,
          %mul3A_379 = arith.constant 16 : i32
          %mul3A_380 = arith.muli %scan3A_369, %mul3A_379 : i32
          %swap3A_381 = arith.index_cast %rem3A_249 : i32 to index
          %swap3A_382 = arith.index_cast %select_n3A_308 : i32 to index
          %swap3A_383 = arith.index_cast %mul3A_380 : i32 to index
          %swap3A_384 = tpu.vector_load %arg4[%swap3A_381, %swap3A_382, %swap3A_383] {strides = array<i32>} : memref<4x56x512xf32, #tpu.memory_space<vmem>>, vector<16xf32>,
          tpu.vector_store %arg4[%swap3A_381, %swap3A_382, %swap3A_383], %get3A_378 {strides = array<i32>} : memref<4x56x512xf32, #tpu.memory_space<vmem>>, vector<16xf32>,
          %scan3A_385 = arith.constant 0 : i32
          %scan3A_386 = arith.constant 4 : i32
          %scan3A_387 = arith.addi %scan3A_316, %scan3A_386 : i32
          %mul3A_388 = arith.constant 2560 : i32
          %mul3A_389 = arith.muli %rem3A_253, %mul3A_388 : i32
          %add3A_390 = arith.constant 2048 : i32
          %add3A_391 = arith.addi %mul3A_389, %add3A_390 : i32
          %mul3A_392 = arith.constant 16 : i32
          %mul3A_393 = arith.muli %scan3A_387, %mul3A_392 : i32
          %add3A_394 = arith.addi %add3A_391, %mul3A_393 : i32
          %get3A_395 = arith.index_cast %add3A_394 : i32 to index
          %get3A_396 = tpu.vector_load %arg5[%get3A_395] {strides = array<i32>} : memref<10240xf32, #tpu.memory_space<vmem>>, vector<16xf32>,
          %mul3A_397 = arith.constant 16 : i32
          %mul3A_398 = arith.muli %scan3A_387, %mul3A_397 : i32
          %swap3A_399 = arith.index_cast %rem3A_249 : i32 to index
          %swap3A_400 = arith.index_cast %select_n3A_308 : i32 to index
          %swap3A_401 = arith.index_cast %mul3A_398 : i32 to index
          %swap3A_402 = tpu.vector_load %arg4[%swap3A_399, %swap3A_400, %swap3A_401] {strides = array<i32>} : memref<4x56x512xf32, #tpu.memory_space<vmem>>, vector<16xf32>,
          tpu.vector_store %arg4[%swap3A_399, %swap3A_400, %swap3A_401], %get3A_396 {strides = array<i32>} : memref<4x56x512xf32, #tpu.memory_space<vmem>>, vector<16xf32>,
          %scan3A_403 = arith.constant 0 : i32
          %scan3A_404 = arith.constant 5 : i32
          %scan3A_405 = arith.addi %scan3A_316, %scan3A_404 : i32
          %mul3A_406 = arith.constant 2560 : i32
          %mul3A_407 = arith.muli %rem3A_253, %mul3A_406 : i32
          %add3A_408 = arith.constant 2048 : i32
          %add3A_409 = arith.addi %mul3A_407, %add3A_408 : i32
          %mul3A_410 = arith.constant 16 : i32
          %mul3A_411 = arith.muli %scan3A_405, %mul3A_410 : i32
          %add3A_412 = arith.addi %add3A_409, %mul3A_411 : i32
          %get3A_413 = arith.index_cast %add3A_412 : i32 to index
          %get3A_414 = tpu.vector_load %arg5[%get3A_413] {strides = array<i32>} : memref<10240xf32, #tpu.memory_space<vmem>>, vector<16xf32>,
          %mul3A_415 = arith.constant 16 : i32
          %mul3A_416 = arith.muli %scan3A_405, %mul3A_415 : i32
          %swap3A_417 = arith.index_cast %rem3A_249 : i32 to index
          %swap3A_418 = arith.index_cast %select_n3A_308 : i32 to index
          %swap3A_419 = arith.index_cast %mul3A_416 : i32 to index
          %swap3A_420 = tpu.vector_load %arg4[%swap3A_417, %swap3A_418, %swap3A_419] {strides = array<i32>} : memref<4x56x512xf32, #tpu.memory_space<vmem>>, vector<16xf32>,
          tpu.vector_store %arg4[%swap3A_417, %swap3A_418, %swap3A_419], %get3A_414 {strides = array<i32>} : memref<4x56x512xf32, #tpu.memory_space<vmem>>, vector<16xf32>,
          %scan3A_421 = arith.constant 0 : i32
          %scan3A_422 = arith.constant 6 : i32
          %scan3A_423 = arith.addi %scan3A_316, %scan3A_422 : i32
          %mul3A_424 = arith.constant 2560 : i32
          %mul3A_425 = arith.muli %rem3A_253, %mul3A_424 : i32
          %add3A_426 = arith.constant 2048 : i32
          %add3A_427 = arith.addi %mul3A_425, %add3A_426 : i32
          %mul3A_428 = arith.constant 16 : i32
          %mul3A_429 = arith.muli %scan3A_423, %mul3A_428 : i32
          %add3A_430 = arith.addi %add3A_427, %mul3A_429 : i32
          %get3A_431 = arith.index_cast %add3A_430 : i32 to index
          %get3A_432 = tpu.vector_load %arg5[%get3A_431] {strides = array<i32>} : memref<10240xf32, #tpu.memory_space<vmem>>, vector<16xf32>,
          %mul3A_433 = arith.constant 16 : i32
          %mul3A_434 = arith.muli %scan3A_423, %mul3A_433 : i32
          %swap3A_435 = arith.index_cast %rem3A_249 : i32 to index
          %swap3A_436 = arith.index_cast %select_n3A_308 : i32 to index
          %swap3A_437 = arith.index_cast %mul3A_434 : i32 to index
          %swap3A_438 = tpu.vector_load %arg4[%swap3A_435, %swap3A_436, %swap3A_437] {strides = array<i32>} : memref<4x56x512xf32, #tpu.memory_space<vmem>>, vector<16xf32>,
          tpu.vector_store %arg4[%swap3A_435, %swap3A_436, %swap3A_437], %get3A_432 {strides = array<i32>} : memref<4x56x512xf32, #tpu.memory_space<vmem>>, vector<16xf32>,
          %scan3A_439 = arith.constant 0 : i32
          %scan3A_440 = arith.constant 7 : i32
          %scan3A_441 = arith.addi %scan3A_316, %scan3A_440 : i32
          %mul3A_442 = arith.constant 2560 : i32
          %mul3A_443 = arith.muli %rem3A_253, %mul3A_442 : i32
          %add3A_444 = arith.constant 2048 : i32
          %add3A_445 = arith.addi %mul3A_443, %add3A_444 : i32
          %mul3A_446 = arith.constant 16 : i32
          %mul3A_447 = arith.muli %scan3A_441, %mul3A_446 : i32
          %add3A_448 = arith.addi %add3A_445, %mul3A_447 : i32
          %get3A_449 = arith.index_cast %add3A_448 : i32 to index
          %get3A_450 = tpu.vector_load %arg5[%get3A_449] {strides = array<i32>} : memref<10240xf32, #tpu.memory_space<vmem>>, vector<16xf32>,
          %mul3A_451 = arith.constant 16 : i32
          %mul3A_452 = arith.muli %scan3A_441, %mul3A_451 : i32
          %swap3A_453 = arith.index_cast %rem3A_249 : i32 to index
          %swap3A_454 = arith.index_cast %select_n3A_308 : i32 to index
          %swap3A_455 = arith.index_cast %mul3A_452 : i32 to index
          %swap3A_456 = tpu.vector_load %arg4[%swap3A_453, %swap3A_454, %swap3A_455] {strides = array<i32>} : memref<4x56x512xf32, #tpu.memory_space<vmem>>, vector<16xf32>,
          tpu.vector_store %arg4[%swap3A_453, %swap3A_454, %swap3A_455], %get3A_450 {strides = array<i32>} : memref<4x56x512xf32, #tpu.memory_space<vmem>>, vector<16xf32>,
          %scan3A_457 = arith.constant 0 : i32
          scf.yield %scan3A_457 : i32
        }
        %scan3A_315 = arith.constant 32 : i32
      } else {
      }
      %rem3A_279 = arith.constant 4 : i32
      %rem3A_280 = arith.remsi %add3A_179, %rem3A_279 : i32
      %dma_start3A_281 = arith.constant 0 : i32
      %dma_start3A_282 = arith.constant 0 : i32
      %dma_start3A_283 = tpu.memref_slice %arg4[%rem3A_280, %dma_start3A_281, %dma_start3A_282] : memref<4x56x512xf32, #tpu.memory_space<vmem>> -> memref<1x56x512xf32, #tpu.memory_space<vmem>>
      %dma_start3A_284 = tpu.memref_squeeze %dma_start3A_283 : memref<1x56x512xf32, #tpu.memory_space<vmem>> -> memref<56x512xf32, #tpu.memory_space<vmem>>
      %dma_start3A_285 = arith.constant 0 : i32
      %dma_start3A_286 = tpu.memref_slice %arg3[%add3A_179, %mul3A_34, %dma_start3A_285] : memref<512x224x512xf32, #tpu.memory_space<hbm>> -> memref<1x56x512xf32, #tpu.memory_space<hbm>>
      %dma_start3A_287 = tpu.memref_squeeze %dma_start3A_286 : memref<1x56x512xf32, #tpu.memory_space<hbm>> -> memref<56x512xf32, #tpu.memory_space<hbm>>
      %dma_start3A_288 = arith.constant 0 : i32
      %dma_start3A_289 = tpu.memref_slice %arg3[%add3A_179, %mul3A_34, %dma_start3A_288] : memref<512x224x512xf32, #tpu.memory_space<hbm>> -> memref<1x56x512xf32, #tpu.memory_space<hbm>>
      %dma_start3A_290 = tpu.memref_squeeze %dma_start3A_289 : memref<1x56x512xf32, #tpu.memory_space<hbm>> -> memref<56x512xf32, #tpu.memory_space<hbm>>
      %dma_start3A_291 = arith.constant 0 : i32
      %dma_start3A_292 = arith.constant 0 : i32
      %dma_start3A_293 = tpu.memref_slice %arg4[%rem3A_280, %dma_start3A_291, %dma_start3A_292] : memref<4x56x512xf32, #tpu.memory_space<vmem>> -> memref<1x56x512xf32, #tpu.memory_space<vmem>>
      %dma_start3A_294 = tpu.memref_squeeze %dma_start3A_293 : memref<1x56x512xf32, #tpu.memory_space<vmem>> -> memref<56x512xf32, #tpu.memory_space<vmem>>
      tpu.enqueue_dma source(%dma_start3A_294 : memref<56x512xf32, #tpu.memory_space<vmem>>) target(%dma_start3A_290 : memref<56x512xf32, #tpu.memory_space<hbm>>) target_semaphore(%arg7 : memref<!tpu.dma_semaphore, #tpu.memory_space<semaphore_mem>>)
      %scan3A_295 = arith.constant 0 : i32
      scf.yield %scan3A_295 : i32
    }
    %scan3A_158 = arith.constant 64 : i32
    %dma_wait3A_159 = arith.constant 0 : i32
    %dma_wait3A_160 = arith.constant 0 : i32
    %dma_wait3A_161 = arith.constant 0 : i32
    %dma_wait3A_162 = arith.constant 0 : i32
    %dma_wait3A_163 = tpu.memref_slice %arg4[%dma_wait3A_160, %dma_wait3A_161, %dma_wait3A_162] : memref<4x56x512xf32, #tpu.memory_space<vmem>> -> memref<1x56x512xf32, #tpu.memory_space<vmem>>
    %dma_wait3A_164 = tpu.memref_squeeze %dma_wait3A_163 : memref<1x56x512xf32, #tpu.memory_space<vmem>> -> memref<56x512xf32, #tpu.memory_space<vmem>>
    %dma_wait3A_165 = arith.constant 0 : i32
    %dma_wait3A_166 = arith.constant 0 : i32
    %dma_wait3A_167 = tpu.memref_slice %arg2[%dma_wait3A_159, %dma_wait3A_165, %dma_wait3A_166] : memref<512x224x512xf32, #tpu.memory_space<hbm>> -> memref<1x56x512xf32, #tpu.memory_space<hbm>>
    %dma_wait3A_168 = tpu.memref_squeeze %dma_wait3A_167 : memref<1x56x512xf32, #tpu.memory_space<hbm>> -> memref<56x512xf32, #tpu.memory_space<hbm>>
    %dma_wait3A_169 = arith.constant 0 : i32
    %dma_wait3A_170 = arith.constant 0 : i32
    %dma_wait3A_171 = tpu.memref_slice %arg4[%dma_wait3A_160, %dma_wait3A_169, %dma_wait3A_170] : memref<4x56x512xf32, #tpu.memory_space<vmem>> -> memref<1x56x512xf32, #tpu.memory_space<vmem>>
    %dma_wait3A_172 = tpu.memref_squeeze %dma_wait3A_171 : memref<1x56x512xf32, #tpu.memory_space<vmem>> -> memref<56x512xf32, #tpu.memory_space<vmem>>
    %dma_wait3A_173 = arith.constant 0 : i32
    %dma_wait3A_174 = arith.constant 0 : i32
    %dma_wait3A_175 = tpu.memref_slice %arg2[%dma_wait3A_159, %dma_wait3A_173, %dma_wait3A_174] : memref<512x224x512xf32, #tpu.memory_space<hbm>> -> memref<1x56x512xf32, #tpu.memory_space<hbm>>
    %dma_wait3A_176 = tpu.memref_squeeze %dma_wait3A_175 : memref<1x56x512xf32, #tpu.memory_space<hbm>> -> memref<56x512xf32, #tpu.memory_space<hbm>>
    tpu.wait_dma2 semaphore(%arg7 : memref<!tpu.dma_semaphore, #tpu.memory_space<semaphore_mem>>) src(%dma_wait3A_176 : memref<56x512xf32, #tpu.memory_space<hbm>>) dst(%dma_wait3A_172 : memref<56x512xf32, #tpu.memory_space<vmem>>)
    return
  }
}

</mosaic_0001>

<sc_bundles>
// kernel: kernel.3.cloned.1.call-start
scs
__scs_entry_jumppad:
0x0: {  	(pc) =	sbr.rel $0x88, $3  }
0x1: {  	(tag) =	ssettag $0x0;
	lr =	simm.s32 $0x1  }
0x2: {  	[smem:$0x3FA0] =	sst lr;
	_ =	strace $0xD0000000  }
0x3: {  	_ = 	snop  }
0x4: {  	_ = 	snop  }
0x5: {  	_ = 	snop  }
0x6: {  	_ = 	snop  }
0x7: {  	_ = 	snop  }
__scs_overlays_trampoline_lowered:
0x8: {  	[smem:$0x3FAF] =	sst s0  }
0x9: {  	[smem:$0x3FB0] =	sst s1  }
0xa: {  	[smem:$0x3FB1] =	sst s2  }
0xb: {  	[smem:$0x3FB2] =	sst s3  }
0xc: {  	[smem:$0x3FB3] =	sst s4  }
0xd: {  	[smem:$0x3FB4] =	sst s5  }
0xe: {  	[smem:$0x3FB5] =	sst s6  }
0xf: {  	[smem:$0x3FB6] =	sst s7  }
0x10: {  	[smem:$0x3FB7] =	sst s8  }
0x11: {  	[smem:$0x3FB8] =	sst s9;
	s0 =	simm.s32 @!p0 $0x0  }
0x12: {  	s1 =	sld [smem:$0x3F9E];
	s0 =	simm.s32 @p0 $0x1  }
0x13: {  	[smem:$0x3FB9] =	sst s0;
	s0 =	simm.s32 @!p1 $0x0  }
0x14: {  	s2 =	sld [smem:$0x3F9D];
	s0 =	simm.s32 @p1 $0x1  }
0x15: {  	[smem:$0x3FBA] =	sst s0;
	s0 =	simm.s32 @!p2 $0x0  }
0x16: {  	s3 =	sld [smem:$0x3FDB];
	s0 =	simm.s32 @p2 $0x1  }
0x17: {  	s4 =	simm.s32 $0x1BF5;
	[smem:$0x3FBC] =	sst s0  }
0x18: {  	s0 =	sld [smem:$0x3F9F];
	_ =	swait.ge [sflag:s4], $0x0  }
0x19: {  	s7 =	sld [smem:$0x3FA0]  }
0x1a: {  	s8 =	sadd.s32 $0xFFFFE003, lr  }
0x1b: {  	s9 =	sadd.s32 $0xFFFFFEF7, lr;
	s5 =	simm.s32 $0xFFFFFFFF;
	p2 =	slt.u32 s8, $0xFFFFF086  }
0x1c: {  	p1 =	slt.u32 s9, $0xF7A;
	s5 =	simm.s32 @!p2 $0x0  }
0x1d: {  	s5 =	simm.s32 @p1 $0x1;
	p0 =	seq.s32 s7, s2  }
0x1e: {  	s7 =	smul.u32 @!p0 $0xF7A, s2;
	p2 =	seq.s32 @!p0 s5, $0x0  }
0x1f: {  	s9 =	smul.u32 $0xF7A, s1;
	s8 =	simm.s32 @!p0 $0x1BF5;
	p2 =	por !p2, p0  }
0x20: {  	[sflag:s8] =	ssyncset.s32 @!p0 $0xFFFFF086;
	s6 =	sadd.s32 @!p0 s3, s7;
	s7 =	simm.s32 @!p0 $0x108  }
0x21: {  	s3 =	sadd.s32 s3, s9;
	s6 =	sadd.s32 @!p0 $0x88, s6;
	s7 =	simm.s32 @p2 $0x1082  }
0x22: {  	[simem:s7], [sflag:s8] =	dma.local @!p0 [hbm:s6], $0xF7A  }
0x23: {  	s9 =	sor.u32 $0xD0000000, s2;
	s6 =	simm.s32 $0x108;
	_ =	swait.ge @!p0 [sflag:s8], $0x0  }
0x24: {  	s3 =	sadd.s32 $0x88, s3;
	s6 =	simm.s32 @!p1 $0x1082;
	[sflag:s4] =	ssyncset.s32 $0xFFFFF086  }
0x25: {  	[simem:s6], [sflag:s4] =	dma.local [hbm:s3], $0xF7A  }
0x26: {  	[smem:$0x3FA0] =	sst s1;
	(tag) =	ssettag s2;
	_ =	strace s9  }
0x27: {  	s1 =	sld [smem:$0x3FB0]  }
0x28: {  	s2 =	sld [smem:$0x3FB1]  }
0x29: {  	s4 =	sld [smem:$0x3FB3]  }
0x2a: {  	p0 =	seq.s32 s5, $0x0;
	s5 =	sld [smem:$0x3FB4]  }
0x2b: {  	s6 =	sld [smem:$0x3FB5]  }
0x2c: {  	s7 =	sld [smem:$0x3FB6]  }
0x2d: {  	s3 =	simm.s32 $0x108;
	s8 =	sld [smem:$0x3FB7]  }
0x2e: {  	s3 =	simm.s32 @!p0 $0x1082;
	s9 =	sld [smem:$0x3FB8]  }
0x2f: {  	lr =	sadd.s32 s0, s3;
	s0 =	sld [smem:$0x3FAF]  }
0x30: {  	s3 =	sld [smem:$0x3FB2]  }
0x31: {  	[smem:$0x3FBB] =	sst s10  }
0x32: {  	s10 =	sld [smem:$0x3FB9];
	_ =	sdelay $0x3  }
0x33: {  	p0 =	seq.s32 s10, $0x1;
	s10 =	sld [smem:$0x3FBB];
	_ =	sdelay $0x3  }
0x34: {  	[smem:$0x3FBB] =	sst s10  }
0x35: {  	s10 =	sld [smem:$0x3FBA];
	_ =	sdelay $0x3  }
0x36: {  	p1 =	seq.s32 s10, $0x1;
	s10 =	sld [smem:$0x3FBB];
	_ =	sdelay $0x3  }
0x37: {  	[smem:$0x3FBB] =	sst s10  }
0x38: {  	s10 =	sld [smem:$0x3FBC]  }
0x39: {  	_ = 	snop;
	(pc) =	sbr.ind lr, $3  }
0x3a: {  	_ = 	snop  }
0x3b: {  	_ = 	snop  }
0x3c: {  	p2 =	seq.s32 s10, $0x1;
	s10 =	sld [smem:$0x3FBB]  }
0x3d: {  	_ =	shalt  }
0x3e: {  	_ =	shalt  }
0x3f: {  	_ =	shalt  }
0x40: {  	_ =	shalt  }
0x41: {  	_ =	shalt  }
0x42: {  	_ =	shalt  }
0x43: {  	_ =	shalt  }
0x44: {  	_ =	shalt  }
0x45: {  	_ =	shalt  }
0x46: {  	_ =	shalt  }
0x47: {  	_ =	shalt  }
0x48: {  	_ =	shalt  }
0x49: {  	_ =	shalt  }
0x4a: {  	_ =	shalt  }
0x4b: {  	_ =	shalt  }
0x4c: {  	_ =	shalt  }
0x4d: {  	_ =	shalt  }
0x4e: {  	_ =	shalt  }
0x4f: {  	_ =	shalt  }
0x50: {  	_ =	shalt  }
0x51: {  	_ =	shalt  }
0x52: {  	_ =	shalt  }
0x53: {  	_ =	shalt  }
0x54: {  	_ =	shalt  }
0x55: {  	_ =	shalt  }
0x56: {  	_ =	shalt  }
0x57: {  	_ =	shalt  }
0x58: {  	_ =	shalt  }
0x59: {  	_ =	shalt  }
0x5a: {  	_ =	shalt  }
0x5b: {  	_ =	shalt  }
0x5c: {  	_ =	shalt  }
0x5d: {  	_ =	shalt  }
0x5e: {  	_ =	shalt  }
0x5f: {  	_ =	shalt  }
0x60: {  	_ =	shalt  }
0x61: {  	_ =	shalt  }
0x62: {  	_ =	shalt  }
0x63: {  	_ =	shalt  }
0x64: {  	_ =	shalt  }
0x65: {  	_ =	shalt  }
0x66: {  	_ =	shalt  }
0x67: {  	_ =	shalt  }
0x68: {  	_ =	shalt  }
0x69: {  	_ =	shalt  }
0x6a: {  	_ =	shalt  }
0x6b: {  	_ =	shalt  }
0x6c: {  	_ =	shalt  }
0x6d: {  	_ =	shalt  }
0x6e: {  	_ =	shalt  }
0x6f: {  	_ =	shalt  }
0x70: {  	_ =	shalt  }
0x71: {  	_ =	shalt  }
0x72: {  	_ =	shalt  }
0x73: {  	_ =	shalt  }
0x74: {  	_ =	shalt  }
0x75: {  	_ =	shalt  }
0x76: {  	_ =	shalt  }
0x77: {  	_ =	shalt  }
0x78: {  	_ =	shalt  }
0x79: {  	_ =	shalt  }
0x7a: {  	_ =	shalt  }
0x7b: {  	_ =	shalt  }
0x7c: {  	_ =	shalt  }
0x7d: {  	_ =	shalt  }
0x7e: {  	_ =	shalt  }
0x7f: {  	_ =	shalt  }
0x80: {  	_ =	shalt  }
0x81: {  	_ =	shalt  }
0x82: {  	_ =	shalt  }
0x83: {  	_ =	shalt  }
0x84: {  	_ =	shalt  }
0x85: {  	_ =	shalt  }
0x86: {  	_ =	shalt  }
0x87: {  	_ =	shalt  }
.Lfunc_end0:
.L_simem_size_0:
called_computation_lowered:
.L_overlay_start_0:
0x88: {  	s2 =	sld [smem:$0x3FD9]  }
0x89: {  	s3 =	sld [smem:$0x3FFE];
	_ =	sdelay $0x1  }
0x8a: {  	s1 =	srdreg.scid  }
0x8b: {  	s0 =	sand.u32 $0x1, s1  }
0x8c: {  	s18 =	sshll.u32 s0, $0xA;
	s2 =	sadd.s32 s3, s2  }
0x8d: {  	s2 =	sadd.s32 s2, s18  }
0x8e: {  	[smem:$0x3FC7] =	sst s2  }
0x8f: {  	_ = 	snop  }
0x90: {  	s2 =	sld [smem:$0x3FC9]  }
0x91: {  	s19 =	sld [smem:$0x3FD0];
	(tm) =	ssettm $0x1  }
0x92: {  	s4 =	sld [smem:$0x3FFB];
	_ =	sdelay $0x3  }
0x93: {  	_ =	strace s4  }
0x94: {  	s4 =	sld [smem:$0x3FFC];
	_ =	sdelay $0x3  }
0x95: {  	_ =	strace s4  }
0x96: {  	s4 =	sld [smem:$0x3FFD];
	_ =	sdelay $0x3  }
0x97: {  	_ =	strace s4  }
0x98: {  	_ =	strace $0x8FFFFFFF  }
0x99: {  	s20 =	sld [smem:$0x3FDB];
	_ =	sdelay $0x1  }
0x9a: {  	s5 =	simm.s32 $_scs_section_size  }
0x9b: {  	s6 =	simm.s32 $_size__tile_overlayer_lowered;
	s7 =	simm.s32 $_tile_overlayer_lowered  }
0x9c: {  	s23 =	simm.s32 $0x1BFF;
	s22 =	sshll.u32 s7, $0x1;
	s4 =	sadd.s32 s5, s20  }
0x9d: {  	s8 =	simm.s32 $0x0;
	s21 =	sshll.u32 s6, $0x1;
	s6 =	sadd.s32 s22, s4  }
0x9e: {  	[timem:s8], [sflag:s23] =	dma.local [hbm:s6], s21  }
0x9f: {  	_ =	swait.ge [sflag:s23], s21  }
0xa0: {  	s5 =	ssub.s32 $0x0, s21;
	[sflag:s23] =	ssyncset.done $0x0  }
0xa1: {  	[sflag:s23] =	ssyncadd.s32 s5;
	_ =	sdelay $0x1  }
0xa2: {  	s24 =	simm.s32 $0x1B8B  }
0xa3: {  	_ =	swait.ge [sflag:s24], $0x1  }
0xa4: {  	[sflag:s24] =	ssyncset.done $0x0  }
0xa5: {  	s25 =	simm.s32 $0x1B8E;
	[sflag:s24] =	ssyncadd.s32 $0xFFFFFFFF  }
0xa6: {  	s26 =	simm.s32 $execute0_lowered;
	[smem:$0x3FD2] =	sst s25  }
0xa7: {  	s5 =	sshll.u32 s26, $0x1;
	_ =	strace $0x80000046;
	[dreg:$0x1] =	wrdreg $0xFFFFFFFF  }
0xa8: {  	s28 =	simm.s32 $_size_execute0_lowered;
	s4 =	sadd.s32 s4, s5;
	[dreg:$0x0] =	wrdreg $0x0  }
0xa9: {  	s5 =	sshll.u32 s28, $0x1;
	[dreg:$0x2] =	wrdreg s4  }
0xaa: {  	[dreg:$0x3] =	wrdreg s5  }
0xab: {  	[dreg:$0x4] =	wrdreg $0xC0  }
0xac: {  	_ =	task [dreg:s8], $0x5FFFF  }
0xad: {  	[dreg:$0x1] =	wrdreg $0xFFFFFFFF  }
0xae: {  	[dreg:$0x0] =	wrdreg $0x60  }
0xaf: {  	[dreg:$0x2] =	wrdreg s2  }
0xb0: {  	[dreg:$0x3] =	wrdreg s19  }
0xb1: {  	[dreg:$0x4] =	wrdreg $0x9  }
0xb2: {  	_ =	task.clear_ibuf [dreg:s8], $0x5FFFF;
	_ =	strace $0x90000046  }
0xb3: {  	s29 =	simm.s32 $0x9;
	_ =	strace $0x80000048  }
0xb4: {  	_ =	swait.ge [sflag:s29], $0x1  }
0xb5: {  	[sflag:s29] =	ssyncadd.s32 $0xFFFFFFFF  }
0xb6: {  	_ =	strace $0x90000048  }
0xb7: {  	_ =	sfence  }
0xb8: {  	s30 =	sld [smem:$0x0];
	_ =	sdelay $0x2  }
0xb9: {  	s31 =	sshll.u32 s1, $0xD;
	s1 =	sshrl.u32 s1, $0x2  }
0xba: {  	s3 =	sand.u32 $0x4000, s31;
	s1 =	sadd.s32 s1, s30  }
0xbb: {  	s0 =	sor.u32 s3, s0;
	s1 =	sshll.u32 s1, $0x11  }
0xbc: {  	s0 =	sor.u32 s1, s0  }
0xbd: {  	s0 =	sadd.s32 $0x8F2B, s0  }
0xbe: {  	[sflag:s0] =	ssyncadd.remote.s32 $0x1  }
0xbf: {  	_ =	sfence.sel $0xFFFF  }
0xc0: {  	[dreg:$0x0] =	wrdreg $0xFFFFFFFF;
	(pc) =	sbr.abs _section_cstart, $3  }
0xc1: {  	[dreg:$0x1] =	wrdreg $0xFFFFFFFF  }
0xc2: {  	_ =	task.clear_ibuf [dreg:s8], $0x2FFFF;
	_ =	strace $0x9FFFFFFF  }
0xc3: {  	(tm) =	ssettm $0x7FFFFFFF  }
tec
execute0_lowered:
.L_overlay_start_1:
0x0: {  	(tag) =	ssettag $0x1  }
0x1: {  	s9 =	stileid.u32  }
0x2: {  	s0 =	srdreg.scid;
	s2 =	rddreg [dreg:$0x0]  }
0x3: {  	s3 =	rddreg [dreg:$0x1];
	s4 =	simm.s32 $0x0;
	s10 =	simm.s32 $0x2  }
0x4: {  	s1 =	sshll.u32 s9, $0x1;
	s6 =	sand.u32 $0x1, s0;
	[smem:$0x7FF] =	sst s4  }
0x5: {  	s20 =	sand.u32 $0x6, s1;
	s21 =	ssub.s32 $0x2, s6;
	_ =	strace $0x80000047  }
0x6: {  	s1 =	sshrl.u32 s9, $0x2;
	s9 =	simm.s32 $0x1;
	s0 =	sor.u32 s6, s20  }
0x7: {  	s6 =	sshrl.u32 s21, $0x1;
	p1 =	seq.s32 s1, $0x2;
	p3 =	seq.s32 s1, $0x1  }
0x8: {  	p2 =	seq.s32 s1, $0x0;
	s5 =	sshll.u32 s0, $0x6;
	s21 =	ssub.s32 s21, s6  }
0x9: {  	s6 =	simm.s32 $0x1;
	s14 =	smul.u32 $0x700000, s0;
	s7 =	sadd.s32 $0xFFFFFFFF, s5  }
0xa: {  	s6 =	simm.s32 @!p1 $0x0;
	s30 =	smin.u32 s5, $0x1BF;
	s8 =	sand.u32 $0xC000, s7  }
0xb: {  	s21 =	smax.u32 s21, $0x1;
	s6 =	simm.s32 @p3 $0x3;
	s8 =	sshrl.u32 s8, $0xE  }
0xc: {  	s11 =	smul.u32 $0x1C000, s7;
	s6 =	simm.s32 @p2 $0x1;
	s8 =	sadd.s32 s8, s7  }
0xd: {  	s20 =	sadd.s32 $0x40, s30;
	p5 =	slt.u32 s6, $0x2;
	s8 =	sand.u32 $0xFFFC, s8  }
0xe: {  	p4 =	sne.s32 s6, $0x3;
	s8 =	ssub.s32 s7, s8;
	s7 =	simm.s32 $0x2  }
0xf: {  	s31 =	sshll.u32 s6, $0x9;
	s22 =	sshll.u32 s8, $0x10;
	s7 =	simm.s32 @!p1 $0x1  }
0x10: {  	s8 =	smul.u32 $0x7000, s1;
	s12 =	sshra.s32 s22, $0x10;
	s7 =	simm.s32 @p3 $0x5  }
0x11: {  	p6 =	por !p3, !p4;
	s13 =	smul.u32 $0x1C000, s12;
	s7 =	simm.s32 @p2 $0x2  }
0x12: {  	s15 =	sadd.s32 s8, s11;
	s14 =	sor.u32 s8, s14;
	s12 =	smul.u32 $0x2800, s12  }
0x13: {  	s23 =	sshrl.u32 s15, $0x3;
	s15 =	simm.s32 $0x30;
	s24 =	sshrl.u32 s14, $0x3  }
0x14: {  	s25 =	sadd.s32 $0x1C000, s14;
	s14 =	simm.s32 $0x2F;
	p0 =	sgt.u32 s7, $0x1  }
0x15: {  	s29 =	ssub.s32 s7, s6;
	p4 =	slt.u32 s7, $0x2;
	s11 =	sshra.s32 s13, $0x2  }
0x16: {  	s13 =	sadd.s32 s2, s23;
	s15 =	simm.s32 @!p1 $0x35;
	s14 =	simm.s32 @!p1 $0x0  }
0x17: {  	p0 =	por !p5, !p0;
	p5 =	sne.s32 s1, $0x1;
	[dreg:$0x3] =	wrdreg s13  }
0x18: {  	s13 =	sadd.s32 s2, s24;
	s15 =	simm.s32 @p3 $0x1C;
	s14 =	simm.s32 @p3 $0x2E  }
0x19: {  	[dreg:$0x4] =	wrdreg s13;
	s13 =	sshrl.u32 s25, $0x3;
	s15 =	simm.s32 @p2 $0x24  }
0x1a: {  	p0 =	por !p0, !p0;
	s13 =	sadd.s32 s2, s13;
	s26 =	sshll.u32 s15, $0x9  }
0x1b: {  	s15 =	sshll.u32 s15, $0x7;
	[dreg:$0x5] =	wrdreg s13;
	s13 =	sand.u32 $0x7000, s26  }
0x1c: {  	s24 =	simm.s32 $0x1C000;
	s18 =	sand.u32 $0x280, s15;
	s28 =	sadd.s32 s13, s11  }
0x1d: {  	s15 =	sor.u32 s18, s28;
	s18 =	sor.u32 s18, s13;
	s13 =	simm.s32 @!p0 $0x0  }
0x1e: {  	s16 =	sshll.u32 s14, $0x9;
	s13 =	simm.s32 @p0 $0x1;
	p0 =	por !p6, !p6  }
0x1f: {  	s14 =	sshll.u32 s14, $0x7;
	[smem:$0x7F9] =	sst s13;
	s13 =	simm.s32 @!p0 $0x0  }
0x20: {  	p2 =	por p3, p3;
	s25 =	simm.s32 $0x0;
	s13 =	simm.s32 @p0 $0x1  }
0x21: {  	p0 =	seq.s32 s0, $0x0;
	[smem:$0x7FA] =	sst s13;
	s13 =	sadd.s32 $0xFFFFFFFF, s31  }
0x22: {  	p3 =	sne.s32 s6, $0x0;
	[dreg:$0x6] =	wrdreg s13;
	s13 =	simm.s32 @!p0 $0x0  }
0x23: {  	v0 =	vlaneseq.u32;
	s19 =	sand.u32 $0x5000, s16;
	s13 =	simm.s32 @p0 $0x1;
	p0 =	sne.s32 s0, $0x0  }
.Ltmp0:
0x24: {  	v4 =	vmul.u32 $0x200, v0;
	v3 =	vmov s6;
	s14 =	sand.u32 $0x380, s14;
	s0 =	simm.s32 @!p0 $0x0;
	(pc) =	sbr.rel .LBB2_1-.Ltmp0, $4  }
0x25: {  	v1 =	vshll.u32 v3, $0x9;
	s16 =	sshra.s32 s12, $0x2;
	s0 =	simm.s32 @p0 $0x1;
	p0 =	sle.u32 s7, s6  }
0x26: {  	vm1 =	vgt.u32 v3, v0;
	v1 =	vadd.s32 v4, v1;
	v2 =	vmov s29;
	s17 =	sadd.s32 s19, s11;
	[smem:$0x7FC] =	sst s0;
	s0 =	simm.s32 @!p0 $0x0  }
0x27: {  	v3 =	vor.u32 $0x1FF, v4;
	v1 =	vadd.s32 $0x1E00, v1;
	vm0 =	vgt.s32 v2, v0;
	s19 =	sor.u32 s14, s19;
	[smem:$0x7FB] =	sst s13;
	s0 =	simm.s32 @p0 $0x1  }
0x28: {  	v2 =	vimm.f32 $0.0e+00;
	s17 =	sor.u32 s14, s17;
	v5 =	vmov s19;
	v4 =	vmov s18;
	p6 =	seq.s32 s6, $0x0;
	[smem:$0x7FD] =	sst s0  }
.LBB2_38:
0x29: {  	s25 =	sadd.s32 $0x1, s25  }
0x2a: {  	p0 =	sne.s32 s25, s21  }
.Ltmp1:
0x2b: {  	_ = 	snop;
	(pc) =	sbr.rel @!p0 .LBB2_39-.Ltmp1, $4  }
0x2c: {  	_ = 	snop  }
0x2d: {  	_ =	swait.ge [sflag:s10], $0x7000  }
0x2e: {  	[sflag:s10] =	ssyncset.done $0x0  }
0x2f: {  	[sflag:s10] =	ssyncadd.s32 $0xFFFF9000  }
.LBB2_1:
0x30: {  	s0 =	sld [smem:$0x7FB];
	_ =	sdelay $0x2  }
0x31: {  	p0 =	seq.s32 s0, $0x1  }
.Ltmp2:
0x32: {  	_ = 	snop;
	(pc) =	sbr.rel @p0 .LBB2_4-.Ltmp2, $1  }
0x33: {  	_ =	sdelay $0x3  }
0x34: {  	s0 =	rddreg [dreg:$0x3]  }
0x35: {  	[tilespmem:s11], [sflag:$0x1] =	stream.linear.gather [hbm4b:s0+s4], $0x7000, $0x38;
	[tilespmem:$0x1E800] =	vst v63  }
0x36: {  	s30 =	rddreg [dreg:$0x4]  }
0x37: {  	[tilespmem:s4], [sflag:$0x1] =	stream.linear.gather [hbm4b:s30+s4], $0x7000, $0x38;
	[tilespmem:$0x1E800] =	vst v63  }
0x38: {  	s31 =	rddreg [dreg:$0x5];
	s1 =	simm.s32 $0x7000  }
0x39: {  	[tilespmem:s1], [sflag:$0x1] =	stream.linear.gather [hbm4b:s31+s4], $0x7000, $0x38;
	[tilespmem:$0x1E800] =	vst v63  }
0x3a: {  	_ =	swait.ge [sflag:s9], $0x7000  }
0x3b: {  	[sflag:s9] =	ssyncset.done $0x0  }
0x3c: {  	[sflag:s9] =	ssyncadd.s32 $0xFFFF9000  }
0x3d: {  	v6 =	vld [tilespmem:s15+$0x0];
	_ =	sdelay $0x4  }
0x3e: {  	[tilespmem:s16+$0x1C000] =	vst v6  }
0x3f: {  	v6 =	vld [tilespmem:s15+$0x10];
	_ =	sdelay $0x4  }
0x40: {  	[tilespmem:s16+$0x1C010] =	vst v6  }
0x41: {  	v6 =	vld [tilespmem:s15+$0x20];
	_ =	sdelay $0x4  }
0x42: {  	[tilespmem:s16+$0x1C020] =	vst v6  }
0x43: {  	v6 =	vld [tilespmem:s15+$0x30];
	_ =	sdelay $0x4  }
0x44: {  	[tilespmem:s16+$0x1C030] =	vst v6  }
0x45: {  	v6 =	vld [tilespmem:s15+$0x40];
	_ =	sdelay $0x4  }
0x46: {  	[tilespmem:s16+$0x1C040] =	vst v6  }
0x47: {  	v6 =	vld [tilespmem:s15+$0x50];
	_ =	sdelay $0x4  }
0x48: {  	[tilespmem:s16+$0x1C050] =	vst v6  }
0x49: {  	v6 =	vld [tilespmem:s15+$0x60];
	_ =	sdelay $0x4  }
0x4a: {  	[tilespmem:s16+$0x1C060] =	vst v6  }
0x4b: {  	v6 =	vld [tilespmem:s15+$0x70];
	_ =	sdelay $0x4  }
0x4c: {  	[tilespmem:s16+$0x1C070] =	vst v6  }
0x4d: {  	v6 =	vld [tilespmem:s15+$0x400];
	_ =	sdelay $0x4  }
0x4e: {  	[tilespmem:s16+$0x1C080] =	vst v6  }
0x4f: {  	v6 =	vld [tilespmem:s15+$0x410];
	_ =	sdelay $0x4  }
0x50: {  	[tilespmem:s16+$0x1C090] =	vst v6  }
0x51: {  	v6 =	vld [tilespmem:s15+$0x420];
	_ =	sdelay $0x4  }
0x52: {  	[tilespmem:s16+$0x1C0A0] =	vst v6  }
0x53: {  	v6 =	vld [tilespmem:s15+$0x430];
	_ =	sdelay $0x4  }
0x54: {  	[tilespmem:s16+$0x1C0B0] =	vst v6  }
0x55: {  	v6 =	vld [tilespmem:s15+$0x440];
	_ =	sdelay $0x4  }
0x56: {  	[tilespmem:s16+$0x1C0C0] =	vst v6  }
0x57: {  	v6 =	vld [tilespmem:s15+$0x450];
	_ =	sdelay $0x4  }
0x58: {  	[tilespmem:s16+$0x1C0D0] =	vst v6  }
0x59: {  	v6 =	vld [tilespmem:s15+$0x460];
	_ =	sdelay $0x4  }
0x5a: {  	[tilespmem:s16+$0x1C0E0] =	vst v6  }
0x5b: {  	v6 =	vld [tilespmem:s15+$0x470];
	_ =	sdelay $0x4  }
0x5c: {  	[tilespmem:s16+$0x1C0F0] =	vst v6  }
0x5d: {  	v6 =	vld [tilespmem:s15+$0x800];
	_ =	sdelay $0x4  }
0x5e: {  	[tilespmem:s16+$0x1C100] =	vst v6  }
0x5f: {  	v6 =	vld [tilespmem:s15+$0x810];
	_ =	sdelay $0x4  }
0x60: {  	[tilespmem:s16+$0x1C110] =	vst v6  }
0x61: {  	v6 =	vld [tilespmem:s15+$0x820];
	_ =	sdelay $0x4  }
0x62: {  	[tilespmem:s16+$0x1C120] =	vst v6  }
0x63: {  	v6 =	vld [tilespmem:s15+$0x830];
	_ =	sdelay $0x4  }
0x64: {  	[tilespmem:s16+$0x1C130] =	vst v6  }
0x65: {  	v6 =	vld [tilespmem:s15+$0x840];
	_ =	sdelay $0x4  }
0x66: {  	[tilespmem:s16+$0x1C140] =	vst v6  }
0x67: {  	v6 =	vld [tilespmem:s15+$0x850];
	_ =	sdelay $0x4  }
0x68: {  	[tilespmem:s16+$0x1C150] =	vst v6  }
0x69: {  	v6 =	vld [tilespmem:s15+$0x860];
	_ =	sdelay $0x4  }
0x6a: {  	[tilespmem:s16+$0x1C160] =	vst v6  }
0x6b: {  	v6 =	vld [tilespmem:s15+$0x870];
	_ =	sdelay $0x4  }
0x6c: {  	[tilespmem:s16+$0x1C170] =	vst v6  }
0x6d: {  	v6 =	vld [tilespmem:s15+$0xC00];
	_ =	sdelay $0x4  }
0x6e: {  	[tilespmem:s16+$0x1C180] =	vst v6  }
0x6f: {  	v6 =	vld [tilespmem:s15+$0xC10];
	_ =	sdelay $0x4  }
0x70: {  	[tilespmem:s16+$0x1C190] =	vst v6  }
0x71: {  	v6 =	vld [tilespmem:s15+$0xC20];
	_ =	sdelay $0x4  }
0x72: {  	[tilespmem:s16+$0x1C1A0] =	vst v6  }
0x73: {  	v6 =	vld [tilespmem:s15+$0xC30];
	_ =	sdelay $0x4  }
0x74: {  	[tilespmem:s16+$0x1C1B0] =	vst v6  }
0x75: {  	v6 =	vld [tilespmem:s15+$0xC40];
	_ =	sdelay $0x4  }
0x76: {  	[tilespmem:s16+$0x1C1C0] =	vst v6  }
0x77: {  	v6 =	vld [tilespmem:s15+$0xC50];
	_ =	sdelay $0x4  }
0x78: {  	[tilespmem:s16+$0x1C1D0] =	vst v6  }
0x79: {  	v6 =	vld [tilespmem:s15+$0xC60];
	_ =	sdelay $0x4  }
0x7a: {  	[tilespmem:s16+$0x1C1E0] =	vst v6  }
0x7b: {  	v6 =	vld [tilespmem:s15+$0xC70];
	_ =	sdelay $0x4  }
0x7c: {  	[tilespmem:s16+$0x1C1F0] =	vst v6  }
0x7d: {  	v6 =	vld @!p4 [tilespmem:s17+$0x0];
	_ =	sdelay $0x4  }
0x7e: {  	[tilespmem:s16+$0x1C200] =	vst @!p4 v6  }
0x7f: {  	v6 =	vld @!p4 [tilespmem:s17+$0x10];
	_ =	sdelay $0x4  }
0x80: {  	[tilespmem:s16+$0x1C210] =	vst @!p4 v6  }
0x81: {  	v6 =	vld @!p4 [tilespmem:s17+$0x20];
	_ =	sdelay $0x4  }
0x82: {  	[tilespmem:s16+$0x1C220] =	vst @!p4 v6  }
0x83: {  	v6 =	vld @!p4 [tilespmem:s17+$0x30];
	_ =	sdelay $0x4  }
0x84: {  	[tilespmem:s16+$0x1C230] =	vst @!p4 v6  }
0x85: {  	v6 =	vld @!p4 [tilespmem:s17+$0x40];
	_ =	sdelay $0x4  }
0x86: {  	[tilespmem:s16+$0x1C240] =	vst @!p4 v6  }
0x87: {  	v6 =	vld @!p4 [tilespmem:s17+$0x50];
	_ =	sdelay $0x4  }
0x88: {  	[tilespmem:s16+$0x1C250] =	vst @!p4 v6  }
0x89: {  	v6 =	vld @!p4 [tilespmem:s17+$0x60];
	_ =	sdelay $0x4  }
0x8a: {  	[tilespmem:s16+$0x1C260] =	vst @!p4 v6  }
0x8b: {  	v6 =	vld @!p4 [tilespmem:s17+$0x70];
	_ =	sdelay $0x4  }
0x8c: {  	[tilespmem:s16+$0x1C270] =	vst @!p4 v6  }
0x8d: {  	v6 =	vld @!p4 [tilespmem:s17+$0x400];
	_ =	sdelay $0x4  }
0x8e: {  	[tilespmem:s16+$0x1C280] =	vst @!p4 v6  }
0x8f: {  	v6 =	vld @!p4 [tilespmem:s17+$0x410];
	_ =	sdelay $0x4  }
0x90: {  	[tilespmem:s16+$0x1C290] =	vst @!p4 v6  }
0x91: {  	v6 =	vld @!p4 [tilespmem:s17+$0x420];
	_ =	sdelay $0x4  }
0x92: {  	[tilespmem:s16+$0x1C2A0] =	vst @!p4 v6  }
0x93: {  	v6 =	vld @!p4 [tilespmem:s17+$0x430];
	_ =	sdelay $0x4  }
0x94: {  	[tilespmem:s16+$0x1C2B0] =	vst @!p4 v6  }
0x95: {  	v6 =	vld @!p4 [tilespmem:s17+$0x440];
	_ =	sdelay $0x4  }
0x96: {  	[tilespmem:s16+$0x1C2C0] =	vst @!p4 v6  }
0x97: {  	v6 =	vld @!p4 [tilespmem:s17+$0x450];
	_ =	sdelay $0x4  }
0x98: {  	[tilespmem:s16+$0x1C2D0] =	vst @!p4 v6  }
0x99: {  	v6 =	vld @!p4 [tilespmem:s17+$0x460];
	_ =	sdelay $0x4  }
0x9a: {  	[tilespmem:s16+$0x1C2E0] =	vst @!p4 v6  }
0x9b: {  	v6 =	vld @!p4 [tilespmem:s17+$0x470];
	_ =	sdelay $0x4  }
0x9c: {  	[tilespmem:s16+$0x1C2F0] =	vst @!p4 v6  }
0x9d: {  	v6 =	vld @!p4 [tilespmem:s17+$0x800];
	_ =	sdelay $0x4  }
0x9e: {  	[tilespmem:s16+$0x1C300] =	vst @!p4 v6  }
0x9f: {  	v6 =	vld @!p4 [tilespmem:s17+$0x810];
	_ =	sdelay $0x4  }
0xa0: {  	[tilespmem:s16+$0x1C310] =	vst @!p4 v6  }
0xa1: {  	v6 =	vld @!p4 [tilespmem:s17+$0x820];
	_ =	sdelay $0x4  }
0xa2: {  	[tilespmem:s16+$0x1C320] =	vst @!p4 v6  }
0xa3: {  	v6 =	vld @!p4 [tilespmem:s17+$0x830];
	_ =	sdelay $0x4  }
0xa4: {  	[tilespmem:s16+$0x1C330] =	vst @!p4 v6  }
0xa5: {  	v6 =	vld @!p4 [tilespmem:s17+$0x840];
	_ =	sdelay $0x4  }
0xa6: {  	[tilespmem:s16+$0x1C340] =	vst @!p4 v6  }
0xa7: {  	v6 =	vld @!p4 [tilespmem:s17+$0x850];
	_ =	sdelay $0x4  }
0xa8: {  	[tilespmem:s16+$0x1C350] =	vst @!p4 v6  }
0xa9: {  	v6 =	vld @!p4 [tilespmem:s17+$0x860];
	_ =	sdelay $0x4  }
0xaa: {  	[tilespmem:s16+$0x1C360] =	vst @!p4 v6  }
0xab: {  	v6 =	vld @!p4 [tilespmem:s17+$0x870];
	_ =	sdelay $0x4  }
0xac: {  	[tilespmem:s16+$0x1C370] =	vst @!p4 v6  }
0xad: {  	v6 =	vld @!p4 [tilespmem:s17+$0xC00];
	_ =	sdelay $0x4  }
0xae: {  	[tilespmem:s16+$0x1C380] =	vst @!p4 v6  }
0xaf: {  	v6 =	vld @!p4 [tilespmem:s17+$0xC10];
	_ =	sdelay $0x4  }
0xb0: {  	[tilespmem:s16+$0x1C390] =	vst @!p4 v6  }
0xb1: {  	v6 =	vld @!p4 [tilespmem:s17+$0xC20];
	_ =	sdelay $0x4  }
0xb2: {  	[tilespmem:s16+$0x1C3A0] =	vst @!p4 v6  }
0xb3: {  	v6 =	vld @!p4 [tilespmem:s17+$0xC30];
	_ =	sdelay $0x4  }
0xb4: {  	[tilespmem:s16+$0x1C3B0] =	vst @!p4 v6  }
0xb5: {  	v6 =	vld @!p4 [tilespmem:s17+$0xC40];
	_ =	sdelay $0x4  }
0xb6: {  	[tilespmem:s16+$0x1C3C0] =	vst @!p4 v6  }
0xb7: {  	v6 =	vld @!p4 [tilespmem:s17+$0xC50];
	_ =	sdelay $0x4  }
0xb8: {  	[tilespmem:s16+$0x1C3D0] =	vst @!p4 v6  }
0xb9: {  	v6 =	vld @!p4 [tilespmem:s17+$0xC60];
	_ =	sdelay $0x4  }
0xba: {  	[tilespmem:s16+$0x1C3E0] =	vst @!p4 v6  }
0xbb: {  	v6 =	vld @!p4 [tilespmem:s17+$0xC70]  }
.Ltmp3:
0xbc: {  	_ = 	snop;
	(pc) =	sbr.rel @p5 .LBB2_5-.Ltmp3, $2  }
0xbd: {  	_ =	sdelay $0x2  }
0xbe: {  	[tilespmem:s16+$0x1C3F0] =	vst @!p4 v6  }
0xbf: {  	v6 =	vld [tilespmem:s11+$0x6300];
	_ =	sdelay $0x4  }
0xc0: {  	[tilespmem:s16+$0x1C400] =	vst v6  }
0xc1: {  	v6 =	vld [tilespmem:s11+$0x6310];
	_ =	sdelay $0x4  }
0xc2: {  	[tilespmem:s16+$0x1C410] =	vst v6  }
0xc3: {  	v6 =	vld [tilespmem:s11+$0x6320];
	_ =	sdelay $0x4  }
0xc4: {  	[tilespmem:s16+$0x1C420] =	vst v6  }
0xc5: {  	v6 =	vld [tilespmem:s11+$0x6330];
	_ =	sdelay $0x4  }
0xc6: {  	[tilespmem:s16+$0x1C430] =	vst v6  }
0xc7: {  	v6 =	vld [tilespmem:s11+$0x6340];
	_ =	sdelay $0x4  }
0xc8: {  	[tilespmem:s16+$0x1C440] =	vst v6  }
0xc9: {  	v6 =	vld [tilespmem:s11+$0x6350];
	_ =	sdelay $0x4  }
0xca: {  	[tilespmem:s16+$0x1C450] =	vst v6  }
0xcb: {  	v6 =	vld [tilespmem:s11+$0x6360];
	_ =	sdelay $0x4  }
0xcc: {  	[tilespmem:s16+$0x1C460] =	vst v6  }
0xcd: {  	v6 =	vld [tilespmem:s11+$0x6370];
	_ =	sdelay $0x4  }
0xce: {  	[tilespmem:s16+$0x1C470] =	vst v6  }
0xcf: {  	v6 =	vld [tilespmem:s11+$0x6700];
	_ =	sdelay $0x4  }
0xd0: {  	[tilespmem:s16+$0x1C480] =	vst v6  }
0xd1: {  	v6 =	vld [tilespmem:s11+$0x6710];
	_ =	sdelay $0x4  }
0xd2: {  	[tilespmem:s16+$0x1C490] =	vst v6  }
0xd3: {  	v6 =	vld [tilespmem:s11+$0x6720];
	_ =	sdelay $0x4  }
0xd4: {  	[tilespmem:s16+$0x1C4A0] =	vst v6  }
0xd5: {  	v6 =	vld [tilespmem:s11+$0x6730];
	_ =	sdelay $0x4  }
0xd6: {  	[tilespmem:s16+$0x1C4B0] =	vst v6  }
0xd7: {  	v6 =	vld [tilespmem:s11+$0x6740];
	_ =	sdelay $0x4  }
0xd8: {  	[tilespmem:s16+$0x1C4C0] =	vst v6  }
0xd9: {  	v6 =	vld [tilespmem:s11+$0x6750];
	_ =	sdelay $0x4  }
0xda: {  	[tilespmem:s16+$0x1C4D0] =	vst v6  }
0xdb: {  	v6 =	vld [tilespmem:s11+$0x6760];
	_ =	sdelay $0x4  }
0xdc: {  	[tilespmem:s16+$0x1C4E0] =	vst v6  }
0xdd: {  	v6 =	vld [tilespmem:s11+$0x6770];
	_ =	sdelay $0x4  }
0xde: {  	[tilespmem:s16+$0x1C4F0] =	vst v6  }
0xdf: {  	v6 =	vld [tilespmem:s11+$0x6B00];
	_ =	sdelay $0x4  }
0xe0: {  	[tilespmem:s16+$0x1C500] =	vst v6  }
0xe1: {  	v6 =	vld [tilespmem:s11+$0x6B10];
	_ =	sdelay $0x4  }
0xe2: {  	[tilespmem:s16+$0x1C510] =	vst v6  }
0xe3: {  	v6 =	vld [tilespmem:s11+$0x6B20];
	_ =	sdelay $0x4  }
0xe4: {  	[tilespmem:s16+$0x1C520] =	vst v6  }
0xe5: {  	v6 =	vld [tilespmem:s11+$0x6B30];
	_ =	sdelay $0x4  }
0xe6: {  	[tilespmem:s16+$0x1C530] =	vst v6  }
0xe7: {  	v6 =	vld [tilespmem:s11+$0x6B40];
	_ =	sdelay $0x4  }
0xe8: {  	[tilespmem:s16+$0x1C540] =	vst v6  }
0xe9: {  	v6 =	vld [tilespmem:s11+$0x6B50];
	_ =	sdelay $0x4  }
0xea: {  	[tilespmem:s16+$0x1C550] =	vst v6  }
0xeb: {  	v6 =	vld [tilespmem:s11+$0x6B60];
	_ =	sdelay $0x4  }
0xec: {  	[tilespmem:s16+$0x1C560] =	vst v6  }
0xed: {  	v6 =	vld [tilespmem:s11+$0x6B70];
	_ =	sdelay $0x4  }
0xee: {  	[tilespmem:s16+$0x1C570] =	vst v6  }
0xef: {  	v6 =	vld [tilespmem:s11+$0x6F00];
	_ =	sdelay $0x4  }
0xf0: {  	[tilespmem:s16+$0x1C580] =	vst v6  }
0xf1: {  	v6 =	vld [tilespmem:s11+$0x6F10];
	_ =	sdelay $0x4  }
0xf2: {  	[tilespmem:s16+$0x1C590] =	vst v6  }
0xf3: {  	v6 =	vld [tilespmem:s11+$0x6F20];
	_ =	sdelay $0x4  }
0xf4: {  	[tilespmem:s16+$0x1C5A0] =	vst v6  }
0xf5: {  	v6 =	vld [tilespmem:s11+$0x6F30];
	_ =	sdelay $0x4  }
0xf6: {  	[tilespmem:s16+$0x1C5B0] =	vst v6  }
0xf7: {  	v6 =	vld [tilespmem:s11+$0x6F40];
	_ =	sdelay $0x4  }
0xf8: {  	[tilespmem:s16+$0x1C5C0] =	vst v6  }
0xf9: {  	v6 =	vld [tilespmem:s11+$0x6F50];
	_ =	sdelay $0x4  }
0xfa: {  	[tilespmem:s16+$0x1C5D0] =	vst v6  }
0xfb: {  	v6 =	vld [tilespmem:s11+$0x6F60];
	_ =	sdelay $0x4  }
0xfc: {  	[tilespmem:s16+$0x1C5E0] =	vst v6  }
0xfd: {  	v6 =	vld [tilespmem:s11+$0x6F70];
	_ =	sdelay $0x4  }
0xfe: {  	[tilespmem:s16+$0x1C5F0] =	vst v6  }
0xff: {  	v6 =	vld [tilespmem:s11+$0x5080];
	_ =	sdelay $0x4  }
0x100: {  	[tilespmem:s16+$0x1C600] =	vst v6  }
0x101: {  	v6 =	vld [tilespmem:s11+$0x5090];
	_ =	sdelay $0x4  }
0x102: {  	[tilespmem:s16+$0x1C610] =	vst v6  }
0x103: {  	v6 =	vld [tilespmem:s11+$0x50A0];
	_ =	sdelay $0x4  }
0x104: {  	[tilespmem:s16+$0x1C620] =	vst v6  }
0x105: {  	v6 =	vld [tilespmem:s11+$0x50B0];
	_ =	sdelay $0x4  }
0x106: {  	[tilespmem:s16+$0x1C630] =	vst v6  }
0x107: {  	v6 =	vld [tilespmem:s11+$0x50C0];
	_ =	sdelay $0x4  }
0x108: {  	[tilespmem:s16+$0x1C640] =	vst v6  }
0x109: {  	v6 =	vld [tilespmem:s11+$0x50D0];
	_ =	sdelay $0x4  }
0x10a: {  	[tilespmem:s16+$0x1C650] =	vst v6  }
0x10b: {  	v6 =	vld [tilespmem:s11+$0x50E0];
	_ =	sdelay $0x4  }
0x10c: {  	[tilespmem:s16+$0x1C660] =	vst v6  }
0x10d: {  	v6 =	vld [tilespmem:s11+$0x50F0];
	_ =	sdelay $0x4  }
0x10e: {  	[tilespmem:s16+$0x1C670] =	vst v6  }
0x10f: {  	v6 =	vld [tilespmem:s11+$0x5480];
	_ =	sdelay $0x4  }
0x110: {  	[tilespmem:s16+$0x1C680] =	vst v6  }
0x111: {  	v6 =	vld [tilespmem:s11+$0x5490];
	_ =	sdelay $0x4  }
0x112: {  	[tilespmem:s16+$0x1C690] =	vst v6  }
0x113: {  	v6 =	vld [tilespmem:s11+$0x54A0];
	_ =	sdelay $0x4  }
0x114: {  	[tilespmem:s16+$0x1C6A0] =	vst v6  }
0x115: {  	v6 =	vld [tilespmem:s11+$0x54B0];
	_ =	sdelay $0x4  }
0x116: {  	[tilespmem:s16+$0x1C6B0] =	vst v6  }
0x117: {  	v6 =	vld [tilespmem:s11+$0x54C0];
	_ =	sdelay $0x4  }
0x118: {  	[tilespmem:s16+$0x1C6C0] =	vst v6  }
0x119: {  	v6 =	vld [tilespmem:s11+$0x54D0];
	_ =	sdelay $0x4  }
0x11a: {  	[tilespmem:s16+$0x1C6D0] =	vst v6  }
0x11b: {  	v6 =	vld [tilespmem:s11+$0x54E0];
	_ =	sdelay $0x4  }
0x11c: {  	[tilespmem:s16+$0x1C6E0] =	vst v6  }
0x11d: {  	v6 =	vld [tilespmem:s11+$0x54F0];
	_ =	sdelay $0x4  }
0x11e: {  	[tilespmem:s16+$0x1C6F0] =	vst v6  }
0x11f: {  	v6 =	vld [tilespmem:s11+$0x5880];
	_ =	sdelay $0x4  }
0x120: {  	[tilespmem:s16+$0x1C700] =	vst v6  }
0x121: {  	v6 =	vld [tilespmem:s11+$0x5890];
	_ =	sdelay $0x4  }
0x122: {  	[tilespmem:s16+$0x1C710] =	vst v6  }
0x123: {  	v6 =	vld [tilespmem:s11+$0x58A0];
	_ =	sdelay $0x4  }
0x124: {  	[tilespmem:s16+$0x1C720] =	vst v6  }
0x125: {  	v6 =	vld [tilespmem:s11+$0x58B0];
	_ =	sdelay $0x4  }
0x126: {  	[tilespmem:s16+$0x1C730] =	vst v6  }
0x127: {  	v6 =	vld [tilespmem:s11+$0x58C0];
	_ =	sdelay $0x4  }
0x128: {  	[tilespmem:s16+$0x1C740] =	vst v6  }
0x129: {  	v6 =	vld [tilespmem:s11+$0x58D0];
	_ =	sdelay $0x4  }
0x12a: {  	[tilespmem:s16+$0x1C750] =	vst v6  }
0x12b: {  	v6 =	vld [tilespmem:s11+$0x58E0];
	_ =	sdelay $0x4  }
0x12c: {  	[tilespmem:s16+$0x1C760] =	vst v6  }
0x12d: {  	v6 =	vld [tilespmem:s11+$0x58F0];
	_ =	sdelay $0x4  }
0x12e: {  	[tilespmem:s16+$0x1C770] =	vst v6  }
0x12f: {  	v6 =	vld [tilespmem:s11+$0x5C80];
	_ =	sdelay $0x4  }
0x130: {  	[tilespmem:s16+$0x1C780] =	vst v6  }
0x131: {  	v6 =	vld [tilespmem:s11+$0x5C90];
	_ =	sdelay $0x4  }
0x132: {  	[tilespmem:s16+$0x1C790] =	vst v6  }
0x133: {  	v6 =	vld [tilespmem:s11+$0x5CA0];
	_ =	sdelay $0x4  }
0x134: {  	[tilespmem:s16+$0x1C7A0] =	vst v6  }
0x135: {  	v6 =	vld [tilespmem:s11+$0x5CB0];
	_ =	sdelay $0x4  }
0x136: {  	[tilespmem:s16+$0x1C7B0] =	vst v6  }
0x137: {  	v6 =	vld [tilespmem:s11+$0x5CC0];
	_ =	sdelay $0x4  }
0x138: {  	[tilespmem:s16+$0x1C7C0] =	vst v6  }
0x139: {  	v6 =	vld [tilespmem:s11+$0x5CD0];
	_ =	sdelay $0x4  }
0x13a: {  	[tilespmem:s16+$0x1C7D0] =	vst v6  }
0x13b: {  	v6 =	vld [tilespmem:s11+$0x5CE0];
	_ =	sdelay $0x4  }
0x13c: {  	[tilespmem:s16+$0x1C7E0] =	vst v6  }
0x13d: {  	v6 =	vld [tilespmem:s11+$0x5CF0];
	_ =	sdelay $0x4  }
0x13e: {  	[tilespmem:s16+$0x1C7F0] =	vst v6  }
0x13f: {  	v6 =	vld [tilespmem:s11+$0x6380];
	_ =	sdelay $0x4  }
0x140: {  	[tilespmem:s16+$0x1C800] =	vst v6  }
0x141: {  	v6 =	vld [tilespmem:s11+$0x6390];
	_ =	sdelay $0x4  }
0x142: {  	[tilespmem:s16+$0x1C810] =	vst v6  }
0x143: {  	v6 =	vld [tilespmem:s11+$0x63A0];
	_ =	sdelay $0x4  }
0x144: {  	[tilespmem:s16+$0x1C820] =	vst v6  }
0x145: {  	v6 =	vld [tilespmem:s11+$0x63B0];
	_ =	sdelay $0x4  }
0x146: {  	[tilespmem:s16+$0x1C830] =	vst v6  }
0x147: {  	v6 =	vld [tilespmem:s11+$0x63C0];
	_ =	sdelay $0x4  }
0x148: {  	[tilespmem:s16+$0x1C840] =	vst v6  }
0x149: {  	v6 =	vld [tilespmem:s11+$0x63D0];
	_ =	sdelay $0x4  }
0x14a: {  	[tilespmem:s16+$0x1C850] =	vst v6  }
0x14b: {  	v6 =	vld [tilespmem:s11+$0x63E0];
	_ =	sdelay $0x4  }
0x14c: {  	[tilespmem:s16+$0x1C860] =	vst v6  }
0x14d: {  	v6 =	vld [tilespmem:s11+$0x63F0];
	_ =	sdelay $0x4  }
0x14e: {  	[tilespmem:s16+$0x1C870] =	vst v6  }
0x14f: {  	v6 =	vld [tilespmem:s11+$0x6780];
	_ =	sdelay $0x4  }
0x150: {  	[tilespmem:s16+$0x1C880] =	vst v6  }
0x151: {  	v6 =	vld [tilespmem:s11+$0x6790];
	_ =	sdelay $0x4  }
0x152: {  	[tilespmem:s16+$0x1C890] =	vst v6  }
0x153: {  	v6 =	vld [tilespmem:s11+$0x67A0];
	_ =	sdelay $0x4  }
0x154: {  	[tilespmem:s16+$0x1C8A0] =	vst v6  }
0x155: {  	v6 =	vld [tilespmem:s11+$0x67B0];
	_ =	sdelay $0x4  }
0x156: {  	[tilespmem:s16+$0x1C8B0] =	vst v6  }
0x157: {  	v6 =	vld [tilespmem:s11+$0x67C0];
	_ =	sdelay $0x4  }
0x158: {  	[tilespmem:s16+$0x1C8C0] =	vst v6  }
0x159: {  	v6 =	vld [tilespmem:s11+$0x67D0];
	_ =	sdelay $0x4  }
0x15a: {  	[tilespmem:s16+$0x1C8D0] =	vst v6  }
0x15b: {  	v6 =	vld [tilespmem:s11+$0x67E0];
	_ =	sdelay $0x4  }
0x15c: {  	[tilespmem:s16+$0x1C8E0] =	vst v6  }
0x15d: {  	v6 =	vld [tilespmem:s11+$0x67F0];
	_ =	sdelay $0x4  }
0x15e: {  	[tilespmem:s16+$0x1C8F0] =	vst v6  }
0x15f: {  	v6 =	vld [tilespmem:s11+$0x6B80];
	_ =	sdelay $0x4  }
0x160: {  	[tilespmem:s16+$0x1C900] =	vst v6  }
0x161: {  	v6 =	vld [tilespmem:s11+$0x6B90];
	_ =	sdelay $0x4  }
0x162: {  	[tilespmem:s16+$0x1C910] =	vst v6  }
0x163: {  	v6 =	vld [tilespmem:s11+$0x6BA0];
	_ =	sdelay $0x4  }
0x164: {  	[tilespmem:s16+$0x1C920] =	vst v6  }
0x165: {  	v6 =	vld [tilespmem:s11+$0x6BB0];
	_ =	sdelay $0x4  }
0x166: {  	[tilespmem:s16+$0x1C930] =	vst v6  }
0x167: {  	v6 =	vld [tilespmem:s11+$0x6BC0];
	_ =	sdelay $0x4  }
0x168: {  	[tilespmem:s16+$0x1C940] =	vst v6  }
0x169: {  	v6 =	vld [tilespmem:s11+$0x6BD0];
	_ =	sdelay $0x4  }
0x16a: {  	[tilespmem:s16+$0x1C950] =	vst v6  }
0x16b: {  	v6 =	vld [tilespmem:s11+$0x6BE0];
	_ =	sdelay $0x4  }
0x16c: {  	[tilespmem:s16+$0x1C960] =	vst v6  }
0x16d: {  	v6 =	vld [tilespmem:s11+$0x6BF0];
	_ =	sdelay $0x4  }
0x16e: {  	[tilespmem:s16+$0x1C970] =	vst v6  }
0x16f: {  	v6 =	vld [tilespmem:s11+$0x6F80];
	_ =	sdelay $0x4  }
0x170: {  	[tilespmem:s16+$0x1C980] =	vst v6  }
0x171: {  	v6 =	vld [tilespmem:s11+$0x6F90];
	_ =	sdelay $0x4  }
0x172: {  	[tilespmem:s16+$0x1C990] =	vst v6  }
0x173: {  	v6 =	vld [tilespmem:s11+$0x6FA0];
	_ =	sdelay $0x4  }
0x174: {  	[tilespmem:s16+$0x1C9A0] =	vst v6  }
0x175: {  	v6 =	vld [tilespmem:s11+$0x6FB0];
	_ =	sdelay $0x4  }
0x176: {  	[tilespmem:s16+$0x1C9B0] =	vst v6  }
0x177: {  	v6 =	vld [tilespmem:s11+$0x6FC0];
	_ =	sdelay $0x4  }
0x178: {  	[tilespmem:s16+$0x1C9C0] =	vst v6  }
0x179: {  	v6 =	vld [tilespmem:s11+$0x6FD0];
	_ =	sdelay $0x4  }
0x17a: {  	[tilespmem:s16+$0x1C9D0] =	vst v6  }
0x17b: {  	v6 =	vld [tilespmem:s11+$0x6FE0];
	_ =	sdelay $0x4  }
0x17c: {  	[tilespmem:s16+$0x1C9E0] =	vst v6  }
0x17d: {  	v6 =	vld [tilespmem:s11+$0x6FF0]  }
.Ltmp4:
0x17e: {  	_ = 	snop;
	(pc) =	sbr.rel .LBB2_5-.Ltmp4, $2  }
0x17f: {  	_ =	sdelay $0x2  }
0x180: {  	[tilespmem:s16+$0x1C9F0] =	vst v6  }
.LBB2_4:
0x181: {  	s0 =	rddreg [dreg:$0x4]  }
0x182: {  	[tilespmem:s4], [sflag:$0x1] =	stream.linear.gather [hbm4b:s0+s4], $0x7000, $0x38;
	[tilespmem:$0x1E800] =	vst v63  }
0x183: {  	s31 =	rddreg [dreg:$0x5];
	s1 =	simm.s32 $0x7000  }
0x184: {  	[tilespmem:s1], [sflag:$0x1] =	stream.linear.gather [hbm4b:s31+s4], $0x7000, $0x38;
	[tilespmem:$0x1E800] =	vst v63  }
.LBB2_5:
0x185: {  	_ =	swait.ge [sflag:s9], $0x7000  }
0x186: {  	[sflag:s9] =	ssyncset.done $0x0  }
0x187: {  	[sflag:s9] =	ssyncadd.s32 $0xFFFF9000  }
0x188: {  	v6 =	vld [tilespmem:s18+$0x0];
	_ =	sdelay $0x4  }
0x189: {  	[tilespmem:$0x1C000] =	vst v6  }
0x18a: {  	v6 =	vld [tilespmem:s18+$0x10];
	_ =	sdelay $0x4  }
0x18b: {  	[tilespmem:$0x1C010] =	vst v6  }
0x18c: {  	v6 =	vld [tilespmem:s18+$0x20];
	_ =	sdelay $0x4  }
0x18d: {  	[tilespmem:$0x1C020] =	vst v6  }
0x18e: {  	v6 =	vld [tilespmem:s18+$0x30];
	_ =	sdelay $0x4  }
0x18f: {  	[tilespmem:$0x1C030] =	vst v6  }
0x190: {  	v6 =	vld [tilespmem:s18+$0x40];
	_ =	sdelay $0x4  }
0x191: {  	[tilespmem:$0x1C040] =	vst v6  }
0x192: {  	v6 =	vld [tilespmem:s18+$0x50];
	_ =	sdelay $0x4  }
0x193: {  	[tilespmem:$0x1C050] =	vst v6  }
0x194: {  	v6 =	vld [tilespmem:s18+$0x60];
	_ =	sdelay $0x4  }
0x195: {  	[tilespmem:$0x1C060] =	vst v6  }
0x196: {  	v6 =	vld [tilespmem:s18+$0x70];
	_ =	sdelay $0x4  }
0x197: {  	[tilespmem:$0x1C070] =	vst v6  }
0x198: {  	v6 =	vld [tilespmem:s18+$0x400];
	_ =	sdelay $0x4  }
0x199: {  	[tilespmem:$0x1C080] =	vst v6  }
0x19a: {  	v6 =	vld [tilespmem:s18+$0x410];
	_ =	sdelay $0x4  }
0x19b: {  	[tilespmem:$0x1C090] =	vst v6  }
0x19c: {  	v6 =	vld [tilespmem:s18+$0x420];
	_ =	sdelay $0x4  }
0x19d: {  	[tilespmem:$0x1C0A0] =	vst v6  }
0x19e: {  	v6 =	vld [tilespmem:s18+$0x430];
	_ =	sdelay $0x4  }
0x19f: {  	[tilespmem:$0x1C0B0] =	vst v6  }
0x1a0: {  	v6 =	vld [tilespmem:s18+$0x440];
	_ =	sdelay $0x4  }
0x1a1: {  	[tilespmem:$0x1C0C0] =	vst v6  }
0x1a2: {  	v6 =	vld [tilespmem:s18+$0x450];
	_ =	sdelay $0x4  }
0x1a3: {  	[tilespmem:$0x1C0D0] =	vst v6  }
0x1a4: {  	v6 =	vld [tilespmem:s18+$0x460];
	_ =	sdelay $0x4  }
0x1a5: {  	[tilespmem:$0x1C0E0] =	vst v6  }
0x1a6: {  	v6 =	vld [tilespmem:s18+$0x470];
	_ =	sdelay $0x4  }
0x1a7: {  	[tilespmem:$0x1C0F0] =	vst v6  }
0x1a8: {  	v6 =	vld [tilespmem:s18+$0x800];
	_ =	sdelay $0x4  }
0x1a9: {  	[tilespmem:$0x1C100] =	vst v6  }
0x1aa: {  	v6 =	vld [tilespmem:s18+$0x810];
	_ =	sdelay $0x4  }
0x1ab: {  	[tilespmem:$0x1C110] =	vst v6  }
0x1ac: {  	v6 =	vld [tilespmem:s18+$0x820];
	_ =	sdelay $0x4  }
0x1ad: {  	[tilespmem:$0x1C120] =	vst v6  }
0x1ae: {  	v6 =	vld [tilespmem:s18+$0x830];
	_ =	sdelay $0x4  }
0x1af: {  	[tilespmem:$0x1C130] =	vst v6  }
0x1b0: {  	v6 =	vld [tilespmem:s18+$0x840];
	_ =	sdelay $0x4  }
0x1b1: {  	[tilespmem:$0x1C140] =	vst v6  }
0x1b2: {  	v6 =	vld [tilespmem:s18+$0x850];
	_ =	sdelay $0x4  }
0x1b3: {  	[tilespmem:$0x1C150] =	vst v6  }
0x1b4: {  	v6 =	vld [tilespmem:s18+$0x860];
	_ =	sdelay $0x4  }
0x1b5: {  	[tilespmem:$0x1C160] =	vst v6  }
0x1b6: {  	v6 =	vld [tilespmem:s18+$0x870];
	_ =	sdelay $0x4  }
0x1b7: {  	[tilespmem:$0x1C170] =	vst v6  }
0x1b8: {  	v6 =	vld [tilespmem:s18+$0xC00];
	_ =	sdelay $0x4  }
0x1b9: {  	[tilespmem:$0x1C180] =	vst v6  }
0x1ba: {  	v6 =	vld [tilespmem:s18+$0xC10];
	_ =	sdelay $0x4  }
0x1bb: {  	[tilespmem:$0x1C190] =	vst v6  }
0x1bc: {  	v6 =	vld [tilespmem:s18+$0xC20];
	_ =	sdelay $0x4  }
0x1bd: {  	[tilespmem:$0x1C1A0] =	vst v6  }
0x1be: {  	v6 =	vld [tilespmem:s18+$0xC30];
	_ =	sdelay $0x4  }
0x1bf: {  	[tilespmem:$0x1C1B0] =	vst v6  }
0x1c0: {  	v6 =	vld [tilespmem:s18+$0xC40];
	_ =	sdelay $0x4  }
0x1c1: {  	[tilespmem:$0x1C1C0] =	vst v6  }
0x1c2: {  	v6 =	vld [tilespmem:s18+$0xC50];
	_ =	sdelay $0x4  }
0x1c3: {  	[tilespmem:$0x1C1D0] =	vst v6  }
0x1c4: {  	v6 =	vld [tilespmem:s18+$0xC60];
	_ =	sdelay $0x4  }
0x1c5: {  	[tilespmem:$0x1C1E0] =	vst v6  }
0x1c6: {  	v6 =	vld [tilespmem:s18+$0xC70];
	_ =	sdelay $0x4  }
0x1c7: {  	[tilespmem:$0x1C1F0] =	vst v6  }
0x1c8: {  	v6 =	vld @!p4 [tilespmem:s19+$0x0];
	_ =	sdelay $0x4  }
0x1c9: {  	[tilespmem:$0x1C200] =	vst @!p4 v6  }
0x1ca: {  	v6 =	vld @!p4 [tilespmem:s19+$0x10];
	_ =	sdelay $0x4  }
0x1cb: {  	[tilespmem:$0x1C210] =	vst @!p4 v6  }
0x1cc: {  	v6 =	vld @!p4 [tilespmem:s19+$0x20];
	_ =	sdelay $0x4  }
0x1cd: {  	[tilespmem:$0x1C220] =	vst @!p4 v6  }
0x1ce: {  	v6 =	vld @!p4 [tilespmem:s19+$0x30];
	_ =	sdelay $0x4  }
0x1cf: {  	[tilespmem:$0x1C230] =	vst @!p4 v6  }
0x1d0: {  	v6 =	vld @!p4 [tilespmem:s19+$0x40];
	_ =	sdelay $0x4  }
0x1d1: {  	[tilespmem:$0x1C240] =	vst @!p4 v6  }
0x1d2: {  	v6 =	vld @!p4 [tilespmem:s19+$0x50];
	_ =	sdelay $0x4  }
0x1d3: {  	[tilespmem:$0x1C250] =	vst @!p4 v6  }
0x1d4: {  	v6 =	vld @!p4 [tilespmem:s19+$0x60];
	_ =	sdelay $0x4  }
0x1d5: {  	[tilespmem:$0x1C260] =	vst @!p4 v6  }
0x1d6: {  	v6 =	vld @!p4 [tilespmem:s19+$0x70];
	_ =	sdelay $0x4  }
0x1d7: {  	[tilespmem:$0x1C270] =	vst @!p4 v6  }
0x1d8: {  	v6 =	vld @!p4 [tilespmem:s19+$0x400];
	_ =	sdelay $0x4  }
0x1d9: {  	[tilespmem:$0x1C280] =	vst @!p4 v6  }
0x1da: {  	v6 =	vld @!p4 [tilespmem:s19+$0x410];
	_ =	sdelay $0x4  }
0x1db: {  	[tilespmem:$0x1C290] =	vst @!p4 v6  }
0x1dc: {  	v6 =	vld @!p4 [tilespmem:s19+$0x420];
	_ =	sdelay $0x4  }
0x1dd: {  	[tilespmem:$0x1C2A0] =	vst @!p4 v6  }
0x1de: {  	v6 =	vld @!p4 [tilespmem:s19+$0x430];
	_ =	sdelay $0x4  }
0x1df: {  	[tilespmem:$0x1C2B0] =	vst @!p4 v6  }
0x1e0: {  	v6 =	vld @!p4 [tilespmem:s19+$0x440];
	_ =	sdelay $0x4  }
0x1e1: {  	[tilespmem:$0x1C2C0] =	vst @!p4 v6  }
0x1e2: {  	v6 =	vld @!p4 [tilespmem:s19+$0x450];
	_ =	sdelay $0x4  }
0x1e3: {  	[tilespmem:$0x1C2D0] =	vst @!p4 v6  }
0x1e4: {  	v6 =	vld @!p4 [tilespmem:s19+$0x460];
	_ =	sdelay $0x4  }
0x1e5: {  	[tilespmem:$0x1C2E0] =	vst @!p4 v6  }
0x1e6: {  	v6 =	vld @!p4 [tilespmem:s19+$0x470];
	_ =	sdelay $0x4  }
0x1e7: {  	[tilespmem:$0x1C2F0] =	vst @!p4 v6  }
0x1e8: {  	v6 =	vld @!p4 [tilespmem:s19+$0x800];
	_ =	sdelay $0x4  }
0x1e9: {  	[tilespmem:$0x1C300] =	vst @!p4 v6  }
0x1ea: {  	v6 =	vld @!p4 [tilespmem:s19+$0x810];
	_ =	sdelay $0x4  }
0x1eb: {  	[tilespmem:$0x1C310] =	vst @!p4 v6  }
0x1ec: {  	v6 =	vld @!p4 [tilespmem:s19+$0x820];
	_ =	sdelay $0x4  }
0x1ed: {  	[tilespmem:$0x1C320] =	vst @!p4 v6  }
0x1ee: {  	v6 =	vld @!p4 [tilespmem:s19+$0x830];
	_ =	sdelay $0x4  }
0x1ef: {  	[tilespmem:$0x1C330] =	vst @!p4 v6  }
0x1f0: {  	v6 =	vld @!p4 [tilespmem:s19+$0x840];
	_ =	sdelay $0x4  }
0x1f1: {  	[tilespmem:$0x1C340] =	vst @!p4 v6  }
0x1f2: {  	v6 =	vld @!p4 [tilespmem:s19+$0x850];
	_ =	sdelay $0x4  }
0x1f3: {  	[tilespmem:$0x1C350] =	vst @!p4 v6  }
0x1f4: {  	v6 =	vld @!p4 [tilespmem:s19+$0x860];
	_ =	sdelay $0x4  }
0x1f5: {  	[tilespmem:$0x1C360] =	vst @!p4 v6  }
0x1f6: {  	v6 =	vld @!p4 [tilespmem:s19+$0x870];
	_ =	sdelay $0x4  }
0x1f7: {  	[tilespmem:$0x1C370] =	vst @!p4 v6  }
0x1f8: {  	v6 =	vld @!p4 [tilespmem:s19+$0xC00];
	_ =	sdelay $0x4  }
0x1f9: {  	[tilespmem:$0x1C380] =	vst @!p4 v6  }
0x1fa: {  	v6 =	vld @!p4 [tilespmem:s19+$0xC10];
	_ =	sdelay $0x4  }
0x1fb: {  	[tilespmem:$0x1C390] =	vst @!p4 v6  }
0x1fc: {  	v6 =	vld @!p4 [tilespmem:s19+$0xC20];
	_ =	sdelay $0x4  }
0x1fd: {  	[tilespmem:$0x1C3A0] =	vst @!p4 v6  }
0x1fe: {  	v6 =	vld @!p4 [tilespmem:s19+$0xC30];
	_ =	sdelay $0x4  }
0x1ff: {  	[tilespmem:$0x1C3B0] =	vst @!p4 v6  }
0x200: {  	v6 =	vld @!p4 [tilespmem:s19+$0xC40];
	_ =	sdelay $0x4  }
0x201: {  	[tilespmem:$0x1C3C0] =	vst @!p4 v6  }
0x202: {  	v6 =	vld @!p4 [tilespmem:s19+$0xC50];
	_ =	sdelay $0x4  }
0x203: {  	[tilespmem:$0x1C3D0] =	vst @!p4 v6  }
0x204: {  	v6 =	vld @!p4 [tilespmem:s19+$0xC60];
	_ =	sdelay $0x4  }
0x205: {  	[tilespmem:$0x1C3E0] =	vst @!p4 v6  }
0x206: {  	v6 =	vld @!p4 [tilespmem:s19+$0xC70]  }
.Ltmp5:
0x207: {  	_ = 	snop;
	(pc) =	sbr.rel @p5 .LBB2_7-.Ltmp5, $2  }
0x208: {  	_ =	sdelay $0x2  }
0x209: {  	[tilespmem:$0x1C3F0] =	vst @!p4 v6  }
0x20a: {  	v6 =	vld [tilespmem:$0x6300]  }
0x20b: {  	v7 =	vld [tilespmem:$0x6310]  }
0x20c: {  	v8 =	vld [tilespmem:$0x6320]  }
0x20d: {  	v9 =	vld [tilespmem:$0x6330]  }
0x20e: {  	v10 =	vld [tilespmem:$0x6340]  }
0x20f: {  	[tilespmem:$0x1C400] =	vst v6;
	v6 =	vld [tilespmem:$0x6350]  }
0x210: {  	v62 =	vld [tilespmem:$0x6370];
	[tilespmem:$0x1C410] =	vst v7  }
0x211: {  	v63 =	vld [tilespmem:$0x6700];
	[tilespmem:$0x1C420] =	vst v8  }
0x212: {  	v12 =	vld [tilespmem:$0x6710];
	[tilespmem:$0x1C430] =	vst v9  }
0x213: {  	v7 =	vld [tilespmem:$0x6360];
	[tilespmem:$0x1C440] =	vst v10  }
0x214: {  	[tilespmem:$0x1C450] =	vst v6;
	v6 =	vld [tilespmem:$0x6720]  }
0x215: {  	v13 =	vld [tilespmem:$0x6740];
	[tilespmem:$0x1C470] =	vst v62  }
0x216: {  	v14 =	vld [tilespmem:$0x6750];
	[tilespmem:$0x1C480] =	vst v63  }
0x217: {  	v15 =	vld [tilespmem:$0x6760];
	[tilespmem:$0x1C490] =	vst v12  }
0x218: {  	[tilespmem:$0x1C460] =	vst v7;
	v7 =	vld [tilespmem:$0x6730]  }
0x219: {  	[tilespmem:$0x1C4A0] =	vst v6;
	v6 =	vld [tilespmem:$0x6770]  }
0x21a: {  	v16 =	vld [tilespmem:$0x6B10];
	[tilespmem:$0x1C4C0] =	vst v13  }
0x21b: {  	v17 =	vld [tilespmem:$0x6B20];
	[tilespmem:$0x1C4D0] =	vst v14  }
0x21c: {  	v18 =	vld [tilespmem:$0x6B30];
	[tilespmem:$0x1C4E0] =	vst v15  }
0x21d: {  	[tilespmem:$0x1C4B0] =	vst v7;
	v7 =	vld [tilespmem:$0x6B00]  }
0x21e: {  	[tilespmem:$0x1C4F0] =	vst v6;
	v6 =	vld [tilespmem:$0x6B40]  }
0x21f: {  	v19 =	vld [tilespmem:$0x6B60];
	[tilespmem:$0x1C510] =	vst v16  }
0x220: {  	v20 =	vld [tilespmem:$0x6B70];
	[tilespmem:$0x1C520] =	vst v17  }
0x221: {  	v21 =	vld [tilespmem:$0x6F00];
	[tilespmem:$0x1C530] =	vst v18  }
0x222: {  	[tilespmem:$0x1C500] =	vst v7;
	v7 =	vld [tilespmem:$0x6B50]  }
0x223: {  	[tilespmem:$0x1C540] =	vst v6;
	v6 =	vld [tilespmem:$0x6F10]  }
0x224: {  	v22 =	vld [tilespmem:$0x6F30];
	[tilespmem:$0x1C560] =	vst v19  }
0x225: {  	v23 =	vld [tilespmem:$0x6F40];
	[tilespmem:$0x1C570] =	vst v20  }
0x226: {  	v24 =	vld [tilespmem:$0x6F50];
	[tilespmem:$0x1C580] =	vst v21  }
0x227: {  	[tilespmem:$0x1C550] =	vst v7;
	v7 =	vld [tilespmem:$0x6F20]  }
0x228: {  	[tilespmem:$0x1C590] =	vst v6;
	v6 =	vld [tilespmem:$0x6F60]  }
0x229: {  	v25 =	vld [tilespmem:$0x5080];
	[tilespmem:$0x1C5B0] =	vst v22  }
0x22a: {  	v26 =	vld [tilespmem:$0x5090];
	[tilespmem:$0x1C5C0] =	vst v23  }
0x22b: {  	v27 =	vld [tilespmem:$0x50A0];
	[tilespmem:$0x1C5D0] =	vst v24  }
0x22c: {  	[tilespmem:$0x1C5A0] =	vst v7;
	v7 =	vld [tilespmem:$0x6F70]  }
0x22d: {  	[tilespmem:$0x1C5E0] =	vst v6;
	v6 =	vld [tilespmem:$0x50B0]  }
0x22e: {  	v28 =	vld [tilespmem:$0x50D0];
	[tilespmem:$0x1C600] =	vst v25  }
0x22f: {  	v29 =	vld [tilespmem:$0x50E0];
	[tilespmem:$0x1C610] =	vst v26  }
0x230: {  	v30 =	vld [tilespmem:$0x50F0];
	[tilespmem:$0x1C620] =	vst v27  }
0x231: {  	[tilespmem:$0x1C5F0] =	vst v7;
	v7 =	vld [tilespmem:$0x50C0]  }
0x232: {  	[tilespmem:$0x1C630] =	vst v6;
	v6 =	vld [tilespmem:$0x5480]  }
0x233: {  	v31 =	vld [tilespmem:$0x54A0];
	[tilespmem:$0x1C650] =	vst v28  }
0x234: {  	v32 =	vld [tilespmem:$0x54B0];
	[tilespmem:$0x1C660] =	vst v29  }
0x235: {  	v33 =	vld [tilespmem:$0x54C0];
	[tilespmem:$0x1C670] =	vst v30  }
0x236: {  	[tilespmem:$0x1C640] =	vst v7;
	v7 =	vld [tilespmem:$0x5490]  }
0x237: {  	[tilespmem:$0x1C680] =	vst v6;
	v6 =	vld [tilespmem:$0x54D0]  }
0x238: {  	v34 =	vld [tilespmem:$0x54F0];
	[tilespmem:$0x1C6A0] =	vst v31  }
0x239: {  	v35 =	vld [tilespmem:$0x5880];
	[tilespmem:$0x1C6B0] =	vst v32  }
0x23a: {  	v36 =	vld [tilespmem:$0x5890];
	[tilespmem:$0x1C6C0] =	vst v33  }
0x23b: {  	[tilespmem:$0x1C690] =	vst v7;
	v7 =	vld [tilespmem:$0x54E0]  }
0x23c: {  	[tilespmem:$0x1C6D0] =	vst v6;
	v6 =	vld [tilespmem:$0x58A0]  }
0x23d: {  	v37 =	vld [tilespmem:$0x58C0];
	[tilespmem:$0x1C6F0] =	vst v34  }
0x23e: {  	v38 =	vld [tilespmem:$0x58D0];
	[tilespmem:$0x1C700] =	vst v35  }
0x23f: {  	v39 =	vld [tilespmem:$0x58E0];
	[tilespmem:$0x1C710] =	vst v36  }
0x240: {  	[tilespmem:$0x1C6E0] =	vst v7;
	v7 =	vld [tilespmem:$0x58B0]  }
0x241: {  	[tilespmem:$0x1C720] =	vst v6;
	v6 =	vld [tilespmem:$0x58F0]  }
0x242: {  	v40 =	vld [tilespmem:$0x5C90];
	[tilespmem:$0x1C740] =	vst v37  }
0x243: {  	v41 =	vld [tilespmem:$0x5CA0];
	[tilespmem:$0x1C750] =	vst v38  }
0x244: {  	v42 =	vld [tilespmem:$0x5CB0];
	[tilespmem:$0x1C760] =	vst v39  }
0x245: {  	[tilespmem:$0x1C730] =	vst v7;
	v7 =	vld [tilespmem:$0x5C80]  }
0x246: {  	[tilespmem:$0x1C770] =	vst v6;
	v6 =	vld [tilespmem:$0x5CC0]  }
0x247: {  	v43 =	vld [tilespmem:$0x5CE0];
	[tilespmem:$0x1C790] =	vst v40  }
0x248: {  	v44 =	vld [tilespmem:$0x5CF0];
	[tilespmem:$0x1C7A0] =	vst v41  }
0x249: {  	v45 =	vld [tilespmem:$0x6380];
	[tilespmem:$0x1C7B0] =	vst v42  }
0x24a: {  	[tilespmem:$0x1C780] =	vst v7;
	v7 =	vld [tilespmem:$0x5CD0]  }
0x24b: {  	[tilespmem:$0x1C7C0] =	vst v6;
	v6 =	vld [tilespmem:$0x6390]  }
0x24c: {  	v46 =	vld [tilespmem:$0x63B0];
	[tilespmem:$0x1C7E0] =	vst v43  }
0x24d: {  	v47 =	vld [tilespmem:$0x63C0];
	[tilespmem:$0x1C7F0] =	vst v44  }
0x24e: {  	v48 =	vld [tilespmem:$0x63D0];
	[tilespmem:$0x1C800] =	vst v45  }
0x24f: {  	[tilespmem:$0x1C7D0] =	vst v7;
	v7 =	vld [tilespmem:$0x63A0]  }
0x250: {  	[tilespmem:$0x1C810] =	vst v6;
	v6 =	vld [tilespmem:$0x63E0]  }
0x251: {  	v49 =	vld [tilespmem:$0x6780];
	[tilespmem:$0x1C830] =	vst v46  }
0x252: {  	v50 =	vld [tilespmem:$0x6790];
	[tilespmem:$0x1C840] =	vst v47  }
0x253: {  	v51 =	vld [tilespmem:$0x67A0];
	[tilespmem:$0x1C850] =	vst v48  }
0x254: {  	[tilespmem:$0x1C820] =	vst v7;
	v7 =	vld [tilespmem:$0x63F0]  }
0x255: {  	[tilespmem:$0x1C860] =	vst v6;
	v6 =	vld [tilespmem:$0x67B0]  }
0x256: {  	v52 =	vld [tilespmem:$0x67D0];
	[tilespmem:$0x1C880] =	vst v49  }
0x257: {  	v53 =	vld [tilespmem:$0x67E0];
	[tilespmem:$0x1C890] =	vst v50  }
0x258: {  	v54 =	vld [tilespmem:$0x67F0];
	[tilespmem:$0x1C8A0] =	vst v51  }
0x259: {  	[tilespmem:$0x1C870] =	vst v7;
	v7 =	vld [tilespmem:$0x67C0]  }
0x25a: {  	[tilespmem:$0x1C8B0] =	vst v6;
	v6 =	vld [tilespmem:$0x6B80]  }
0x25b: {  	v55 =	vld [tilespmem:$0x6BA0];
	[tilespmem:$0x1C8D0] =	vst v52  }
0x25c: {  	v56 =	vld [tilespmem:$0x6BB0];
	[tilespmem:$0x1C8E0] =	vst v53  }
0x25d: {  	v57 =	vld [tilespmem:$0x6BC0];
	[tilespmem:$0x1C8F0] =	vst v54  }
0x25e: {  	[tilespmem:$0x1C8C0] =	vst v7;
	v7 =	vld [tilespmem:$0x6B90]  }
0x25f: {  	[tilespmem:$0x1C900] =	vst v6;
	v6 =	vld [tilespmem:$0x6BD0]  }
0x260: {  	v58 =	vld [tilespmem:$0x6BF0];
	[tilespmem:$0x1C920] =	vst v55  }
0x261: {  	v59 =	vld [tilespmem:$0x6F80];
	[tilespmem:$0x1C930] =	vst v56  }
0x262: {  	v60 =	vld [tilespmem:$0x6F90];
	[tilespmem:$0x1C940] =	vst v57  }
0x263: {  	[tilespmem:$0x1C910] =	vst v7;
	v7 =	vld [tilespmem:$0x6BE0]  }
0x264: {  	[tilespmem:$0x1C950] =	vst v6;
	v6 =	vld [tilespmem:$0x6FA0]  }
0x265: {  	v61 =	vld [tilespmem:$0x6FC0];
	[tilespmem:$0x1C970] =	vst v58  }
0x266: {  	[tilespmem:$0x1C980] =	vst v59;
	v62 =	vld [tilespmem:$0x6FD0]  }
0x267: {  	[tilespmem:$0x1C990] =	vst v60;
	v63 =	vld [tilespmem:$0x6FE0]  }
0x268: {  	[tilespmem:$0x1C960] =	vst v7;
	v7 =	vld [tilespmem:$0x6FB0]  }
0x269: {  	[tilespmem:$0x1C9A0] =	vst v6;
	v6 =	vld [tilespmem:$0x6FF0]  }
0x26a: {  	[tilespmem:$0x1C9C0] =	vst v61  }
0x26b: {  	[tilespmem:$0x1C9D0] =	vst v62  }
0x26c: {  	[tilespmem:$0x1C9E0] =	vst v63  }
0x26d: {  	[tilespmem:$0x1C9B0] =	vst v7  }
0x26e: {  	[tilespmem:$0x1C9F0] =	vst v6  }
.LBB2_7:
0x26f: {  	s0 =	sld [smem:$0x7FC];
	_ =	sdelay $0x2  }
0x270: {  	p0 =	seq.s32 s0, $0x1  }
.Ltmp6:
0x271: {  	_ = 	snop;
	(pc) =	sbr.rel @p0 .LBB2_13-.Ltmp6, $1  }
0x272: {  	_ =	sdelay $0x3  }
0x273: {  	s12 =	sld [smem:$0x7FD];
	_ =	sdelay $0x2  }
0x274: {  	p0 =	seq.s32 s12, $0x1  }
.Ltmp7:
0x275: {  	_ = 	snop;
	(pc) =	sbr.rel @p0 .LBB2_12-.Ltmp7, $2  }
0x276: {  	_ =	sdelay $0x2  }
0x277: {  	s0 =	rddreg [dreg:$0x6];
	s1 =	smov.u32 s6  }
.LBB2_9:
0x278: {  	s12 =	sadd.s32 $0x0, s0  }
0x279: {  	v6 =	vadd.s32 s12, v0;
	_ =	sdelay $0x3  }
0x27a: {  	s31 =	sshll.u32 s1, $0x9;
	s26 =	simm.s32 $0x0;
	s23 =	simm.s32 $0x10  }
0x27b: {  	s13 =	sadd.s32 $0x10, s0;
	s22 =	sadd.s32 $0x1DE00, s31;
	s12 =	simm.s32 $0x20;
	v6 =	vld.idx.msk [tilespmem:v6+s24+$0x0], $0xffff  }
.LBB2_10:
0x27c: {  	p0 =	sne.s32 s12, $0x1F0;
	v7 =	vadd.s32 s13, v0  }
0x27d: {  	s13 =	sand.u32 $0x180, s26  }
.Ltmp8:
0x27e: {  	s14 =	sand.u32 $0x70, s26;
	s13 =	sadd.s32 s13, s22;
	(pc) =	sbr.rel @p0 .LBB2_10-.Ltmp8, $4  }
0x27f: {  	s26 =	smov.u32 s23;
	s23 =	smov.u32 s12;
	s13 =	sadd.s32 s14, s13  }
0x280: {  	[tilespmem:s13+$0x0] =	vst v6  }
0x281: {  	v6 =	vld.idx.msk [tilespmem:v7+s24+$0x0], $0xffff  }
0x282: {  	s12 =	sadd.s32 $0x10, s12;
	s13 =	sadd.s32 s23, s0  }
0x283: {  	v7 =	vadd.s32 s13, v0  }
0x284: {  	s12 =	sand.u32 $0x180, s26  }
0x285: {  	s29 =	sand.u32 $0x70, s26;
	s12 =	sadd.s32 s12, s22  }
0x286: {  	s12 =	sadd.s32 s29, s12  }
0x287: {  	s1 =	sadd.s32 $0x1, s1;
	[tilespmem:s12+$0x0] =	vst v6  }
0x288: {  	p0 =	sne.s32 s1, s7;
	v6 =	vld.idx.msk [tilespmem:v7+s24+$0x0], $0xffff  }
.Ltmp9:
0x289: {  	_ = 	snop;
	(pc) =	sbr.rel @p0 .LBB2_9-.Ltmp9, $4  }
0x28a: {  	s30 =	sand.u32 $0x180, s23  }
0x28b: {  	s31 =	sand.u32 $0x70, s23;
	s12 =	sadd.s32 s30, s22  }
0x28c: {  	s12 =	sadd.s32 s31, s12  }
0x28d: {  	s0 =	sadd.s32 $0x200, s0;
	[tilespmem:s12+$0x0] =	vst v6  }
.LBB2_12:
0x28e: {  	_ =	sdelay $0x4  }
0x28f: {  	[tilespmem:v1+s24+$0x0] =	vst.idx.msk vm0, v2  }
.LBB2_13:
.Ltmp10:
0x290: {  	(pc) =	sbr.rel .LBB2_14-.Ltmp10, $2  }
0x291: {  	_ =	sdelay $0x2  }
0x292: {  	s26 =	simm.s32 $0x0  }
.LBB2_37:
0x293: {  	s26 =	sadd.s32 $0x1, s26  }
0x294: {  	s0 =	smul.u32 $0x1C000, s28;
	p0 =	sne.s32 s26, $0x40  }
.Ltmp11:
0x295: {  	_ = 	snop;
	(pc) =	sbr.rel @!p0 .LBB2_38-.Ltmp11, $4  }
0x296: {  	s0 =	sadd.s32 s8, s0  }
0x297: {  	s0 =	sshrl.u32 s0, $0x3  }
0x298: {  	s1 =	sshrl.u32 s29, $0x2;
	s0 =	sadd.s32 s3, s0  }
0x299: {  	[hbm4b:s0+s4] =	stream.linear.scatter [tilespmem:s1], [sflag:$0x2], $0x7000, $0x38;
	[tilespmem:$0x1E800] =	vst v63  }
.LBB2_14:
0x29a: {  	s28 =	sor.u32 s5, s26  }
0x29b: {  	s0 =	sadd.s32 $0x2, s28  }
0x29c: {  	p0 =	seq.s32 s26, $0x0;
	p1 =	sgt.u32 s0, s20  }
0x29d: {  	s1 =	simm.s32 @!p0 $0x2;
	s12 =	smul.u32 @!p1 $0x1C000, s0  }
0x29e: {  	_ =	swait.ge @!p0 [sflag:s1], $0x7000;
	s0 =	sand.u32 @!p1 $0x3, s0  }
0x29f: {  	[sflag:s1] =	ssyncset.done @!p0 $0x0;
	s0 =	smul.u32 @!p1 $0x1C000, s0;
	s12 =	sadd.s32 @!p1 s8, s12  }
0x2a0: {  	[sflag:s1] =	ssyncadd.s32 @!p0 $0xFFFF9000;
	s1 =	sshrl.u32 @!p1 s12, $0x3  }
0x2a1: {  	s0 =	sshrl.u32 @!p1 s0, $0x2;
	s12 =	simm.s32 @!p1 $0x0;
	s1 =	sadd.s32 @!p1 s2, s1  }
0x2a2: {  	[tilespmem:s0], [sflag:$0x1] =	stream.linear.gather @!p1 [hbm4b:s1+s12], $0x7000, $0x38;
	[tilespmem:$0x1E800] =	vst v63  }
.Ltmp12:
0x2a3: {  	s23 =	sadd.s32 $0xFFFFFFFF, s26;
	(pc) =	sbr.rel @p3 .LBB2_16-.Ltmp12, $4  }
0x2a4: {  	s0 =	sand.u32 $0x3, s23  }
0x2a5: {  	s0 =	smul.u32 $0x2800, s0  }
0x2a6: {  	s30 =	sand.u32 $0x3, s26  }
0x2a7: {  	s29 =	smul.u32 $0x1C000, s30;
	s31 =	sshrl.u32 s0, $0x2  }
0x2a8: {  	v6 =	vld [tilespmem:s31+$0x1C000];
	_ =	sdelay $0x1  }
0x2a9: {  	s0 =	smul.u32 $0x1C000, s30;
	_ =	sdelay $0x1  }
0x2aa: {  	s0 =	sshrl.u32 s0, $0x2  }
0x2ab: {  	[tilespmem:v4+s0+$0x0 ss:$0x1] =	vst.idx.msk $0xffff, v6  }
0x2ac: {  	v6 =	vld [tilespmem:s31+$0x1C010];
	_ =	sdelay $0x4  }
0x2ad: {  	[tilespmem:v4+s0+$0x10 ss:$0x1] =	vst.idx.msk $0xffff, v6  }
0x2ae: {  	v6 =	vld [tilespmem:s31+$0x1C020];
	_ =	sdelay $0x4  }
0x2af: {  	[tilespmem:v4+s0+$0x20 ss:$0x1] =	vst.idx.msk $0xffff, v6  }
0x2b0: {  	v6 =	vld [tilespmem:s31+$0x1C030];
	_ =	sdelay $0x4  }
0x2b1: {  	[tilespmem:v4+s0+$0x30 ss:$0x1] =	vst.idx.msk $0xffff, v6  }
0x2b2: {  	v6 =	vld [tilespmem:s31+$0x1C040];
	_ =	sdelay $0x4  }
0x2b3: {  	[tilespmem:v4+s0+$0x40 ss:$0x1] =	vst.idx.msk $0xffff, v6  }
0x2b4: {  	v6 =	vld [tilespmem:s31+$0x1C050];
	_ =	sdelay $0x4  }
0x2b5: {  	[tilespmem:v4+s0+$0x50 ss:$0x1] =	vst.idx.msk $0xffff, v6  }
0x2b6: {  	v6 =	vld [tilespmem:s31+$0x1C060];
	_ =	sdelay $0x4  }
0x2b7: {  	[tilespmem:v4+s0+$0x60 ss:$0x1] =	vst.idx.msk $0xffff, v6  }
0x2b8: {  	v6 =	vld [tilespmem:s31+$0x1C070];
	_ =	sdelay $0x4  }
0x2b9: {  	[tilespmem:v4+s0+$0x70 ss:$0x1] =	vst.idx.msk $0xffff, v6  }
0x2ba: {  	v6 =	vld [tilespmem:s31+$0x1C080];
	_ =	sdelay $0x4  }
0x2bb: {  	[tilespmem:v4+s0+$0x400 ss:$0x1] =	vst.idx.msk $0xffff, v6  }
0x2bc: {  	v6 =	vld [tilespmem:s31+$0x1C090];
	_ =	sdelay $0x4  }
0x2bd: {  	[tilespmem:v4+s0+$0x410 ss:$0x1] =	vst.idx.msk $0xffff, v6  }
0x2be: {  	v6 =	vld [tilespmem:s31+$0x1C0A0];
	_ =	sdelay $0x4  }
0x2bf: {  	[tilespmem:v4+s0+$0x420 ss:$0x1] =	vst.idx.msk $0xffff, v6  }
0x2c0: {  	v6 =	vld [tilespmem:s31+$0x1C0B0];
	_ =	sdelay $0x4  }
0x2c1: {  	[tilespmem:v4+s0+$0x430 ss:$0x1] =	vst.idx.msk $0xffff, v6  }
0x2c2: {  	v6 =	vld [tilespmem:s31+$0x1C0C0];
	_ =	sdelay $0x4  }
0x2c3: {  	[tilespmem:v4+s0+$0x440 ss:$0x1] =	vst.idx.msk $0xffff, v6  }
0x2c4: {  	v6 =	vld [tilespmem:s31+$0x1C0D0];
	_ =	sdelay $0x4  }
0x2c5: {  	[tilespmem:v4+s0+$0x450 ss:$0x1] =	vst.idx.msk $0xffff, v6  }
0x2c6: {  	v6 =	vld [tilespmem:s31+$0x1C0E0];
	_ =	sdelay $0x4  }
0x2c7: {  	[tilespmem:v4+s0+$0x460 ss:$0x1] =	vst.idx.msk $0xffff, v6  }
0x2c8: {  	v6 =	vld [tilespmem:s31+$0x1C0F0];
	_ =	sdelay $0x4  }
0x2c9: {  	[tilespmem:v4+s0+$0x470 ss:$0x1] =	vst.idx.msk $0xffff, v6  }
0x2ca: {  	v6 =	vld [tilespmem:s31+$0x1C100];
	_ =	sdelay $0x4  }
0x2cb: {  	[tilespmem:v4+s0+$0x800 ss:$0x1] =	vst.idx.msk $0xffff, v6  }
0x2cc: {  	v6 =	vld [tilespmem:s31+$0x1C110];
	_ =	sdelay $0x4  }
0x2cd: {  	[tilespmem:v4+s0+$0x810 ss:$0x1] =	vst.idx.msk $0xffff, v6  }
0x2ce: {  	v6 =	vld [tilespmem:s31+$0x1C120];
	_ =	sdelay $0x4  }
0x2cf: {  	[tilespmem:v4+s0+$0x820 ss:$0x1] =	vst.idx.msk $0xffff, v6  }
0x2d0: {  	v6 =	vld [tilespmem:s31+$0x1C130];
	_ =	sdelay $0x4  }
0x2d1: {  	[tilespmem:v4+s0+$0x830 ss:$0x1] =	vst.idx.msk $0xffff, v6  }
0x2d2: {  	v6 =	vld [tilespmem:s31+$0x1C140];
	_ =	sdelay $0x4  }
0x2d3: {  	[tilespmem:v4+s0+$0x840 ss:$0x1] =	vst.idx.msk $0xffff, v6  }
0x2d4: {  	v6 =	vld [tilespmem:s31+$0x1C150];
	_ =	sdelay $0x4  }
0x2d5: {  	[tilespmem:v4+s0+$0x850 ss:$0x1] =	vst.idx.msk $0xffff, v6  }
0x2d6: {  	v6 =	vld [tilespmem:s31+$0x1C160];
	_ =	sdelay $0x4  }
0x2d7: {  	[tilespmem:v4+s0+$0x860 ss:$0x1] =	vst.idx.msk $0xffff, v6  }
0x2d8: {  	v6 =	vld [tilespmem:s31+$0x1C170];
	_ =	sdelay $0x4  }
0x2d9: {  	[tilespmem:v4+s0+$0x870 ss:$0x1] =	vst.idx.msk $0xffff, v6  }
0x2da: {  	v6 =	vld [tilespmem:s31+$0x1C180];
	_ =	sdelay $0x4  }
0x2db: {  	[tilespmem:v4+s0+$0xC00 ss:$0x1] =	vst.idx.msk $0xffff, v6  }
0x2dc: {  	v6 =	vld [tilespmem:s31+$0x1C190];
	_ =	sdelay $0x4  }
0x2dd: {  	[tilespmem:v4+s0+$0xC10 ss:$0x1] =	vst.idx.msk $0xffff, v6  }
0x2de: {  	v6 =	vld [tilespmem:s31+$0x1C1A0];
	_ =	sdelay $0x4  }
0x2df: {  	[tilespmem:v4+s0+$0xC20 ss:$0x1] =	vst.idx.msk $0xffff, v6  }
0x2e0: {  	v6 =	vld [tilespmem:s31+$0x1C1B0];
	_ =	sdelay $0x4  }
0x2e1: {  	[tilespmem:v4+s0+$0xC30 ss:$0x1] =	vst.idx.msk $0xffff, v6  }
0x2e2: {  	v6 =	vld [tilespmem:s31+$0x1C1C0];
	_ =	sdelay $0x4  }
0x2e3: {  	[tilespmem:v4+s0+$0xC40 ss:$0x1] =	vst.idx.msk $0xffff, v6  }
0x2e4: {  	v6 =	vld [tilespmem:s31+$0x1C1D0];
	_ =	sdelay $0x4  }
0x2e5: {  	[tilespmem:v4+s0+$0xC50 ss:$0x1] =	vst.idx.msk $0xffff, v6  }
0x2e6: {  	v6 =	vld [tilespmem:s31+$0x1C1E0];
	_ =	sdelay $0x4  }
0x2e7: {  	[tilespmem:v4+s0+$0xC60 ss:$0x1] =	vst.idx.msk $0xffff, v6  }
0x2e8: {  	v6 =	vld [tilespmem:s31+$0x1C1F0];
	_ =	sdelay $0x4  }
0x2e9: {  	[tilespmem:v4+s0+$0xC70 ss:$0x1] =	vst.idx.msk $0xffff, v6  }
.LBB2_16:
0x2ea: {  	s0 =	sld [smem:$0x7F9];
	_ =	sdelay $0x2  }
0x2eb: {  	p0 =	seq.s32 s0, $0x1  }
.Ltmp13:
0x2ec: {  	_ = 	snop;
	(pc) =	sbr.rel @!p0 .LBB2_18-.Ltmp13, $1  }
0x2ed: {  	_ =	sdelay $0x3  }
0x2ee: {  	v6 =	vld [tilespmem:s31+$0x1C200];
	_ =	sdelay $0x1  }
0x2ef: {  	s0 =	smul.u32 $0x1C000, s30;
	_ =	sdelay $0x1  }
0x2f0: {  	s0 =	sshrl.u32 s0, $0x2  }
0x2f1: {  	[tilespmem:v5+s0+$0x0 ss:$0x1] =	vst.idx.msk $0xffff, v6  }
0x2f2: {  	v6 =	vld [tilespmem:s31+$0x1C210];
	_ =	sdelay $0x4  }
0x2f3: {  	[tilespmem:v5+s0+$0x10 ss:$0x1] =	vst.idx.msk $0xffff, v6  }
0x2f4: {  	v6 =	vld [tilespmem:s31+$0x1C220];
	_ =	sdelay $0x4  }
0x2f5: {  	[tilespmem:v5+s0+$0x20 ss:$0x1] =	vst.idx.msk $0xffff, v6  }
0x2f6: {  	v6 =	vld [tilespmem:s31+$0x1C230];
	_ =	sdelay $0x4  }
0x2f7: {  	[tilespmem:v5+s0+$0x30 ss:$0x1] =	vst.idx.msk $0xffff, v6  }
0x2f8: {  	v6 =	vld [tilespmem:s31+$0x1C240];
	_ =	sdelay $0x4  }
0x2f9: {  	[tilespmem:v5+s0+$0x40 ss:$0x1] =	vst.idx.msk $0xffff, v6  }
0x2fa: {  	v6 =	vld [tilespmem:s31+$0x1C250];
	_ =	sdelay $0x4  }
0x2fb: {  	[tilespmem:v5+s0+$0x50 ss:$0x1] =	vst.idx.msk $0xffff, v6  }
0x2fc: {  	v6 =	vld [tilespmem:s31+$0x1C260];
	_ =	sdelay $0x4  }
0x2fd: {  	[tilespmem:v5+s0+$0x60 ss:$0x1] =	vst.idx.msk $0xffff, v6  }
0x2fe: {  	v6 =	vld [tilespmem:s31+$0x1C270];
	_ =	sdelay $0x4  }
0x2ff: {  	[tilespmem:v5+s0+$0x70 ss:$0x1] =	vst.idx.msk $0xffff, v6  }
0x300: {  	v6 =	vld [tilespmem:s31+$0x1C280];
	_ =	sdelay $0x4  }
0x301: {  	[tilespmem:v5+s0+$0x400 ss:$0x1] =	vst.idx.msk $0xffff, v6  }
0x302: {  	v6 =	vld [tilespmem:s31+$0x1C290];
	_ =	sdelay $0x4  }
0x303: {  	[tilespmem:v5+s0+$0x410 ss:$0x1] =	vst.idx.msk $0xffff, v6  }
0x304: {  	v6 =	vld [tilespmem:s31+$0x1C2A0];
	_ =	sdelay $0x4  }
0x305: {  	[tilespmem:v5+s0+$0x420 ss:$0x1] =	vst.idx.msk $0xffff, v6  }
0x306: {  	v6 =	vld [tilespmem:s31+$0x1C2B0];
	_ =	sdelay $0x4  }
0x307: {  	[tilespmem:v5+s0+$0x430 ss:$0x1] =	vst.idx.msk $0xffff, v6  }
0x308: {  	v6 =	vld [tilespmem:s31+$0x1C2C0];
	_ =	sdelay $0x4  }
0x309: {  	[tilespmem:v5+s0+$0x440 ss:$0x1] =	vst.idx.msk $0xffff, v6  }
0x30a: {  	v6 =	vld [tilespmem:s31+$0x1C2D0];
	_ =	sdelay $0x4  }
0x30b: {  	[tilespmem:v5+s0+$0x450 ss:$0x1] =	vst.idx.msk $0xffff, v6  }
0x30c: {  	v6 =	vld [tilespmem:s31+$0x1C2E0];
	_ =	sdelay $0x4  }
0x30d: {  	[tilespmem:v5+s0+$0x460 ss:$0x1] =	vst.idx.msk $0xffff, v6  }
0x30e: {  	v6 =	vld [tilespmem:s31+$0x1C2F0];
	_ =	sdelay $0x4  }
0x30f: {  	[tilespmem:v5+s0+$0x470 ss:$0x1] =	vst.idx.msk $0xffff, v6  }
0x310: {  	v6 =	vld [tilespmem:s31+$0x1C300];
	_ =	sdelay $0x4  }
0x311: {  	[tilespmem:v5+s0+$0x800 ss:$0x1] =	vst.idx.msk $0xffff, v6  }
0x312: {  	v6 =	vld [tilespmem:s31+$0x1C310];
	_ =	sdelay $0x4  }
0x313: {  	[tilespmem:v5+s0+$0x810 ss:$0x1] =	vst.idx.msk $0xffff, v6  }
0x314: {  	v6 =	vld [tilespmem:s31+$0x1C320];
	_ =	sdelay $0x4  }
0x315: {  	[tilespmem:v5+s0+$0x820 ss:$0x1] =	vst.idx.msk $0xffff, v6  }
0x316: {  	v6 =	vld [tilespmem:s31+$0x1C330];
	_ =	sdelay $0x4  }
0x317: {  	[tilespmem:v5+s0+$0x830 ss:$0x1] =	vst.idx.msk $0xffff, v6  }
0x318: {  	v6 =	vld [tilespmem:s31+$0x1C340];
	_ =	sdelay $0x4  }
0x319: {  	[tilespmem:v5+s0+$0x840 ss:$0x1] =	vst.idx.msk $0xffff, v6  }
0x31a: {  	v6 =	vld [tilespmem:s31+$0x1C350];
	_ =	sdelay $0x4  }
0x31b: {  	[tilespmem:v5+s0+$0x850 ss:$0x1] =	vst.idx.msk $0xffff, v6  }
0x31c: {  	v6 =	vld [tilespmem:s31+$0x1C360];
	_ =	sdelay $0x4  }
0x31d: {  	[tilespmem:v5+s0+$0x860 ss:$0x1] =	vst.idx.msk $0xffff, v6  }
0x31e: {  	v6 =	vld [tilespmem:s31+$0x1C370];
	_ =	sdelay $0x4  }
0x31f: {  	[tilespmem:v5+s0+$0x870 ss:$0x1] =	vst.idx.msk $0xffff, v6  }
0x320: {  	v6 =	vld [tilespmem:s31+$0x1C380];
	_ =	sdelay $0x4  }
0x321: {  	[tilespmem:v5+s0+$0xC00 ss:$0x1] =	vst.idx.msk $0xffff, v6  }
0x322: {  	v6 =	vld [tilespmem:s31+$0x1C390];
	_ =	sdelay $0x4  }
0x323: {  	[tilespmem:v5+s0+$0xC10 ss:$0x1] =	vst.idx.msk $0xffff, v6  }
0x324: {  	v6 =	vld [tilespmem:s31+$0x1C3A0];
	_ =	sdelay $0x4  }
0x325: {  	[tilespmem:v5+s0+$0xC20 ss:$0x1] =	vst.idx.msk $0xffff, v6  }
0x326: {  	v6 =	vld [tilespmem:s31+$0x1C3B0];
	_ =	sdelay $0x4  }
0x327: {  	[tilespmem:v5+s0+$0xC30 ss:$0x1] =	vst.idx.msk $0xffff, v6  }
0x328: {  	v6 =	vld [tilespmem:s31+$0x1C3C0];
	_ =	sdelay $0x4  }
0x329: {  	[tilespmem:v5+s0+$0xC40 ss:$0x1] =	vst.idx.msk $0xffff, v6  }
0x32a: {  	v6 =	vld [tilespmem:s31+$0x1C3D0];
	_ =	sdelay $0x4  }
0x32b: {  	[tilespmem:v5+s0+$0xC50 ss:$0x1] =	vst.idx.msk $0xffff, v6  }
0x32c: {  	v6 =	vld [tilespmem:s31+$0x1C3E0];
	_ =	sdelay $0x4  }
0x32d: {  	[tilespmem:v5+s0+$0xC60 ss:$0x1] =	vst.idx.msk $0xffff, v6  }
0x32e: {  	v6 =	vld [tilespmem:s31+$0x1C3F0];
	_ =	sdelay $0x4  }
0x32f: {  	[tilespmem:v5+s0+$0xC70 ss:$0x1] =	vst.idx.msk $0xffff, v6  }
.LBB2_18:
0x330: {  	s0 =	sld [smem:$0x7FA];
	_ =	sdelay $0x2  }
0x331: {  	p0 =	seq.s32 s0, $0x1  }
.Ltmp14:
0x332: {  	_ = 	snop;
	(pc) =	sbr.rel @!p0 .LBB2_20-.Ltmp14, $1  }
0x333: {  	_ =	sdelay $0x3  }
0x334: {  	v6 =	vld [tilespmem:s31+$0x1C400];
	_ =	sdelay $0x1  }
0x335: {  	s0 =	smul.u32 $0x1C000, s30;
	_ =	sdelay $0x1  }
0x336: {  	s0 =	sshrl.u32 s0, $0x2  }
0x337: {  	[tilespmem:s0+$0x6300] =	vst v6  }
0x338: {  	v6 =	vld [tilespmem:s31+$0x1C410];
	_ =	sdelay $0x4  }
0x339: {  	[tilespmem:s0+$0x6310] =	vst v6  }
0x33a: {  	v6 =	vld [tilespmem:s31+$0x1C420];
	_ =	sdelay $0x4  }
0x33b: {  	[tilespmem:s0+$0x6320] =	vst v6  }
0x33c: {  	v6 =	vld [tilespmem:s31+$0x1C430];
	_ =	sdelay $0x4  }
0x33d: {  	[tilespmem:s0+$0x6330] =	vst v6  }
0x33e: {  	v6 =	vld [tilespmem:s31+$0x1C440];
	_ =	sdelay $0x4  }
0x33f: {  	[tilespmem:s0+$0x6340] =	vst v6  }
0x340: {  	v6 =	vld [tilespmem:s31+$0x1C450];
	_ =	sdelay $0x4  }
0x341: {  	[tilespmem:s0+$0x6350] =	vst v6  }
0x342: {  	v6 =	vld [tilespmem:s31+$0x1C460];
	_ =	sdelay $0x4  }
0x343: {  	[tilespmem:s0+$0x6360] =	vst v6  }
0x344: {  	v6 =	vld [tilespmem:s31+$0x1C470];
	_ =	sdelay $0x4  }
0x345: {  	[tilespmem:s0+$0x6370] =	vst v6  }
0x346: {  	v6 =	vld [tilespmem:s31+$0x1C480];
	_ =	sdelay $0x4  }
0x347: {  	[tilespmem:s0+$0x6700] =	vst v6  }
0x348: {  	v6 =	vld [tilespmem:s31+$0x1C490];
	_ =	sdelay $0x4  }
0x349: {  	[tilespmem:s0+$0x6710] =	vst v6  }
0x34a: {  	v6 =	vld [tilespmem:s31+$0x1C4A0];
	_ =	sdelay $0x4  }
0x34b: {  	[tilespmem:s0+$0x6720] =	vst v6  }
0x34c: {  	v6 =	vld [tilespmem:s31+$0x1C4B0];
	_ =	sdelay $0x4  }
0x34d: {  	[tilespmem:s0+$0x6730] =	vst v6  }
0x34e: {  	v6 =	vld [tilespmem:s31+$0x1C4C0];
	_ =	sdelay $0x4  }
0x34f: {  	[tilespmem:s0+$0x6740] =	vst v6  }
0x350: {  	v6 =	vld [tilespmem:s31+$0x1C4D0];
	_ =	sdelay $0x4  }
0x351: {  	[tilespmem:s0+$0x6750] =	vst v6  }
0x352: {  	v6 =	vld [tilespmem:s31+$0x1C4E0];
	_ =	sdelay $0x4  }
0x353: {  	[tilespmem:s0+$0x6760] =	vst v6  }
0x354: {  	v6 =	vld [tilespmem:s31+$0x1C4F0];
	_ =	sdelay $0x4  }
0x355: {  	[tilespmem:s0+$0x6770] =	vst v6  }
0x356: {  	v6 =	vld [tilespmem:s31+$0x1C500];
	_ =	sdelay $0x4  }
0x357: {  	[tilespmem:s0+$0x6B00] =	vst v6  }
0x358: {  	v6 =	vld [tilespmem:s31+$0x1C510];
	_ =	sdelay $0x4  }
0x359: {  	[tilespmem:s0+$0x6B10] =	vst v6  }
0x35a: {  	v6 =	vld [tilespmem:s31+$0x1C520];
	_ =	sdelay $0x4  }
0x35b: {  	[tilespmem:s0+$0x6B20] =	vst v6  }
0x35c: {  	v6 =	vld [tilespmem:s31+$0x1C530];
	_ =	sdelay $0x4  }
0x35d: {  	[tilespmem:s0+$0x6B30] =	vst v6  }
0x35e: {  	v6 =	vld [tilespmem:s31+$0x1C540];
	_ =	sdelay $0x4  }
0x35f: {  	[tilespmem:s0+$0x6B40] =	vst v6  }
0x360: {  	v6 =	vld [tilespmem:s31+$0x1C550];
	_ =	sdelay $0x4  }
0x361: {  	[tilespmem:s0+$0x6B50] =	vst v6  }
0x362: {  	v6 =	vld [tilespmem:s31+$0x1C560];
	_ =	sdelay $0x4  }
0x363: {  	[tilespmem:s0+$0x6B60] =	vst v6  }
0x364: {  	v6 =	vld [tilespmem:s31+$0x1C570];
	_ =	sdelay $0x4  }
0x365: {  	[tilespmem:s0+$0x6B70] =	vst v6  }
0x366: {  	v6 =	vld [tilespmem:s31+$0x1C580];
	_ =	sdelay $0x4  }
0x367: {  	[tilespmem:s0+$0x6F00] =	vst v6  }
0x368: {  	v6 =	vld [tilespmem:s31+$0x1C590];
	_ =	sdelay $0x4  }
0x369: {  	[tilespmem:s0+$0x6F10] =	vst v6  }
0x36a: {  	v6 =	vld [tilespmem:s31+$0x1C5A0];
	_ =	sdelay $0x4  }
0x36b: {  	[tilespmem:s0+$0x6F20] =	vst v6  }
0x36c: {  	v6 =	vld [tilespmem:s31+$0x1C5B0];
	_ =	sdelay $0x4  }
0x36d: {  	[tilespmem:s0+$0x6F30] =	vst v6  }
0x36e: {  	v6 =	vld [tilespmem:s31+$0x1C5C0];
	_ =	sdelay $0x4  }
0x36f: {  	[tilespmem:s0+$0x6F40] =	vst v6  }
0x370: {  	v6 =	vld [tilespmem:s31+$0x1C5D0];
	_ =	sdelay $0x4  }
0x371: {  	[tilespmem:s0+$0x6F50] =	vst v6  }
0x372: {  	v6 =	vld [tilespmem:s31+$0x1C5E0];
	_ =	sdelay $0x4  }
0x373: {  	[tilespmem:s0+$0x6F60] =	vst v6  }
0x374: {  	v6 =	vld [tilespmem:s31+$0x1C5F0]  }
.Ltmp15:
0x375: {  	_ = 	snop;
	(pc) =	sbr.rel .LBB2_21-.Ltmp15, $2  }
0x376: {  	_ =	sdelay $0x2  }
0x377: {  	[tilespmem:s0+$0x6F70] =	vst v6  }
.LBB2_20:
.Ltmp16:
0x378: {  	(pc) =	sbr.rel @p5 .LBB2_22-.Ltmp16, $1  }
0x379: {  	_ =	sdelay $0x3  }
.LBB2_21:
0x37a: {  	v6 =	vld [tilespmem:s31+$0x1C600];
	_ =	sdelay $0x1  }
0x37b: {  	s0 =	smul.u32 $0x1C000, s30;
	_ =	sdelay $0x1  }
0x37c: {  	s0 =	sshrl.u32 s0, $0x2  }
0x37d: {  	[tilespmem:s0+$0x5080] =	vst v6  }
0x37e: {  	v6 =	vld [tilespmem:s31+$0x1C610];
	_ =	sdelay $0x4  }
0x37f: {  	[tilespmem:s0+$0x5090] =	vst v6  }
0x380: {  	v6 =	vld [tilespmem:s31+$0x1C620];
	_ =	sdelay $0x4  }
0x381: {  	[tilespmem:s0+$0x50A0] =	vst v6  }
0x382: {  	v6 =	vld [tilespmem:s31+$0x1C630];
	_ =	sdelay $0x4  }
0x383: {  	[tilespmem:s0+$0x50B0] =	vst v6  }
0x384: {  	v6 =	vld [tilespmem:s31+$0x1C640];
	_ =	sdelay $0x4  }
0x385: {  	[tilespmem:s0+$0x50C0] =	vst v6  }
0x386: {  	v6 =	vld [tilespmem:s31+$0x1C650];
	_ =	sdelay $0x4  }
0x387: {  	[tilespmem:s0+$0x50D0] =	vst v6  }
0x388: {  	v6 =	vld [tilespmem:s31+$0x1C660];
	_ =	sdelay $0x4  }
0x389: {  	[tilespmem:s0+$0x50E0] =	vst v6  }
0x38a: {  	v6 =	vld [tilespmem:s31+$0x1C670];
	_ =	sdelay $0x4  }
0x38b: {  	[tilespmem:s0+$0x50F0] =	vst v6  }
0x38c: {  	v6 =	vld [tilespmem:s31+$0x1C680];
	_ =	sdelay $0x4  }
0x38d: {  	[tilespmem:s0+$0x5480] =	vst v6  }
0x38e: {  	v6 =	vld [tilespmem:s31+$0x1C690];
	_ =	sdelay $0x4  }
0x38f: {  	[tilespmem:s0+$0x5490] =	vst v6  }
0x390: {  	v6 =	vld [tilespmem:s31+$0x1C6A0];
	_ =	sdelay $0x4  }
0x391: {  	[tilespmem:s0+$0x54A0] =	vst v6  }
0x392: {  	v6 =	vld [tilespmem:s31+$0x1C6B0];
	_ =	sdelay $0x4  }
0x393: {  	[tilespmem:s0+$0x54B0] =	vst v6  }
0x394: {  	v6 =	vld [tilespmem:s31+$0x1C6C0];
	_ =	sdelay $0x4  }
0x395: {  	[tilespmem:s0+$0x54C0] =	vst v6  }
0x396: {  	v6 =	vld [tilespmem:s31+$0x1C6D0];
	_ =	sdelay $0x4  }
0x397: {  	[tilespmem:s0+$0x54D0] =	vst v6  }
0x398: {  	v6 =	vld [tilespmem:s31+$0x1C6E0];
	_ =	sdelay $0x4  }
0x399: {  	[tilespmem:s0+$0x54E0] =	vst v6  }
0x39a: {  	v6 =	vld [tilespmem:s31+$0x1C6F0];
	_ =	sdelay $0x4  }
0x39b: {  	[tilespmem:s0+$0x54F0] =	vst v6  }
0x39c: {  	v6 =	vld [tilespmem:s31+$0x1C700];
	_ =	sdelay $0x4  }
0x39d: {  	[tilespmem:s0+$0x5880] =	vst v6  }
0x39e: {  	v6 =	vld [tilespmem:s31+$0x1C710];
	_ =	sdelay $0x4  }
0x39f: {  	[tilespmem:s0+$0x5890] =	vst v6  }
0x3a0: {  	v6 =	vld [tilespmem:s31+$0x1C720];
	_ =	sdelay $0x4  }
0x3a1: {  	[tilespmem:s0+$0x58A0] =	vst v6  }
0x3a2: {  	v6 =	vld [tilespmem:s31+$0x1C730];
	_ =	sdelay $0x4  }
0x3a3: {  	[tilespmem:s0+$0x58B0] =	vst v6  }
0x3a4: {  	v6 =	vld [tilespmem:s31+$0x1C740];
	_ =	sdelay $0x4  }
0x3a5: {  	[tilespmem:s0+$0x58C0] =	vst v6  }
0x3a6: {  	v6 =	vld [tilespmem:s31+$0x1C750];
	_ =	sdelay $0x4  }
0x3a7: {  	[tilespmem:s0+$0x58D0] =	vst v6  }
0x3a8: {  	v6 =	vld [tilespmem:s31+$0x1C760];
	_ =	sdelay $0x4  }
0x3a9: {  	[tilespmem:s0+$0x58E0] =	vst v6  }
0x3aa: {  	v6 =	vld [tilespmem:s31+$0x1C770];
	_ =	sdelay $0x4  }
0x3ab: {  	[tilespmem:s0+$0x58F0] =	vst v6  }
0x3ac: {  	v6 =	vld [tilespmem:s31+$0x1C780];
	_ =	sdelay $0x4  }
0x3ad: {  	[tilespmem:s0+$0x5C80] =	vst v6  }
0x3ae: {  	v6 =	vld [tilespmem:s31+$0x1C790];
	_ =	sdelay $0x4  }
0x3af: {  	[tilespmem:s0+$0x5C90] =	vst v6  }
0x3b0: {  	v6 =	vld [tilespmem:s31+$0x1C7A0];
	_ =	sdelay $0x4  }
0x3b1: {  	[tilespmem:s0+$0x5CA0] =	vst v6  }
0x3b2: {  	v6 =	vld [tilespmem:s31+$0x1C7B0];
	_ =	sdelay $0x4  }
0x3b3: {  	[tilespmem:s0+$0x5CB0] =	vst v6  }
0x3b4: {  	v6 =	vld [tilespmem:s31+$0x1C7C0];
	_ =	sdelay $0x4  }
0x3b5: {  	[tilespmem:s0+$0x5CC0] =	vst v6  }
0x3b6: {  	v6 =	vld [tilespmem:s31+$0x1C7D0];
	_ =	sdelay $0x4  }
0x3b7: {  	[tilespmem:s0+$0x5CD0] =	vst v6  }
0x3b8: {  	v6 =	vld [tilespmem:s31+$0x1C7E0];
	_ =	sdelay $0x4  }
0x3b9: {  	[tilespmem:s0+$0x5CE0] =	vst v6  }
0x3ba: {  	v6 =	vld [tilespmem:s31+$0x1C7F0];
	_ =	sdelay $0x4  }
0x3bb: {  	[tilespmem:s0+$0x5CF0] =	vst v6  }
0x3bc: {  	v6 =	vld [tilespmem:s31+$0x1C800];
	_ =	sdelay $0x4  }
0x3bd: {  	[tilespmem:s0+$0x6380] =	vst v6  }
0x3be: {  	v6 =	vld [tilespmem:s31+$0x1C810];
	_ =	sdelay $0x4  }
0x3bf: {  	[tilespmem:s0+$0x6390] =	vst v6  }
0x3c0: {  	v6 =	vld [tilespmem:s31+$0x1C820];
	_ =	sdelay $0x4  }
0x3c1: {  	[tilespmem:s0+$0x63A0] =	vst v6  }
0x3c2: {  	v6 =	vld [tilespmem:s31+$0x1C830];
	_ =	sdelay $0x4  }
0x3c3: {  	[tilespmem:s0+$0x63B0] =	vst v6  }
0x3c4: {  	v6 =	vld [tilespmem:s31+$0x1C840];
	_ =	sdelay $0x4  }
0x3c5: {  	[tilespmem:s0+$0x63C0] =	vst v6  }
0x3c6: {  	v6 =	vld [tilespmem:s31+$0x1C850];
	_ =	sdelay $0x4  }
0x3c7: {  	[tilespmem:s0+$0x63D0] =	vst v6  }
0x3c8: {  	v6 =	vld [tilespmem:s31+$0x1C860];
	_ =	sdelay $0x4  }
0x3c9: {  	[tilespmem:s0+$0x63E0] =	vst v6  }
0x3ca: {  	v6 =	vld [tilespmem:s31+$0x1C870];
	_ =	sdelay $0x4  }
0x3cb: {  	[tilespmem:s0+$0x63F0] =	vst v6  }
0x3cc: {  	v6 =	vld [tilespmem:s31+$0x1C880];
	_ =	sdelay $0x4  }
0x3cd: {  	[tilespmem:s0+$0x6780] =	vst v6  }
0x3ce: {  	v6 =	vld [tilespmem:s31+$0x1C890];
	_ =	sdelay $0x4  }
0x3cf: {  	[tilespmem:s0+$0x6790] =	vst v6  }
0x3d0: {  	v6 =	vld [tilespmem:s31+$0x1C8A0];
	_ =	sdelay $0x4  }
0x3d1: {  	[tilespmem:s0+$0x67A0] =	vst v6  }
0x3d2: {  	v6 =	vld [tilespmem:s31+$0x1C8B0];
	_ =	sdelay $0x4  }
0x3d3: {  	[tilespmem:s0+$0x67B0] =	vst v6  }
0x3d4: {  	v6 =	vld [tilespmem:s31+$0x1C8C0];
	_ =	sdelay $0x4  }
0x3d5: {  	[tilespmem:s0+$0x67C0] =	vst v6  }
0x3d6: {  	v6 =	vld [tilespmem:s31+$0x1C8D0];
	_ =	sdelay $0x4  }
0x3d7: {  	[tilespmem:s0+$0x67D0] =	vst v6  }
0x3d8: {  	v6 =	vld [tilespmem:s31+$0x1C8E0];
	_ =	sdelay $0x4  }
0x3d9: {  	[tilespmem:s0+$0x67E0] =	vst v6  }
0x3da: {  	v6 =	vld [tilespmem:s31+$0x1C8F0];
	_ =	sdelay $0x4  }
0x3db: {  	[tilespmem:s0+$0x67F0] =	vst v6  }
0x3dc: {  	v6 =	vld [tilespmem:s31+$0x1C900];
	_ =	sdelay $0x4  }
0x3dd: {  	[tilespmem:s0+$0x6B80] =	vst v6  }
0x3de: {  	v6 =	vld [tilespmem:s31+$0x1C910];
	_ =	sdelay $0x4  }
0x3df: {  	[tilespmem:s0+$0x6B90] =	vst v6  }
0x3e0: {  	v6 =	vld [tilespmem:s31+$0x1C920];
	_ =	sdelay $0x4  }
0x3e1: {  	[tilespmem:s0+$0x6BA0] =	vst v6  }
0x3e2: {  	v6 =	vld [tilespmem:s31+$0x1C930];
	_ =	sdelay $0x4  }
0x3e3: {  	[tilespmem:s0+$0x6BB0] =	vst v6  }
0x3e4: {  	v6 =	vld [tilespmem:s31+$0x1C940];
	_ =	sdelay $0x4  }
0x3e5: {  	[tilespmem:s0+$0x6BC0] =	vst v6  }
0x3e6: {  	v6 =	vld [tilespmem:s31+$0x1C950];
	_ =	sdelay $0x4  }
0x3e7: {  	[tilespmem:s0+$0x6BD0] =	vst v6  }
0x3e8: {  	v6 =	vld [tilespmem:s31+$0x1C960];
	_ =	sdelay $0x4  }
0x3e9: {  	[tilespmem:s0+$0x6BE0] =	vst v6  }
0x3ea: {  	v6 =	vld [tilespmem:s31+$0x1C970];
	_ =	sdelay $0x4  }
0x3eb: {  	[tilespmem:s0+$0x6BF0] =	vst v6  }
0x3ec: {  	v6 =	vld [tilespmem:s31+$0x1C980];
	_ =	sdelay $0x4  }
0x3ed: {  	[tilespmem:s0+$0x6F80] =	vst v6  }
0x3ee: {  	v6 =	vld [tilespmem:s31+$0x1C990];
	_ =	sdelay $0x4  }
0x3ef: {  	[tilespmem:s0+$0x6F90] =	vst v6  }
0x3f0: {  	v6 =	vld [tilespmem:s31+$0x1C9A0];
	_ =	sdelay $0x4  }
0x3f1: {  	[tilespmem:s0+$0x6FA0] =	vst v6  }
0x3f2: {  	v6 =	vld [tilespmem:s31+$0x1C9B0];
	_ =	sdelay $0x4  }
0x3f3: {  	[tilespmem:s0+$0x6FB0] =	vst v6  }
0x3f4: {  	v6 =	vld [tilespmem:s31+$0x1C9C0];
	_ =	sdelay $0x4  }
0x3f5: {  	[tilespmem:s0+$0x6FC0] =	vst v6  }
0x3f6: {  	v6 =	vld [tilespmem:s31+$0x1C9D0];
	_ =	sdelay $0x4  }
0x3f7: {  	[tilespmem:s0+$0x6FD0] =	vst v6  }
0x3f8: {  	v6 =	vld [tilespmem:s31+$0x1C9E0];
	_ =	sdelay $0x4  }
0x3f9: {  	[tilespmem:s0+$0x6FE0] =	vst v6  }
0x3fa: {  	v6 =	vld [tilespmem:s31+$0x1C9F0];
	_ =	sdelay $0x4  }
0x3fb: {  	[tilespmem:s0+$0x6FF0] =	vst v6  }
.LBB2_22:
0x3fc: {  	p0 =	sge.u32 s28, s20  }
.Ltmp17:
0x3fd: {  	_ = 	snop;
	(pc) =	sbr.rel @p0 .LBB2_27-.Ltmp17, $3  }
0x3fe: {  	_ =	sdelay $0x1  }
0x3ff: {  	s1 =	sadd.s32 $0x1, s28  }
0x400: {  	s31 =	sand.u32 $0x3, s1  }
0x401: {  	_ = 	snop  }
0x402: {  	_ =	swait.ge [sflag:s9], $0x7000;
	s0 =	smul.u32 $0x1C000, s31  }
0x403: {  	[sflag:s9] =	ssyncset.done $0x0  }
0x404: {  	[sflag:s9] =	ssyncadd.s32 $0xFFFF9000;
	s0 =	sshrl.u32 s0, $0x2  }
0x405: {  	v6 =	vld.idx.msk [tilespmem:v4+s0+$0x0 ss:$0x1], $0xffff;
	_ =	sdelay $0x1  }
0x406: {  	s12 =	smul.u32 $0x2800, s31;
	_ =	sdelay $0x1  }
0x407: {  	s22 =	sshrl.u32 s12, $0x2  }
0x408: {  	[tilespmem:s22+$0x1C000] =	vst v6  }
0x409: {  	v6 =	vld.idx.msk [tilespmem:v4+s0+$0x10 ss:$0x1], $0xffff;
	_ =	sdelay $0x4  }
0x40a: {  	[tilespmem:s22+$0x1C010] =	vst v6  }
0x40b: {  	v6 =	vld.idx.msk [tilespmem:v4+s0+$0x20 ss:$0x1], $0xffff;
	_ =	sdelay $0x4  }
0x40c: {  	[tilespmem:s22+$0x1C020] =	vst v6  }
0x40d: {  	v6 =	vld.idx.msk [tilespmem:v4+s0+$0x30 ss:$0x1], $0xffff;
	_ =	sdelay $0x4  }
0x40e: {  	[tilespmem:s22+$0x1C030] =	vst v6  }
0x40f: {  	v6 =	vld.idx.msk [tilespmem:v4+s0+$0x40 ss:$0x1], $0xffff;
	_ =	sdelay $0x4  }
0x410: {  	[tilespmem:s22+$0x1C040] =	vst v6  }
0x411: {  	v6 =	vld.idx.msk [tilespmem:v4+s0+$0x50 ss:$0x1], $0xffff;
	_ =	sdelay $0x4  }
0x412: {  	[tilespmem:s22+$0x1C050] =	vst v6  }
0x413: {  	v6 =	vld.idx.msk [tilespmem:v4+s0+$0x60 ss:$0x1], $0xffff;
	_ =	sdelay $0x4  }
0x414: {  	[tilespmem:s22+$0x1C060] =	vst v6  }
0x415: {  	v6 =	vld.idx.msk [tilespmem:v4+s0+$0x70 ss:$0x1], $0xffff;
	_ =	sdelay $0x4  }
0x416: {  	[tilespmem:s22+$0x1C070] =	vst v6  }
0x417: {  	v6 =	vld.idx.msk [tilespmem:v4+s0+$0x400 ss:$0x1], $0xffff;
	_ =	sdelay $0x4  }
0x418: {  	[tilespmem:s22+$0x1C080] =	vst v6  }
0x419: {  	v6 =	vld.idx.msk [tilespmem:v4+s0+$0x410 ss:$0x1], $0xffff;
	_ =	sdelay $0x4  }
0x41a: {  	[tilespmem:s22+$0x1C090] =	vst v6  }
0x41b: {  	v6 =	vld.idx.msk [tilespmem:v4+s0+$0x420 ss:$0x1], $0xffff;
	_ =	sdelay $0x4  }
0x41c: {  	[tilespmem:s22+$0x1C0A0] =	vst v6  }
0x41d: {  	v6 =	vld.idx.msk [tilespmem:v4+s0+$0x430 ss:$0x1], $0xffff;
	_ =	sdelay $0x4  }
0x41e: {  	[tilespmem:s22+$0x1C0B0] =	vst v6  }
0x41f: {  	v6 =	vld.idx.msk [tilespmem:v4+s0+$0x440 ss:$0x1], $0xffff;
	_ =	sdelay $0x4  }
0x420: {  	[tilespmem:s22+$0x1C0C0] =	vst v6  }
0x421: {  	v6 =	vld.idx.msk [tilespmem:v4+s0+$0x450 ss:$0x1], $0xffff;
	_ =	sdelay $0x4  }
0x422: {  	[tilespmem:s22+$0x1C0D0] =	vst v6  }
0x423: {  	v6 =	vld.idx.msk [tilespmem:v4+s0+$0x460 ss:$0x1], $0xffff;
	_ =	sdelay $0x4  }
0x424: {  	[tilespmem:s22+$0x1C0E0] =	vst v6  }
0x425: {  	v6 =	vld.idx.msk [tilespmem:v4+s0+$0x470 ss:$0x1], $0xffff;
	_ =	sdelay $0x4  }
0x426: {  	[tilespmem:s22+$0x1C0F0] =	vst v6  }
0x427: {  	v6 =	vld.idx.msk [tilespmem:v4+s0+$0x800 ss:$0x1], $0xffff;
	_ =	sdelay $0x4  }
0x428: {  	[tilespmem:s22+$0x1C100] =	vst v6  }
0x429: {  	v6 =	vld.idx.msk [tilespmem:v4+s0+$0x810 ss:$0x1], $0xffff;
	_ =	sdelay $0x4  }
0x42a: {  	[tilespmem:s22+$0x1C110] =	vst v6  }
0x42b: {  	v6 =	vld.idx.msk [tilespmem:v4+s0+$0x820 ss:$0x1], $0xffff;
	_ =	sdelay $0x4  }
0x42c: {  	[tilespmem:s22+$0x1C120] =	vst v6  }
0x42d: {  	v6 =	vld.idx.msk [tilespmem:v4+s0+$0x830 ss:$0x1], $0xffff;
	_ =	sdelay $0x4  }
0x42e: {  	[tilespmem:s22+$0x1C130] =	vst v6  }
0x42f: {  	v6 =	vld.idx.msk [tilespmem:v4+s0+$0x840 ss:$0x1], $0xffff;
	_ =	sdelay $0x4  }
0x430: {  	[tilespmem:s22+$0x1C140] =	vst v6  }
0x431: {  	v6 =	vld.idx.msk [tilespmem:v4+s0+$0x850 ss:$0x1], $0xffff;
	_ =	sdelay $0x4  }
0x432: {  	[tilespmem:s22+$0x1C150] =	vst v6  }
0x433: {  	v6 =	vld.idx.msk [tilespmem:v4+s0+$0x860 ss:$0x1], $0xffff;
	_ =	sdelay $0x4  }
0x434: {  	[tilespmem:s22+$0x1C160] =	vst v6  }
0x435: {  	v6 =	vld.idx.msk [tilespmem:v4+s0+$0x870 ss:$0x1], $0xffff;
	_ =	sdelay $0x4  }
0x436: {  	[tilespmem:s22+$0x1C170] =	vst v6  }
0x437: {  	v6 =	vld.idx.msk [tilespmem:v4+s0+$0xC00 ss:$0x1], $0xffff;
	_ =	sdelay $0x4  }
0x438: {  	[tilespmem:s22+$0x1C180] =	vst v6  }
0x439: {  	v6 =	vld.idx.msk [tilespmem:v4+s0+$0xC10 ss:$0x1], $0xffff;
	_ =	sdelay $0x4  }
0x43a: {  	[tilespmem:s22+$0x1C190] =	vst v6  }
0x43b: {  	v6 =	vld.idx.msk [tilespmem:v4+s0+$0xC20 ss:$0x1], $0xffff;
	_ =	sdelay $0x4  }
0x43c: {  	[tilespmem:s22+$0x1C1A0] =	vst v6  }
0x43d: {  	v6 =	vld.idx.msk [tilespmem:v4+s0+$0xC30 ss:$0x1], $0xffff;
	_ =	sdelay $0x4  }
0x43e: {  	[tilespmem:s22+$0x1C1B0] =	vst v6  }
0x43f: {  	v6 =	vld.idx.msk [tilespmem:v4+s0+$0xC40 ss:$0x1], $0xffff;
	_ =	sdelay $0x4  }
0x440: {  	[tilespmem:s22+$0x1C1C0] =	vst v6  }
0x441: {  	v6 =	vld.idx.msk [tilespmem:v4+s0+$0xC50 ss:$0x1], $0xffff;
	_ =	sdelay $0x4  }
0x442: {  	[tilespmem:s22+$0x1C1D0] =	vst v6  }
0x443: {  	v6 =	vld.idx.msk [tilespmem:v4+s0+$0xC60 ss:$0x1], $0xffff;
	_ =	sdelay $0x4  }
0x444: {  	[tilespmem:s22+$0x1C1E0] =	vst v6  }
0x445: {  	v6 =	vld.idx.msk [tilespmem:v4+s0+$0xC70 ss:$0x1], $0xffff  }
.Ltmp18:
0x446: {  	_ = 	snop;
	(pc) =	sbr.rel @p4 .LBB2_25-.Ltmp18, $2  }
0x447: {  	_ =	sdelay $0x2  }
0x448: {  	[tilespmem:s22+$0x1C1F0] =	vst v6  }
0x449: {  	_ =	sdelay $0x3  }
0x44a: {  	v6 =	vld.idx.msk [tilespmem:v5+s0+$0x0 ss:$0x1], $0xffff;
	_ =	sdelay $0x4  }
0x44b: {  	[tilespmem:s22+$0x1C200] =	vst v6  }
0x44c: {  	v6 =	vld.idx.msk [tilespmem:v5+s0+$0x10 ss:$0x1], $0xffff;
	_ =	sdelay $0x4  }
0x44d: {  	[tilespmem:s22+$0x1C210] =	vst v6  }
0x44e: {  	v6 =	vld.idx.msk [tilespmem:v5+s0+$0x20 ss:$0x1], $0xffff;
	_ =	sdelay $0x4  }
0x44f: {  	[tilespmem:s22+$0x1C220] =	vst v6  }
0x450: {  	v6 =	vld.idx.msk [tilespmem:v5+s0+$0x30 ss:$0x1], $0xffff;
	_ =	sdelay $0x4  }
0x451: {  	[tilespmem:s22+$0x1C230] =	vst v6  }
0x452: {  	v6 =	vld.idx.msk [tilespmem:v5+s0+$0x40 ss:$0x1], $0xffff;
	_ =	sdelay $0x4  }
0x453: {  	[tilespmem:s22+$0x1C240] =	vst v6  }
0x454: {  	v6 =	vld.idx.msk [tilespmem:v5+s0+$0x50 ss:$0x1], $0xffff;
	_ =	sdelay $0x4  }
0x455: {  	[tilespmem:s22+$0x1C250] =	vst v6  }
0x456: {  	v6 =	vld.idx.msk [tilespmem:v5+s0+$0x60 ss:$0x1], $0xffff;
	_ =	sdelay $0x4  }
0x457: {  	[tilespmem:s22+$0x1C260] =	vst v6  }
0x458: {  	v6 =	vld.idx.msk [tilespmem:v5+s0+$0x70 ss:$0x1], $0xffff;
	_ =	sdelay $0x4  }
0x459: {  	[tilespmem:s22+$0x1C270] =	vst v6  }
0x45a: {  	v6 =	vld.idx.msk [tilespmem:v5+s0+$0x400 ss:$0x1], $0xffff;
	_ =	sdelay $0x4  }
0x45b: {  	[tilespmem:s22+$0x1C280] =	vst v6  }
0x45c: {  	v6 =	vld.idx.msk [tilespmem:v5+s0+$0x410 ss:$0x1], $0xffff;
	_ =	sdelay $0x4  }
0x45d: {  	[tilespmem:s22+$0x1C290] =	vst v6  }
0x45e: {  	v6 =	vld.idx.msk [tilespmem:v5+s0+$0x420 ss:$0x1], $0xffff;
	_ =	sdelay $0x4  }
0x45f: {  	[tilespmem:s22+$0x1C2A0] =	vst v6  }
0x460: {  	v6 =	vld.idx.msk [tilespmem:v5+s0+$0x430 ss:$0x1], $0xffff;
	_ =	sdelay $0x4  }
0x461: {  	[tilespmem:s22+$0x1C2B0] =	vst v6  }
0x462: {  	v6 =	vld.idx.msk [tilespmem:v5+s0+$0x440 ss:$0x1], $0xffff;
	_ =	sdelay $0x4  }
0x463: {  	[tilespmem:s22+$0x1C2C0] =	vst v6  }
0x464: {  	v6 =	vld.idx.msk [tilespmem:v5+s0+$0x450 ss:$0x1], $0xffff;
	_ =	sdelay $0x4  }
0x465: {  	[tilespmem:s22+$0x1C2D0] =	vst v6  }
0x466: {  	v6 =	vld.idx.msk [tilespmem:v5+s0+$0x460 ss:$0x1], $0xffff;
	_ =	sdelay $0x4  }
0x467: {  	[tilespmem:s22+$0x1C2E0] =	vst v6  }
0x468: {  	v6 =	vld.idx.msk [tilespmem:v5+s0+$0x470 ss:$0x1], $0xffff;
	_ =	sdelay $0x4  }
0x469: {  	[tilespmem:s22+$0x1C2F0] =	vst v6  }
0x46a: {  	v6 =	vld.idx.msk [tilespmem:v5+s0+$0x800 ss:$0x1], $0xffff;
	_ =	sdelay $0x4  }
0x46b: {  	[tilespmem:s22+$0x1C300] =	vst v6  }
0x46c: {  	v6 =	vld.idx.msk [tilespmem:v5+s0+$0x810 ss:$0x1], $0xffff;
	_ =	sdelay $0x4  }
0x46d: {  	[tilespmem:s22+$0x1C310] =	vst v6  }
0x46e: {  	v6 =	vld.idx.msk [tilespmem:v5+s0+$0x820 ss:$0x1], $0xffff;
	_ =	sdelay $0x4  }
0x46f: {  	[tilespmem:s22+$0x1C320] =	vst v6  }
0x470: {  	v6 =	vld.idx.msk [tilespmem:v5+s0+$0x830 ss:$0x1], $0xffff;
	_ =	sdelay $0x4  }
0x471: {  	[tilespmem:s22+$0x1C330] =	vst v6  }
0x472: {  	v6 =	vld.idx.msk [tilespmem:v5+s0+$0x840 ss:$0x1], $0xffff;
	_ =	sdelay $0x4  }
0x473: {  	[tilespmem:s22+$0x1C340] =	vst v6  }
0x474: {  	v6 =	vld.idx.msk [tilespmem:v5+s0+$0x850 ss:$0x1], $0xffff;
	_ =	sdelay $0x4  }
0x475: {  	[tilespmem:s22+$0x1C350] =	vst v6  }
0x476: {  	v6 =	vld.idx.msk [tilespmem:v5+s0+$0x860 ss:$0x1], $0xffff;
	_ =	sdelay $0x4  }
0x477: {  	[tilespmem:s22+$0x1C360] =	vst v6  }
0x478: {  	v6 =	vld.idx.msk [tilespmem:v5+s0+$0x870 ss:$0x1], $0xffff;
	_ =	sdelay $0x4  }
0x479: {  	[tilespmem:s22+$0x1C370] =	vst v6  }
0x47a: {  	v6 =	vld.idx.msk [tilespmem:v5+s0+$0xC00 ss:$0x1], $0xffff;
	_ =	sdelay $0x4  }
0x47b: {  	[tilespmem:s22+$0x1C380] =	vst v6  }
0x47c: {  	v6 =	vld.idx.msk [tilespmem:v5+s0+$0xC10 ss:$0x1], $0xffff;
	_ =	sdelay $0x4  }
0x47d: {  	[tilespmem:s22+$0x1C390] =	vst v6  }
0x47e: {  	v6 =	vld.idx.msk [tilespmem:v5+s0+$0xC20 ss:$0x1], $0xffff;
	_ =	sdelay $0x4  }
0x47f: {  	[tilespmem:s22+$0x1C3A0] =	vst v6  }
0x480: {  	v6 =	vld.idx.msk [tilespmem:v5+s0+$0xC30 ss:$0x1], $0xffff;
	_ =	sdelay $0x4  }
0x481: {  	[tilespmem:s22+$0x1C3B0] =	vst v6  }
0x482: {  	v6 =	vld.idx.msk [tilespmem:v5+s0+$0xC40 ss:$0x1], $0xffff;
	_ =	sdelay $0x4  }
0x483: {  	[tilespmem:s22+$0x1C3C0] =	vst v6  }
0x484: {  	v6 =	vld.idx.msk [tilespmem:v5+s0+$0xC50 ss:$0x1], $0xffff;
	_ =	sdelay $0x4  }
0x485: {  	[tilespmem:s22+$0x1C3D0] =	vst v6  }
0x486: {  	v6 =	vld.idx.msk [tilespmem:v5+s0+$0xC60 ss:$0x1], $0xffff;
	_ =	sdelay $0x4  }
0x487: {  	[tilespmem:s22+$0x1C3E0] =	vst v6  }
0x488: {  	v6 =	vld.idx.msk [tilespmem:v5+s0+$0xC70 ss:$0x1], $0xffff;
	_ =	sdelay $0x4  }
0x489: {  	[tilespmem:s22+$0x1C3F0] =	vst v6  }
.LBB2_25:
.Ltmp19:
0x48a: {  	(pc) =	sbr.rel @p5 .LBB2_27-.Ltmp19, $1  }
0x48b: {  	_ =	sdelay $0x3  }
0x48c: {  	v6 =	vld [tilespmem:s0+$0x6300];
	_ =	sdelay $0x4  }
0x48d: {  	[tilespmem:s22+$0x1C400] =	vst v6  }
0x48e: {  	v6 =	vld [tilespmem:s0+$0x6310];
	_ =	sdelay $0x4  }
0x48f: {  	[tilespmem:s22+$0x1C410] =	vst v6  }
0x490: {  	v6 =	vld [tilespmem:s0+$0x6320];
	_ =	sdelay $0x4  }
0x491: {  	[tilespmem:s22+$0x1C420] =	vst v6  }
0x492: {  	v6 =	vld [tilespmem:s0+$0x6330];
	_ =	sdelay $0x4  }
0x493: {  	[tilespmem:s22+$0x1C430] =	vst v6  }
0x494: {  	v6 =	vld [tilespmem:s0+$0x6340];
	_ =	sdelay $0x4  }
0x495: {  	[tilespmem:s22+$0x1C440] =	vst v6  }
0x496: {  	v6 =	vld [tilespmem:s0+$0x6350];
	_ =	sdelay $0x4  }
0x497: {  	[tilespmem:s22+$0x1C450] =	vst v6  }
0x498: {  	v6 =	vld [tilespmem:s0+$0x6360];
	_ =	sdelay $0x4  }
0x499: {  	[tilespmem:s22+$0x1C460] =	vst v6  }
0x49a: {  	v6 =	vld [tilespmem:s0+$0x6370];
	_ =	sdelay $0x4  }
0x49b: {  	[tilespmem:s22+$0x1C470] =	vst v6  }
0x49c: {  	v6 =	vld [tilespmem:s0+$0x6700];
	_ =	sdelay $0x4  }
0x49d: {  	[tilespmem:s22+$0x1C480] =	vst v6  }
0x49e: {  	v6 =	vld [tilespmem:s0+$0x6710];
	_ =	sdelay $0x4  }
0x49f: {  	[tilespmem:s22+$0x1C490] =	vst v6  }
0x4a0: {  	v6 =	vld [tilespmem:s0+$0x6720];
	_ =	sdelay $0x4  }
0x4a1: {  	[tilespmem:s22+$0x1C4A0] =	vst v6  }
0x4a2: {  	v6 =	vld [tilespmem:s0+$0x6730];
	_ =	sdelay $0x4  }
0x4a3: {  	[tilespmem:s22+$0x1C4B0] =	vst v6  }
0x4a4: {  	v6 =	vld [tilespmem:s0+$0x6740];
	_ =	sdelay $0x4  }
0x4a5: {  	[tilespmem:s22+$0x1C4C0] =	vst v6  }
0x4a6: {  	v6 =	vld [tilespmem:s0+$0x6750];
	_ =	sdelay $0x4  }
0x4a7: {  	[tilespmem:s22+$0x1C4D0] =	vst v6  }
0x4a8: {  	v6 =	vld [tilespmem:s0+$0x6760];
	_ =	sdelay $0x4  }
0x4a9: {  	[tilespmem:s22+$0x1C4E0] =	vst v6  }
0x4aa: {  	v6 =	vld [tilespmem:s0+$0x6770];
	_ =	sdelay $0x4  }
0x4ab: {  	[tilespmem:s22+$0x1C4F0] =	vst v6  }
0x4ac: {  	v6 =	vld [tilespmem:s0+$0x6B00];
	_ =	sdelay $0x4  }
0x4ad: {  	[tilespmem:s22+$0x1C500] =	vst v6  }
0x4ae: {  	v6 =	vld [tilespmem:s0+$0x6B10];
	_ =	sdelay $0x4  }
0x4af: {  	[tilespmem:s22+$0x1C510] =	vst v6  }
0x4b0: {  	v6 =	vld [tilespmem:s0+$0x6B20];
	_ =	sdelay $0x4  }
0x4b1: {  	[tilespmem:s22+$0x1C520] =	vst v6  }
0x4b2: {  	v6 =	vld [tilespmem:s0+$0x6B30];
	_ =	sdelay $0x4  }
0x4b3: {  	[tilespmem:s22+$0x1C530] =	vst v6  }
0x4b4: {  	v6 =	vld [tilespmem:s0+$0x6B40];
	_ =	sdelay $0x4  }
0x4b5: {  	[tilespmem:s22+$0x1C540] =	vst v6  }
0x4b6: {  	v6 =	vld [tilespmem:s0+$0x6B50];
	_ =	sdelay $0x4  }
0x4b7: {  	[tilespmem:s22+$0x1C550] =	vst v6  }
0x4b8: {  	v6 =	vld [tilespmem:s0+$0x6B60];
	_ =	sdelay $0x4  }
0x4b9: {  	[tilespmem:s22+$0x1C560] =	vst v6  }
0x4ba: {  	v6 =	vld [tilespmem:s0+$0x6B70];
	_ =	sdelay $0x4  }
0x4bb: {  	[tilespmem:s22+$0x1C570] =	vst v6  }
0x4bc: {  	v6 =	vld [tilespmem:s0+$0x6F00];
	_ =	sdelay $0x4  }
0x4bd: {  	[tilespmem:s22+$0x1C580] =	vst v6  }
0x4be: {  	v6 =	vld [tilespmem:s0+$0x6F10];
	_ =	sdelay $0x4  }
0x4bf: {  	[tilespmem:s22+$0x1C590] =	vst v6  }
0x4c0: {  	v6 =	vld [tilespmem:s0+$0x6F20];
	_ =	sdelay $0x4  }
0x4c1: {  	[tilespmem:s22+$0x1C5A0] =	vst v6  }
0x4c2: {  	v6 =	vld [tilespmem:s0+$0x6F30];
	_ =	sdelay $0x4  }
0x4c3: {  	[tilespmem:s22+$0x1C5B0] =	vst v6  }
0x4c4: {  	v6 =	vld [tilespmem:s0+$0x6F40];
	_ =	sdelay $0x4  }
0x4c5: {  	[tilespmem:s22+$0x1C5C0] =	vst v6  }
0x4c6: {  	v6 =	vld [tilespmem:s0+$0x6F50];
	_ =	sdelay $0x4  }
0x4c7: {  	[tilespmem:s22+$0x1C5D0] =	vst v6  }
0x4c8: {  	v6 =	vld [tilespmem:s0+$0x6F60];
	_ =	sdelay $0x4  }
0x4c9: {  	[tilespmem:s22+$0x1C5E0] =	vst v6  }
0x4ca: {  	v6 =	vld [tilespmem:s0+$0x6F70];
	_ =	sdelay $0x4  }
0x4cb: {  	[tilespmem:s22+$0x1C5F0] =	vst v6  }
0x4cc: {  	v6 =	vld [tilespmem:s0+$0x5080];
	_ =	sdelay $0x4  }
0x4cd: {  	[tilespmem:s22+$0x1C600] =	vst v6  }
0x4ce: {  	v6 =	vld [tilespmem:s0+$0x5090];
	_ =	sdelay $0x4  }
0x4cf: {  	[tilespmem:s22+$0x1C610] =	vst v6  }
0x4d0: {  	v6 =	vld [tilespmem:s0+$0x50A0];
	_ =	sdelay $0x4  }
0x4d1: {  	[tilespmem:s22+$0x1C620] =	vst v6  }
0x4d2: {  	v6 =	vld [tilespmem:s0+$0x50B0];
	_ =	sdelay $0x4  }
0x4d3: {  	[tilespmem:s22+$0x1C630] =	vst v6  }
0x4d4: {  	v6 =	vld [tilespmem:s0+$0x50C0];
	_ =	sdelay $0x4  }
0x4d5: {  	[tilespmem:s22+$0x1C640] =	vst v6  }
0x4d6: {  	v6 =	vld [tilespmem:s0+$0x50D0];
	_ =	sdelay $0x4  }
0x4d7: {  	[tilespmem:s22+$0x1C650] =	vst v6  }
0x4d8: {  	v6 =	vld [tilespmem:s0+$0x50E0];
	_ =	sdelay $0x4  }
0x4d9: {  	[tilespmem:s22+$0x1C660] =	vst v6  }
0x4da: {  	v6 =	vld [tilespmem:s0+$0x50F0];
	_ =	sdelay $0x4  }
0x4db: {  	[tilespmem:s22+$0x1C670] =	vst v6  }
0x4dc: {  	v6 =	vld [tilespmem:s0+$0x5480];
	_ =	sdelay $0x4  }
0x4dd: {  	[tilespmem:s22+$0x1C680] =	vst v6  }
0x4de: {  	v6 =	vld [tilespmem:s0+$0x5490];
	_ =	sdelay $0x4  }
0x4df: {  	[tilespmem:s22+$0x1C690] =	vst v6  }
0x4e0: {  	v6 =	vld [tilespmem:s0+$0x54A0];
	_ =	sdelay $0x4  }
0x4e1: {  	[tilespmem:s22+$0x1C6A0] =	vst v6  }
0x4e2: {  	v6 =	vld [tilespmem:s0+$0x54B0];
	_ =	sdelay $0x4  }
0x4e3: {  	[tilespmem:s22+$0x1C6B0] =	vst v6  }
0x4e4: {  	v6 =	vld [tilespmem:s0+$0x54C0];
	_ =	sdelay $0x4  }
0x4e5: {  	[tilespmem:s22+$0x1C6C0] =	vst v6  }
0x4e6: {  	v6 =	vld [tilespmem:s0+$0x54D0];
	_ =	sdelay $0x4  }
0x4e7: {  	[tilespmem:s22+$0x1C6D0] =	vst v6  }
0x4e8: {  	v6 =	vld [tilespmem:s0+$0x54E0];
	_ =	sdelay $0x4  }
0x4e9: {  	[tilespmem:s22+$0x1C6E0] =	vst v6  }
0x4ea: {  	v6 =	vld [tilespmem:s0+$0x54F0];
	_ =	sdelay $0x4  }
0x4eb: {  	[tilespmem:s22+$0x1C6F0] =	vst v6  }
0x4ec: {  	v6 =	vld [tilespmem:s0+$0x5880];
	_ =	sdelay $0x4  }
0x4ed: {  	[tilespmem:s22+$0x1C700] =	vst v6  }
0x4ee: {  	v6 =	vld [tilespmem:s0+$0x5890];
	_ =	sdelay $0x4  }
0x4ef: {  	[tilespmem:s22+$0x1C710] =	vst v6  }
0x4f0: {  	v6 =	vld [tilespmem:s0+$0x58A0];
	_ =	sdelay $0x4  }
0x4f1: {  	[tilespmem:s22+$0x1C720] =	vst v6  }
0x4f2: {  	v6 =	vld [tilespmem:s0+$0x58B0];
	_ =	sdelay $0x4  }
0x4f3: {  	[tilespmem:s22+$0x1C730] =	vst v6  }
0x4f4: {  	v6 =	vld [tilespmem:s0+$0x58C0];
	_ =	sdelay $0x4  }
0x4f5: {  	[tilespmem:s22+$0x1C740] =	vst v6  }
0x4f6: {  	v6 =	vld [tilespmem:s0+$0x58D0];
	_ =	sdelay $0x4  }
0x4f7: {  	[tilespmem:s22+$0x1C750] =	vst v6  }
0x4f8: {  	v6 =	vld [tilespmem:s0+$0x58E0];
	_ =	sdelay $0x4  }
0x4f9: {  	[tilespmem:s22+$0x1C760] =	vst v6  }
0x4fa: {  	v6 =	vld [tilespmem:s0+$0x58F0];
	_ =	sdelay $0x4  }
0x4fb: {  	[tilespmem:s22+$0x1C770] =	vst v6  }
0x4fc: {  	v6 =	vld [tilespmem:s0+$0x5C80];
	_ =	sdelay $0x4  }
0x4fd: {  	[tilespmem:s22+$0x1C780] =	vst v6  }
0x4fe: {  	v6 =	vld [tilespmem:s0+$0x5C90];
	_ =	sdelay $0x4  }
0x4ff: {  	[tilespmem:s22+$0x1C790] =	vst v6  }
0x500: {  	v6 =	vld [tilespmem:s0+$0x5CA0];
	_ =	sdelay $0x4  }
0x501: {  	[tilespmem:s22+$0x1C7A0] =	vst v6  }
0x502: {  	v6 =	vld [tilespmem:s0+$0x5CB0];
	_ =	sdelay $0x4  }
0x503: {  	[tilespmem:s22+$0x1C7B0] =	vst v6  }
0x504: {  	v6 =	vld [tilespmem:s0+$0x5CC0];
	_ =	sdelay $0x4  }
0x505: {  	[tilespmem:s22+$0x1C7C0] =	vst v6  }
0x506: {  	v6 =	vld [tilespmem:s0+$0x5CD0];
	_ =	sdelay $0x4  }
0x507: {  	[tilespmem:s22+$0x1C7D0] =	vst v6  }
0x508: {  	v6 =	vld [tilespmem:s0+$0x5CE0];
	_ =	sdelay $0x4  }
0x509: {  	[tilespmem:s22+$0x1C7E0] =	vst v6  }
0x50a: {  	v6 =	vld [tilespmem:s0+$0x5CF0];
	_ =	sdelay $0x4  }
0x50b: {  	[tilespmem:s22+$0x1C7F0] =	vst v6  }
0x50c: {  	v6 =	vld [tilespmem:s0+$0x6380];
	_ =	sdelay $0x4  }
0x50d: {  	[tilespmem:s22+$0x1C800] =	vst v6  }
0x50e: {  	v6 =	vld [tilespmem:s0+$0x6390];
	_ =	sdelay $0x4  }
0x50f: {  	[tilespmem:s22+$0x1C810] =	vst v6  }
0x510: {  	v6 =	vld [tilespmem:s0+$0x63A0];
	_ =	sdelay $0x4  }
0x511: {  	[tilespmem:s22+$0x1C820] =	vst v6  }
0x512: {  	v6 =	vld [tilespmem:s0+$0x63B0];
	_ =	sdelay $0x4  }
0x513: {  	[tilespmem:s22+$0x1C830] =	vst v6  }
0x514: {  	v6 =	vld [tilespmem:s0+$0x63C0];
	_ =	sdelay $0x4  }
0x515: {  	[tilespmem:s22+$0x1C840] =	vst v6  }
0x516: {  	v6 =	vld [tilespmem:s0+$0x63D0];
	_ =	sdelay $0x4  }
0x517: {  	[tilespmem:s22+$0x1C850] =	vst v6  }
0x518: {  	v6 =	vld [tilespmem:s0+$0x63E0];
	_ =	sdelay $0x4  }
0x519: {  	[tilespmem:s22+$0x1C860] =	vst v6  }
0x51a: {  	v6 =	vld [tilespmem:s0+$0x63F0];
	_ =	sdelay $0x4  }
0x51b: {  	[tilespmem:s22+$0x1C870] =	vst v6  }
0x51c: {  	v6 =	vld [tilespmem:s0+$0x6780];
	_ =	sdelay $0x4  }
0x51d: {  	[tilespmem:s22+$0x1C880] =	vst v6  }
0x51e: {  	v6 =	vld [tilespmem:s0+$0x6790];
	_ =	sdelay $0x4  }
0x51f: {  	[tilespmem:s22+$0x1C890] =	vst v6  }
0x520: {  	v6 =	vld [tilespmem:s0+$0x67A0];
	_ =	sdelay $0x4  }
0x521: {  	[tilespmem:s22+$0x1C8A0] =	vst v6  }
0x522: {  	v6 =	vld [tilespmem:s0+$0x67B0];
	_ =	sdelay $0x4  }
0x523: {  	[tilespmem:s22+$0x1C8B0] =	vst v6  }
0x524: {  	v6 =	vld [tilespmem:s0+$0x67C0];
	_ =	sdelay $0x4  }
0x525: {  	[tilespmem:s22+$0x1C8C0] =	vst v6  }
0x526: {  	v6 =	vld [tilespmem:s0+$0x67D0];
	_ =	sdelay $0x4  }
0x527: {  	[tilespmem:s22+$0x1C8D0] =	vst v6  }
0x528: {  	v6 =	vld [tilespmem:s0+$0x67E0];
	_ =	sdelay $0x4  }
0x529: {  	[tilespmem:s22+$0x1C8E0] =	vst v6  }
0x52a: {  	v6 =	vld [tilespmem:s0+$0x67F0];
	_ =	sdelay $0x4  }
0x52b: {  	[tilespmem:s22+$0x1C8F0] =	vst v6  }
0x52c: {  	v6 =	vld [tilespmem:s0+$0x6B80];
	_ =	sdelay $0x4  }
0x52d: {  	[tilespmem:s22+$0x1C900] =	vst v6  }
0x52e: {  	v6 =	vld [tilespmem:s0+$0x6B90];
	_ =	sdelay $0x4  }
0x52f: {  	[tilespmem:s22+$0x1C910] =	vst v6  }
0x530: {  	v6 =	vld [tilespmem:s0+$0x6BA0];
	_ =	sdelay $0x4  }
0x531: {  	[tilespmem:s22+$0x1C920] =	vst v6  }
0x532: {  	v6 =	vld [tilespmem:s0+$0x6BB0];
	_ =	sdelay $0x4  }
0x533: {  	[tilespmem:s22+$0x1C930] =	vst v6  }
0x534: {  	v6 =	vld [tilespmem:s0+$0x6BC0];
	_ =	sdelay $0x4  }
0x535: {  	[tilespmem:s22+$0x1C940] =	vst v6  }
0x536: {  	v6 =	vld [tilespmem:s0+$0x6BD0];
	_ =	sdelay $0x4  }
0x537: {  	[tilespmem:s22+$0x1C950] =	vst v6  }
0x538: {  	v6 =	vld [tilespmem:s0+$0x6BE0];
	_ =	sdelay $0x4  }
0x539: {  	[tilespmem:s22+$0x1C960] =	vst v6  }
0x53a: {  	v6 =	vld [tilespmem:s0+$0x6BF0];
	_ =	sdelay $0x4  }
0x53b: {  	[tilespmem:s22+$0x1C970] =	vst v6  }
0x53c: {  	v6 =	vld [tilespmem:s0+$0x6F80];
	_ =	sdelay $0x4  }
0x53d: {  	[tilespmem:s22+$0x1C980] =	vst v6  }
0x53e: {  	v6 =	vld [tilespmem:s0+$0x6F90];
	_ =	sdelay $0x4  }
0x53f: {  	[tilespmem:s22+$0x1C990] =	vst v6  }
0x540: {  	v6 =	vld [tilespmem:s0+$0x6FA0];
	_ =	sdelay $0x4  }
0x541: {  	[tilespmem:s22+$0x1C9A0] =	vst v6  }
0x542: {  	v6 =	vld [tilespmem:s0+$0x6FB0];
	_ =	sdelay $0x4  }
0x543: {  	[tilespmem:s22+$0x1C9B0] =	vst v6  }
0x544: {  	v6 =	vld [tilespmem:s0+$0x6FC0];
	_ =	sdelay $0x4  }
0x545: {  	[tilespmem:s22+$0x1C9C0] =	vst v6  }
0x546: {  	v6 =	vld [tilespmem:s0+$0x6FD0];
	_ =	sdelay $0x4  }
0x547: {  	[tilespmem:s22+$0x1C9D0] =	vst v6  }
0x548: {  	v6 =	vld [tilespmem:s0+$0x6FE0];
	_ =	sdelay $0x4  }
0x549: {  	[tilespmem:s22+$0x1C9E0] =	vst v6  }
0x54a: {  	v6 =	vld [tilespmem:s0+$0x6FF0];
	_ =	sdelay $0x4  }
0x54b: {  	[tilespmem:s22+$0x1C9F0] =	vst v6  }
.LBB2_27:
0x54c: {  	p0 =	sne.s32 s1, $0x200  }
.Ltmp20:
0x54d: {  	_ = 	snop;
	(pc) =	sbr.rel @p0 .LBB2_33-.Ltmp20, $1  }
0x54e: {  	_ =	sdelay $0x3  }
.Ltmp21:
0x54f: {  	(pc) =	sbr.rel @p6 .LBB2_32-.Ltmp21, $2  }
0x550: {  	_ =	sdelay $0x2  }
0x551: {  	s0 =	simm.s32 $0x0;
	s1 =	simm.s32 $0x1E01  }
.LBB2_29:
0x552: {  	s12 =	sadd.s32 $0x0, s1  }
0x553: {  	v6 =	vadd.s32 s12, v0;
	_ =	sdelay $0x3  }
0x554: {  	s23 =	sshll.u32 s0, $0x9;
	s14 =	sadd.s32 $0x10, s1;
	s13 =	simm.s32 $0x0  }
0x555: {  	s22 =	sadd.s32 $0x1C000, s23;
	s23 =	simm.s32 $0x10;
	s12 =	simm.s32 $0x20;
	v6 =	vld.idx.msk [tilespmem:v6+s24+$0x0], $0xffff  }
.LBB2_30:
0x556: {  	p0 =	sne.s32 s12, $0x1F0;
	v7 =	vadd.s32 s14, v0  }
0x557: {  	s14 =	sand.u32 $0x180, s13  }
.Ltmp22:
0x558: {  	s13 =	sand.u32 $0x70, s13;
	s14 =	sadd.s32 s14, s22;
	(pc) =	sbr.rel @p0 .LBB2_30-.Ltmp22, $4  }
0x559: {  	s14 =	sadd.s32 s13, s14;
	s13 =	smov.u32 s23;
	s23 =	smov.u32 s12  }
0x55a: {  	[tilespmem:s14+$0x0] =	vst v6  }
0x55b: {  	v6 =	vld.idx.msk [tilespmem:v7+s24+$0x0], $0xffff  }
0x55c: {  	s12 =	sadd.s32 $0x10, s12;
	s14 =	sadd.s32 s23, s1  }
0x55d: {  	v7 =	vadd.s32 s14, v0  }
0x55e: {  	s12 =	sand.u32 $0x180, s13  }
0x55f: {  	s14 =	sand.u32 $0x70, s13;
	s12 =	sadd.s32 s12, s22  }
0x560: {  	s12 =	sadd.s32 s14, s12  }
0x561: {  	s0 =	sadd.s32 $0x1, s0;
	[tilespmem:s12+$0x0] =	vst v6  }
0x562: {  	p0 =	sne.s32 s0, s6;
	v6 =	vld.idx.msk [tilespmem:v7+s24+$0x0], $0xffff  }
.Ltmp23:
0x563: {  	_ = 	snop;
	(pc) =	sbr.rel @p0 .LBB2_29-.Ltmp23, $4  }
0x564: {  	s14 =	sand.u32 $0x180, s23  }
0x565: {  	s23 =	sand.u32 $0x70, s23;
	s12 =	sadd.s32 s14, s22  }
0x566: {  	s12 =	sadd.s32 s23, s12  }
0x567: {  	s1 =	sadd.s32 $0x200, s1;
	[tilespmem:s12+$0x0] =	vst v6  }
.LBB2_32:
0x568: {  	_ =	sdelay $0x4  }
0x569: {  	[tilespmem:v3+s24+$0x0] =	vst.idx.msk vm1, v2  }
.LBB2_33:
.Ltmp24:
0x56a: {  	(pc) =	sbr.rel @p6 .LBB2_35-.Ltmp24, $1  }
0x56b: {  	_ =	sdelay $0x3  }
0x56c: {  	s0 =	smul.u32 $0x2800, s31;
	_ =	sdelay $0x1  }
0x56d: {  	s0 =	sshrl.u32 s0, $0x2  }
0x56e: {  	v6 =	vld [tilespmem:s0+$0x1C000];
	_ =	sdelay $0x3  }
0x56f: {  	s1 =	sshrl.u32 s29, $0x2  }
0x570: {  	[tilespmem:v4+s1+$0x0 ss:$0x1] =	vst.idx.msk $0xffff, v6  }
0x571: {  	v6 =	vld [tilespmem:s0+$0x1C010];
	_ =	sdelay $0x4  }
0x572: {  	[tilespmem:v4+s1+$0x10 ss:$0x1] =	vst.idx.msk $0xffff, v6  }
0x573: {  	v6 =	vld [tilespmem:s0+$0x1C020];
	_ =	sdelay $0x4  }
0x574: {  	[tilespmem:v4+s1+$0x20 ss:$0x1] =	vst.idx.msk $0xffff, v6  }
0x575: {  	v6 =	vld [tilespmem:s0+$0x1C030];
	_ =	sdelay $0x4  }
0x576: {  	[tilespmem:v4+s1+$0x30 ss:$0x1] =	vst.idx.msk $0xffff, v6  }
0x577: {  	v6 =	vld [tilespmem:s0+$0x1C040];
	_ =	sdelay $0x4  }
0x578: {  	[tilespmem:v4+s1+$0x40 ss:$0x1] =	vst.idx.msk $0xffff, v6  }
0x579: {  	v6 =	vld [tilespmem:s0+$0x1C050];
	_ =	sdelay $0x4  }
0x57a: {  	[tilespmem:v4+s1+$0x50 ss:$0x1] =	vst.idx.msk $0xffff, v6  }
0x57b: {  	v6 =	vld [tilespmem:s0+$0x1C060];
	_ =	sdelay $0x4  }
0x57c: {  	[tilespmem:v4+s1+$0x60 ss:$0x1] =	vst.idx.msk $0xffff, v6  }
0x57d: {  	v6 =	vld [tilespmem:s0+$0x1C070];
	_ =	sdelay $0x4  }
0x57e: {  	[tilespmem:v4+s1+$0x70 ss:$0x1] =	vst.idx.msk $0xffff, v6  }
0x57f: {  	v6 =	vld [tilespmem:s0+$0x1C080];
	_ =	sdelay $0x4  }
0x580: {  	[tilespmem:v4+s1+$0x400 ss:$0x1] =	vst.idx.msk $0xffff, v6  }
0x581: {  	v6 =	vld [tilespmem:s0+$0x1C090];
	_ =	sdelay $0x4  }
0x582: {  	[tilespmem:v4+s1+$0x410 ss:$0x1] =	vst.idx.msk $0xffff, v6  }
0x583: {  	v6 =	vld [tilespmem:s0+$0x1C0A0];
	_ =	sdelay $0x4  }
0x584: {  	[tilespmem:v4+s1+$0x420 ss:$0x1] =	vst.idx.msk $0xffff, v6  }
0x585: {  	v6 =	vld [tilespmem:s0+$0x1C0B0];
	_ =	sdelay $0x4  }
0x586: {  	[tilespmem:v4+s1+$0x430 ss:$0x1] =	vst.idx.msk $0xffff, v6  }
0x587: {  	v6 =	vld [tilespmem:s0+$0x1C0C0];
	_ =	sdelay $0x4  }
0x588: {  	[tilespmem:v4+s1+$0x440 ss:$0x1] =	vst.idx.msk $0xffff, v6  }
0x589: {  	v6 =	vld [tilespmem:s0+$0x1C0D0];
	_ =	sdelay $0x4  }
0x58a: {  	[tilespmem:v4+s1+$0x450 ss:$0x1] =	vst.idx.msk $0xffff, v6  }
0x58b: {  	v6 =	vld [tilespmem:s0+$0x1C0E0];
	_ =	sdelay $0x4  }
0x58c: {  	[tilespmem:v4+s1+$0x460 ss:$0x1] =	vst.idx.msk $0xffff, v6  }
0x58d: {  	v6 =	vld [tilespmem:s0+$0x1C0F0];
	_ =	sdelay $0x4  }
0x58e: {  	[tilespmem:v4+s1+$0x470 ss:$0x1] =	vst.idx.msk $0xffff, v6  }
0x58f: {  	v6 =	vld [tilespmem:s0+$0x1C100];
	_ =	sdelay $0x4  }
0x590: {  	[tilespmem:v4+s1+$0x800 ss:$0x1] =	vst.idx.msk $0xffff, v6  }
0x591: {  	v6 =	vld [tilespmem:s0+$0x1C110];
	_ =	sdelay $0x4  }
0x592: {  	[tilespmem:v4+s1+$0x810 ss:$0x1] =	vst.idx.msk $0xffff, v6  }
0x593: {  	v6 =	vld [tilespmem:s0+$0x1C120];
	_ =	sdelay $0x4  }
0x594: {  	[tilespmem:v4+s1+$0x820 ss:$0x1] =	vst.idx.msk $0xffff, v6  }
0x595: {  	v6 =	vld [tilespmem:s0+$0x1C130];
	_ =	sdelay $0x4  }
0x596: {  	[tilespmem:v4+s1+$0x830 ss:$0x1] =	vst.idx.msk $0xffff, v6  }
0x597: {  	v6 =	vld [tilespmem:s0+$0x1C140];
	_ =	sdelay $0x4  }
0x598: {  	[tilespmem:v4+s1+$0x840 ss:$0x1] =	vst.idx.msk $0xffff, v6  }
0x599: {  	v6 =	vld [tilespmem:s0+$0x1C150];
	_ =	sdelay $0x4  }
0x59a: {  	[tilespmem:v4+s1+$0x850 ss:$0x1] =	vst.idx.msk $0xffff, v6  }
0x59b: {  	v6 =	vld [tilespmem:s0+$0x1C160];
	_ =	sdelay $0x4  }
0x59c: {  	[tilespmem:v4+s1+$0x860 ss:$0x1] =	vst.idx.msk $0xffff, v6  }
0x59d: {  	v6 =	vld [tilespmem:s0+$0x1C170];
	_ =	sdelay $0x4  }
0x59e: {  	[tilespmem:v4+s1+$0x870 ss:$0x1] =	vst.idx.msk $0xffff, v6  }
0x59f: {  	v6 =	vld [tilespmem:s0+$0x1C180];
	_ =	sdelay $0x4  }
0x5a0: {  	[tilespmem:v4+s1+$0xC00 ss:$0x1] =	vst.idx.msk $0xffff, v6  }
0x5a1: {  	v6 =	vld [tilespmem:s0+$0x1C190];
	_ =	sdelay $0x4  }
0x5a2: {  	[tilespmem:v4+s1+$0xC10 ss:$0x1] =	vst.idx.msk $0xffff, v6  }
0x5a3: {  	v6 =	vld [tilespmem:s0+$0x1C1A0];
	_ =	sdelay $0x4  }
0x5a4: {  	[tilespmem:v4+s1+$0xC20 ss:$0x1] =	vst.idx.msk $0xffff, v6  }
0x5a5: {  	v6 =	vld [tilespmem:s0+$0x1C1B0];
	_ =	sdelay $0x4  }
0x5a6: {  	[tilespmem:v4+s1+$0xC30 ss:$0x1] =	vst.idx.msk $0xffff, v6  }
0x5a7: {  	v6 =	vld [tilespmem:s0+$0x1C1C0];
	_ =	sdelay $0x4  }
0x5a8: {  	[tilespmem:v4+s1+$0xC40 ss:$0x1] =	vst.idx.msk $0xffff, v6  }
0x5a9: {  	v6 =	vld [tilespmem:s0+$0x1C1D0];
	_ =	sdelay $0x4  }
0x5aa: {  	[tilespmem:v4+s1+$0xC50 ss:$0x1] =	vst.idx.msk $0xffff, v6  }
0x5ab: {  	v6 =	vld [tilespmem:s0+$0x1C1E0];
	_ =	sdelay $0x4  }
0x5ac: {  	[tilespmem:v4+s1+$0xC60 ss:$0x1] =	vst.idx.msk $0xffff, v6  }
0x5ad: {  	v6 =	vld [tilespmem:s0+$0x1C1F0];
	_ =	sdelay $0x4  }
0x5ae: {  	[tilespmem:v4+s1+$0xC70 ss:$0x1] =	vst.idx.msk $0xffff, v6  }
.LBB2_35:
.Ltmp25:
0x5af: {  	(pc) =	sbr.rel @!p2 .LBB2_37-.Ltmp25, $1  }
0x5b0: {  	_ =	sdelay $0x3  }
0x5b1: {  	s0 =	smul.u32 $0x2800, s31;
	_ =	sdelay $0x1  }
0x5b2: {  	s0 =	sshrl.u32 s0, $0x2  }
0x5b3: {  	v6 =	vld [tilespmem:s0+$0x1C200];
	_ =	sdelay $0x1  }
0x5b4: {  	s29 =	smul.u32 $0x1C000, s30;
	_ =	sdelay $0x1  }
0x5b5: {  	s1 =	sshrl.u32 s29, $0x2  }
0x5b6: {  	[tilespmem:s1+$0x5300] =	vst v6  }
0x5b7: {  	v6 =	vld [tilespmem:s0+$0x1C210];
	_ =	sdelay $0x4  }
0x5b8: {  	[tilespmem:s1+$0x5310] =	vst v6  }
0x5b9: {  	v6 =	vld [tilespmem:s0+$0x1C220];
	_ =	sdelay $0x4  }
0x5ba: {  	[tilespmem:s1+$0x5320] =	vst v6  }
0x5bb: {  	v6 =	vld [tilespmem:s0+$0x1C230];
	_ =	sdelay $0x4  }
0x5bc: {  	[tilespmem:s1+$0x5330] =	vst v6  }
0x5bd: {  	v6 =	vld [tilespmem:s0+$0x1C240];
	_ =	sdelay $0x4  }
0x5be: {  	[tilespmem:s1+$0x5340] =	vst v6  }
0x5bf: {  	v6 =	vld [tilespmem:s0+$0x1C250];
	_ =	sdelay $0x4  }
0x5c0: {  	[tilespmem:s1+$0x5350] =	vst v6  }
0x5c1: {  	v6 =	vld [tilespmem:s0+$0x1C260];
	_ =	sdelay $0x4  }
0x5c2: {  	[tilespmem:s1+$0x5360] =	vst v6  }
0x5c3: {  	v6 =	vld [tilespmem:s0+$0x1C270];
	_ =	sdelay $0x4  }
0x5c4: {  	[tilespmem:s1+$0x5370] =	vst v6  }
0x5c5: {  	v6 =	vld [tilespmem:s0+$0x1C280];
	_ =	sdelay $0x4  }
0x5c6: {  	[tilespmem:s1+$0x5700] =	vst v6  }
0x5c7: {  	v6 =	vld [tilespmem:s0+$0x1C290];
	_ =	sdelay $0x4  }
0x5c8: {  	[tilespmem:s1+$0x5710] =	vst v6  }
0x5c9: {  	v6 =	vld [tilespmem:s0+$0x1C2A0];
	_ =	sdelay $0x4  }
0x5ca: {  	[tilespmem:s1+$0x5720] =	vst v6  }
0x5cb: {  	v6 =	vld [tilespmem:s0+$0x1C2B0];
	_ =	sdelay $0x4  }
0x5cc: {  	[tilespmem:s1+$0x5730] =	vst v6  }
0x5cd: {  	v6 =	vld [tilespmem:s0+$0x1C2C0];
	_ =	sdelay $0x4  }
0x5ce: {  	[tilespmem:s1+$0x5740] =	vst v6  }
0x5cf: {  	v6 =	vld [tilespmem:s0+$0x1C2D0];
	_ =	sdelay $0x4  }
0x5d0: {  	[tilespmem:s1+$0x5750] =	vst v6  }
0x5d1: {  	v6 =	vld [tilespmem:s0+$0x1C2E0];
	_ =	sdelay $0x4  }
0x5d2: {  	[tilespmem:s1+$0x5760] =	vst v6  }
0x5d3: {  	v6 =	vld [tilespmem:s0+$0x1C2F0];
	_ =	sdelay $0x4  }
0x5d4: {  	[tilespmem:s1+$0x5770] =	vst v6  }
0x5d5: {  	v6 =	vld [tilespmem:s0+$0x1C300];
	_ =	sdelay $0x4  }
0x5d6: {  	[tilespmem:s1+$0x5B00] =	vst v6  }
0x5d7: {  	v6 =	vld [tilespmem:s0+$0x1C310];
	_ =	sdelay $0x4  }
0x5d8: {  	[tilespmem:s1+$0x5B10] =	vst v6  }
0x5d9: {  	v6 =	vld [tilespmem:s0+$0x1C320];
	_ =	sdelay $0x4  }
0x5da: {  	[tilespmem:s1+$0x5B20] =	vst v6  }
0x5db: {  	v6 =	vld [tilespmem:s0+$0x1C330];
	_ =	sdelay $0x4  }
0x5dc: {  	[tilespmem:s1+$0x5B30] =	vst v6  }
0x5dd: {  	v6 =	vld [tilespmem:s0+$0x1C340];
	_ =	sdelay $0x4  }
0x5de: {  	[tilespmem:s1+$0x5B40] =	vst v6  }
0x5df: {  	v6 =	vld [tilespmem:s0+$0x1C350];
	_ =	sdelay $0x4  }
0x5e0: {  	[tilespmem:s1+$0x5B50] =	vst v6  }
0x5e1: {  	v6 =	vld [tilespmem:s0+$0x1C360];
	_ =	sdelay $0x4  }
0x5e2: {  	[tilespmem:s1+$0x5B60] =	vst v6  }
0x5e3: {  	v6 =	vld [tilespmem:s0+$0x1C370];
	_ =	sdelay $0x4  }
0x5e4: {  	[tilespmem:s1+$0x5B70] =	vst v6  }
0x5e5: {  	v6 =	vld [tilespmem:s0+$0x1C380];
	_ =	sdelay $0x4  }
0x5e6: {  	[tilespmem:s1+$0x5F00] =	vst v6  }
0x5e7: {  	v6 =	vld [tilespmem:s0+$0x1C390];
	_ =	sdelay $0x4  }
0x5e8: {  	[tilespmem:s1+$0x5F10] =	vst v6  }
0x5e9: {  	v6 =	vld [tilespmem:s0+$0x1C3A0];
	_ =	sdelay $0x4  }
0x5ea: {  	[tilespmem:s1+$0x5F20] =	vst v6  }
0x5eb: {  	v6 =	vld [tilespmem:s0+$0x1C3B0];
	_ =	sdelay $0x4  }
0x5ec: {  	[tilespmem:s1+$0x5F30] =	vst v6  }
0x5ed: {  	v6 =	vld [tilespmem:s0+$0x1C3C0];
	_ =	sdelay $0x4  }
0x5ee: {  	[tilespmem:s1+$0x5F40] =	vst v6  }
0x5ef: {  	v6 =	vld [tilespmem:s0+$0x1C3D0];
	_ =	sdelay $0x4  }
0x5f0: {  	[tilespmem:s1+$0x5F50] =	vst v6  }
0x5f1: {  	v6 =	vld [tilespmem:s0+$0x1C3E0];
	_ =	sdelay $0x4  }
0x5f2: {  	[tilespmem:s1+$0x5F60] =	vst v6  }
0x5f3: {  	v6 =	vld [tilespmem:s0+$0x1C3F0];
	_ =	sdelay $0x4  }
0x5f4: {  	[tilespmem:s1+$0x5F70] =	vst v6  }
0x5f5: {  	v6 =	vld [tilespmem:s0+$0x1C400];
	_ =	sdelay $0x4  }
0x5f6: {  	[tilespmem:s1+$0x6300] =	vst v6  }
0x5f7: {  	v6 =	vld [tilespmem:s0+$0x1C410];
	_ =	sdelay $0x4  }
0x5f8: {  	[tilespmem:s1+$0x6310] =	vst v6  }
0x5f9: {  	v6 =	vld [tilespmem:s0+$0x1C420];
	_ =	sdelay $0x4  }
0x5fa: {  	[tilespmem:s1+$0x6320] =	vst v6  }
0x5fb: {  	v6 =	vld [tilespmem:s0+$0x1C430];
	_ =	sdelay $0x4  }
0x5fc: {  	[tilespmem:s1+$0x6330] =	vst v6  }
0x5fd: {  	v6 =	vld [tilespmem:s0+$0x1C440];
	_ =	sdelay $0x4  }
0x5fe: {  	[tilespmem:s1+$0x6340] =	vst v6  }
0x5ff: {  	v6 =	vld [tilespmem:s0+$0x1C450];
	_ =	sdelay $0x4  }
0x600: {  	[tilespmem:s1+$0x6350] =	vst v6  }
0x601: {  	v6 =	vld [tilespmem:s0+$0x1C460];
	_ =	sdelay $0x4  }
0x602: {  	[tilespmem:s1+$0x6360] =	vst v6  }
0x603: {  	v6 =	vld [tilespmem:s0+$0x1C470];
	_ =	sdelay $0x4  }
0x604: {  	[tilespmem:s1+$0x6370] =	vst v6  }
0x605: {  	v6 =	vld [tilespmem:s0+$0x1C480];
	_ =	sdelay $0x4  }
0x606: {  	[tilespmem:s1+$0x6700] =	vst v6  }
0x607: {  	v6 =	vld [tilespmem:s0+$0x1C490];
	_ =	sdelay $0x4  }
0x608: {  	[tilespmem:s1+$0x6710] =	vst v6  }
0x609: {  	v6 =	vld [tilespmem:s0+$0x1C4A0];
	_ =	sdelay $0x4  }
0x60a: {  	[tilespmem:s1+$0x6720] =	vst v6  }
0x60b: {  	v6 =	vld [tilespmem:s0+$0x1C4B0];
	_ =	sdelay $0x4  }
0x60c: {  	[tilespmem:s1+$0x6730] =	vst v6  }
0x60d: {  	v6 =	vld [tilespmem:s0+$0x1C4C0];
	_ =	sdelay $0x4  }
0x60e: {  	[tilespmem:s1+$0x6740] =	vst v6  }
0x60f: {  	v6 =	vld [tilespmem:s0+$0x1C4D0];
	_ =	sdelay $0x4  }
0x610: {  	[tilespmem:s1+$0x6750] =	vst v6  }
0x611: {  	v6 =	vld [tilespmem:s0+$0x1C4E0];
	_ =	sdelay $0x4  }
0x612: {  	[tilespmem:s1+$0x6760] =	vst v6  }
0x613: {  	v6 =	vld [tilespmem:s0+$0x1C4F0];
	_ =	sdelay $0x4  }
0x614: {  	[tilespmem:s1+$0x6770] =	vst v6  }
0x615: {  	v6 =	vld [tilespmem:s0+$0x1C500];
	_ =	sdelay $0x4  }
0x616: {  	[tilespmem:s1+$0x6B00] =	vst v6  }
0x617: {  	v6 =	vld [tilespmem:s0+$0x1C510];
	_ =	sdelay $0x4  }
0x618: {  	[tilespmem:s1+$0x6B10] =	vst v6  }
0x619: {  	v6 =	vld [tilespmem:s0+$0x1C520];
	_ =	sdelay $0x4  }
0x61a: {  	[tilespmem:s1+$0x6B20] =	vst v6  }
0x61b: {  	v6 =	vld [tilespmem:s0+$0x1C530];
	_ =	sdelay $0x4  }
0x61c: {  	[tilespmem:s1+$0x6B30] =	vst v6  }
0x61d: {  	v6 =	vld [tilespmem:s0+$0x1C540];
	_ =	sdelay $0x4  }
0x61e: {  	[tilespmem:s1+$0x6B40] =	vst v6  }
0x61f: {  	v6 =	vld [tilespmem:s0+$0x1C550];
	_ =	sdelay $0x4  }
0x620: {  	[tilespmem:s1+$0x6B50] =	vst v6  }
0x621: {  	v6 =	vld [tilespmem:s0+$0x1C560];
	_ =	sdelay $0x4  }
0x622: {  	[tilespmem:s1+$0x6B60] =	vst v6  }
0x623: {  	v6 =	vld [tilespmem:s0+$0x1C570];
	_ =	sdelay $0x4  }
0x624: {  	[tilespmem:s1+$0x6B70] =	vst v6  }
0x625: {  	v6 =	vld [tilespmem:s0+$0x1C580];
	_ =	sdelay $0x4  }
0x626: {  	[tilespmem:s1+$0x6F00] =	vst v6  }
0x627: {  	v6 =	vld [tilespmem:s0+$0x1C590];
	_ =	sdelay $0x4  }
0x628: {  	[tilespmem:s1+$0x6F10] =	vst v6  }
0x629: {  	v6 =	vld [tilespmem:s0+$0x1C5A0];
	_ =	sdelay $0x4  }
0x62a: {  	[tilespmem:s1+$0x6F20] =	vst v6  }
0x62b: {  	v6 =	vld [tilespmem:s0+$0x1C5B0];
	_ =	sdelay $0x4  }
0x62c: {  	[tilespmem:s1+$0x6F30] =	vst v6  }
0x62d: {  	v6 =	vld [tilespmem:s0+$0x1C5C0];
	_ =	sdelay $0x4  }
0x62e: {  	[tilespmem:s1+$0x6F40] =	vst v6  }
0x62f: {  	v6 =	vld [tilespmem:s0+$0x1C5D0];
	_ =	sdelay $0x4  }
0x630: {  	[tilespmem:s1+$0x6F50] =	vst v6  }
0x631: {  	v6 =	vld [tilespmem:s0+$0x1C5E0];
	_ =	sdelay $0x4  }
0x632: {  	[tilespmem:s1+$0x6F60] =	vst v6  }
0x633: {  	v6 =	vld [tilespmem:s0+$0x1C5F0]  }
.Ltmp26:
0x634: {  	_ = 	snop;
	(pc) =	sbr.rel .LBB2_37-.Ltmp26, $2  }
0x635: {  	_ =	sdelay $0x2  }
0x636: {  	[tilespmem:s1+$0x6F70] =	vst v6  }
.LBB2_39:
0x637: {  	_ =	sfence.sel $0x180000  }
0x638: {  	[bflag:$0x0] =	sbarrier.arrive $0xFFFF  }
0x639: {  	_ =	strace $0x90000047  }
0x63a: {  	s0 =	stileid.u32;
	[bflag:$0x2] =	sbarrier.arrive $0xFFFF  }
0x63b: {  	p0 =	sne.s32 s0, $0x0;
	s0 =	rddreg [dreg:$0x2]  }
0x63c: {  	s0 =	sadd.s32 @!p0 $0x100000, s0  }
0x63d: {  	[sflag:s0] =	ssyncadd.tile.s32 @!p0 $0x1;
	_ =	shalt  }
.Lfunc_end2:
_tile_overlayer_lowered:
.L_overlay_start_2:
0x63e: {  	(tag) =	ssettag $0x2  }
0x63f: {  	s0 =	rddreg [dreg:$0x0];
	s2 =	stileid.u32  }
0x640: {  	s1 =	rddreg [dreg:$0x1];
	p0 =	sne.s32 s2, $0x0  }
0x641: {  	s3 =	rddreg [dreg:$0x2];
	[bflag:$0x3] =	sbarrier.arrive $0xFFFF;
	s2 =	simm.s32 @!p0 $0x1C03  }
0x642: {  	[timem:s3], [sflag:s2] =	dma.local @!p0 [hbm:s0], s1  }
0x643: {  	s0 =	simm.s32 @!p0 $0x3  }
0x644: {  	_ =	swait.ge @!p0 [sflag:s0], s1  }
0x645: {  	s1 =	ssub.s32 @!p0 $0x0, s1;
	[sflag:s0] =	ssyncset.done @!p0 $0x0  }
0x646: {  	[sflag:s0] =	ssyncadd.s32 @!p0 s1  }
0x647: {  	[bflag:$0x3] =	sbarrier.arrive $0xFFFF  }
0x648: {  	_ =	shalt  }

</sc_bundles>
